<compile_context>
chip_gen: v7x
topology: tpu7x:2x2x1
jax: 0.10.2.dev20260603
libtpu: 0.0.44.dev20260713+nightly
codegen_flags: <defaults>
</compile_context>

<pallas_src>
import functools

import jax
import jax.numpy as jnp
import numpy as np
from jax import lax
from jax.experimental import pallas as pl
from jax.experimental.pallas import tpu as pltpu
from jax.experimental.pallas import tpu_sc as plsc

NUM_FIELDS = 26
FIELD_DIM = 38462
BATCH = 16384
EMBED_DIM = 16
_OFFSETS = (np.arange(NUM_FIELDS, dtype=np.int32) * FIELD_DIM)

NC = 2
NS = 16
NW = NC * NS
BPW = BATCH // NW
CHUNK = 64
NCHUNK = BPW // CHUNK
ROWS_PER_CHUNK = CHUNK * NUM_FIELDS
LIN_ROWS = BPW * NUM_FIELDS


def _fm_body(xo_hbm, w_hbm, out_hbm,
             idxv0, idxv1, rowsv0, rowsv1, tbuf, outv,
             sem_w0, sem_w1):
    wid = lax.axis_index("s") * NC + lax.axis_index("c")
    iota = lax.iota(jnp.int32, 16)

    idxv = (idxv0, idxv1)
    rowsv = (rowsv0, rowsv1)
    sem_w = (sem_w0, sem_w1)
    base = wid * BPW * NUM_FIELDS

    def fire(c, slot):
        pltpu.sync_copy(
            xo_hbm.at[pl.ds(base + c * ROWS_PER_CHUNK, ROWS_PER_CHUNK)],
            idxv[slot])
        return pltpu.async_copy(w_hbm.at[idxv[slot]], rowsv[slot], sem_w[slot])

    inflight = fire(0, 0)
    for c in range(NCHUNK):
        slot = c % 2
        cw = inflight
        if c + 1 < NCHUNK:
            inflight = fire(c + 1, 1 - slot)
        cw.wait()
        rv = rowsv[slot]

        def bi_body(bi, _):
            p0 = bi * NUM_FIELDS
            acc_s = jnp.zeros((16,), jnp.float32)
            acc_q = jnp.zeros((16,), jnp.float32)
            for f in range(NUM_FIELDS):
                v = rv[p0 + f]
                acc_s = acc_s + v
                acc_q = acc_q + v * v
            tbuf[pl.ds(bi * 16, 16)] = acc_s * acc_s - acc_q
            return 0

        lax.fori_loop(0, CHUNK, bi_body, 0, unroll=False)

        def q_body(q, _):
            ti0 = (q * 16 + iota) * 16
            fm = jnp.zeros((16,), jnp.float32)
            for j in range(16):
                fm = fm + plsc.load_gather(tbuf, [ti0 + j])
            outv[pl.ds(c * CHUNK + q * 16, 16)] = 0.5 * fm
            return 0

        lax.fori_loop(0, CHUNK // 16, q_body, 0, unroll=False)

    pltpu.sync_copy(outv, out_hbm.at[pl.ds(wid * BPW, BPW)])


def _lin_body(xo_hbm, wlin_hbm, fm_hbm, blin_hbm, out_hbm,
              idxv, linv, fmv, outv, bv, sem_l):
    wid = lax.axis_index("s") * NC + lax.axis_index("c")
    pltpu.sync_copy(blin_hbm, bv)
    bvec = bv[...]
    iota = lax.iota(jnp.int32, 16)
    base = wid * LIN_ROWS

    pltpu.sync_copy(xo_hbm.at[pl.ds(base, LIN_ROWS)], idxv)
    cl = pltpu.async_copy(wlin_hbm.at[idxv], linv, sem_l)
    pltpu.sync_copy(fm_hbm.at[pl.ds(wid * BPW, BPW)], fmv)
    cl.wait()

    def q_body(q, _):
        bi_v = q * 16 + iota
        pv0 = bi_v * NUM_FIELDS
        lin = jnp.zeros((16,), jnp.float32)
        for f in range(NUM_FIELDS):
            lin = lin + plsc.load_gather(linv, [pv0 + f])
        outv[pl.ds(q * 16, 16)] = lin + fmv[pl.ds(q * 16, 16)] + bvec
        return 0

    lax.fori_loop(0, BPW // 16, q_body, 0, unroll=False)
    pltpu.sync_copy(outv, out_hbm.at[pl.ds(wid * BPW, BPW)])


@jax.jit
def kernel(x, W, w_lin, b_lin):
    xo = (x + jnp.asarray(_OFFSETS)[None, :]).reshape(-1)
    blin16 = jnp.broadcast_to(b_lin.astype(jnp.float32), (16,))
    wlin_flat = w_lin.reshape(-1)

    mesh = plsc.VectorSubcoreMesh(core_axis_name="c", subcore_axis_name="s")
    cparams = pltpu.CompilerParams(
        needs_layout_passes=False, use_tc_tiling_on_sc=False)

    fm_kernel = pl.kernel(
        _fm_body,
        out_type=jax.ShapeDtypeStruct((BATCH,), jnp.float32),
        mesh=mesh,
        compiler_params=cparams,
        scratch_types=[
            pltpu.VMEM((ROWS_PER_CHUNK,), jnp.int32),
            pltpu.VMEM((ROWS_PER_CHUNK,), jnp.int32),
            pltpu.VMEM((ROWS_PER_CHUNK, EMBED_DIM), jnp.float32),
            pltpu.VMEM((ROWS_PER_CHUNK, EMBED_DIM), jnp.float32),
            pltpu.VMEM((CHUNK * 16,), jnp.float32),
            pltpu.VMEM((BPW,), jnp.float32),
            pltpu.SemaphoreType.DMA,
            pltpu.SemaphoreType.DMA,
        ],
    )
    fm_part = fm_kernel(xo, W)

    lin_kernel = pl.kernel(
        _lin_body,
        out_type=jax.ShapeDtypeStruct((BATCH,), jnp.float32),
        mesh=mesh,
        compiler_params=cparams,
        scratch_types=[
            pltpu.VMEM((LIN_ROWS,), jnp.int32),
            pltpu.VMEM((LIN_ROWS,), jnp.float32),
            pltpu.VMEM((BPW,), jnp.float32),
            pltpu.VMEM((BPW,), jnp.float32),
            pltpu.VMEM((16,), jnp.float32),
            pltpu.SemaphoreType.DMA,
        ],
    )
    return lin_kernel(xo, wlin_flat, fm_part, blin16)

# --- scband reference (transcript-rebuilt; emitter-appended) ---
"""Pipeline reference for scband-fm-40759239639137 (READ-ONLY COPY).

The authoritative reference and input builder live on the scoring server;
editing this copy changes nothing except your own understanding.
"""

import jax, jax.numpy as jnp
import numpy as np

NUM_FIELDS = 26
FIELD_DIM = 38462
FIELD_DIMS = [FIELD_DIM] * NUM_FIELDS
TOTAL_VOCAB = sum(FIELD_DIMS)  # 1000012
EMBED_DIM = 16
BATCH = 16384
OFFSETS = np.concatenate([[0], np.cumsum(FIELD_DIMS)[:-1]]).astype(np.int32)


def setup_inputs(seed: int = 0) -> dict:
    key = jax.random.key(seed)
    k1, k2, k3 = jax.random.split(key, 3)
    # forward input: per-field categorical indices, each in [0, FIELD_DIM)
    x = jax.random.randint(k1, (BATCH, NUM_FIELDS), 0, FIELD_DIM, dtype=jnp.int32)
    # learned params (sized per init_kwargs):
    # FeaturesEmbedding: Embedding(sum(field_dims), embed_dim)
    W = jax.random.normal(k2, (TOTAL_VOCAB, EMBED_DIM), dtype=jnp.float32) * 0.01
    # FeaturesLinear: Embedding(sum(field_dims), 1) + bias(1)
    w_lin = jax.random.normal(k3, (TOTAL_VOCAB, 1), dtype=jnp.float32) * 0.01
    b_lin = jnp.zeros((1,), dtype=jnp.float32)
    return {"x": x, "W": W, "w_lin": w_lin, "b_lin": b_lin}


def reference(x, W, w_lin, b_lin):
    # offsets map per-field index -> row in the single concatenated table
    xo = x + jnp.asarray(OFFSETS)[None, :]            # [B, F]
    # FeaturesLinear: sum_f w[x_f] + bias -> [B, 1]
    lin = jnp.sum(jnp.take(w_lin, xo, axis=0), axis=1) + b_lin
    # FeaturesEmbedding: gather -> [B, F, D]
    emb = jnp.take(W, xo, axis=0)
    # FactorizationMachine (reduce_sum=True):
    # 0.5 * sum_d ((sum_f v)^2 - sum_f v^2) -> [B, 1]
    sum_of_emb = jnp.sum(emb, axis=1)                 # [B, D]
    square_of_sum = sum_of_emb ** 2                   # [B, D]
    sum_of_square = jnp.sum(emb ** 2, axis=1)         # [B, D]
    fm = 0.5 * jnp.sum(square_of_sum - sum_of_square, axis=1, keepdims=True)
    out = lin + fm                                    # [B, 1]
    return jnp.squeeze(out, axis=1)                   # [B]

if __name__ == "__main__":
    import jax
    _d = setup_inputs()
    print(jax.jit(kernel)(*tuple(_d.values())))

</pallas_src>

<mosaic_0001>
#map = affine_map<(d0, d1) -> (0)>
module attributes {stable_mosaic.version = 14 : i64} {
  func.func @_lin_body(%arg0: i32, %arg1: i32, %arg2: memref<425984xi32, #tpu.memory_space<hbm>>, %arg3: memref<1000012xf32, #tpu.memory_space<hbm>>, %arg4: memref<16384xf32, #tpu.memory_space<hbm>>, %arg5: memref<16xf32, #tpu.memory_space<hbm>>, %arg6: memref<16384xf32, #tpu.memory_space<hbm>>, %arg7: memref<13312xi32, #tpu.memory_space<vmem>>, %arg8: memref<13312xf32, #tpu.memory_space<vmem>>, %arg9: memref<512xf32, #tpu.memory_space<vmem>>, %arg10: memref<512xf32, #tpu.memory_space<vmem>>, %arg11: memref<16xf32, #tpu.memory_space<vmem>>, %arg12: memref<!tpu.dma_semaphore, #tpu.memory_space<semaphore_mem>>) attributes {dimension_semantics = [#tpu.dimension_semantics<core_parallel>, #tpu.dimension_semantics<subcore_parallel>], iteration_bounds = array<i64: 2, 16>, scalar_prefetch = 0 : i64, scratch_operands = 6 : i64, tpu.core_type = #tpu.core_type<sc_vector_subcore>, window_params = [{transform_indices = #map}, {transform_indices = #map}, {transform_indices = #map}, {transform_indices = #map}, {transform_indices = #map}]} {
    %mul3A = arith.constant 2 : i32
    %mul3A_0 = arith.muli %arg1, %mul3A : i32
    %add3A = arith.addi %mul3A_0, %arg0 : i32
    "tpu.region"() ({
      %run_scoped3A = tpu.sem_alloc : memref<!tpu.dma_semaphore, #tpu.memory_space<semaphore_mem>>
      tpu.enqueue_dma source(%arg5 : memref<16xf32, #tpu.memory_space<hbm>>) target(%arg11 : memref<16xf32, #tpu.memory_space<vmem>>) target_semaphore(%run_scoped3A : memref<!tpu.dma_semaphore, #tpu.memory_space<semaphore_mem>>)
      tpu.wait_dma2 semaphore(%run_scoped3A : memref<!tpu.dma_semaphore, #tpu.memory_space<semaphore_mem>>) src(%arg5 : memref<16xf32, #tpu.memory_space<hbm>>) dst(%arg11 : memref<16xf32, #tpu.memory_space<vmem>>)
      tpu.yield
    }) : () -> ()
    %get3A = arith.constant 0 : index
    %get3A_1 = tpu.vector_load %arg11[%get3A] {strides = array<i32>} : memref<16xf32, #tpu.memory_space<vmem>>, vector<16xf32>,
    %iota3A = tpu.iota {dimensions = array<i32: 0>} : vector<16xi32>
    %mul3A_2 = arith.constant 13312 : i32
    %mul3A_3 = arith.muli %add3A, %mul3A_2 : i32
    "tpu.region"() ({
      %run_scoped3A = tpu.sem_alloc : memref<!tpu.dma_semaphore, #tpu.memory_space<semaphore_mem>>
      %dma_start3A_16 = tpu.memref_slice %arg2[%mul3A_3] : memref<425984xi32, #tpu.memory_space<hbm>> -> memref<13312xi32, #tpu.memory_space<hbm>>
      %dma_start3A_17 = tpu.memref_slice %arg2[%mul3A_3] : memref<425984xi32, #tpu.memory_space<hbm>> -> memref<13312xi32, #tpu.memory_space<hbm>>
      tpu.enqueue_dma source(%dma_start3A_17 : memref<13312xi32, #tpu.memory_space<hbm>>) target(%arg7 : memref<13312xi32, #tpu.memory_space<vmem>>) target_semaphore(%run_scoped3A : memref<!tpu.dma_semaphore, #tpu.memory_space<semaphore_mem>>)
      %dma_wait3A_18 = tpu.memref_slice %arg2[%mul3A_3] : memref<425984xi32, #tpu.memory_space<hbm>> -> memref<13312xi32, #tpu.memory_space<hbm>>
      %dma_wait3A_19 = tpu.memref_slice %arg2[%mul3A_3] : memref<425984xi32, #tpu.memory_space<hbm>> -> memref<13312xi32, #tpu.memory_space<hbm>>
      tpu.wait_dma2 semaphore(%run_scoped3A : memref<!tpu.dma_semaphore, #tpu.memory_space<semaphore_mem>>) src(%dma_wait3A_19 : memref<13312xi32, #tpu.memory_space<hbm>>) dst(%arg7 : memref<13312xi32, #tpu.memory_space<vmem>>)
      tpu.yield
    }) : () -> ()
    %dma_start3A = arith.constant 0 : i32
    %dma_start3A_4 = tpu.memref_slice %arg3[%dma_start3A] : memref<1000012xf32, #tpu.memory_space<hbm>> -> memref<1000012xf32, #tpu.memory_space<hbm>>
    tpu.enqueue_indirect_dma source(%dma_start3A_4 : memref<1000012xf32, #tpu.memory_space<hbm>>) target(%arg8 : memref<13312xf32, #tpu.memory_space<vmem>>) offsets(%arg7 : memref<13312xi32, #tpu.memory_space<vmem>>) semaphore(%arg12 : memref<!tpu.dma_semaphore, #tpu.memory_space<semaphore_mem>>)
    %mul3A_5 = arith.constant 512 : i32
    %mul3A_6 = arith.muli %add3A, %mul3A_5 : i32
    "tpu.region"() ({
      %run_scoped3A = tpu.sem_alloc : memref<!tpu.dma_semaphore, #tpu.memory_space<semaphore_mem>>
      %dma_start3A_16 = tpu.memref_slice %arg4[%mul3A_6] : memref<16384xf32, #tpu.memory_space<hbm>> -> memref<512xf32, #tpu.memory_space<hbm>>
      %dma_start3A_17 = tpu.memref_slice %arg4[%mul3A_6] : memref<16384xf32, #tpu.memory_space<hbm>> -> memref<512xf32, #tpu.memory_space<hbm>>
      tpu.enqueue_dma source(%dma_start3A_17 : memref<512xf32, #tpu.memory_space<hbm>>) target(%arg9 : memref<512xf32, #tpu.memory_space<vmem>>) target_semaphore(%run_scoped3A : memref<!tpu.dma_semaphore, #tpu.memory_space<semaphore_mem>>)
      %dma_wait3A_18 = tpu.memref_slice %arg4[%mul3A_6] : memref<16384xf32, #tpu.memory_space<hbm>> -> memref<512xf32, #tpu.memory_space<hbm>>
      %dma_wait3A_19 = tpu.memref_slice %arg4[%mul3A_6] : memref<16384xf32, #tpu.memory_space<hbm>> -> memref<512xf32, #tpu.memory_space<hbm>>
      tpu.wait_dma2 semaphore(%run_scoped3A : memref<!tpu.dma_semaphore, #tpu.memory_space<semaphore_mem>>) src(%dma_wait3A_19 : memref<512xf32, #tpu.memory_space<hbm>>) dst(%arg9 : memref<512xf32, #tpu.memory_space<vmem>>)
      tpu.yield
    }) : () -> ()
    %dma_wait3A = arith.constant 0 : i32
    %dma_wait3A_7 = tpu.memref_slice %arg3[%dma_wait3A] : memref<1000012xf32, #tpu.memory_space<hbm>> -> memref<1000012xf32, #tpu.memory_space<hbm>>
    tpu.wait_indirect_dma semaphore(%arg12 : memref<!tpu.dma_semaphore, #tpu.memory_space<semaphore_mem>>) src(%dma_wait3A_7 : memref<1000012xf32, #tpu.memory_space<hbm>>) dst(%arg8 : memref<13312xf32, #tpu.memory_space<vmem>>)
    %scan3A = arith.constant 0 : i32
    %scan3A_8 = arith.constant 0 : i32
    %scan3A_9 = arith.constant 32 : i32
    %scan3A_10 = arith.addi %scan3A_8, %scan3A_9 : i32
    %scan3A_11 = arith.constant 1 : i32
    %scan3A_12 = scf.for %scan3A_16 = %scan3A_8 to %scan3A_10 step %scan3A_11 iter_args(%scan3A_17 = %scan3A) -> (i32)  : i32 {
      %mul3A_18 = arith.constant 16 : i32
      %mul3A_19 = arith.muli %scan3A_16, %mul3A_18 : i32
      %add3A_20 = vector.broadcast %mul3A_19 : i32 to vector<16xi32>
      %add3A_21 = arith.addi %add3A_20, %iota3A : vector<16xi32>
      %mul3A_22 = arith.constant 26 : i32
      %mul3A_23 = vector.broadcast %mul3A_22 : i32 to vector<16xi32>
      %mul3A_24 = arith.muli %add3A_21, %mul3A_23 : vector<16xi32>
      %broadcast_in_dim3A = arith.constant 0.000000e+00 : f32
      %broadcast_in_dim3A_25 = vector.broadcast %broadcast_in_dim3A : f32 to vector<16xf32>
      %add3A_26 = arith.constant 0 : i32
      %add3A_27 = vector.broadcast %add3A_26 : i32 to vector<16xi32>
      %add3A_28 = arith.addi %mul3A_24, %add3A_27 : vector<16xi32>
      %gather3A = tpu.vector_load_idx %arg8[%add3A_28] : memref<13312xf32, #tpu.memory_space<vmem>>[vector<16xi32>], vector<16xf32>,
      %add3A_29 = arith.addf %broadcast_in_dim3A_25, %gather3A : vector<16xf32>
      %add3A_30 = arith.constant 1 : i32
      %add3A_31 = vector.broadcast %add3A_30 : i32 to vector<16xi32>
      %add3A_32 = arith.addi %mul3A_24, %add3A_31 : vector<16xi32>
      %gather3A_33 = tpu.vector_load_idx %arg8[%add3A_32] : memref<13312xf32, #tpu.memory_space<vmem>>[vector<16xi32>], vector<16xf32>,
      %add3A_34 = arith.addf %add3A_29, %gather3A_33 : vector<16xf32>
      %add3A_35 = arith.constant 2 : i32
      %add3A_36 = vector.broadcast %add3A_35 : i32 to vector<16xi32>
      %add3A_37 = arith.addi %mul3A_24, %add3A_36 : vector<16xi32>
      %gather3A_38 = tpu.vector_load_idx %arg8[%add3A_37] : memref<13312xf32, #tpu.memory_space<vmem>>[vector<16xi32>], vector<16xf32>,
      %add3A_39 = arith.addf %add3A_34, %gather3A_38 : vector<16xf32>
      %add3A_40 = arith.constant 3 : i32
      %add3A_41 = vector.broadcast %add3A_40 : i32 to vector<16xi32>
      %add3A_42 = arith.addi %mul3A_24, %add3A_41 : vector<16xi32>
      %gather3A_43 = tpu.vector_load_idx %arg8[%add3A_42] : memref<13312xf32, #tpu.memory_space<vmem>>[vector<16xi32>], vector<16xf32>,
      %add3A_44 = arith.addf %add3A_39, %gather3A_43 : vector<16xf32>
      %add3A_45 = arith.constant 4 : i32
      %add3A_46 = vector.broadcast %add3A_45 : i32 to vector<16xi32>
      %add3A_47 = arith.addi %mul3A_24, %add3A_46 : vector<16xi32>
      %gather3A_48 = tpu.vector_load_idx %arg8[%add3A_47] : memref<13312xf32, #tpu.memory_space<vmem>>[vector<16xi32>], vector<16xf32>,
      %add3A_49 = arith.addf %add3A_44, %gather3A_48 : vector<16xf32>
      %add3A_50 = arith.constant 5 : i32
      %add3A_51 = vector.broadcast %add3A_50 : i32 to vector<16xi32>
      %add3A_52 = arith.addi %mul3A_24, %add3A_51 : vector<16xi32>
      %gather3A_53 = tpu.vector_load_idx %arg8[%add3A_52] : memref<13312xf32, #tpu.memory_space<vmem>>[vector<16xi32>], vector<16xf32>,
      %add3A_54 = arith.addf %add3A_49, %gather3A_53 : vector<16xf32>
      %add3A_55 = arith.constant 6 : i32
      %add3A_56 = vector.broadcast %add3A_55 : i32 to vector<16xi32>
      %add3A_57 = arith.addi %mul3A_24, %add3A_56 : vector<16xi32>
      %gather3A_58 = tpu.vector_load_idx %arg8[%add3A_57] : memref<13312xf32, #tpu.memory_space<vmem>>[vector<16xi32>], vector<16xf32>,
      %add3A_59 = arith.addf %add3A_54, %gather3A_58 : vector<16xf32>
      %add3A_60 = arith.constant 7 : i32
      %add3A_61 = vector.broadcast %add3A_60 : i32 to vector<16xi32>
      %add3A_62 = arith.addi %mul3A_24, %add3A_61 : vector<16xi32>
      %gather3A_63 = tpu.vector_load_idx %arg8[%add3A_62] : memref<13312xf32, #tpu.memory_space<vmem>>[vector<16xi32>], vector<16xf32>,
      %add3A_64 = arith.addf %add3A_59, %gather3A_63 : vector<16xf32>
      %add3A_65 = arith.constant 8 : i32
      %add3A_66 = vector.broadcast %add3A_65 : i32 to vector<16xi32>
      %add3A_67 = arith.addi %mul3A_24, %add3A_66 : vector<16xi32>
      %gather3A_68 = tpu.vector_load_idx %arg8[%add3A_67] : memref<13312xf32, #tpu.memory_space<vmem>>[vector<16xi32>], vector<16xf32>,
      %add3A_69 = arith.addf %add3A_64, %gather3A_68 : vector<16xf32>
      %add3A_70 = arith.constant 9 : i32
      %add3A_71 = vector.broadcast %add3A_70 : i32 to vector<16xi32>
      %add3A_72 = arith.addi %mul3A_24, %add3A_71 : vector<16xi32>
      %gather3A_73 = tpu.vector_load_idx %arg8[%add3A_72] : memref<13312xf32, #tpu.memory_space<vmem>>[vector<16xi32>], vector<16xf32>,
      %add3A_74 = arith.addf %add3A_69, %gather3A_73 : vector<16xf32>
      %add3A_75 = arith.constant 10 : i32
      %add3A_76 = vector.broadcast %add3A_75 : i32 to vector<16xi32>
      %add3A_77 = arith.addi %mul3A_24, %add3A_76 : vector<16xi32>
      %gather3A_78 = tpu.vector_load_idx %arg8[%add3A_77] : memref<13312xf32, #tpu.memory_space<vmem>>[vector<16xi32>], vector<16xf32>,
      %add3A_79 = arith.addf %add3A_74, %gather3A_78 : vector<16xf32>
      %add3A_80 = arith.constant 11 : i32
      %add3A_81 = vector.broadcast %add3A_80 : i32 to vector<16xi32>
      %add3A_82 = arith.addi %mul3A_24, %add3A_81 : vector<16xi32>
      %gather3A_83 = tpu.vector_load_idx %arg8[%add3A_82] : memref<13312xf32, #tpu.memory_space<vmem>>[vector<16xi32>], vector<16xf32>,
      %add3A_84 = arith.addf %add3A_79, %gather3A_83 : vector<16xf32>
      %add3A_85 = arith.constant 12 : i32
      %add3A_86 = vector.broadcast %add3A_85 : i32 to vector<16xi32>
      %add3A_87 = arith.addi %mul3A_24, %add3A_86 : vector<16xi32>
      %gather3A_88 = tpu.vector_load_idx %arg8[%add3A_87] : memref<13312xf32, #tpu.memory_space<vmem>>[vector<16xi32>], vector<16xf32>,
      %add3A_89 = arith.addf %add3A_84, %gather3A_88 : vector<16xf32>
      %add3A_90 = arith.constant 13 : i32
      %add3A_91 = vector.broadcast %add3A_90 : i32 to vector<16xi32>
      %add3A_92 = arith.addi %mul3A_24, %add3A_91 : vector<16xi32>
      %gather3A_93 = tpu.vector_load_idx %arg8[%add3A_92] : memref<13312xf32, #tpu.memory_space<vmem>>[vector<16xi32>], vector<16xf32>,
      %add3A_94 = arith.addf %add3A_89, %gather3A_93 : vector<16xf32>
      %add3A_95 = arith.constant 14 : i32
      %add3A_96 = vector.broadcast %add3A_95 : i32 to vector<16xi32>
      %add3A_97 = arith.addi %mul3A_24, %add3A_96 : vector<16xi32>
      %gather3A_98 = tpu.vector_load_idx %arg8[%add3A_97] : memref<13312xf32, #tpu.memory_space<vmem>>[vector<16xi32>], vector<16xf32>,
      %add3A_99 = arith.addf %add3A_94, %gather3A_98 : vector<16xf32>
      %add3A_100 = arith.constant 15 : i32
      %add3A_101 = vector.broadcast %add3A_100 : i32 to vector<16xi32>
      %add3A_102 = arith.addi %mul3A_24, %add3A_101 : vector<16xi32>
      %gather3A_103 = tpu.vector_load_idx %arg8[%add3A_102] : memref<13312xf32, #tpu.memory_space<vmem>>[vector<16xi32>], vector<16xf32>,
      %add3A_104 = arith.addf %add3A_99, %gather3A_103 : vector<16xf32>
      %add3A_105 = arith.constant 16 : i32
      %add3A_106 = vector.broadcast %add3A_105 : i32 to vector<16xi32>
      %add3A_107 = arith.addi %mul3A_24, %add3A_106 : vector<16xi32>
      %gather3A_108 = tpu.vector_load_idx %arg8[%add3A_107] : memref<13312xf32, #tpu.memory_space<vmem>>[vector<16xi32>], vector<16xf32>,
      %add3A_109 = arith.addf %add3A_104, %gather3A_108 : vector<16xf32>
      %add3A_110 = arith.constant 17 : i32
      %add3A_111 = vector.broadcast %add3A_110 : i32 to vector<16xi32>
      %add3A_112 = arith.addi %mul3A_24, %add3A_111 : vector<16xi32>
      %gather3A_113 = tpu.vector_load_idx %arg8[%add3A_112] : memref<13312xf32, #tpu.memory_space<vmem>>[vector<16xi32>], vector<16xf32>,
      %add3A_114 = arith.addf %add3A_109, %gather3A_113 : vector<16xf32>
      %add3A_115 = arith.constant 18 : i32
      %add3A_116 = vector.broadcast %add3A_115 : i32 to vector<16xi32>
      %add3A_117 = arith.addi %mul3A_24, %add3A_116 : vector<16xi32>
      %gather3A_118 = tpu.vector_load_idx %arg8[%add3A_117] : memref<13312xf32, #tpu.memory_space<vmem>>[vector<16xi32>], vector<16xf32>,
      %add3A_119 = arith.addf %add3A_114, %gather3A_118 : vector<16xf32>
      %add3A_120 = arith.constant 19 : i32
      %add3A_121 = vector.broadcast %add3A_120 : i32 to vector<16xi32>
      %add3A_122 = arith.addi %mul3A_24, %add3A_121 : vector<16xi32>
      %gather3A_123 = tpu.vector_load_idx %arg8[%add3A_122] : memref<13312xf32, #tpu.memory_space<vmem>>[vector<16xi32>], vector<16xf32>,
      %add3A_124 = arith.addf %add3A_119, %gather3A_123 : vector<16xf32>
      %add3A_125 = arith.constant 20 : i32
      %add3A_126 = vector.broadcast %add3A_125 : i32 to vector<16xi32>
      %add3A_127 = arith.addi %mul3A_24, %add3A_126 : vector<16xi32>
      %gather3A_128 = tpu.vector_load_idx %arg8[%add3A_127] : memref<13312xf32, #tpu.memory_space<vmem>>[vector<16xi32>], vector<16xf32>,
      %add3A_129 = arith.addf %add3A_124, %gather3A_128 : vector<16xf32>
      %add3A_130 = arith.constant 21 : i32
      %add3A_131 = vector.broadcast %add3A_130 : i32 to vector<16xi32>
      %add3A_132 = arith.addi %mul3A_24, %add3A_131 : vector<16xi32>
      %gather3A_133 = tpu.vector_load_idx %arg8[%add3A_132] : memref<13312xf32, #tpu.memory_space<vmem>>[vector<16xi32>], vector<16xf32>,
      %add3A_134 = arith.addf %add3A_129, %gather3A_133 : vector<16xf32>
      %add3A_135 = arith.constant 22 : i32
      %add3A_136 = vector.broadcast %add3A_135 : i32 to vector<16xi32>
      %add3A_137 = arith.addi %mul3A_24, %add3A_136 : vector<16xi32>
      %gather3A_138 = tpu.vector_load_idx %arg8[%add3A_137] : memref<13312xf32, #tpu.memory_space<vmem>>[vector<16xi32>], vector<16xf32>,
      %add3A_139 = arith.addf %add3A_134, %gather3A_138 : vector<16xf32>
      %add3A_140 = arith.constant 23 : i32
      %add3A_141 = vector.broadcast %add3A_140 : i32 to vector<16xi32>
      %add3A_142 = arith.addi %mul3A_24, %add3A_141 : vector<16xi32>
      %gather3A_143 = tpu.vector_load_idx %arg8[%add3A_142] : memref<13312xf32, #tpu.memory_space<vmem>>[vector<16xi32>], vector<16xf32>,
      %add3A_144 = arith.addf %add3A_139, %gather3A_143 : vector<16xf32>
      %add3A_145 = arith.constant 24 : i32
      %add3A_146 = vector.broadcast %add3A_145 : i32 to vector<16xi32>
      %add3A_147 = arith.addi %mul3A_24, %add3A_146 : vector<16xi32>
      %gather3A_148 = tpu.vector_load_idx %arg8[%add3A_147] : memref<13312xf32, #tpu.memory_space<vmem>>[vector<16xi32>], vector<16xf32>,
      %add3A_149 = arith.addf %add3A_144, %gather3A_148 : vector<16xf32>
      %add3A_150 = arith.constant 25 : i32
      %add3A_151 = vector.broadcast %add3A_150 : i32 to vector<16xi32>
      %add3A_152 = arith.addi %mul3A_24, %add3A_151 : vector<16xi32>
      %gather3A_153 = tpu.vector_load_idx %arg8[%add3A_152] : memref<13312xf32, #tpu.memory_space<vmem>>[vector<16xi32>], vector<16xf32>,
      %add3A_154 = arith.addf %add3A_149, %gather3A_153 : vector<16xf32>
      %mul3A_155 = arith.constant 16 : i32
      %mul3A_156 = arith.muli %scan3A_16, %mul3A_155 : i32
      %get3A_157 = arith.index_cast %mul3A_156 : i32 to index
      %get3A_158 = tpu.vector_load %arg9[%get3A_157] {strides = array<i32>} : memref<512xf32, #tpu.memory_space<vmem>>, vector<16xf32>,
      %add3A_159 = arith.addf %add3A_154, %get3A_158 : vector<16xf32>
      %add3A_160 = arith.addf %add3A_159, %get3A_1 : vector<16xf32>
      %mul3A_161 = arith.constant 16 : i32
      %mul3A_162 = arith.muli %scan3A_16, %mul3A_161 : i32
      %swap3A = arith.index_cast %mul3A_162 : i32 to index
      %swap3A_163 = tpu.vector_load %arg10[%swap3A] {strides = array<i32>} : memref<512xf32, #tpu.memory_space<vmem>>, vector<16xf32>,
      tpu.vector_store %arg10[%swap3A], %add3A_160 {strides = array<i32>} : memref<512xf32, #tpu.memory_space<vmem>>, vector<16xf32>,
      %scan3A_164 = arith.constant 0 : i32
      scf.yield %scan3A_164 : i32
    }
    %scan3A_13 = arith.constant 32 : i32
    %mul3A_14 = arith.constant 512 : i32
    %mul3A_15 = arith.muli %add3A, %mul3A_14 : i32
    "tpu.region"() ({
      %run_scoped3A = tpu.sem_alloc : memref<!tpu.dma_semaphore, #tpu.memory_space<semaphore_mem>>
      %dma_start3A_16 = tpu.memref_slice %arg6[%mul3A_15] : memref<16384xf32, #tpu.memory_space<hbm>> -> memref<512xf32, #tpu.memory_space<hbm>>
      %dma_start3A_17 = tpu.memref_slice %arg6[%mul3A_15] : memref<16384xf32, #tpu.memory_space<hbm>> -> memref<512xf32, #tpu.memory_space<hbm>>
      tpu.enqueue_dma source(%arg10 : memref<512xf32, #tpu.memory_space<vmem>>) target(%dma_start3A_17 : memref<512xf32, #tpu.memory_space<hbm>>) target_semaphore(%run_scoped3A : memref<!tpu.dma_semaphore, #tpu.memory_space<semaphore_mem>>)
      %dma_wait3A_18 = tpu.memref_slice %arg6[%mul3A_15] : memref<16384xf32, #tpu.memory_space<hbm>> -> memref<512xf32, #tpu.memory_space<hbm>>
      %dma_wait3A_19 = tpu.memref_slice %arg6[%mul3A_15] : memref<16384xf32, #tpu.memory_space<hbm>> -> memref<512xf32, #tpu.memory_space<hbm>>
      tpu.wait_dma2 semaphore(%run_scoped3A : memref<!tpu.dma_semaphore, #tpu.memory_space<semaphore_mem>>) src(%arg10 : memref<512xf32, #tpu.memory_space<vmem>>) dst(%dma_wait3A_19 : memref<512xf32, #tpu.memory_space<hbm>>)
      tpu.yield
    }) : () -> ()
    return
  }
}

#map = affine_map<(d0, d1) -> (0)>
#map1 = affine_map<(d0, d1) -> (0, 0)>
module attributes {stable_mosaic.version = 14 : i64} {
  func.func @_fm_body(%arg0: i32, %arg1: i32, %arg2: memref<425984xi32, #tpu.memory_space<hbm>>, %arg3: memref<1000012x16xf32, #tpu.memory_space<hbm>>, %arg4: memref<16384xf32, #tpu.memory_space<hbm>>, %arg5: memref<1664xi32, #tpu.memory_space<vmem>>, %arg6: memref<1664xi32, #tpu.memory_space<vmem>>, %arg7: memref<1664x16xf32, #tpu.memory_space<vmem>>, %arg8: memref<1664x16xf32, #tpu.memory_space<vmem>>, %arg9: memref<1024xf32, #tpu.memory_space<vmem>>, %arg10: memref<512xf32, #tpu.memory_space<vmem>>, %arg11: memref<!tpu.dma_semaphore, #tpu.memory_space<semaphore_mem>>, %arg12: memref<!tpu.dma_semaphore, #tpu.memory_space<semaphore_mem>>) attributes {dimension_semantics = [#tpu.dimension_semantics<core_parallel>, #tpu.dimension_semantics<subcore_parallel>], iteration_bounds = array<i64: 2, 16>, scalar_prefetch = 0 : i64, scratch_operands = 8 : i64, tpu.core_type = #tpu.core_type<sc_vector_subcore>, window_params = [{transform_indices = #map}, {transform_indices = #map1}, {transform_indices = #map}]} {
    %mul3A = arith.constant 2 : i32
    %mul3A_0 = arith.muli %arg1, %mul3A : i32
    %add3A = arith.addi %mul3A_0, %arg0 : i32
    %iota3A = tpu.iota {dimensions = array<i32: 0>} : vector<16xi32>
    %mul3A_1 = arith.constant 512 : i32
    %mul3A_2 = arith.muli %add3A, %mul3A_1 : i32
    %mul3A_3 = arith.constant 26 : i32
    %mul3A_4 = arith.muli %mul3A_2, %mul3A_3 : i32
    %add3A_5 = arith.constant 0 : i32
    %add3A_6 = arith.addi %mul3A_4, %add3A_5 : i32
    "tpu.region"() ({
      %run_scoped3A = tpu.sem_alloc : memref<!tpu.dma_semaphore, #tpu.memory_space<semaphore_mem>>
      %dma_start3A_180 = tpu.memref_slice %arg2[%add3A_6] : memref<425984xi32, #tpu.memory_space<hbm>> -> memref<1664xi32, #tpu.memory_space<hbm>>
      %dma_start3A_181 = tpu.memref_slice %arg2[%add3A_6] : memref<425984xi32, #tpu.memory_space<hbm>> -> memref<1664xi32, #tpu.memory_space<hbm>>
      tpu.enqueue_dma source(%dma_start3A_181 : memref<1664xi32, #tpu.memory_space<hbm>>) target(%arg5 : memref<1664xi32, #tpu.memory_space<vmem>>) target_semaphore(%run_scoped3A : memref<!tpu.dma_semaphore, #tpu.memory_space<semaphore_mem>>)
      %dma_wait3A_182 = tpu.memref_slice %arg2[%add3A_6] : memref<425984xi32, #tpu.memory_space<hbm>> -> memref<1664xi32, #tpu.memory_space<hbm>>
      %dma_wait3A_183 = tpu.memref_slice %arg2[%add3A_6] : memref<425984xi32, #tpu.memory_space<hbm>> -> memref<1664xi32, #tpu.memory_space<hbm>>
      tpu.wait_dma2 semaphore(%run_scoped3A : memref<!tpu.dma_semaphore, #tpu.memory_space<semaphore_mem>>) src(%dma_wait3A_183 : memref<1664xi32, #tpu.memory_space<hbm>>) dst(%arg5 : memref<1664xi32, #tpu.memory_space<vmem>>)
      tpu.yield
    }) : () -> ()
    %dma_start3A = arith.constant 0 : i32
    %dma_start3A_7 = arith.constant 0 : i32
    %dma_start3A_8 = tpu.memref_slice %arg3[%dma_start3A, %dma_start3A_7] : memref<1000012x16xf32, #tpu.memory_space<hbm>> -> memref<1000012x16xf32, #tpu.memory_space<hbm>>
    tpu.enqueue_indirect_dma source(%dma_start3A_8 : memref<1000012x16xf32, #tpu.memory_space<hbm>>) target(%arg7 : memref<1664x16xf32, #tpu.memory_space<vmem>>) offsets(%arg5 : memref<1664xi32, #tpu.memory_space<vmem>>) semaphore(%arg11 : memref<!tpu.dma_semaphore, #tpu.memory_space<semaphore_mem>>)
    %add3A_9 = arith.constant 1664 : i32
    %add3A_10 = arith.addi %mul3A_4, %add3A_9 : i32
    "tpu.region"() ({
      %run_scoped3A = tpu.sem_alloc : memref<!tpu.dma_semaphore, #tpu.memory_space<semaphore_mem>>
      %dma_start3A_180 = tpu.memref_slice %arg2[%add3A_10] : memref<425984xi32, #tpu.memory_space<hbm>> -> memref<1664xi32, #tpu.memory_space<hbm>>
      %dma_start3A_181 = tpu.memref_slice %arg2[%add3A_10] : memref<425984xi32, #tpu.memory_space<hbm>> -> memref<1664xi32, #tpu.memory_space<hbm>>
      tpu.enqueue_dma source(%dma_start3A_181 : memref<1664xi32, #tpu.memory_space<hbm>>) target(%arg6 : memref<1664xi32, #tpu.memory_space<vmem>>) target_semaphore(%run_scoped3A : memref<!tpu.dma_semaphore, #tpu.memory_space<semaphore_mem>>)
      %dma_wait3A_182 = tpu.memref_slice %arg2[%add3A_10] : memref<425984xi32, #tpu.memory_space<hbm>> -> memref<1664xi32, #tpu.memory_space<hbm>>
      %dma_wait3A_183 = tpu.memref_slice %arg2[%add3A_10] : memref<425984xi32, #tpu.memory_space<hbm>> -> memref<1664xi32, #tpu.memory_space<hbm>>
      tpu.wait_dma2 semaphore(%run_scoped3A : memref<!tpu.dma_semaphore, #tpu.memory_space<semaphore_mem>>) src(%dma_wait3A_183 : memref<1664xi32, #tpu.memory_space<hbm>>) dst(%arg6 : memref<1664xi32, #tpu.memory_space<vmem>>)
      tpu.yield
    }) : () -> ()
    %dma_start3A_11 = arith.constant 0 : i32
    %dma_start3A_12 = arith.constant 0 : i32
    %dma_start3A_13 = tpu.memref_slice %arg3[%dma_start3A_11, %dma_start3A_12] : memref<1000012x16xf32, #tpu.memory_space<hbm>> -> memref<1000012x16xf32, #tpu.memory_space<hbm>>
    tpu.enqueue_indirect_dma source(%dma_start3A_13 : memref<1000012x16xf32, #tpu.memory_space<hbm>>) target(%arg8 : memref<1664x16xf32, #tpu.memory_space<vmem>>) offsets(%arg6 : memref<1664xi32, #tpu.memory_space<vmem>>) semaphore(%arg12 : memref<!tpu.dma_semaphore, #tpu.memory_space<semaphore_mem>>)
    %dma_wait3A = arith.constant 0 : i32
    %dma_wait3A_14 = arith.constant 0 : i32
    %dma_wait3A_15 = tpu.memref_slice %arg3[%dma_wait3A, %dma_wait3A_14] : memref<1000012x16xf32, #tpu.memory_space<hbm>> -> memref<1000012x16xf32, #tpu.memory_space<hbm>>
    tpu.wait_indirect_dma semaphore(%arg11 : memref<!tpu.dma_semaphore, #tpu.memory_space<semaphore_mem>>) src(%dma_wait3A_15 : memref<1000012x16xf32, #tpu.memory_space<hbm>>) dst(%arg7 : memref<1664x16xf32, #tpu.memory_space<vmem>>)
    %scan3A = arith.constant 0 : i32
    %scan3A_16 = arith.constant 0 : i32
    %scan3A_17 = arith.constant 64 : i32
    %scan3A_18 = arith.addi %scan3A_16, %scan3A_17 : i32
    %scan3A_19 = arith.constant 1 : i32
    %scan3A_20 = scf.for %scan3A_180 = %scan3A_16 to %scan3A_18 step %scan3A_19 iter_args(%scan3A_181 = %scan3A) -> (i32)  : i32 {
      %mul3A_182 = arith.constant 26 : i32
      %mul3A_183 = arith.muli %scan3A_180, %mul3A_182 : i32
      %broadcast_in_dim3A = arith.constant 0.000000e+00 : f32
      %broadcast_in_dim3A_184 = vector.broadcast %broadcast_in_dim3A : f32 to vector<16xf32>
      %broadcast_in_dim3A_185 = arith.constant 0.000000e+00 : f32
      %broadcast_in_dim3A_186 = vector.broadcast %broadcast_in_dim3A_185 : f32 to vector<16xf32>
      %add3A_187 = arith.constant 0 : i32
      %add3A_188 = arith.addi %mul3A_183, %add3A_187 : i32
      %get3A = arith.index_cast %add3A_188 : i32 to index
      %get3A_189 = arith.constant 0 : index
      %get3A_190 = tpu.vector_load %arg7[%get3A, %get3A_189] {strides = array<i32>} : memref<1664x16xf32, #tpu.memory_space<vmem>>, vector<16xf32>,
      %add3A_191 = arith.addf %broadcast_in_dim3A_184, %get3A_190 : vector<16xf32>
      %mul3A_192 = arith.mulf %get3A_190, %get3A_190 : vector<16xf32>
      %add3A_193 = arith.addf %broadcast_in_dim3A_186, %mul3A_192 : vector<16xf32>
      %add3A_194 = arith.constant 1 : i32
      %add3A_195 = arith.addi %mul3A_183, %add3A_194 : i32
      %get3A_196 = arith.index_cast %add3A_195 : i32 to index
      %get3A_197 = arith.constant 0 : index
      %get3A_198 = tpu.vector_load %arg7[%get3A_196, %get3A_197] {strides = array<i32>} : memref<1664x16xf32, #tpu.memory_space<vmem>>, vector<16xf32>,
      %add3A_199 = arith.addf %add3A_191, %get3A_198 : vector<16xf32>
      %mul3A_200 = arith.mulf %get3A_198, %get3A_198 : vector<16xf32>
      %add3A_201 = arith.addf %add3A_193, %mul3A_200 : vector<16xf32>
      %add3A_202 = arith.constant 2 : i32
      %add3A_203 = arith.addi %mul3A_183, %add3A_202 : i32
      %get3A_204 = arith.index_cast %add3A_203 : i32 to index
      %get3A_205 = arith.constant 0 : index
      %get3A_206 = tpu.vector_load %arg7[%get3A_204, %get3A_205] {strides = array<i32>} : memref<1664x16xf32, #tpu.memory_space<vmem>>, vector<16xf32>,
      %add3A_207 = arith.addf %add3A_199, %get3A_206 : vector<16xf32>
      %mul3A_208 = arith.mulf %get3A_206, %get3A_206 : vector<16xf32>
      %add3A_209 = arith.addf %add3A_201, %mul3A_208 : vector<16xf32>
      %add3A_210 = arith.constant 3 : i32
      %add3A_211 = arith.addi %mul3A_183, %add3A_210 : i32
      %get3A_212 = arith.index_cast %add3A_211 : i32 to index
      %get3A_213 = arith.constant 0 : index
      %get3A_214 = tpu.vector_load %arg7[%get3A_212, %get3A_213] {strides = array<i32>} : memref<1664x16xf32, #tpu.memory_space<vmem>>, vector<16xf32>,
      %add3A_215 = arith.addf %add3A_207, %get3A_214 : vector<16xf32>
      %mul3A_216 = arith.mulf %get3A_214, %get3A_214 : vector<16xf32>
      %add3A_217 = arith.addf %add3A_209, %mul3A_216 : vector<16xf32>
      %add3A_218 = arith.constant 4 : i32
      %add3A_219 = arith.addi %mul3A_183, %add3A_218 : i32
      %get3A_220 = arith.index_cast %add3A_219 : i32 to index
      %get3A_221 = arith.constant 0 : index
      %get3A_222 = tpu.vector_load %arg7[%get3A_220, %get3A_221] {strides = array<i32>} : memref<1664x16xf32, #tpu.memory_space<vmem>>, vector<16xf32>,
      %add3A_223 = arith.addf %add3A_215, %get3A_222 : vector<16xf32>
      %mul3A_224 = arith.mulf %get3A_222, %get3A_222 : vector<16xf32>
      %add3A_225 = arith.addf %add3A_217, %mul3A_224 : vector<16xf32>
      %add3A_226 = arith.constant 5 : i32
      %add3A_227 = arith.addi %mul3A_183, %add3A_226 : i32
      %get3A_228 = arith.index_cast %add3A_227 : i32 to index
      %get3A_229 = arith.constant 0 : index
      %get3A_230 = tpu.vector_load %arg7[%get3A_228, %get3A_229] {strides = array<i32>} : memref<1664x16xf32, #tpu.memory_space<vmem>>, vector<16xf32>,
      %add3A_231 = arith.addf %add3A_223, %get3A_230 : vector<16xf32>
      %mul3A_232 = arith.mulf %get3A_230, %get3A_230 : vector<16xf32>
      %add3A_233 = arith.addf %add3A_225, %mul3A_232 : vector<16xf32>
      %add3A_234 = arith.constant 6 : i32
      %add3A_235 = arith.addi %mul3A_183, %add3A_234 : i32
      %get3A_236 = arith.index_cast %add3A_235 : i32 to index
      %get3A_237 = arith.constant 0 : index
      %get3A_238 = tpu.vector_load %arg7[%get3A_236, %get3A_237] {strides = array<i32>} : memref<1664x16xf32, #tpu.memory_space<vmem>>, vector<16xf32>,
      %add3A_239 = arith.addf %add3A_231, %get3A_238 : vector<16xf32>
      %mul3A_240 = arith.mulf %get3A_238, %get3A_238 : vector<16xf32>
      %add3A_241 = arith.addf %add3A_233, %mul3A_240 : vector<16xf32>
      %add3A_242 = arith.constant 7 : i32
      %add3A_243 = arith.addi %mul3A_183, %add3A_242 : i32
      %get3A_244 = arith.index_cast %add3A_243 : i32 to index
      %get3A_245 = arith.constant 0 : index
      %get3A_246 = tpu.vector_load %arg7[%get3A_244, %get3A_245] {strides = array<i32>} : memref<1664x16xf32, #tpu.memory_space<vmem>>, vector<16xf32>,
      %add3A_247 = arith.addf %add3A_239, %get3A_246 : vector<16xf32>
      %mul3A_248 = arith.mulf %get3A_246, %get3A_246 : vector<16xf32>
      %add3A_249 = arith.addf %add3A_241, %mul3A_248 : vector<16xf32>
      %add3A_250 = arith.constant 8 : i32
      %add3A_251 = arith.addi %mul3A_183, %add3A_250 : i32
      %get3A_252 = arith.index_cast %add3A_251 : i32 to index
      %get3A_253 = arith.constant 0 : index
      %get3A_254 = tpu.vector_load %arg7[%get3A_252, %get3A_253] {strides = array<i32>} : memref<1664x16xf32, #tpu.memory_space<vmem>>, vector<16xf32>,
      %add3A_255 = arith.addf %add3A_247, %get3A_254 : vector<16xf32>
      %mul3A_256 = arith.mulf %get3A_254, %get3A_254 : vector<16xf32>
      %add3A_257 = arith.addf %add3A_249, %mul3A_256 : vector<16xf32>
      %add3A_258 = arith.constant 9 : i32
      %add3A_259 = arith.addi %mul3A_183, %add3A_258 : i32
      %get3A_260 = arith.index_cast %add3A_259 : i32 to index
      %get3A_261 = arith.constant 0 : index
      %get3A_262 = tpu.vector_load %arg7[%get3A_260, %get3A_261] {strides = array<i32>} : memref<1664x16xf32, #tpu.memory_space<vmem>>, vector<16xf32>,
      %add3A_263 = arith.addf %add3A_255, %get3A_262 : vector<16xf32>
      %mul3A_264 = arith.mulf %get3A_262, %get3A_262 : vector<16xf32>
      %add3A_265 = arith.addf %add3A_257, %mul3A_264 : vector<16xf32>
      %add3A_266 = arith.constant 10 : i32
      %add3A_267 = arith.addi %mul3A_183, %add3A_266 : i32
      %get3A_268 = arith.index_cast %add3A_267 : i32 to index
      %get3A_269 = arith.constant 0 : index
      %get3A_270 = tpu.vector_load %arg7[%get3A_268, %get3A_269] {strides = array<i32>} : memref<1664x16xf32, #tpu.memory_space<vmem>>, vector<16xf32>,
      %add3A_271 = arith.addf %add3A_263, %get3A_270 : vector<16xf32>
      %mul3A_272 = arith.mulf %get3A_270, %get3A_270 : vector<16xf32>
      %add3A_273 = arith.addf %add3A_265, %mul3A_272 : vector<16xf32>
      %add3A_274 = arith.constant 11 : i32
      %add3A_275 = arith.addi %mul3A_183, %add3A_274 : i32
      %get3A_276 = arith.index_cast %add3A_275 : i32 to index
      %get3A_277 = arith.constant 0 : index
      %get3A_278 = tpu.vector_load %arg7[%get3A_276, %get3A_277] {strides = array<i32>} : memref<1664x16xf32, #tpu.memory_space<vmem>>, vector<16xf32>,
      %add3A_279 = arith.addf %add3A_271, %get3A_278 : vector<16xf32>
      %mul3A_280 = arith.mulf %get3A_278, %get3A_278 : vector<16xf32>
      %add3A_281 = arith.addf %add3A_273, %mul3A_280 : vector<16xf32>
      %add3A_282 = arith.constant 12 : i32
      %add3A_283 = arith.addi %mul3A_183, %add3A_282 : i32
      %get3A_284 = arith.index_cast %add3A_283 : i32 to index
      %get3A_285 = arith.constant 0 : index
      %get3A_286 = tpu.vector_load %arg7[%get3A_284, %get3A_285] {strides = array<i32>} : memref<1664x16xf32, #tpu.memory_space<vmem>>, vector<16xf32>,
      %add3A_287 = arith.addf %add3A_279, %get3A_286 : vector<16xf32>
      %mul3A_288 = arith.mulf %get3A_286, %get3A_286 : vector<16xf32>
      %add3A_289 = arith.addf %add3A_281, %mul3A_288 : vector<16xf32>
      %add3A_290 = arith.constant 13 : i32
      %add3A_291 = arith.addi %mul3A_183, %add3A_290 : i32
      %get3A_292 = arith.index_cast %add3A_291 : i32 to index
      %get3A_293 = arith.constant 0 : index
      %get3A_294 = tpu.vector_load %arg7[%get3A_292, %get3A_293] {strides = array<i32>} : memref<1664x16xf32, #tpu.memory_space<vmem>>, vector<16xf32>,
      %add3A_295 = arith.addf %add3A_287, %get3A_294 : vector<16xf32>
      %mul3A_296 = arith.mulf %get3A_294, %get3A_294 : vector<16xf32>
      %add3A_297 = arith.addf %add3A_289, %mul3A_296 : vector<16xf32>
      %add3A_298 = arith.constant 14 : i32
      %add3A_299 = arith.addi %mul3A_183, %add3A_298 : i32
      %get3A_300 = arith.index_cast %add3A_299 : i32 to index
      %get3A_301 = arith.constant 0 : index
      %get3A_302 = tpu.vector_load %arg7[%get3A_300, %get3A_301] {strides = array<i32>} : memref<1664x16xf32, #tpu.memory_space<vmem>>, vector<16xf32>,
      %add3A_303 = arith.addf %add3A_295, %get3A_302 : vector<16xf32>
      %mul3A_304 = arith.mulf %get3A_302, %get3A_302 : vector<16xf32>
      %add3A_305 = arith.addf %add3A_297, %mul3A_304 : vector<16xf32>
      %add3A_306 = arith.constant 15 : i32
      %add3A_307 = arith.addi %mul3A_183, %add3A_306 : i32
      %get3A_308 = arith.index_cast %add3A_307 : i32 to index
      %get3A_309 = arith.constant 0 : index
      %get3A_310 = tpu.vector_load %arg7[%get3A_308, %get3A_309] {strides = array<i32>} : memref<1664x16xf32, #tpu.memory_space<vmem>>, vector<16xf32>,
      %add3A_311 = arith.addf %add3A_303, %get3A_310 : vector<16xf32>
      %mul3A_312 = arith.mulf %get3A_310, %get3A_310 : vector<16xf32>
      %add3A_313 = arith.addf %add3A_305, %mul3A_312 : vector<16xf32>
      %add3A_314 = arith.constant 16 : i32
      %add3A_315 = arith.addi %mul3A_183, %add3A_314 : i32
      %get3A_316 = arith.index_cast %add3A_315 : i32 to index
      %get3A_317 = arith.constant 0 : index
      %get3A_318 = tpu.vector_load %arg7[%get3A_316, %get3A_317] {strides = array<i32>} : memref<1664x16xf32, #tpu.memory_space<vmem>>, vector<16xf32>,
      %add3A_319 = arith.addf %add3A_311, %get3A_318 : vector<16xf32>
      %mul3A_320 = arith.mulf %get3A_318, %get3A_318 : vector<16xf32>
      %add3A_321 = arith.addf %add3A_313, %mul3A_320 : vector<16xf32>
      %add3A_322 = arith.constant 17 : i32
      %add3A_323 = arith.addi %mul3A_183, %add3A_322 : i32
      %get3A_324 = arith.index_cast %add3A_323 : i32 to index
      %get3A_325 = arith.constant 0 : index
      %get3A_326 = tpu.vector_load %arg7[%get3A_324, %get3A_325] {strides = array<i32>} : memref<1664x16xf32, #tpu.memory_space<vmem>>, vector<16xf32>,
      %add3A_327 = arith.addf %add3A_319, %get3A_326 : vector<16xf32>
      %mul3A_328 = arith.mulf %get3A_326, %get3A_326 : vector<16xf32>
      %add3A_329 = arith.addf %add3A_321, %mul3A_328 : vector<16xf32>
      %add3A_330 = arith.constant 18 : i32
      %add3A_331 = arith.addi %mul3A_183, %add3A_330 : i32
      %get3A_332 = arith.index_cast %add3A_331 : i32 to index
      %get3A_333 = arith.constant 0 : index
      %get3A_334 = tpu.vector_load %arg7[%get3A_332, %get3A_333] {strides = array<i32>} : memref<1664x16xf32, #tpu.memory_space<vmem>>, vector<16xf32>,
      %add3A_335 = arith.addf %add3A_327, %get3A_334 : vector<16xf32>
      %mul3A_336 = arith.mulf %get3A_334, %get3A_334 : vector<16xf32>
      %add3A_337 = arith.addf %add3A_329, %mul3A_336 : vector<16xf32>
      %add3A_338 = arith.constant 19 : i32
      %add3A_339 = arith.addi %mul3A_183, %add3A_338 : i32
      %get3A_340 = arith.index_cast %add3A_339 : i32 to index
      %get3A_341 = arith.constant 0 : index
      %get3A_342 = tpu.vector_load %arg7[%get3A_340, %get3A_341] {strides = array<i32>} : memref<1664x16xf32, #tpu.memory_space<vmem>>, vector<16xf32>,
      %add3A_343 = arith.addf %add3A_335, %get3A_342 : vector<16xf32>
      %mul3A_344 = arith.mulf %get3A_342, %get3A_342 : vector<16xf32>
      %add3A_345 = arith.addf %add3A_337, %mul3A_344 : vector<16xf32>
      %add3A_346 = arith.constant 20 : i32
      %add3A_347 = arith.addi %mul3A_183, %add3A_346 : i32
      %get3A_348 = arith.index_cast %add3A_347 : i32 to index
      %get3A_349 = arith.constant 0 : index
      %get3A_350 = tpu.vector_load %arg7[%get3A_348, %get3A_349] {strides = array<i32>} : memref<1664x16xf32, #tpu.memory_space<vmem>>, vector<16xf32>,
      %add3A_351 = arith.addf %add3A_343, %get3A_350 : vector<16xf32>
      %mul3A_352 = arith.mulf %get3A_350, %get3A_350 : vector<16xf32>
      %add3A_353 = arith.addf %add3A_345, %mul3A_352 : vector<16xf32>
      %add3A_354 = arith.constant 21 : i32
      %add3A_355 = arith.addi %mul3A_183, %add3A_354 : i32
      %get3A_356 = arith.index_cast %add3A_355 : i32 to index
      %get3A_357 = arith.constant 0 : index
      %get3A_358 = tpu.vector_load %arg7[%get3A_356, %get3A_357] {strides = array<i32>} : memref<1664x16xf32, #tpu.memory_space<vmem>>, vector<16xf32>,
      %add3A_359 = arith.addf %add3A_351, %get3A_358 : vector<16xf32>
      %mul3A_360 = arith.mulf %get3A_358, %get3A_358 : vector<16xf32>
      %add3A_361 = arith.addf %add3A_353, %mul3A_360 : vector<16xf32>
      %add3A_362 = arith.constant 22 : i32
      %add3A_363 = arith.addi %mul3A_183, %add3A_362 : i32
      %get3A_364 = arith.index_cast %add3A_363 : i32 to index
      %get3A_365 = arith.constant 0 : index
      %get3A_366 = tpu.vector_load %arg7[%get3A_364, %get3A_365] {strides = array<i32>} : memref<1664x16xf32, #tpu.memory_space<vmem>>, vector<16xf32>,
      %add3A_367 = arith.addf %add3A_359, %get3A_366 : vector<16xf32>
      %mul3A_368 = arith.mulf %get3A_366, %get3A_366 : vector<16xf32>
      %add3A_369 = arith.addf %add3A_361, %mul3A_368 : vector<16xf32>
      %add3A_370 = arith.constant 23 : i32
      %add3A_371 = arith.addi %mul3A_183, %add3A_370 : i32
      %get3A_372 = arith.index_cast %add3A_371 : i32 to index
      %get3A_373 = arith.constant 0 : index
      %get3A_374 = tpu.vector_load %arg7[%get3A_372, %get3A_373] {strides = array<i32>} : memref<1664x16xf32, #tpu.memory_space<vmem>>, vector<16xf32>,
      %add3A_375 = arith.addf %add3A_367, %get3A_374 : vector<16xf32>
      %mul3A_376 = arith.mulf %get3A_374, %get3A_374 : vector<16xf32>
      %add3A_377 = arith.addf %add3A_369, %mul3A_376 : vector<16xf32>
      %add3A_378 = arith.constant 24 : i32
      %add3A_379 = arith.addi %mul3A_183, %add3A_378 : i32
      %get3A_380 = arith.index_cast %add3A_379 : i32 to index
      %get3A_381 = arith.constant 0 : index
      %get3A_382 = tpu.vector_load %arg7[%get3A_380, %get3A_381] {strides = array<i32>} : memref<1664x16xf32, #tpu.memory_space<vmem>>, vector<16xf32>,
      %add3A_383 = arith.addf %add3A_375, %get3A_382 : vector<16xf32>
      %mul3A_384 = arith.mulf %get3A_382, %get3A_382 : vector<16xf32>
      %add3A_385 = arith.addf %add3A_377, %mul3A_384 : vector<16xf32>
      %add3A_386 = arith.constant 25 : i32
      %add3A_387 = arith.addi %mul3A_183, %add3A_386 : i32
      %get3A_388 = arith.index_cast %add3A_387 : i32 to index
      %get3A_389 = arith.constant 0 : index
      %get3A_390 = tpu.vector_load %arg7[%get3A_388, %get3A_389] {strides = array<i32>} : memref<1664x16xf32, #tpu.memory_space<vmem>>, vector<16xf32>,
      %add3A_391 = arith.addf %add3A_383, %get3A_390 : vector<16xf32>
      %mul3A_392 = arith.mulf %get3A_390, %get3A_390 : vector<16xf32>
      %add3A_393 = arith.addf %add3A_385, %mul3A_392 : vector<16xf32>
      %mul3A_394 = arith.mulf %add3A_391, %add3A_391 : vector<16xf32>
      %sub3A = arith.subf %mul3A_394, %add3A_393 : vector<16xf32>
      %mul3A_395 = arith.constant 16 : i32
      %mul3A_396 = arith.muli %scan3A_180, %mul3A_395 : i32
      %swap3A = arith.index_cast %mul3A_396 : i32 to index
      %swap3A_397 = tpu.vector_load %arg9[%swap3A] {strides = array<i32>} : memref<1024xf32, #tpu.memory_space<vmem>>, vector<16xf32>,
      tpu.vector_store %arg9[%swap3A], %sub3A {strides = array<i32>} : memref<1024xf32, #tpu.memory_space<vmem>>, vector<16xf32>,
      %scan3A_398 = arith.constant 0 : i32
      scf.yield %scan3A_398 : i32
    }
    %scan3A_21 = arith.constant 64 : i32
    %scan3A_22 = arith.constant 0 : i32
    %scan3A_23 = arith.constant 0 : i32
    %scan3A_24 = arith.constant 4 : i32
    %scan3A_25 = arith.addi %scan3A_23, %scan3A_24 : i32
    %scan3A_26 = arith.constant 1 : i32
    %scan3A_27 = scf.for %scan3A_180 = %scan3A_23 to %scan3A_25 step %scan3A_26 iter_args(%scan3A_181 = %scan3A_22) -> (i32)  : i32 {
      %mul3A_182 = arith.constant 16 : i32
      %mul3A_183 = arith.muli %scan3A_180, %mul3A_182 : i32
      %add3A_184 = vector.broadcast %mul3A_183 : i32 to vector<16xi32>
      %add3A_185 = arith.addi %add3A_184, %iota3A : vector<16xi32>
      %mul3A_186 = arith.constant 16 : i32
      %mul3A_187 = vector.broadcast %mul3A_186 : i32 to vector<16xi32>
      %mul3A_188 = arith.muli %add3A_185, %mul3A_187 : vector<16xi32>
      %broadcast_in_dim3A = arith.constant 0.000000e+00 : f32
      %broadcast_in_dim3A_189 = vector.broadcast %broadcast_in_dim3A : f32 to vector<16xf32>
      %add3A_190 = arith.constant 0 : i32
      %add3A_191 = vector.broadcast %add3A_190 : i32 to vector<16xi32>
      %add3A_192 = arith.addi %mul3A_188, %add3A_191 : vector<16xi32>
      %gather3A = tpu.vector_load_idx %arg9[%add3A_192] : memref<1024xf32, #tpu.memory_space<vmem>>[vector<16xi32>], vector<16xf32>,
      %add3A_193 = arith.addf %broadcast_in_dim3A_189, %gather3A : vector<16xf32>
      %add3A_194 = arith.constant 1 : i32
      %add3A_195 = vector.broadcast %add3A_194 : i32 to vector<16xi32>
      %add3A_196 = arith.addi %mul3A_188, %add3A_195 : vector<16xi32>
      %gather3A_197 = tpu.vector_load_idx %arg9[%add3A_196] : memref<1024xf32, #tpu.memory_space<vmem>>[vector<16xi32>], vector<16xf32>,
      %add3A_198 = arith.addf %add3A_193, %gather3A_197 : vector<16xf32>
      %add3A_199 = arith.constant 2 : i32
      %add3A_200 = vector.broadcast %add3A_199 : i32 to vector<16xi32>
      %add3A_201 = arith.addi %mul3A_188, %add3A_200 : vector<16xi32>
      %gather3A_202 = tpu.vector_load_idx %arg9[%add3A_201] : memref<1024xf32, #tpu.memory_space<vmem>>[vector<16xi32>], vector<16xf32>,
      %add3A_203 = arith.addf %add3A_198, %gather3A_202 : vector<16xf32>
      %add3A_204 = arith.constant 3 : i32
      %add3A_205 = vector.broadcast %add3A_204 : i32 to vector<16xi32>
      %add3A_206 = arith.addi %mul3A_188, %add3A_205 : vector<16xi32>
      %gather3A_207 = tpu.vector_load_idx %arg9[%add3A_206] : memref<1024xf32, #tpu.memory_space<vmem>>[vector<16xi32>], vector<16xf32>,
      %add3A_208 = arith.addf %add3A_203, %gather3A_207 : vector<16xf32>
      %add3A_209 = arith.constant 4 : i32
      %add3A_210 = vector.broadcast %add3A_209 : i32 to vector<16xi32>
      %add3A_211 = arith.addi %mul3A_188, %add3A_210 : vector<16xi32>
      %gather3A_212 = tpu.vector_load_idx %arg9[%add3A_211] : memref<1024xf32, #tpu.memory_space<vmem>>[vector<16xi32>], vector<16xf32>,
      %add3A_213 = arith.addf %add3A_208, %gather3A_212 : vector<16xf32>
      %add3A_214 = arith.constant 5 : i32
      %add3A_215 = vector.broadcast %add3A_214 : i32 to vector<16xi32>
      %add3A_216 = arith.addi %mul3A_188, %add3A_215 : vector<16xi32>
      %gather3A_217 = tpu.vector_load_idx %arg9[%add3A_216] : memref<1024xf32, #tpu.memory_space<vmem>>[vector<16xi32>], vector<16xf32>,
      %add3A_218 = arith.addf %add3A_213, %gather3A_217 : vector<16xf32>
      %add3A_219 = arith.constant 6 : i32
      %add3A_220 = vector.broadcast %add3A_219 : i32 to vector<16xi32>
      %add3A_221 = arith.addi %mul3A_188, %add3A_220 : vector<16xi32>
      %gather3A_222 = tpu.vector_load_idx %arg9[%add3A_221] : memref<1024xf32, #tpu.memory_space<vmem>>[vector<16xi32>], vector<16xf32>,
      %add3A_223 = arith.addf %add3A_218, %gather3A_222 : vector<16xf32>
      %add3A_224 = arith.constant 7 : i32
      %add3A_225 = vector.broadcast %add3A_224 : i32 to vector<16xi32>
      %add3A_226 = arith.addi %mul3A_188, %add3A_225 : vector<16xi32>
      %gather3A_227 = tpu.vector_load_idx %arg9[%add3A_226] : memref<1024xf32, #tpu.memory_space<vmem>>[vector<16xi32>], vector<16xf32>,
      %add3A_228 = arith.addf %add3A_223, %gather3A_227 : vector<16xf32>
      %add3A_229 = arith.constant 8 : i32
      %add3A_230 = vector.broadcast %add3A_229 : i32 to vector<16xi32>
      %add3A_231 = arith.addi %mul3A_188, %add3A_230 : vector<16xi32>
      %gather3A_232 = tpu.vector_load_idx %arg9[%add3A_231] : memref<1024xf32, #tpu.memory_space<vmem>>[vector<16xi32>], vector<16xf32>,
      %add3A_233 = arith.addf %add3A_228, %gather3A_232 : vector<16xf32>
      %add3A_234 = arith.constant 9 : i32
      %add3A_235 = vector.broadcast %add3A_234 : i32 to vector<16xi32>
      %add3A_236 = arith.addi %mul3A_188, %add3A_235 : vector<16xi32>
      %gather3A_237 = tpu.vector_load_idx %arg9[%add3A_236] : memref<1024xf32, #tpu.memory_space<vmem>>[vector<16xi32>], vector<16xf32>,
      %add3A_238 = arith.addf %add3A_233, %gather3A_237 : vector<16xf32>
      %add3A_239 = arith.constant 10 : i32
      %add3A_240 = vector.broadcast %add3A_239 : i32 to vector<16xi32>
      %add3A_241 = arith.addi %mul3A_188, %add3A_240 : vector<16xi32>
      %gather3A_242 = tpu.vector_load_idx %arg9[%add3A_241] : memref<1024xf32, #tpu.memory_space<vmem>>[vector<16xi32>], vector<16xf32>,
      %add3A_243 = arith.addf %add3A_238, %gather3A_242 : vector<16xf32>
      %add3A_244 = arith.constant 11 : i32
      %add3A_245 = vector.broadcast %add3A_244 : i32 to vector<16xi32>
      %add3A_246 = arith.addi %mul3A_188, %add3A_245 : vector<16xi32>
      %gather3A_247 = tpu.vector_load_idx %arg9[%add3A_246] : memref<1024xf32, #tpu.memory_space<vmem>>[vector<16xi32>], vector<16xf32>,
      %add3A_248 = arith.addf %add3A_243, %gather3A_247 : vector<16xf32>
      %add3A_249 = arith.constant 12 : i32
      %add3A_250 = vector.broadcast %add3A_249 : i32 to vector<16xi32>
      %add3A_251 = arith.addi %mul3A_188, %add3A_250 : vector<16xi32>
      %gather3A_252 = tpu.vector_load_idx %arg9[%add3A_251] : memref<1024xf32, #tpu.memory_space<vmem>>[vector<16xi32>], vector<16xf32>,
      %add3A_253 = arith.addf %add3A_248, %gather3A_252 : vector<16xf32>
      %add3A_254 = arith.constant 13 : i32
      %add3A_255 = vector.broadcast %add3A_254 : i32 to vector<16xi32>
      %add3A_256 = arith.addi %mul3A_188, %add3A_255 : vector<16xi32>
      %gather3A_257 = tpu.vector_load_idx %arg9[%add3A_256] : memref<1024xf32, #tpu.memory_space<vmem>>[vector<16xi32>], vector<16xf32>,
      %add3A_258 = arith.addf %add3A_253, %gather3A_257 : vector<16xf32>
      %add3A_259 = arith.constant 14 : i32
      %add3A_260 = vector.broadcast %add3A_259 : i32 to vector<16xi32>
      %add3A_261 = arith.addi %mul3A_188, %add3A_260 : vector<16xi32>
      %gather3A_262 = tpu.vector_load_idx %arg9[%add3A_261] : memref<1024xf32, #tpu.memory_space<vmem>>[vector<16xi32>], vector<16xf32>,
      %add3A_263 = arith.addf %add3A_258, %gather3A_262 : vector<16xf32>
      %add3A_264 = arith.constant 15 : i32
      %add3A_265 = vector.broadcast %add3A_264 : i32 to vector<16xi32>
      %add3A_266 = arith.addi %mul3A_188, %add3A_265 : vector<16xi32>
      %gather3A_267 = tpu.vector_load_idx %arg9[%add3A_266] : memref<1024xf32, #tpu.memory_space<vmem>>[vector<16xi32>], vector<16xf32>,
      %add3A_268 = arith.addf %add3A_263, %gather3A_267 : vector<16xf32>
      %mul3A_269 = arith.constant 5.000000e-01 : f32
      %mul3A_270 = vector.broadcast %mul3A_269 : f32 to vector<16xf32>
      %mul3A_271 = arith.mulf %mul3A_270, %add3A_268 : vector<16xf32>
      %mul3A_272 = arith.constant 16 : i32
      %mul3A_273 = arith.muli %scan3A_180, %mul3A_272 : i32
      %add3A_274 = arith.constant 0 : i32
      %add3A_275 = arith.addi %add3A_274, %mul3A_273 : i32
      %swap3A = arith.index_cast %add3A_275 : i32 to index
      %swap3A_276 = tpu.vector_load %arg10[%swap3A] {strides = array<i32>} : memref<512xf32, #tpu.memory_space<vmem>>, vector<16xf32>,
      tpu.vector_store %arg10[%swap3A], %mul3A_271 {strides = array<i32>} : memref<512xf32, #tpu.memory_space<vmem>>, vector<16xf32>,
      %scan3A_277 = arith.constant 0 : i32
      scf.yield %scan3A_277 : i32
    }
    %scan3A_28 = arith.constant 4 : i32
    %add3A_29 = arith.constant 3328 : i32
    %add3A_30 = arith.addi %mul3A_4, %add3A_29 : i32
    "tpu.region"() ({
      %run_scoped3A = tpu.sem_alloc : memref<!tpu.dma_semaphore, #tpu.memory_space<semaphore_mem>>
      %dma_start3A_180 = tpu.memref_slice %arg2[%add3A_30] : memref<425984xi32, #tpu.memory_space<hbm>> -> memref<1664xi32, #tpu.memory_space<hbm>>
      %dma_start3A_181 = tpu.memref_slice %arg2[%add3A_30] : memref<425984xi32, #tpu.memory_space<hbm>> -> memref<1664xi32, #tpu.memory_space<hbm>>
      tpu.enqueue_dma source(%dma_start3A_181 : memref<1664xi32, #tpu.memory_space<hbm>>) target(%arg5 : memref<1664xi32, #tpu.memory_space<vmem>>) target_semaphore(%run_scoped3A : memref<!tpu.dma_semaphore, #tpu.memory_space<semaphore_mem>>)
      %dma_wait3A_182 = tpu.memref_slice %arg2[%add3A_30] : memref<425984xi32, #tpu.memory_space<hbm>> -> memref<1664xi32, #tpu.memory_space<hbm>>
      %dma_wait3A_183 = tpu.memref_slice %arg2[%add3A_30] : memref<425984xi32, #tpu.memory_space<hbm>> -> memref<1664xi32, #tpu.memory_space<hbm>>
      tpu.wait_dma2 semaphore(%run_scoped3A : memref<!tpu.dma_semaphore, #tpu.memory_space<semaphore_mem>>) src(%dma_wait3A_183 : memref<1664xi32, #tpu.memory_space<hbm>>) dst(%arg5 : memref<1664xi32, #tpu.memory_space<vmem>>)
      tpu.yield
    }) : () -> ()
    %dma_start3A_31 = arith.constant 0 : i32
    %dma_start3A_32 = arith.constant 0 : i32
    %dma_start3A_33 = tpu.memref_slice %arg3[%dma_start3A_31, %dma_start3A_32] : memref<1000012x16xf32, #tpu.memory_space<hbm>> -> memref<1000012x16xf32, #tpu.memory_space<hbm>>
    tpu.enqueue_indirect_dma source(%dma_start3A_33 : memref<1000012x16xf32, #tpu.memory_space<hbm>>) target(%arg7 : memref<1664x16xf32, #tpu.memory_space<vmem>>) offsets(%arg5 : memref<1664xi32, #tpu.memory_space<vmem>>) semaphore(%arg11 : memref<!tpu.dma_semaphore, #tpu.memory_space<semaphore_mem>>)
    %dma_wait3A_34 = arith.constant 0 : i32
    %dma_wait3A_35 = arith.constant 0 : i32
    %dma_wait3A_36 = tpu.memref_slice %arg3[%dma_wait3A_34, %dma_wait3A_35] : memref<1000012x16xf32, #tpu.memory_space<hbm>> -> memref<1000012x16xf32, #tpu.memory_space<hbm>>
    tpu.wait_indirect_dma semaphore(%arg12 : memref<!tpu.dma_semaphore, #tpu.memory_space<semaphore_mem>>) src(%dma_wait3A_36 : memref<1000012x16xf32, #tpu.memory_space<hbm>>) dst(%arg8 : memref<1664x16xf32, #tpu.memory_space<vmem>>)
    %scan3A_37 = arith.constant 0 : i32
    %scan3A_38 = arith.constant 0 : i32
    %scan3A_39 = arith.constant 64 : i32
    %scan3A_40 = arith.addi %scan3A_38, %scan3A_39 : i32
    %scan3A_41 = arith.constant 1 : i32
    %scan3A_42 = scf.for %scan3A_180 = %scan3A_38 to %scan3A_40 step %scan3A_41 iter_args(%scan3A_181 = %scan3A_37) -> (i32)  : i32 {
      %mul3A_182 = arith.constant 26 : i32
      %mul3A_183 = arith.muli %scan3A_180, %mul3A_182 : i32
      %broadcast_in_dim3A = arith.constant 0.000000e+00 : f32
      %broadcast_in_dim3A_184 = vector.broadcast %broadcast_in_dim3A : f32 to vector<16xf32>
      %broadcast_in_dim3A_185 = arith.constant 0.000000e+00 : f32
      %broadcast_in_dim3A_186 = vector.broadcast %broadcast_in_dim3A_185 : f32 to vector<16xf32>
      %add3A_187 = arith.constant 0 : i32
      %add3A_188 = arith.addi %mul3A_183, %add3A_187 : i32
      %get3A = arith.index_cast %add3A_188 : i32 to index
      %get3A_189 = arith.constant 0 : index
      %get3A_190 = tpu.vector_load %arg8[%get3A, %get3A_189] {strides = array<i32>} : memref<1664x16xf32, #tpu.memory_space<vmem>>, vector<16xf32>,
      %add3A_191 = arith.addf %broadcast_in_dim3A_184, %get3A_190 : vector<16xf32>
      %mul3A_192 = arith.mulf %get3A_190, %get3A_190 : vector<16xf32>
      %add3A_193 = arith.addf %broadcast_in_dim3A_186, %mul3A_192 : vector<16xf32>
      %add3A_194 = arith.constant 1 : i32
      %add3A_195 = arith.addi %mul3A_183, %add3A_194 : i32
      %get3A_196 = arith.index_cast %add3A_195 : i32 to index
      %get3A_197 = arith.constant 0 : index
      %get3A_198 = tpu.vector_load %arg8[%get3A_196, %get3A_197] {strides = array<i32>} : memref<1664x16xf32, #tpu.memory_space<vmem>>, vector<16xf32>,
      %add3A_199 = arith.addf %add3A_191, %get3A_198 : vector<16xf32>
      %mul3A_200 = arith.mulf %get3A_198, %get3A_198 : vector<16xf32>
      %add3A_201 = arith.addf %add3A_193, %mul3A_200 : vector<16xf32>
      %add3A_202 = arith.constant 2 : i32
      %add3A_203 = arith.addi %mul3A_183, %add3A_202 : i32
      %get3A_204 = arith.index_cast %add3A_203 : i32 to index
      %get3A_205 = arith.constant 0 : index
      %get3A_206 = tpu.vector_load %arg8[%get3A_204, %get3A_205] {strides = array<i32>} : memref<1664x16xf32, #tpu.memory_space<vmem>>, vector<16xf32>,
      %add3A_207 = arith.addf %add3A_199, %get3A_206 : vector<16xf32>
      %mul3A_208 = arith.mulf %get3A_206, %get3A_206 : vector<16xf32>
      %add3A_209 = arith.addf %add3A_201, %mul3A_208 : vector<16xf32>
      %add3A_210 = arith.constant 3 : i32
      %add3A_211 = arith.addi %mul3A_183, %add3A_210 : i32
      %get3A_212 = arith.index_cast %add3A_211 : i32 to index
      %get3A_213 = arith.constant 0 : index
      %get3A_214 = tpu.vector_load %arg8[%get3A_212, %get3A_213] {strides = array<i32>} : memref<1664x16xf32, #tpu.memory_space<vmem>>, vector<16xf32>,
      %add3A_215 = arith.addf %add3A_207, %get3A_214 : vector<16xf32>
      %mul3A_216 = arith.mulf %get3A_214, %get3A_214 : vector<16xf32>
      %add3A_217 = arith.addf %add3A_209, %mul3A_216 : vector<16xf32>
      %add3A_218 = arith.constant 4 : i32
      %add3A_219 = arith.addi %mul3A_183, %add3A_218 : i32
      %get3A_220 = arith.index_cast %add3A_219 : i32 to index
      %get3A_221 = arith.constant 0 : index
      %get3A_222 = tpu.vector_load %arg8[%get3A_220, %get3A_221] {strides = array<i32>} : memref<1664x16xf32, #tpu.memory_space<vmem>>, vector<16xf32>,
      %add3A_223 = arith.addf %add3A_215, %get3A_222 : vector<16xf32>
      %mul3A_224 = arith.mulf %get3A_222, %get3A_222 : vector<16xf32>
      %add3A_225 = arith.addf %add3A_217, %mul3A_224 : vector<16xf32>
      %add3A_226 = arith.constant 5 : i32
      %add3A_227 = arith.addi %mul3A_183, %add3A_226 : i32
      %get3A_228 = arith.index_cast %add3A_227 : i32 to index
      %get3A_229 = arith.constant 0 : index
      %get3A_230 = tpu.vector_load %arg8[%get3A_228, %get3A_229] {strides = array<i32>} : memref<1664x16xf32, #tpu.memory_space<vmem>>, vector<16xf32>,
      %add3A_231 = arith.addf %add3A_223, %get3A_230 : vector<16xf32>
      %mul3A_232 = arith.mulf %get3A_230, %get3A_230 : vector<16xf32>
      %add3A_233 = arith.addf %add3A_225, %mul3A_232 : vector<16xf32>
      %add3A_234 = arith.constant 6 : i32
      %add3A_235 = arith.addi %mul3A_183, %add3A_234 : i32
      %get3A_236 = arith.index_cast %add3A_235 : i32 to index
      %get3A_237 = arith.constant 0 : index
      %get3A_238 = tpu.vector_load %arg8[%get3A_236, %get3A_237] {strides = array<i32>} : memref<1664x16xf32, #tpu.memory_space<vmem>>, vector<16xf32>,
      %add3A_239 = arith.addf %add3A_231, %get3A_238 : vector<16xf32>
      %mul3A_240 = arith.mulf %get3A_238, %get3A_238 : vector<16xf32>
      %add3A_241 = arith.addf %add3A_233, %mul3A_240 : vector<16xf32>
      %add3A_242 = arith.constant 7 : i32
      %add3A_243 = arith.addi %mul3A_183, %add3A_242 : i32
      %get3A_244 = arith.index_cast %add3A_243 : i32 to index
      %get3A_245 = arith.constant 0 : index
      %get3A_246 = tpu.vector_load %arg8[%get3A_244, %get3A_245] {strides = array<i32>} : memref<1664x16xf32, #tpu.memory_space<vmem>>, vector<16xf32>,
      %add3A_247 = arith.addf %add3A_239, %get3A_246 : vector<16xf32>
      %mul3A_248 = arith.mulf %get3A_246, %get3A_246 : vector<16xf32>
      %add3A_249 = arith.addf %add3A_241, %mul3A_248 : vector<16xf32>
      %add3A_250 = arith.constant 8 : i32
      %add3A_251 = arith.addi %mul3A_183, %add3A_250 : i32
      %get3A_252 = arith.index_cast %add3A_251 : i32 to index
      %get3A_253 = arith.constant 0 : index
      %get3A_254 = tpu.vector_load %arg8[%get3A_252, %get3A_253] {strides = array<i32>} : memref<1664x16xf32, #tpu.memory_space<vmem>>, vector<16xf32>,
      %add3A_255 = arith.addf %add3A_247, %get3A_254 : vector<16xf32>
      %mul3A_256 = arith.mulf %get3A_254, %get3A_254 : vector<16xf32>
      %add3A_257 = arith.addf %add3A_249, %mul3A_256 : vector<16xf32>
      %add3A_258 = arith.constant 9 : i32
      %add3A_259 = arith.addi %mul3A_183, %add3A_258 : i32
      %get3A_260 = arith.index_cast %add3A_259 : i32 to index
      %get3A_261 = arith.constant 0 : index
      %get3A_262 = tpu.vector_load %arg8[%get3A_260, %get3A_261] {strides = array<i32>} : memref<1664x16xf32, #tpu.memory_space<vmem>>, vector<16xf32>,
      %add3A_263 = arith.addf %add3A_255, %get3A_262 : vector<16xf32>
      %mul3A_264 = arith.mulf %get3A_262, %get3A_262 : vector<16xf32>
      %add3A_265 = arith.addf %add3A_257, %mul3A_264 : vector<16xf32>
      %add3A_266 = arith.constant 10 : i32
      %add3A_267 = arith.addi %mul3A_183, %add3A_266 : i32
      %get3A_268 = arith.index_cast %add3A_267 : i32 to index
      %get3A_269 = arith.constant 0 : index
      %get3A_270 = tpu.vector_load %arg8[%get3A_268, %get3A_269] {strides = array<i32>} : memref<1664x16xf32, #tpu.memory_space<vmem>>, vector<16xf32>,
      %add3A_271 = arith.addf %add3A_263, %get3A_270 : vector<16xf32>
      %mul3A_272 = arith.mulf %get3A_270, %get3A_270 : vector<16xf32>
      %add3A_273 = arith.addf %add3A_265, %mul3A_272 : vector<16xf32>
      %add3A_274 = arith.constant 11 : i32
      %add3A_275 = arith.addi %mul3A_183, %add3A_274 : i32
      %get3A_276 = arith.index_cast %add3A_275 : i32 to index
      %get3A_277 = arith.constant 0 : index
      %get3A_278 = tpu.vector_load %arg8[%get3A_276, %get3A_277] {strides = array<i32>} : memref<1664x16xf32, #tpu.memory_space<vmem>>, vector<16xf32>,
      %add3A_279 = arith.addf %add3A_271, %get3A_278 : vector<16xf32>
      %mul3A_280 = arith.mulf %get3A_278, %get3A_278 : vector<16xf32>
      %add3A_281 = arith.addf %add3A_273, %mul3A_280 : vector<16xf32>
      %add3A_282 = arith.constant 12 : i32
      %add3A_283 = arith.addi %mul3A_183, %add3A_282 : i32
      %get3A_284 = arith.index_cast %add3A_283 : i32 to index
      %get3A_285 = arith.constant 0 : index
      %get3A_286 = tpu.vector_load %arg8[%get3A_284, %get3A_285] {strides = array<i32>} : memref<1664x16xf32, #tpu.memory_space<vmem>>, vector<16xf32>,
      %add3A_287 = arith.addf %add3A_279, %get3A_286 : vector<16xf32>
      %mul3A_288 = arith.mulf %get3A_286, %get3A_286 : vector<16xf32>
      %add3A_289 = arith.addf %add3A_281, %mul3A_288 : vector<16xf32>
      %add3A_290 = arith.constant 13 : i32
      %add3A_291 = arith.addi %mul3A_183, %add3A_290 : i32
      %get3A_292 = arith.index_cast %add3A_291 : i32 to index
      %get3A_293 = arith.constant 0 : index
      %get3A_294 = tpu.vector_load %arg8[%get3A_292, %get3A_293] {strides = array<i32>} : memref<1664x16xf32, #tpu.memory_space<vmem>>, vector<16xf32>,
      %add3A_295 = arith.addf %add3A_287, %get3A_294 : vector<16xf32>
      %mul3A_296 = arith.mulf %get3A_294, %get3A_294 : vector<16xf32>
      %add3A_297 = arith.addf %add3A_289, %mul3A_296 : vector<16xf32>
      %add3A_298 = arith.constant 14 : i32
      %add3A_299 = arith.addi %mul3A_183, %add3A_298 : i32
      %get3A_300 = arith.index_cast %add3A_299 : i32 to index
      %get3A_301 = arith.constant 0 : index
      %get3A_302 = tpu.vector_load %arg8[%get3A_300, %get3A_301] {strides = array<i32>} : memref<1664x16xf32, #tpu.memory_space<vmem>>, vector<16xf32>,
      %add3A_303 = arith.addf %add3A_295, %get3A_302 : vector<16xf32>
      %mul3A_304 = arith.mulf %get3A_302, %get3A_302 : vector<16xf32>
      %add3A_305 = arith.addf %add3A_297, %mul3A_304 : vector<16xf32>
      %add3A_306 = arith.constant 15 : i32
      %add3A_307 = arith.addi %mul3A_183, %add3A_306 : i32
      %get3A_308 = arith.index_cast %add3A_307 : i32 to index
      %get3A_309 = arith.constant 0 : index
      %get3A_310 = tpu.vector_load %arg8[%get3A_308, %get3A_309] {strides = array<i32>} : memref<1664x16xf32, #tpu.memory_space<vmem>>, vector<16xf32>,
      %add3A_311 = arith.addf %add3A_303, %get3A_310 : vector<16xf32>
      %mul3A_312 = arith.mulf %get3A_310, %get3A_310 : vector<16xf32>
      %add3A_313 = arith.addf %add3A_305, %mul3A_312 : vector<16xf32>
      %add3A_314 = arith.constant 16 : i32
      %add3A_315 = arith.addi %mul3A_183, %add3A_314 : i32
      %get3A_316 = arith.index_cast %add3A_315 : i32 to index
      %get3A_317 = arith.constant 0 : index
      %get3A_318 = tpu.vector_load %arg8[%get3A_316, %get3A_317] {strides = array<i32>} : memref<1664x16xf32, #tpu.memory_space<vmem>>, vector<16xf32>,
      %add3A_319 = arith.addf %add3A_311, %get3A_318 : vector<16xf32>
      %mul3A_320 = arith.mulf %get3A_318, %get3A_318 : vector<16xf32>
      %add3A_321 = arith.addf %add3A_313, %mul3A_320 : vector<16xf32>
      %add3A_322 = arith.constant 17 : i32
      %add3A_323 = arith.addi %mul3A_183, %add3A_322 : i32
      %get3A_324 = arith.index_cast %add3A_323 : i32 to index
      %get3A_325 = arith.constant 0 : index
      %get3A_326 = tpu.vector_load %arg8[%get3A_324, %get3A_325] {strides = array<i32>} : memref<1664x16xf32, #tpu.memory_space<vmem>>, vector<16xf32>,
      %add3A_327 = arith.addf %add3A_319, %get3A_326 : vector<16xf32>
      %mul3A_328 = arith.mulf %get3A_326, %get3A_326 : vector<16xf32>
      %add3A_329 = arith.addf %add3A_321, %mul3A_328 : vector<16xf32>
      %add3A_330 = arith.constant 18 : i32
      %add3A_331 = arith.addi %mul3A_183, %add3A_330 : i32
      %get3A_332 = arith.index_cast %add3A_331 : i32 to index
      %get3A_333 = arith.constant 0 : index
      %get3A_334 = tpu.vector_load %arg8[%get3A_332, %get3A_333] {strides = array<i32>} : memref<1664x16xf32, #tpu.memory_space<vmem>>, vector<16xf32>,
      %add3A_335 = arith.addf %add3A_327, %get3A_334 : vector<16xf32>
      %mul3A_336 = arith.mulf %get3A_334, %get3A_334 : vector<16xf32>
      %add3A_337 = arith.addf %add3A_329, %mul3A_336 : vector<16xf32>
      %add3A_338 = arith.constant 19 : i32
      %add3A_339 = arith.addi %mul3A_183, %add3A_338 : i32
      %get3A_340 = arith.index_cast %add3A_339 : i32 to index
      %get3A_341 = arith.constant 0 : index
      %get3A_342 = tpu.vector_load %arg8[%get3A_340, %get3A_341] {strides = array<i32>} : memref<1664x16xf32, #tpu.memory_space<vmem>>, vector<16xf32>,
      %add3A_343 = arith.addf %add3A_335, %get3A_342 : vector<16xf32>
      %mul3A_344 = arith.mulf %get3A_342, %get3A_342 : vector<16xf32>
      %add3A_345 = arith.addf %add3A_337, %mul3A_344 : vector<16xf32>
      %add3A_346 = arith.constant 20 : i32
      %add3A_347 = arith.addi %mul3A_183, %add3A_346 : i32
      %get3A_348 = arith.index_cast %add3A_347 : i32 to index
      %get3A_349 = arith.constant 0 : index
      %get3A_350 = tpu.vector_load %arg8[%get3A_348, %get3A_349] {strides = array<i32>} : memref<1664x16xf32, #tpu.memory_space<vmem>>, vector<16xf32>,
      %add3A_351 = arith.addf %add3A_343, %get3A_350 : vector<16xf32>
      %mul3A_352 = arith.mulf %get3A_350, %get3A_350 : vector<16xf32>
      %add3A_353 = arith.addf %add3A_345, %mul3A_352 : vector<16xf32>
      %add3A_354 = arith.constant 21 : i32
      %add3A_355 = arith.addi %mul3A_183, %add3A_354 : i32
      %get3A_356 = arith.index_cast %add3A_355 : i32 to index
      %get3A_357 = arith.constant 0 : index
      %get3A_358 = tpu.vector_load %arg8[%get3A_356, %get3A_357] {strides = array<i32>} : memref<1664x16xf32, #tpu.memory_space<vmem>>, vector<16xf32>,
      %add3A_359 = arith.addf %add3A_351, %get3A_358 : vector<16xf32>
      %mul3A_360 = arith.mulf %get3A_358, %get3A_358 : vector<16xf32>
      %add3A_361 = arith.addf %add3A_353, %mul3A_360 : vector<16xf32>
      %add3A_362 = arith.constant 22 : i32
      %add3A_363 = arith.addi %mul3A_183, %add3A_362 : i32
      %get3A_364 = arith.index_cast %add3A_363 : i32 to index
      %get3A_365 = arith.constant 0 : index
      %get3A_366 = tpu.vector_load %arg8[%get3A_364, %get3A_365] {strides = array<i32>} : memref<1664x16xf32, #tpu.memory_space<vmem>>, vector<16xf32>,
      %add3A_367 = arith.addf %add3A_359, %get3A_366 : vector<16xf32>
      %mul3A_368 = arith.mulf %get3A_366, %get3A_366 : vector<16xf32>
      %add3A_369 = arith.addf %add3A_361, %mul3A_368 : vector<16xf32>
      %add3A_370 = arith.constant 23 : i32
      %add3A_371 = arith.addi %mul3A_183, %add3A_370 : i32
      %get3A_372 = arith.index_cast %add3A_371 : i32 to index
      %get3A_373 = arith.constant 0 : index
      %get3A_374 = tpu.vector_load %arg8[%get3A_372, %get3A_373] {strides = array<i32>} : memref<1664x16xf32, #tpu.memory_space<vmem>>, vector<16xf32>,
      %add3A_375 = arith.addf %add3A_367, %get3A_374 : vector<16xf32>
      %mul3A_376 = arith.mulf %get3A_374, %get3A_374 : vector<16xf32>
      %add3A_377 = arith.addf %add3A_369, %mul3A_376 : vector<16xf32>
      %add3A_378 = arith.constant 24 : i32
      %add3A_379 = arith.addi %mul3A_183, %add3A_378 : i32
      %get3A_380 = arith.index_cast %add3A_379 : i32 to index
      %get3A_381 = arith.constant 0 : index
      %get3A_382 = tpu.vector_load %arg8[%get3A_380, %get3A_381] {strides = array<i32>} : memref<1664x16xf32, #tpu.memory_space<vmem>>, vector<16xf32>,
      %add3A_383 = arith.addf %add3A_375, %get3A_382 : vector<16xf32>
      %mul3A_384 = arith.mulf %get3A_382, %get3A_382 : vector<16xf32>
      %add3A_385 = arith.addf %add3A_377, %mul3A_384 : vector<16xf32>
      %add3A_386 = arith.constant 25 : i32
      %add3A_387 = arith.addi %mul3A_183, %add3A_386 : i32
      %get3A_388 = arith.index_cast %add3A_387 : i32 to index
      %get3A_389 = arith.constant 0 : index
      %get3A_390 = tpu.vector_load %arg8[%get3A_388, %get3A_389] {strides = array<i32>} : memref<1664x16xf32, #tpu.memory_space<vmem>>, vector<16xf32>,
      %add3A_391 = arith.addf %add3A_383, %get3A_390 : vector<16xf32>
      %mul3A_392 = arith.mulf %get3A_390, %get3A_390 : vector<16xf32>
      %add3A_393 = arith.addf %add3A_385, %mul3A_392 : vector<16xf32>
      %mul3A_394 = arith.mulf %add3A_391, %add3A_391 : vector<16xf32>
      %sub3A = arith.subf %mul3A_394, %add3A_393 : vector<16xf32>
      %mul3A_395 = arith.constant 16 : i32
      %mul3A_396 = arith.muli %scan3A_180, %mul3A_395 : i32
      %swap3A = arith.index_cast %mul3A_396 : i32 to index
      %swap3A_397 = tpu.vector_load %arg9[%swap3A] {strides = array<i32>} : memref<1024xf32, #tpu.memory_space<vmem>>, vector<16xf32>,
      tpu.vector_store %arg9[%swap3A], %sub3A {strides = array<i32>} : memref<1024xf32, #tpu.memory_space<vmem>>, vector<16xf32>,
      %scan3A_398 = arith.constant 0 : i32
      scf.yield %scan3A_398 : i32
    }
    %scan3A_43 = arith.constant 64 : i32
    %scan3A_44 = arith.constant 0 : i32
    %scan3A_45 = arith.constant 0 : i32
    %scan3A_46 = arith.constant 4 : i32
    %scan3A_47 = arith.addi %scan3A_45, %scan3A_46 : i32
    %scan3A_48 = arith.constant 1 : i32
    %scan3A_49 = scf.for %scan3A_180 = %scan3A_45 to %scan3A_47 step %scan3A_48 iter_args(%scan3A_181 = %scan3A_44) -> (i32)  : i32 {
      %mul3A_182 = arith.constant 16 : i32
      %mul3A_183 = arith.muli %scan3A_180, %mul3A_182 : i32
      %add3A_184 = vector.broadcast %mul3A_183 : i32 to vector<16xi32>
      %add3A_185 = arith.addi %add3A_184, %iota3A : vector<16xi32>
      %mul3A_186 = arith.constant 16 : i32
      %mul3A_187 = vector.broadcast %mul3A_186 : i32 to vector<16xi32>
      %mul3A_188 = arith.muli %add3A_185, %mul3A_187 : vector<16xi32>
      %broadcast_in_dim3A = arith.constant 0.000000e+00 : f32
      %broadcast_in_dim3A_189 = vector.broadcast %broadcast_in_dim3A : f32 to vector<16xf32>
      %add3A_190 = arith.constant 0 : i32
      %add3A_191 = vector.broadcast %add3A_190 : i32 to vector<16xi32>
      %add3A_192 = arith.addi %mul3A_188, %add3A_191 : vector<16xi32>
      %gather3A = tpu.vector_load_idx %arg9[%add3A_192] : memref<1024xf32, #tpu.memory_space<vmem>>[vector<16xi32>], vector<16xf32>,
      %add3A_193 = arith.addf %broadcast_in_dim3A_189, %gather3A : vector<16xf32>
      %add3A_194 = arith.constant 1 : i32
      %add3A_195 = vector.broadcast %add3A_194 : i32 to vector<16xi32>
      %add3A_196 = arith.addi %mul3A_188, %add3A_195 : vector<16xi32>
      %gather3A_197 = tpu.vector_load_idx %arg9[%add3A_196] : memref<1024xf32, #tpu.memory_space<vmem>>[vector<16xi32>], vector<16xf32>,
      %add3A_198 = arith.addf %add3A_193, %gather3A_197 : vector<16xf32>
      %add3A_199 = arith.constant 2 : i32
      %add3A_200 = vector.broadcast %add3A_199 : i32 to vector<16xi32>
      %add3A_201 = arith.addi %mul3A_188, %add3A_200 : vector<16xi32>
      %gather3A_202 = tpu.vector_load_idx %arg9[%add3A_201] : memref<1024xf32, #tpu.memory_space<vmem>>[vector<16xi32>], vector<16xf32>,
      %add3A_203 = arith.addf %add3A_198, %gather3A_202 : vector<16xf32>
      %add3A_204 = arith.constant 3 : i32
      %add3A_205 = vector.broadcast %add3A_204 : i32 to vector<16xi32>
      %add3A_206 = arith.addi %mul3A_188, %add3A_205 : vector<16xi32>
      %gather3A_207 = tpu.vector_load_idx %arg9[%add3A_206] : memref<1024xf32, #tpu.memory_space<vmem>>[vector<16xi32>], vector<16xf32>,
      %add3A_208 = arith.addf %add3A_203, %gather3A_207 : vector<16xf32>
      %add3A_209 = arith.constant 4 : i32
      %add3A_210 = vector.broadcast %add3A_209 : i32 to vector<16xi32>
      %add3A_211 = arith.addi %mul3A_188, %add3A_210 : vector<16xi32>
      %gather3A_212 = tpu.vector_load_idx %arg9[%add3A_211] : memref<1024xf32, #tpu.memory_space<vmem>>[vector<16xi32>], vector<16xf32>,
      %add3A_213 = arith.addf %add3A_208, %gather3A_212 : vector<16xf32>
      %add3A_214 = arith.constant 5 : i32
      %add3A_215 = vector.broadcast %add3A_214 : i32 to vector<16xi32>
      %add3A_216 = arith.addi %mul3A_188, %add3A_215 : vector<16xi32>
      %gather3A_217 = tpu.vector_load_idx %arg9[%add3A_216] : memref<1024xf32, #tpu.memory_space<vmem>>[vector<16xi32>], vector<16xf32>,
      %add3A_218 = arith.addf %add3A_213, %gather3A_217 : vector<16xf32>
      %add3A_219 = arith.constant 6 : i32
      %add3A_220 = vector.broadcast %add3A_219 : i32 to vector<16xi32>
      %add3A_221 = arith.addi %mul3A_188, %add3A_220 : vector<16xi32>
      %gather3A_222 = tpu.vector_load_idx %arg9[%add3A_221] : memref<1024xf32, #tpu.memory_space<vmem>>[vector<16xi32>], vector<16xf32>,
      %add3A_223 = arith.addf %add3A_218, %gather3A_222 : vector<16xf32>
      %add3A_224 = arith.constant 7 : i32
      %add3A_225 = vector.broadcast %add3A_224 : i32 to vector<16xi32>
      %add3A_226 = arith.addi %mul3A_188, %add3A_225 : vector<16xi32>
      %gather3A_227 = tpu.vector_load_idx %arg9[%add3A_226] : memref<1024xf32, #tpu.memory_space<vmem>>[vector<16xi32>], vector<16xf32>,
      %add3A_228 = arith.addf %add3A_223, %gather3A_227 : vector<16xf32>
      %add3A_229 = arith.constant 8 : i32
      %add3A_230 = vector.broadcast %add3A_229 : i32 to vector<16xi32>
      %add3A_231 = arith.addi %mul3A_188, %add3A_230 : vector<16xi32>
      %gather3A_232 = tpu.vector_load_idx %arg9[%add3A_231] : memref<1024xf32, #tpu.memory_space<vmem>>[vector<16xi32>], vector<16xf32>,
      %add3A_233 = arith.addf %add3A_228, %gather3A_232 : vector<16xf32>
      %add3A_234 = arith.constant 9 : i32
      %add3A_235 = vector.broadcast %add3A_234 : i32 to vector<16xi32>
      %add3A_236 = arith.addi %mul3A_188, %add3A_235 : vector<16xi32>
      %gather3A_237 = tpu.vector_load_idx %arg9[%add3A_236] : memref<1024xf32, #tpu.memory_space<vmem>>[vector<16xi32>], vector<16xf32>,
      %add3A_238 = arith.addf %add3A_233, %gather3A_237 : vector<16xf32>
      %add3A_239 = arith.constant 10 : i32
      %add3A_240 = vector.broadcast %add3A_239 : i32 to vector<16xi32>
      %add3A_241 = arith.addi %mul3A_188, %add3A_240 : vector<16xi32>
      %gather3A_242 = tpu.vector_load_idx %arg9[%add3A_241] : memref<1024xf32, #tpu.memory_space<vmem>>[vector<16xi32>], vector<16xf32>,
      %add3A_243 = arith.addf %add3A_238, %gather3A_242 : vector<16xf32>
      %add3A_244 = arith.constant 11 : i32
      %add3A_245 = vector.broadcast %add3A_244 : i32 to vector<16xi32>
      %add3A_246 = arith.addi %mul3A_188, %add3A_245 : vector<16xi32>
      %gather3A_247 = tpu.vector_load_idx %arg9[%add3A_246] : memref<1024xf32, #tpu.memory_space<vmem>>[vector<16xi32>], vector<16xf32>,
      %add3A_248 = arith.addf %add3A_243, %gather3A_247 : vector<16xf32>
      %add3A_249 = arith.constant 12 : i32
      %add3A_250 = vector.broadcast %add3A_249 : i32 to vector<16xi32>
      %add3A_251 = arith.addi %mul3A_188, %add3A_250 : vector<16xi32>
      %gather3A_252 = tpu.vector_load_idx %arg9[%add3A_251] : memref<1024xf32, #tpu.memory_space<vmem>>[vector<16xi32>], vector<16xf32>,
      %add3A_253 = arith.addf %add3A_248, %gather3A_252 : vector<16xf32>
      %add3A_254 = arith.constant 13 : i32
      %add3A_255 = vector.broadcast %add3A_254 : i32 to vector<16xi32>
      %add3A_256 = arith.addi %mul3A_188, %add3A_255 : vector<16xi32>
      %gather3A_257 = tpu.vector_load_idx %arg9[%add3A_256] : memref<1024xf32, #tpu.memory_space<vmem>>[vector<16xi32>], vector<16xf32>,
      %add3A_258 = arith.addf %add3A_253, %gather3A_257 : vector<16xf32>
      %add3A_259 = arith.constant 14 : i32
      %add3A_260 = vector.broadcast %add3A_259 : i32 to vector<16xi32>
      %add3A_261 = arith.addi %mul3A_188, %add3A_260 : vector<16xi32>
      %gather3A_262 = tpu.vector_load_idx %arg9[%add3A_261] : memref<1024xf32, #tpu.memory_space<vmem>>[vector<16xi32>], vector<16xf32>,
      %add3A_263 = arith.addf %add3A_258, %gather3A_262 : vector<16xf32>
      %add3A_264 = arith.constant 15 : i32
      %add3A_265 = vector.broadcast %add3A_264 : i32 to vector<16xi32>
      %add3A_266 = arith.addi %mul3A_188, %add3A_265 : vector<16xi32>
      %gather3A_267 = tpu.vector_load_idx %arg9[%add3A_266] : memref<1024xf32, #tpu.memory_space<vmem>>[vector<16xi32>], vector<16xf32>,
      %add3A_268 = arith.addf %add3A_263, %gather3A_267 : vector<16xf32>
      %mul3A_269 = arith.constant 5.000000e-01 : f32
      %mul3A_270 = vector.broadcast %mul3A_269 : f32 to vector<16xf32>
      %mul3A_271 = arith.mulf %mul3A_270, %add3A_268 : vector<16xf32>
      %mul3A_272 = arith.constant 16 : i32
      %mul3A_273 = arith.muli %scan3A_180, %mul3A_272 : i32
      %add3A_274 = arith.constant 64 : i32
      %add3A_275 = arith.addi %add3A_274, %mul3A_273 : i32
      %swap3A = arith.index_cast %add3A_275 : i32 to index
      %swap3A_276 = tpu.vector_load %arg10[%swap3A] {strides = array<i32>} : memref<512xf32, #tpu.memory_space<vmem>>, vector<16xf32>,
      tpu.vector_store %arg10[%swap3A], %mul3A_271 {strides = array<i32>} : memref<512xf32, #tpu.memory_space<vmem>>, vector<16xf32>,
      %scan3A_277 = arith.constant 0 : i32
      scf.yield %scan3A_277 : i32
    }
    %scan3A_50 = arith.constant 4 : i32
    %add3A_51 = arith.constant 4992 : i32
    %add3A_52 = arith.addi %mul3A_4, %add3A_51 : i32
    "tpu.region"() ({
      %run_scoped3A = tpu.sem_alloc : memref<!tpu.dma_semaphore, #tpu.memory_space<semaphore_mem>>
      %dma_start3A_180 = tpu.memref_slice %arg2[%add3A_52] : memref<425984xi32, #tpu.memory_space<hbm>> -> memref<1664xi32, #tpu.memory_space<hbm>>
      %dma_start3A_181 = tpu.memref_slice %arg2[%add3A_52] : memref<425984xi32, #tpu.memory_space<hbm>> -> memref<1664xi32, #tpu.memory_space<hbm>>
      tpu.enqueue_dma source(%dma_start3A_181 : memref<1664xi32, #tpu.memory_space<hbm>>) target(%arg6 : memref<1664xi32, #tpu.memory_space<vmem>>) target_semaphore(%run_scoped3A : memref<!tpu.dma_semaphore, #tpu.memory_space<semaphore_mem>>)
      %dma_wait3A_182 = tpu.memref_slice %arg2[%add3A_52] : memref<425984xi32, #tpu.memory_space<hbm>> -> memref<1664xi32, #tpu.memory_space<hbm>>
      %dma_wait3A_183 = tpu.memref_slice %arg2[%add3A_52] : memref<425984xi32, #tpu.memory_space<hbm>> -> memref<1664xi32, #tpu.memory_space<hbm>>
      tpu.wait_dma2 semaphore(%run_scoped3A : memref<!tpu.dma_semaphore, #tpu.memory_space<semaphore_mem>>) src(%dma_wait3A_183 : memref<1664xi32, #tpu.memory_space<hbm>>) dst(%arg6 : memref<1664xi32, #tpu.memory_space<vmem>>)
      tpu.yield
    }) : () -> ()
    %dma_start3A_53 = arith.constant 0 : i32
    %dma_start3A_54 = arith.constant 0 : i32
    %dma_start3A_55 = tpu.memref_slice %arg3[%dma_start3A_53, %dma_start3A_54] : memref<1000012x16xf32, #tpu.memory_space<hbm>> -> memref<1000012x16xf32, #tpu.memory_space<hbm>>
    tpu.enqueue_indirect_dma source(%dma_start3A_55 : memref<1000012x16xf32, #tpu.memory_space<hbm>>) target(%arg8 : memref<1664x16xf32, #tpu.memory_space<vmem>>) offsets(%arg6 : memref<1664xi32, #tpu.memory_space<vmem>>) semaphore(%arg12 : memref<!tpu.dma_semaphore, #tpu.memory_space<semaphore_mem>>)
    %dma_wait3A_56 = arith.constant 0 : i32
    %dma_wait3A_57 = arith.constant 0 : i32
    %dma_wait3A_58 = tpu.memref_slice %arg3[%dma_wait3A_56, %dma_wait3A_57] : memref<1000012x16xf32, #tpu.memory_space<hbm>> -> memref<1000012x16xf32, #tpu.memory_space<hbm>>
    tpu.wait_indirect_dma semaphore(%arg11 : memref<!tpu.dma_semaphore, #tpu.memory_space<semaphore_mem>>) src(%dma_wait3A_58 : memref<1000012x16xf32, #tpu.memory_space<hbm>>) dst(%arg7 : memref<1664x16xf32, #tpu.memory_space<vmem>>)
    %scan3A_59 = arith.constant 0 : i32
    %scan3A_60 = arith.constant 0 : i32
    %scan3A_61 = arith.constant 64 : i32
    %scan3A_62 = arith.addi %scan3A_60, %scan3A_61 : i32
    %scan3A_63 = arith.constant 1 : i32
    %scan3A_64 = scf.for %scan3A_180 = %scan3A_60 to %scan3A_62 step %scan3A_63 iter_args(%scan3A_181 = %scan3A_59) -> (i32)  : i32 {
      %mul3A_182 = arith.constant 26 : i32
      %mul3A_183 = arith.muli %scan3A_180, %mul3A_182 : i32
      %broadcast_in_dim3A = arith.constant 0.000000e+00 : f32
      %broadcast_in_dim3A_184 = vector.broadcast %broadcast_in_dim3A : f32 to vector<16xf32>
      %broadcast_in_dim3A_185 = arith.constant 0.000000e+00 : f32
      %broadcast_in_dim3A_186 = vector.broadcast %broadcast_in_dim3A_185 : f32 to vector<16xf32>
      %add3A_187 = arith.constant 0 : i32
      %add3A_188 = arith.addi %mul3A_183, %add3A_187 : i32
      %get3A = arith.index_cast %add3A_188 : i32 to index
      %get3A_189 = arith.constant 0 : index
      %get3A_190 = tpu.vector_load %arg7[%get3A, %get3A_189] {strides = array<i32>} : memref<1664x16xf32, #tpu.memory_space<vmem>>, vector<16xf32>,
      %add3A_191 = arith.addf %broadcast_in_dim3A_184, %get3A_190 : vector<16xf32>
      %mul3A_192 = arith.mulf %get3A_190, %get3A_190 : vector<16xf32>
      %add3A_193 = arith.addf %broadcast_in_dim3A_186, %mul3A_192 : vector<16xf32>
      %add3A_194 = arith.constant 1 : i32
      %add3A_195 = arith.addi %mul3A_183, %add3A_194 : i32
      %get3A_196 = arith.index_cast %add3A_195 : i32 to index
      %get3A_197 = arith.constant 0 : index
      %get3A_198 = tpu.vector_load %arg7[%get3A_196, %get3A_197] {strides = array<i32>} : memref<1664x16xf32, #tpu.memory_space<vmem>>, vector<16xf32>,
      %add3A_199 = arith.addf %add3A_191, %get3A_198 : vector<16xf32>
      %mul3A_200 = arith.mulf %get3A_198, %get3A_198 : vector<16xf32>
      %add3A_201 = arith.addf %add3A_193, %mul3A_200 : vector<16xf32>
      %add3A_202 = arith.constant 2 : i32
      %add3A_203 = arith.addi %mul3A_183, %add3A_202 : i32
      %get3A_204 = arith.index_cast %add3A_203 : i32 to index
      %get3A_205 = arith.constant 0 : index
      %get3A_206 = tpu.vector_load %arg7[%get3A_204, %get3A_205] {strides = array<i32>} : memref<1664x16xf32, #tpu.memory_space<vmem>>, vector<16xf32>,
      %add3A_207 = arith.addf %add3A_199, %get3A_206 : vector<16xf32>
      %mul3A_208 = arith.mulf %get3A_206, %get3A_206 : vector<16xf32>
      %add3A_209 = arith.addf %add3A_201, %mul3A_208 : vector<16xf32>
      %add3A_210 = arith.constant 3 : i32
      %add3A_211 = arith.addi %mul3A_183, %add3A_210 : i32
      %get3A_212 = arith.index_cast %add3A_211 : i32 to index
      %get3A_213 = arith.constant 0 : index
      %get3A_214 = tpu.vector_load %arg7[%get3A_212, %get3A_213] {strides = array<i32>} : memref<1664x16xf32, #tpu.memory_space<vmem>>, vector<16xf32>,
      %add3A_215 = arith.addf %add3A_207, %get3A_214 : vector<16xf32>
      %mul3A_216 = arith.mulf %get3A_214, %get3A_214 : vector<16xf32>
      %add3A_217 = arith.addf %add3A_209, %mul3A_216 : vector<16xf32>
      %add3A_218 = arith.constant 4 : i32
      %add3A_219 = arith.addi %mul3A_183, %add3A_218 : i32
      %get3A_220 = arith.index_cast %add3A_219 : i32 to index
      %get3A_221 = arith.constant 0 : index
      %get3A_222 = tpu.vector_load %arg7[%get3A_220, %get3A_221] {strides = array<i32>} : memref<1664x16xf32, #tpu.memory_space<vmem>>, vector<16xf32>,
      %add3A_223 = arith.addf %add3A_215, %get3A_222 : vector<16xf32>
      %mul3A_224 = arith.mulf %get3A_222, %get3A_222 : vector<16xf32>
      %add3A_225 = arith.addf %add3A_217, %mul3A_224 : vector<16xf32>
      %add3A_226 = arith.constant 5 : i32
      %add3A_227 = arith.addi %mul3A_183, %add3A_226 : i32
      %get3A_228 = arith.index_cast %add3A_227 : i32 to index
      %get3A_229 = arith.constant 0 : index
      %get3A_230 = tpu.vector_load %arg7[%get3A_228, %get3A_229] {strides = array<i32>} : memref<1664x16xf32, #tpu.memory_space<vmem>>, vector<16xf32>,
      %add3A_231 = arith.addf %add3A_223, %get3A_230 : vector<16xf32>
      %mul3A_232 = arith.mulf %get3A_230, %get3A_230 : vector<16xf32>
      %add3A_233 = arith.addf %add3A_225, %mul3A_232 : vector<16xf32>
      %add3A_234 = arith.constant 6 : i32
      %add3A_235 = arith.addi %mul3A_183, %add3A_234 : i32
      %get3A_236 = arith.index_cast %add3A_235 : i32 to index
      %get3A_237 = arith.constant 0 : index
      %get3A_238 = tpu.vector_load %arg7[%get3A_236, %get3A_237] {strides = array<i32>} : memref<1664x16xf32, #tpu.memory_space<vmem>>, vector<16xf32>,
      %add3A_239 = arith.addf %add3A_231, %get3A_238 : vector<16xf32>
      %mul3A_240 = arith.mulf %get3A_238, %get3A_238 : vector<16xf32>
      %add3A_241 = arith.addf %add3A_233, %mul3A_240 : vector<16xf32>
      %add3A_242 = arith.constant 7 : i32
      %add3A_243 = arith.addi %mul3A_183, %add3A_242 : i32
      %get3A_244 = arith.index_cast %add3A_243 : i32 to index
      %get3A_245 = arith.constant 0 : index
      %get3A_246 = tpu.vector_load %arg7[%get3A_244, %get3A_245] {strides = array<i32>} : memref<1664x16xf32, #tpu.memory_space<vmem>>, vector<16xf32>,
      %add3A_247 = arith.addf %add3A_239, %get3A_246 : vector<16xf32>
      %mul3A_248 = arith.mulf %get3A_246, %get3A_246 : vector<16xf32>
      %add3A_249 = arith.addf %add3A_241, %mul3A_248 : vector<16xf32>
      %add3A_250 = arith.constant 8 : i32
      %add3A_251 = arith.addi %mul3A_183, %add3A_250 : i32
      %get3A_252 = arith.index_cast %add3A_251 : i32 to index
      %get3A_253 = arith.constant 0 : index
      %get3A_254 = tpu.vector_load %arg7[%get3A_252, %get3A_253] {strides = array<i32>} : memref<1664x16xf32, #tpu.memory_space<vmem>>, vector<16xf32>,
      %add3A_255 = arith.addf %add3A_247, %get3A_254 : vector<16xf32>
      %mul3A_256 = arith.mulf %get3A_254, %get3A_254 : vector<16xf32>
      %add3A_257 = arith.addf %add3A_249, %mul3A_256 : vector<16xf32>
      %add3A_258 = arith.constant 9 : i32
      %add3A_259 = arith.addi %mul3A_183, %add3A_258 : i32
      %get3A_260 = arith.index_cast %add3A_259 : i32 to index
      %get3A_261 = arith.constant 0 : index
      %get3A_262 = tpu.vector_load %arg7[%get3A_260, %get3A_261] {strides = array<i32>} : memref<1664x16xf32, #tpu.memory_space<vmem>>, vector<16xf32>,
      %add3A_263 = arith.addf %add3A_255, %get3A_262 : vector<16xf32>
      %mul3A_264 = arith.mulf %get3A_262, %get3A_262 : vector<16xf32>
      %add3A_265 = arith.addf %add3A_257, %mul3A_264 : vector<16xf32>
      %add3A_266 = arith.constant 10 : i32
      %add3A_267 = arith.addi %mul3A_183, %add3A_266 : i32
      %get3A_268 = arith.index_cast %add3A_267 : i32 to index
      %get3A_269 = arith.constant 0 : index
      %get3A_270 = tpu.vector_load %arg7[%get3A_268, %get3A_269] {strides = array<i32>} : memref<1664x16xf32, #tpu.memory_space<vmem>>, vector<16xf32>,
      %add3A_271 = arith.addf %add3A_263, %get3A_270 : vector<16xf32>
      %mul3A_272 = arith.mulf %get3A_270, %get3A_270 : vector<16xf32>
      %add3A_273 = arith.addf %add3A_265, %mul3A_272 : vector<16xf32>
      %add3A_274 = arith.constant 11 : i32
      %add3A_275 = arith.addi %mul3A_183, %add3A_274 : i32
      %get3A_276 = arith.index_cast %add3A_275 : i32 to index
      %get3A_277 = arith.constant 0 : index
      %get3A_278 = tpu.vector_load %arg7[%get3A_276, %get3A_277] {strides = array<i32>} : memref<1664x16xf32, #tpu.memory_space<vmem>>, vector<16xf32>,
      %add3A_279 = arith.addf %add3A_271, %get3A_278 : vector<16xf32>
      %mul3A_280 = arith.mulf %get3A_278, %get3A_278 : vector<16xf32>
      %add3A_281 = arith.addf %add3A_273, %mul3A_280 : vector<16xf32>
      %add3A_282 = arith.constant 12 : i32
      %add3A_283 = arith.addi %mul3A_183, %add3A_282 : i32
      %get3A_284 = arith.index_cast %add3A_283 : i32 to index
      %get3A_285 = arith.constant 0 : index
      %get3A_286 = tpu.vector_load %arg7[%get3A_284, %get3A_285] {strides = array<i32>} : memref<1664x16xf32, #tpu.memory_space<vmem>>, vector<16xf32>,
      %add3A_287 = arith.addf %add3A_279, %get3A_286 : vector<16xf32>
      %mul3A_288 = arith.mulf %get3A_286, %get3A_286 : vector<16xf32>
      %add3A_289 = arith.addf %add3A_281, %mul3A_288 : vector<16xf32>
      %add3A_290 = arith.constant 13 : i32
      %add3A_291 = arith.addi %mul3A_183, %add3A_290 : i32
      %get3A_292 = arith.index_cast %add3A_291 : i32 to index
      %get3A_293 = arith.constant 0 : index
      %get3A_294 = tpu.vector_load %arg7[%get3A_292, %get3A_293] {strides = array<i32>} : memref<1664x16xf32, #tpu.memory_space<vmem>>, vector<16xf32>,
      %add3A_295 = arith.addf %add3A_287, %get3A_294 : vector<16xf32>
      %mul3A_296 = arith.mulf %get3A_294, %get3A_294 : vector<16xf32>
      %add3A_297 = arith.addf %add3A_289, %mul3A_296 : vector<16xf32>
      %add3A_298 = arith.constant 14 : i32
      %add3A_299 = arith.addi %mul3A_183, %add3A_298 : i32
      %get3A_300 = arith.index_cast %add3A_299 : i32 to index
      %get3A_301 = arith.constant 0 : index
      %get3A_302 = tpu.vector_load %arg7[%get3A_300, %get3A_301] {strides = array<i32>} : memref<1664x16xf32, #tpu.memory_space<vmem>>, vector<16xf32>,
      %add3A_303 = arith.addf %add3A_295, %get3A_302 : vector<16xf32>
      %mul3A_304 = arith.mulf %get3A_302, %get3A_302 : vector<16xf32>
      %add3A_305 = arith.addf %add3A_297, %mul3A_304 : vector<16xf32>
      %add3A_306 = arith.constant 15 : i32
      %add3A_307 = arith.addi %mul3A_183, %add3A_306 : i32
      %get3A_308 = arith.index_cast %add3A_307 : i32 to index
      %get3A_309 = arith.constant 0 : index
      %get3A_310 = tpu.vector_load %arg7[%get3A_308, %get3A_309] {strides = array<i32>} : memref<1664x16xf32, #tpu.memory_space<vmem>>, vector<16xf32>,
      %add3A_311 = arith.addf %add3A_303, %get3A_310 : vector<16xf32>
      %mul3A_312 = arith.mulf %get3A_310, %get3A_310 : vector<16xf32>
      %add3A_313 = arith.addf %add3A_305, %mul3A_312 : vector<16xf32>
      %add3A_314 = arith.constant 16 : i32
      %add3A_315 = arith.addi %mul3A_183, %add3A_314 : i32
      %get3A_316 = arith.index_cast %add3A_315 : i32 to index
      %get3A_317 = arith.constant 0 : index
      %get3A_318 = tpu.vector_load %arg7[%get3A_316, %get3A_317] {strides = array<i32>} : memref<1664x16xf32, #tpu.memory_space<vmem>>, vector<16xf32>,
      %add3A_319 = arith.addf %add3A_311, %get3A_318 : vector<16xf32>
      %mul3A_320 = arith.mulf %get3A_318, %get3A_318 : vector<16xf32>
      %add3A_321 = arith.addf %add3A_313, %mul3A_320 : vector<16xf32>
      %add3A_322 = arith.constant 17 : i32
      %add3A_323 = arith.addi %mul3A_183, %add3A_322 : i32
      %get3A_324 = arith.index_cast %add3A_323 : i32 to index
      %get3A_325 = arith.constant 0 : index
      %get3A_326 = tpu.vector_load %arg7[%get3A_324, %get3A_325] {strides = array<i32>} : memref<1664x16xf32, #tpu.memory_space<vmem>>, vector<16xf32>,
      %add3A_327 = arith.addf %add3A_319, %get3A_326 : vector<16xf32>
      %mul3A_328 = arith.mulf %get3A_326, %get3A_326 : vector<16xf32>
      %add3A_329 = arith.addf %add3A_321, %mul3A_328 : vector<16xf32>
      %add3A_330 = arith.constant 18 : i32
      %add3A_331 = arith.addi %mul3A_183, %add3A_330 : i32
      %get3A_332 = arith.index_cast %add3A_331 : i32 to index
      %get3A_333 = arith.constant 0 : index
      %get3A_334 = tpu.vector_load %arg7[%get3A_332, %get3A_333] {strides = array<i32>} : memref<1664x16xf32, #tpu.memory_space<vmem>>, vector<16xf32>,
      %add3A_335 = arith.addf %add3A_327, %get3A_334 : vector<16xf32>
      %mul3A_336 = arith.mulf %get3A_334, %get3A_334 : vector<16xf32>
      %add3A_337 = arith.addf %add3A_329, %mul3A_336 : vector<16xf32>
      %add3A_338 = arith.constant 19 : i32
      %add3A_339 = arith.addi %mul3A_183, %add3A_338 : i32
      %get3A_340 = arith.index_cast %add3A_339 : i32 to index
      %get3A_341 = arith.constant 0 : index
      %get3A_342 = tpu.vector_load %arg7[%get3A_340, %get3A_341] {strides = array<i32>} : memref<1664x16xf32, #tpu.memory_space<vmem>>, vector<16xf32>,
      %add3A_343 = arith.addf %add3A_335, %get3A_342 : vector<16xf32>
      %mul3A_344 = arith.mulf %get3A_342, %get3A_342 : vector<16xf32>
      %add3A_345 = arith.addf %add3A_337, %mul3A_344 : vector<16xf32>
      %add3A_346 = arith.constant 20 : i32
      %add3A_347 = arith.addi %mul3A_183, %add3A_346 : i32
      %get3A_348 = arith.index_cast %add3A_347 : i32 to index
      %get3A_349 = arith.constant 0 : index
      %get3A_350 = tpu.vector_load %arg7[%get3A_348, %get3A_349] {strides = array<i32>} : memref<1664x16xf32, #tpu.memory_space<vmem>>, vector<16xf32>,
      %add3A_351 = arith.addf %add3A_343, %get3A_350 : vector<16xf32>
      %mul3A_352 = arith.mulf %get3A_350, %get3A_350 : vector<16xf32>
      %add3A_353 = arith.addf %add3A_345, %mul3A_352 : vector<16xf32>
      %add3A_354 = arith.constant 21 : i32
      %add3A_355 = arith.addi %mul3A_183, %add3A_354 : i32
      %get3A_356 = arith.index_cast %add3A_355 : i32 to index
      %get3A_357 = arith.constant 0 : index
      %get3A_358 = tpu.vector_load %arg7[%get3A_356, %get3A_357] {strides = array<i32>} : memref<1664x16xf32, #tpu.memory_space<vmem>>, vector<16xf32>,
      %add3A_359 = arith.addf %add3A_351, %get3A_358 : vector<16xf32>
      %mul3A_360 = arith.mulf %get3A_358, %get3A_358 : vector<16xf32>
      %add3A_361 = arith.addf %add3A_353, %mul3A_360 : vector<16xf32>
      %add3A_362 = arith.constant 22 : i32
      %add3A_363 = arith.addi %mul3A_183, %add3A_362 : i32
      %get3A_364 = arith.index_cast %add3A_363 : i32 to index
      %get3A_365 = arith.constant 0 : index
      %get3A_366 = tpu.vector_load %arg7[%get3A_364, %get3A_365] {strides = array<i32>} : memref<1664x16xf32, #tpu.memory_space<vmem>>, vector<16xf32>,
      %add3A_367 = arith.addf %add3A_359, %get3A_366 : vector<16xf32>
      %mul3A_368 = arith.mulf %get3A_366, %get3A_366 : vector<16xf32>
      %add3A_369 = arith.addf %add3A_361, %mul3A_368 : vector<16xf32>
      %add3A_370 = arith.constant 23 : i32
      %add3A_371 = arith.addi %mul3A_183, %add3A_370 : i32
      %get3A_372 = arith.index_cast %add3A_371 : i32 to index
      %get3A_373 = arith.constant 0 : index
      %get3A_374 = tpu.vector_load %arg7[%get3A_372, %get3A_373] {strides = array<i32>} : memref<1664x16xf32, #tpu.memory_space<vmem>>, vector<16xf32>,
      %add3A_375 = arith.addf %add3A_367, %get3A_374 : vector<16xf32>
      %mul3A_376 = arith.mulf %get3A_374, %get3A_374 : vector<16xf32>
      %add3A_377 = arith.addf %add3A_369, %mul3A_376 : vector<16xf32>
      %add3A_378 = arith.constant 24 : i32
      %add3A_379 = arith.addi %mul3A_183, %add3A_378 : i32
      %get3A_380 = arith.index_cast %add3A_379 : i32 to index
      %get3A_381 = arith.constant 0 : index
      %get3A_382 = tpu.vector_load %arg7[%get3A_380, %get3A_381] {strides = array<i32>} : memref<1664x16xf32, #tpu.memory_space<vmem>>, vector<16xf32>,
      %add3A_383 = arith.addf %add3A_375, %get3A_382 : vector<16xf32>
      %mul3A_384 = arith.mulf %get3A_382, %get3A_382 : vector<16xf32>
      %add3A_385 = arith.addf %add3A_377, %mul3A_384 : vector<16xf32>
      %add3A_386 = arith.constant 25 : i32
      %add3A_387 = arith.addi %mul3A_183, %add3A_386 : i32
      %get3A_388 = arith.index_cast %add3A_387 : i32 to index
      %get3A_389 = arith.constant 0 : index
      %get3A_390 = tpu.vector_load %arg7[%get3A_388, %get3A_389] {strides = array<i32>} : memref<1664x16xf32, #tpu.memory_space<vmem>>, vector<16xf32>,
      %add3A_391 = arith.addf %add3A_383, %get3A_390 : vector<16xf32>
      %mul3A_392 = arith.mulf %get3A_390, %get3A_390 : vector<16xf32>
      %add3A_393 = arith.addf %add3A_385, %mul3A_392 : vector<16xf32>
      %mul3A_394 = arith.mulf %add3A_391, %add3A_391 : vector<16xf32>
      %sub3A = arith.subf %mul3A_394, %add3A_393 : vector<16xf32>
      %mul3A_395 = arith.constant 16 : i32
      %mul3A_396 = arith.muli %scan3A_180, %mul3A_395 : i32
      %swap3A = arith.index_cast %mul3A_396 : i32 to index
      %swap3A_397 = tpu.vector_load %arg9[%swap3A] {strides = array<i32>} : memref<1024xf32, #tpu.memory_space<vmem>>, vector<16xf32>,
      tpu.vector_store %arg9[%swap3A], %sub3A {strides = array<i32>} : memref<1024xf32, #tpu.memory_space<vmem>>, vector<16xf32>,
      %scan3A_398 = arith.constant 0 : i32
      scf.yield %scan3A_398 : i32
    }
    %scan3A_65 = arith.constant 64 : i32
    %scan3A_66 = arith.constant 0 : i32
    %scan3A_67 = arith.constant 0 : i32
    %scan3A_68 = arith.constant 4 : i32
    %scan3A_69 = arith.addi %scan3A_67, %scan3A_68 : i32
    %scan3A_70 = arith.constant 1 : i32
    %scan3A_71 = scf.for %scan3A_180 = %scan3A_67 to %scan3A_69 step %scan3A_70 iter_args(%scan3A_181 = %scan3A_66) -> (i32)  : i32 {
      %mul3A_182 = arith.constant 16 : i32
      %mul3A_183 = arith.muli %scan3A_180, %mul3A_182 : i32
      %add3A_184 = vector.broadcast %mul3A_183 : i32 to vector<16xi32>
      %add3A_185 = arith.addi %add3A_184, %iota3A : vector<16xi32>
      %mul3A_186 = arith.constant 16 : i32
      %mul3A_187 = vector.broadcast %mul3A_186 : i32 to vector<16xi32>
      %mul3A_188 = arith.muli %add3A_185, %mul3A_187 : vector<16xi32>
      %broadcast_in_dim3A = arith.constant 0.000000e+00 : f32
      %broadcast_in_dim3A_189 = vector.broadcast %broadcast_in_dim3A : f32 to vector<16xf32>
      %add3A_190 = arith.constant 0 : i32
      %add3A_191 = vector.broadcast %add3A_190 : i32 to vector<16xi32>
      %add3A_192 = arith.addi %mul3A_188, %add3A_191 : vector<16xi32>
      %gather3A = tpu.vector_load_idx %arg9[%add3A_192] : memref<1024xf32, #tpu.memory_space<vmem>>[vector<16xi32>], vector<16xf32>,
      %add3A_193 = arith.addf %broadcast_in_dim3A_189, %gather3A : vector<16xf32>
      %add3A_194 = arith.constant 1 : i32
      %add3A_195 = vector.broadcast %add3A_194 : i32 to vector<16xi32>
      %add3A_196 = arith.addi %mul3A_188, %add3A_195 : vector<16xi32>
      %gather3A_197 = tpu.vector_load_idx %arg9[%add3A_196] : memref<1024xf32, #tpu.memory_space<vmem>>[vector<16xi32>], vector<16xf32>,
      %add3A_198 = arith.addf %add3A_193, %gather3A_197 : vector<16xf32>
      %add3A_199 = arith.constant 2 : i32
      %add3A_200 = vector.broadcast %add3A_199 : i32 to vector<16xi32>
      %add3A_201 = arith.addi %mul3A_188, %add3A_200 : vector<16xi32>
      %gather3A_202 = tpu.vector_load_idx %arg9[%add3A_201] : memref<1024xf32, #tpu.memory_space<vmem>>[vector<16xi32>], vector<16xf32>,
      %add3A_203 = arith.addf %add3A_198, %gather3A_202 : vector<16xf32>
      %add3A_204 = arith.constant 3 : i32
      %add3A_205 = vector.broadcast %add3A_204 : i32 to vector<16xi32>
      %add3A_206 = arith.addi %mul3A_188, %add3A_205 : vector<16xi32>
      %gather3A_207 = tpu.vector_load_idx %arg9[%add3A_206] : memref<1024xf32, #tpu.memory_space<vmem>>[vector<16xi32>], vector<16xf32>,
      %add3A_208 = arith.addf %add3A_203, %gather3A_207 : vector<16xf32>
      %add3A_209 = arith.constant 4 : i32
      %add3A_210 = vector.broadcast %add3A_209 : i32 to vector<16xi32>
      %add3A_211 = arith.addi %mul3A_188, %add3A_210 : vector<16xi32>
      %gather3A_212 = tpu.vector_load_idx %arg9[%add3A_211] : memref<1024xf32, #tpu.memory_space<vmem>>[vector<16xi32>], vector<16xf32>,
      %add3A_213 = arith.addf %add3A_208, %gather3A_212 : vector<16xf32>
      %add3A_214 = arith.constant 5 : i32
      %add3A_215 = vector.broadcast %add3A_214 : i32 to vector<16xi32>
      %add3A_216 = arith.addi %mul3A_188, %add3A_215 : vector<16xi32>
      %gather3A_217 = tpu.vector_load_idx %arg9[%add3A_216] : memref<1024xf32, #tpu.memory_space<vmem>>[vector<16xi32>], vector<16xf32>,
      %add3A_218 = arith.addf %add3A_213, %gather3A_217 : vector<16xf32>
      %add3A_219 = arith.constant 6 : i32
      %add3A_220 = vector.broadcast %add3A_219 : i32 to vector<16xi32>
      %add3A_221 = arith.addi %mul3A_188, %add3A_220 : vector<16xi32>
      %gather3A_222 = tpu.vector_load_idx %arg9[%add3A_221] : memref<1024xf32, #tpu.memory_space<vmem>>[vector<16xi32>], vector<16xf32>,
      %add3A_223 = arith.addf %add3A_218, %gather3A_222 : vector<16xf32>
      %add3A_224 = arith.constant 7 : i32
      %add3A_225 = vector.broadcast %add3A_224 : i32 to vector<16xi32>
      %add3A_226 = arith.addi %mul3A_188, %add3A_225 : vector<16xi32>
      %gather3A_227 = tpu.vector_load_idx %arg9[%add3A_226] : memref<1024xf32, #tpu.memory_space<vmem>>[vector<16xi32>], vector<16xf32>,
      %add3A_228 = arith.addf %add3A_223, %gather3A_227 : vector<16xf32>
      %add3A_229 = arith.constant 8 : i32
      %add3A_230 = vector.broadcast %add3A_229 : i32 to vector<16xi32>
      %add3A_231 = arith.addi %mul3A_188, %add3A_230 : vector<16xi32>
      %gather3A_232 = tpu.vector_load_idx %arg9[%add3A_231] : memref<1024xf32, #tpu.memory_space<vmem>>[vector<16xi32>], vector<16xf32>,
      %add3A_233 = arith.addf %add3A_228, %gather3A_232 : vector<16xf32>
      %add3A_234 = arith.constant 9 : i32
      %add3A_235 = vector.broadcast %add3A_234 : i32 to vector<16xi32>
      %add3A_236 = arith.addi %mul3A_188, %add3A_235 : vector<16xi32>
      %gather3A_237 = tpu.vector_load_idx %arg9[%add3A_236] : memref<1024xf32, #tpu.memory_space<vmem>>[vector<16xi32>], vector<16xf32>,
      %add3A_238 = arith.addf %add3A_233, %gather3A_237 : vector<16xf32>
      %add3A_239 = arith.constant 10 : i32
      %add3A_240 = vector.broadcast %add3A_239 : i32 to vector<16xi32>
      %add3A_241 = arith.addi %mul3A_188, %add3A_240 : vector<16xi32>
      %gather3A_242 = tpu.vector_load_idx %arg9[%add3A_241] : memref<1024xf32, #tpu.memory_space<vmem>>[vector<16xi32>], vector<16xf32>,
      %add3A_243 = arith.addf %add3A_238, %gather3A_242 : vector<16xf32>
      %add3A_244 = arith.constant 11 : i32
      %add3A_245 = vector.broadcast %add3A_244 : i32 to vector<16xi32>
      %add3A_246 = arith.addi %mul3A_188, %add3A_245 : vector<16xi32>
      %gather3A_247 = tpu.vector_load_idx %arg9[%add3A_246] : memref<1024xf32, #tpu.memory_space<vmem>>[vector<16xi32>], vector<16xf32>,
      %add3A_248 = arith.addf %add3A_243, %gather3A_247 : vector<16xf32>
      %add3A_249 = arith.constant 12 : i32
      %add3A_250 = vector.broadcast %add3A_249 : i32 to vector<16xi32>
      %add3A_251 = arith.addi %mul3A_188, %add3A_250 : vector<16xi32>
      %gather3A_252 = tpu.vector_load_idx %arg9[%add3A_251] : memref<1024xf32, #tpu.memory_space<vmem>>[vector<16xi32>], vector<16xf32>,
      %add3A_253 = arith.addf %add3A_248, %gather3A_252 : vector<16xf32>
      %add3A_254 = arith.constant 13 : i32
      %add3A_255 = vector.broadcast %add3A_254 : i32 to vector<16xi32>
      %add3A_256 = arith.addi %mul3A_188, %add3A_255 : vector<16xi32>
      %gather3A_257 = tpu.vector_load_idx %arg9[%add3A_256] : memref<1024xf32, #tpu.memory_space<vmem>>[vector<16xi32>], vector<16xf32>,
      %add3A_258 = arith.addf %add3A_253, %gather3A_257 : vector<16xf32>
      %add3A_259 = arith.constant 14 : i32
      %add3A_260 = vector.broadcast %add3A_259 : i32 to vector<16xi32>
      %add3A_261 = arith.addi %mul3A_188, %add3A_260 : vector<16xi32>
      %gather3A_262 = tpu.vector_load_idx %arg9[%add3A_261] : memref<1024xf32, #tpu.memory_space<vmem>>[vector<16xi32>], vector<16xf32>,
      %add3A_263 = arith.addf %add3A_258, %gather3A_262 : vector<16xf32>
      %add3A_264 = arith.constant 15 : i32
      %add3A_265 = vector.broadcast %add3A_264 : i32 to vector<16xi32>
      %add3A_266 = arith.addi %mul3A_188, %add3A_265 : vector<16xi32>
      %gather3A_267 = tpu.vector_load_idx %arg9[%add3A_266] : memref<1024xf32, #tpu.memory_space<vmem>>[vector<16xi32>], vector<16xf32>,
      %add3A_268 = arith.addf %add3A_263, %gather3A_267 : vector<16xf32>
      %mul3A_269 = arith.constant 5.000000e-01 : f32
      %mul3A_270 = vector.broadcast %mul3A_269 : f32 to vector<16xf32>
      %mul3A_271 = arith.mulf %mul3A_270, %add3A_268 : vector<16xf32>
      %mul3A_272 = arith.constant 16 : i32
      %mul3A_273 = arith.muli %scan3A_180, %mul3A_272 : i32
      %add3A_274 = arith.constant 128 : i32
      %add3A_275 = arith.addi %add3A_274, %mul3A_273 : i32
      %swap3A = arith.index_cast %add3A_275 : i32 to index
      %swap3A_276 = tpu.vector_load %arg10[%swap3A] {strides = array<i32>} : memref<512xf32, #tpu.memory_space<vmem>>, vector<16xf32>,
      tpu.vector_store %arg10[%swap3A], %mul3A_271 {strides = array<i32>} : memref<512xf32, #tpu.memory_space<vmem>>, vector<16xf32>,
      %scan3A_277 = arith.constant 0 : i32
      scf.yield %scan3A_277 : i32
    }
    %scan3A_72 = arith.constant 4 : i32
    %add3A_73 = arith.constant 6656 : i32
    %add3A_74 = arith.addi %mul3A_4, %add3A_73 : i32
    "tpu.region"() ({
      %run_scoped3A = tpu.sem_alloc : memref<!tpu.dma_semaphore, #tpu.memory_space<semaphore_mem>>
      %dma_start3A_180 = tpu.memref_slice %arg2[%add3A_74] : memref<425984xi32, #tpu.memory_space<hbm>> -> memref<1664xi32, #tpu.memory_space<hbm>>
      %dma_start3A_181 = tpu.memref_slice %arg2[%add3A_74] : memref<425984xi32, #tpu.memory_space<hbm>> -> memref<1664xi32, #tpu.memory_space<hbm>>
      tpu.enqueue_dma source(%dma_start3A_181 : memref<1664xi32, #tpu.memory_space<hbm>>) target(%arg5 : memref<1664xi32, #tpu.memory_space<vmem>>) target_semaphore(%run_scoped3A : memref<!tpu.dma_semaphore, #tpu.memory_space<semaphore_mem>>)
      %dma_wait3A_182 = tpu.memref_slice %arg2[%add3A_74] : memref<425984xi32, #tpu.memory_space<hbm>> -> memref<1664xi32, #tpu.memory_space<hbm>>
      %dma_wait3A_183 = tpu.memref_slice %arg2[%add3A_74] : memref<425984xi32, #tpu.memory_space<hbm>> -> memref<1664xi32, #tpu.memory_space<hbm>>
      tpu.wait_dma2 semaphore(%run_scoped3A : memref<!tpu.dma_semaphore, #tpu.memory_space<semaphore_mem>>) src(%dma_wait3A_183 : memref<1664xi32, #tpu.memory_space<hbm>>) dst(%arg5 : memref<1664xi32, #tpu.memory_space<vmem>>)
      tpu.yield
    }) : () -> ()
    %dma_start3A_75 = arith.constant 0 : i32
    %dma_start3A_76 = arith.constant 0 : i32
    %dma_start3A_77 = tpu.memref_slice %arg3[%dma_start3A_75, %dma_start3A_76] : memref<1000012x16xf32, #tpu.memory_space<hbm>> -> memref<1000012x16xf32, #tpu.memory_space<hbm>>
    tpu.enqueue_indirect_dma source(%dma_start3A_77 : memref<1000012x16xf32, #tpu.memory_space<hbm>>) target(%arg7 : memref<1664x16xf32, #tpu.memory_space<vmem>>) offsets(%arg5 : memref<1664xi32, #tpu.memory_space<vmem>>) semaphore(%arg11 : memref<!tpu.dma_semaphore, #tpu.memory_space<semaphore_mem>>)
    %dma_wait3A_78 = arith.constant 0 : i32
    %dma_wait3A_79 = arith.constant 0 : i32
    %dma_wait3A_80 = tpu.memref_slice %arg3[%dma_wait3A_78, %dma_wait3A_79] : memref<1000012x16xf32, #tpu.memory_space<hbm>> -> memref<1000012x16xf32, #tpu.memory_space<hbm>>
    tpu.wait_indirect_dma semaphore(%arg12 : memref<!tpu.dma_semaphore, #tpu.memory_space<semaphore_mem>>) src(%dma_wait3A_80 : memref<1000012x16xf32, #tpu.memory_space<hbm>>) dst(%arg8 : memref<1664x16xf32, #tpu.memory_space<vmem>>)
    %scan3A_81 = arith.constant 0 : i32
    %scan3A_82 = arith.constant 0 : i32
    %scan3A_83 = arith.constant 64 : i32
    %scan3A_84 = arith.addi %scan3A_82, %scan3A_83 : i32
    %scan3A_85 = arith.constant 1 : i32
    %scan3A_86 = scf.for %scan3A_180 = %scan3A_82 to %scan3A_84 step %scan3A_85 iter_args(%scan3A_181 = %scan3A_81) -> (i32)  : i32 {
      %mul3A_182 = arith.constant 26 : i32
      %mul3A_183 = arith.muli %scan3A_180, %mul3A_182 : i32
      %broadcast_in_dim3A = arith.constant 0.000000e+00 : f32
      %broadcast_in_dim3A_184 = vector.broadcast %broadcast_in_dim3A : f32 to vector<16xf32>
      %broadcast_in_dim3A_185 = arith.constant 0.000000e+00 : f32
      %broadcast_in_dim3A_186 = vector.broadcast %broadcast_in_dim3A_185 : f32 to vector<16xf32>
      %add3A_187 = arith.constant 0 : i32
      %add3A_188 = arith.addi %mul3A_183, %add3A_187 : i32
      %get3A = arith.index_cast %add3A_188 : i32 to index
      %get3A_189 = arith.constant 0 : index
      %get3A_190 = tpu.vector_load %arg8[%get3A, %get3A_189] {strides = array<i32>} : memref<1664x16xf32, #tpu.memory_space<vmem>>, vector<16xf32>,
      %add3A_191 = arith.addf %broadcast_in_dim3A_184, %get3A_190 : vector<16xf32>
      %mul3A_192 = arith.mulf %get3A_190, %get3A_190 : vector<16xf32>
      %add3A_193 = arith.addf %broadcast_in_dim3A_186, %mul3A_192 : vector<16xf32>
      %add3A_194 = arith.constant 1 : i32
      %add3A_195 = arith.addi %mul3A_183, %add3A_194 : i32
      %get3A_196 = arith.index_cast %add3A_195 : i32 to index
      %get3A_197 = arith.constant 0 : index
      %get3A_198 = tpu.vector_load %arg8[%get3A_196, %get3A_197] {strides = array<i32>} : memref<1664x16xf32, #tpu.memory_space<vmem>>, vector<16xf32>,
      %add3A_199 = arith.addf %add3A_191, %get3A_198 : vector<16xf32>
      %mul3A_200 = arith.mulf %get3A_198, %get3A_198 : vector<16xf32>
      %add3A_201 = arith.addf %add3A_193, %mul3A_200 : vector<16xf32>
      %add3A_202 = arith.constant 2 : i32
      %add3A_203 = arith.addi %mul3A_183, %add3A_202 : i32
      %get3A_204 = arith.index_cast %add3A_203 : i32 to index
      %get3A_205 = arith.constant 0 : index
      %get3A_206 = tpu.vector_load %arg8[%get3A_204, %get3A_205] {strides = array<i32>} : memref<1664x16xf32, #tpu.memory_space<vmem>>, vector<16xf32>,
      %add3A_207 = arith.addf %add3A_199, %get3A_206 : vector<16xf32>
      %mul3A_208 = arith.mulf %get3A_206, %get3A_206 : vector<16xf32>
      %add3A_209 = arith.addf %add3A_201, %mul3A_208 : vector<16xf32>
      %add3A_210 = arith.constant 3 : i32
      %add3A_211 = arith.addi %mul3A_183, %add3A_210 : i32
      %get3A_212 = arith.index_cast %add3A_211 : i32 to index
      %get3A_213 = arith.constant 0 : index
      %get3A_214 = tpu.vector_load %arg8[%get3A_212, %get3A_213] {strides = array<i32>} : memref<1664x16xf32, #tpu.memory_space<vmem>>, vector<16xf32>,
      %add3A_215 = arith.addf %add3A_207, %get3A_214 : vector<16xf32>
      %mul3A_216 = arith.mulf %get3A_214, %get3A_214 : vector<16xf32>
      %add3A_217 = arith.addf %add3A_209, %mul3A_216 : vector<16xf32>
      %add3A_218 = arith.constant 4 : i32
      %add3A_219 = arith.addi %mul3A_183, %add3A_218 : i32
      %get3A_220 = arith.index_cast %add3A_219 : i32 to index
      %get3A_221 = arith.constant 0 : index
      %get3A_222 = tpu.vector_load %arg8[%get3A_220, %get3A_221] {strides = array<i32>} : memref<1664x16xf32, #tpu.memory_space<vmem>>, vector<16xf32>,
      %add3A_223 = arith.addf %add3A_215, %get3A_222 : vector<16xf32>
      %mul3A_224 = arith.mulf %get3A_222, %get3A_222 : vector<16xf32>
      %add3A_225 = arith.addf %add3A_217, %mul3A_224 : vector<16xf32>
      %add3A_226 = arith.constant 5 : i32
      %add3A_227 = arith.addi %mul3A_183, %add3A_226 : i32
      %get3A_228 = arith.index_cast %add3A_227 : i32 to index
      %get3A_229 = arith.constant 0 : index
      %get3A_230 = tpu.vector_load %arg8[%get3A_228, %get3A_229] {strides = array<i32>} : memref<1664x16xf32, #tpu.memory_space<vmem>>, vector<16xf32>,
      %add3A_231 = arith.addf %add3A_223, %get3A_230 : vector<16xf32>
      %mul3A_232 = arith.mulf %get3A_230, %get3A_230 : vector<16xf32>
      %add3A_233 = arith.addf %add3A_225, %mul3A_232 : vector<16xf32>
      %add3A_234 = arith.constant 6 : i32
      %add3A_235 = arith.addi %mul3A_183, %add3A_234 : i32
      %get3A_236 = arith.index_cast %add3A_235 : i32 to index
      %get3A_237 = arith.constant 0 : index
      %get3A_238 = tpu.vector_load %arg8[%get3A_236, %get3A_237] {strides = array<i32>} : memref<1664x16xf32, #tpu.memory_space<vmem>>, vector<16xf32>,
      %add3A_239 = arith.addf %add3A_231, %get3A_238 : vector<16xf32>
      %mul3A_240 = arith.mulf %get3A_238, %get3A_238 : vector<16xf32>
      %add3A_241 = arith.addf %add3A_233, %mul3A_240 : vector<16xf32>
      %add3A_242 = arith.constant 7 : i32
      %add3A_243 = arith.addi %mul3A_183, %add3A_242 : i32
      %get3A_244 = arith.index_cast %add3A_243 : i32 to index
      %get3A_245 = arith.constant 0 : index
      %get3A_246 = tpu.vector_load %arg8[%get3A_244, %get3A_245] {strides = array<i32>} : memref<1664x16xf32, #tpu.memory_space<vmem>>, vector<16xf32>,
      %add3A_247 = arith.addf %add3A_239, %get3A_246 : vector<16xf32>
      %mul3A_248 = arith.mulf %get3A_246, %get3A_246 : vector<16xf32>
      %add3A_249 = arith.addf %add3A_241, %mul3A_248 : vector<16xf32>
      %add3A_250 = arith.constant 8 : i32
      %add3A_251 = arith.addi %mul3A_183, %add3A_250 : i32
      %get3A_252 = arith.index_cast %add3A_251 : i32 to index
      %get3A_253 = arith.constant 0 : index
      %get3A_254 = tpu.vector_load %arg8[%get3A_252, %get3A_253] {strides = array<i32>} : memref<1664x16xf32, #tpu.memory_space<vmem>>, vector<16xf32>,
      %add3A_255 = arith.addf %add3A_247, %get3A_254 : vector<16xf32>
      %mul3A_256 = arith.mulf %get3A_254, %get3A_254 : vector<16xf32>
      %add3A_257 = arith.addf %add3A_249, %mul3A_256 : vector<16xf32>
      %add3A_258 = arith.constant 9 : i32
      %add3A_259 = arith.addi %mul3A_183, %add3A_258 : i32
      %get3A_260 = arith.index_cast %add3A_259 : i32 to index
      %get3A_261 = arith.constant 0 : index
      %get3A_262 = tpu.vector_load %arg8[%get3A_260, %get3A_261] {strides = array<i32>} : memref<1664x16xf32, #tpu.memory_space<vmem>>, vector<16xf32>,
      %add3A_263 = arith.addf %add3A_255, %get3A_262 : vector<16xf32>
      %mul3A_264 = arith.mulf %get3A_262, %get3A_262 : vector<16xf32>
      %add3A_265 = arith.addf %add3A_257, %mul3A_264 : vector<16xf32>
      %add3A_266 = arith.constant 10 : i32
      %add3A_267 = arith.addi %mul3A_183, %add3A_266 : i32
      %get3A_268 = arith.index_cast %add3A_267 : i32 to index
      %get3A_269 = arith.constant 0 : index
      %get3A_270 = tpu.vector_load %arg8[%get3A_268, %get3A_269] {strides = array<i32>} : memref<1664x16xf32, #tpu.memory_space<vmem>>, vector<16xf32>,
      %add3A_271 = arith.addf %add3A_263, %get3A_270 : vector<16xf32>
      %mul3A_272 = arith.mulf %get3A_270, %get3A_270 : vector<16xf32>
      %add3A_273 = arith.addf %add3A_265, %mul3A_272 : vector<16xf32>
      %add3A_274 = arith.constant 11 : i32
      %add3A_275 = arith.addi %mul3A_183, %add3A_274 : i32
      %get3A_276 = arith.index_cast %add3A_275 : i32 to index
      %get3A_277 = arith.constant 0 : index
      %get3A_278 = tpu.vector_load %arg8[%get3A_276, %get3A_277] {strides = array<i32>} : memref<1664x16xf32, #tpu.memory_space<vmem>>, vector<16xf32>,
      %add3A_279 = arith.addf %add3A_271, %get3A_278 : vector<16xf32>
      %mul3A_280 = arith.mulf %get3A_278, %get3A_278 : vector<16xf32>
      %add3A_281 = arith.addf %add3A_273, %mul3A_280 : vector<16xf32>
      %add3A_282 = arith.constant 12 : i32
      %add3A_283 = arith.addi %mul3A_183, %add3A_282 : i32
      %get3A_284 = arith.index_cast %add3A_283 : i32 to index
      %get3A_285 = arith.constant 0 : index
      %get3A_286 = tpu.vector_load %arg8[%get3A_284, %get3A_285] {strides = array<i32>} : memref<1664x16xf32, #tpu.memory_space<vmem>>, vector<16xf32>,
      %add3A_287 = arith.addf %add3A_279, %get3A_286 : vector<16xf32>
      %mul3A_288 = arith.mulf %get3A_286, %get3A_286 : vector<16xf32>
      %add3A_289 = arith.addf %add3A_281, %mul3A_288 : vector<16xf32>
      %add3A_290 = arith.constant 13 : i32
      %add3A_291 = arith.addi %mul3A_183, %add3A_290 : i32
      %get3A_292 = arith.index_cast %add3A_291 : i32 to index
      %get3A_293 = arith.constant 0 : index
      %get3A_294 = tpu.vector_load %arg8[%get3A_292, %get3A_293] {strides = array<i32>} : memref<1664x16xf32, #tpu.memory_space<vmem>>, vector<16xf32>,
      %add3A_295 = arith.addf %add3A_287, %get3A_294 : vector<16xf32>
      %mul3A_296 = arith.mulf %get3A_294, %get3A_294 : vector<16xf32>
      %add3A_297 = arith.addf %add3A_289, %mul3A_296 : vector<16xf32>
      %add3A_298 = arith.constant 14 : i32
      %add3A_299 = arith.addi %mul3A_183, %add3A_298 : i32
      %get3A_300 = arith.index_cast %add3A_299 : i32 to index
      %get3A_301 = arith.constant 0 : index
      %get3A_302 = tpu.vector_load %arg8[%get3A_300, %get3A_301] {strides = array<i32>} : memref<1664x16xf32, #tpu.memory_space<vmem>>, vector<16xf32>,
      %add3A_303 = arith.addf %add3A_295, %get3A_302 : vector<16xf32>
      %mul3A_304 = arith.mulf %get3A_302, %get3A_302 : vector<16xf32>
      %add3A_305 = arith.addf %add3A_297, %mul3A_304 : vector<16xf32>
      %add3A_306 = arith.constant 15 : i32
      %add3A_307 = arith.addi %mul3A_183, %add3A_306 : i32
      %get3A_308 = arith.index_cast %add3A_307 : i32 to index
      %get3A_309 = arith.constant 0 : index
      %get3A_310 = tpu.vector_load %arg8[%get3A_308, %get3A_309] {strides = array<i32>} : memref<1664x16xf32, #tpu.memory_space<vmem>>, vector<16xf32>,
      %add3A_311 = arith.addf %add3A_303, %get3A_310 : vector<16xf32>
      %mul3A_312 = arith.mulf %get3A_310, %get3A_310 : vector<16xf32>
      %add3A_313 = arith.addf %add3A_305, %mul3A_312 : vector<16xf32>
      %add3A_314 = arith.constant 16 : i32
      %add3A_315 = arith.addi %mul3A_183, %add3A_314 : i32
      %get3A_316 = arith.index_cast %add3A_315 : i32 to index
      %get3A_317 = arith.constant 0 : index
      %get3A_318 = tpu.vector_load %arg8[%get3A_316, %get3A_317] {strides = array<i32>} : memref<1664x16xf32, #tpu.memory_space<vmem>>, vector<16xf32>,
      %add3A_319 = arith.addf %add3A_311, %get3A_318 : vector<16xf32>
      %mul3A_320 = arith.mulf %get3A_318, %get3A_318 : vector<16xf32>
      %add3A_321 = arith.addf %add3A_313, %mul3A_320 : vector<16xf32>
      %add3A_322 = arith.constant 17 : i32
      %add3A_323 = arith.addi %mul3A_183, %add3A_322 : i32
      %get3A_324 = arith.index_cast %add3A_323 : i32 to index
      %get3A_325 = arith.constant 0 : index
      %get3A_326 = tpu.vector_load %arg8[%get3A_324, %get3A_325] {strides = array<i32>} : memref<1664x16xf32, #tpu.memory_space<vmem>>, vector<16xf32>,
      %add3A_327 = arith.addf %add3A_319, %get3A_326 : vector<16xf32>
      %mul3A_328 = arith.mulf %get3A_326, %get3A_326 : vector<16xf32>
      %add3A_329 = arith.addf %add3A_321, %mul3A_328 : vector<16xf32>
      %add3A_330 = arith.constant 18 : i32
      %add3A_331 = arith.addi %mul3A_183, %add3A_330 : i32
      %get3A_332 = arith.index_cast %add3A_331 : i32 to index
      %get3A_333 = arith.constant 0 : index
      %get3A_334 = tpu.vector_load %arg8[%get3A_332, %get3A_333] {strides = array<i32>} : memref<1664x16xf32, #tpu.memory_space<vmem>>, vector<16xf32>,
      %add3A_335 = arith.addf %add3A_327, %get3A_334 : vector<16xf32>
      %mul3A_336 = arith.mulf %get3A_334, %get3A_334 : vector<16xf32>
      %add3A_337 = arith.addf %add3A_329, %mul3A_336 : vector<16xf32>
      %add3A_338 = arith.constant 19 : i32
      %add3A_339 = arith.addi %mul3A_183, %add3A_338 : i32
      %get3A_340 = arith.index_cast %add3A_339 : i32 to index
      %get3A_341 = arith.constant 0 : index
      %get3A_342 = tpu.vector_load %arg8[%get3A_340, %get3A_341] {strides = array<i32>} : memref<1664x16xf32, #tpu.memory_space<vmem>>, vector<16xf32>,
      %add3A_343 = arith.addf %add3A_335, %get3A_342 : vector<16xf32>
      %mul3A_344 = arith.mulf %get3A_342, %get3A_342 : vector<16xf32>
      %add3A_345 = arith.addf %add3A_337, %mul3A_344 : vector<16xf32>
      %add3A_346 = arith.constant 20 : i32
      %add3A_347 = arith.addi %mul3A_183, %add3A_346 : i32
      %get3A_348 = arith.index_cast %add3A_347 : i32 to index
      %get3A_349 = arith.constant 0 : index
      %get3A_350 = tpu.vector_load %arg8[%get3A_348, %get3A_349] {strides = array<i32>} : memref<1664x16xf32, #tpu.memory_space<vmem>>, vector<16xf32>,
      %add3A_351 = arith.addf %add3A_343, %get3A_350 : vector<16xf32>
      %mul3A_352 = arith.mulf %get3A_350, %get3A_350 : vector<16xf32>
      %add3A_353 = arith.addf %add3A_345, %mul3A_352 : vector<16xf32>
      %add3A_354 = arith.constant 21 : i32
      %add3A_355 = arith.addi %mul3A_183, %add3A_354 : i32
      %get3A_356 = arith.index_cast %add3A_355 : i32 to index
      %get3A_357 = arith.constant 0 : index
      %get3A_358 = tpu.vector_load %arg8[%get3A_356, %get3A_357] {strides = array<i32>} : memref<1664x16xf32, #tpu.memory_space<vmem>>, vector<16xf32>,
      %add3A_359 = arith.addf %add3A_351, %get3A_358 : vector<16xf32>
      %mul3A_360 = arith.mulf %get3A_358, %get3A_358 : vector<16xf32>
      %add3A_361 = arith.addf %add3A_353, %mul3A_360 : vector<16xf32>
      %add3A_362 = arith.constant 22 : i32
      %add3A_363 = arith.addi %mul3A_183, %add3A_362 : i32
      %get3A_364 = arith.index_cast %add3A_363 : i32 to index
      %get3A_365 = arith.constant 0 : index
      %get3A_366 = tpu.vector_load %arg8[%get3A_364, %get3A_365] {strides = array<i32>} : memref<1664x16xf32, #tpu.memory_space<vmem>>, vector<16xf32>,
      %add3A_367 = arith.addf %add3A_359, %get3A_366 : vector<16xf32>
      %mul3A_368 = arith.mulf %get3A_366, %get3A_366 : vector<16xf32>
      %add3A_369 = arith.addf %add3A_361, %mul3A_368 : vector<16xf32>
      %add3A_370 = arith.constant 23 : i32
      %add3A_371 = arith.addi %mul3A_183, %add3A_370 : i32
      %get3A_372 = arith.index_cast %add3A_371 : i32 to index
      %get3A_373 = arith.constant 0 : index
      %get3A_374 = tpu.vector_load %arg8[%get3A_372, %get3A_373] {strides = array<i32>} : memref<1664x16xf32, #tpu.memory_space<vmem>>, vector<16xf32>,
      %add3A_375 = arith.addf %add3A_367, %get3A_374 : vector<16xf32>
      %mul3A_376 = arith.mulf %get3A_374, %get3A_374 : vector<16xf32>
      %add3A_377 = arith.addf %add3A_369, %mul3A_376 : vector<16xf32>
      %add3A_378 = arith.constant 24 : i32
      %add3A_379 = arith.addi %mul3A_183, %add3A_378 : i32
      %get3A_380 = arith.index_cast %add3A_379 : i32 to index
      %get3A_381 = arith.constant 0 : index
      %get3A_382 = tpu.vector_load %arg8[%get3A_380, %get3A_381] {strides = array<i32>} : memref<1664x16xf32, #tpu.memory_space<vmem>>, vector<16xf32>,
      %add3A_383 = arith.addf %add3A_375, %get3A_382 : vector<16xf32>
      %mul3A_384 = arith.mulf %get3A_382, %get3A_382 : vector<16xf32>
      %add3A_385 = arith.addf %add3A_377, %mul3A_384 : vector<16xf32>
      %add3A_386 = arith.constant 25 : i32
      %add3A_387 = arith.addi %mul3A_183, %add3A_386 : i32
      %get3A_388 = arith.index_cast %add3A_387 : i32 to index
      %get3A_389 = arith.constant 0 : index
      %get3A_390 = tpu.vector_load %arg8[%get3A_388, %get3A_389] {strides = array<i32>} : memref<1664x16xf32, #tpu.memory_space<vmem>>, vector<16xf32>,
      %add3A_391 = arith.addf %add3A_383, %get3A_390 : vector<16xf32>
      %mul3A_392 = arith.mulf %get3A_390, %get3A_390 : vector<16xf32>
      %add3A_393 = arith.addf %add3A_385, %mul3A_392 : vector<16xf32>
      %mul3A_394 = arith.mulf %add3A_391, %add3A_391 : vector<16xf32>
      %sub3A = arith.subf %mul3A_394, %add3A_393 : vector<16xf32>
      %mul3A_395 = arith.constant 16 : i32
      %mul3A_396 = arith.muli %scan3A_180, %mul3A_395 : i32
      %swap3A = arith.index_cast %mul3A_396 : i32 to index
      %swap3A_397 = tpu.vector_load %arg9[%swap3A] {strides = array<i32>} : memref<1024xf32, #tpu.memory_space<vmem>>, vector<16xf32>,
      tpu.vector_store %arg9[%swap3A], %sub3A {strides = array<i32>} : memref<1024xf32, #tpu.memory_space<vmem>>, vector<16xf32>,
      %scan3A_398 = arith.constant 0 : i32
      scf.yield %scan3A_398 : i32
    }
    %scan3A_87 = arith.constant 64 : i32
    %scan3A_88 = arith.constant 0 : i32
    %scan3A_89 = arith.constant 0 : i32
    %scan3A_90 = arith.constant 4 : i32
    %scan3A_91 = arith.addi %scan3A_89, %scan3A_90 : i32
    %scan3A_92 = arith.constant 1 : i32
    %scan3A_93 = scf.for %scan3A_180 = %scan3A_89 to %scan3A_91 step %scan3A_92 iter_args(%scan3A_181 = %scan3A_88) -> (i32)  : i32 {
      %mul3A_182 = arith.constant 16 : i32
      %mul3A_183 = arith.muli %scan3A_180, %mul3A_182 : i32
      %add3A_184 = vector.broadcast %mul3A_183 : i32 to vector<16xi32>
      %add3A_185 = arith.addi %add3A_184, %iota3A : vector<16xi32>
      %mul3A_186 = arith.constant 16 : i32
      %mul3A_187 = vector.broadcast %mul3A_186 : i32 to vector<16xi32>
      %mul3A_188 = arith.muli %add3A_185, %mul3A_187 : vector<16xi32>
      %broadcast_in_dim3A = arith.constant 0.000000e+00 : f32
      %broadcast_in_dim3A_189 = vector.broadcast %broadcast_in_dim3A : f32 to vector<16xf32>
      %add3A_190 = arith.constant 0 : i32
      %add3A_191 = vector.broadcast %add3A_190 : i32 to vector<16xi32>
      %add3A_192 = arith.addi %mul3A_188, %add3A_191 : vector<16xi32>
      %gather3A = tpu.vector_load_idx %arg9[%add3A_192] : memref<1024xf32, #tpu.memory_space<vmem>>[vector<16xi32>], vector<16xf32>,
      %add3A_193 = arith.addf %broadcast_in_dim3A_189, %gather3A : vector<16xf32>
      %add3A_194 = arith.constant 1 : i32
      %add3A_195 = vector.broadcast %add3A_194 : i32 to vector<16xi32>
      %add3A_196 = arith.addi %mul3A_188, %add3A_195 : vector<16xi32>
      %gather3A_197 = tpu.vector_load_idx %arg9[%add3A_196] : memref<1024xf32, #tpu.memory_space<vmem>>[vector<16xi32>], vector<16xf32>,
      %add3A_198 = arith.addf %add3A_193, %gather3A_197 : vector<16xf32>
      %add3A_199 = arith.constant 2 : i32
      %add3A_200 = vector.broadcast %add3A_199 : i32 to vector<16xi32>
      %add3A_201 = arith.addi %mul3A_188, %add3A_200 : vector<16xi32>
      %gather3A_202 = tpu.vector_load_idx %arg9[%add3A_201] : memref<1024xf32, #tpu.memory_space<vmem>>[vector<16xi32>], vector<16xf32>,
      %add3A_203 = arith.addf %add3A_198, %gather3A_202 : vector<16xf32>
      %add3A_204 = arith.constant 3 : i32
      %add3A_205 = vector.broadcast %add3A_204 : i32 to vector<16xi32>
      %add3A_206 = arith.addi %mul3A_188, %add3A_205 : vector<16xi32>
      %gather3A_207 = tpu.vector_load_idx %arg9[%add3A_206] : memref<1024xf32, #tpu.memory_space<vmem>>[vector<16xi32>], vector<16xf32>,
      %add3A_208 = arith.addf %add3A_203, %gather3A_207 : vector<16xf32>
      %add3A_209 = arith.constant 4 : i32
      %add3A_210 = vector.broadcast %add3A_209 : i32 to vector<16xi32>
      %add3A_211 = arith.addi %mul3A_188, %add3A_210 : vector<16xi32>
      %gather3A_212 = tpu.vector_load_idx %arg9[%add3A_211] : memref<1024xf32, #tpu.memory_space<vmem>>[vector<16xi32>], vector<16xf32>,
      %add3A_213 = arith.addf %add3A_208, %gather3A_212 : vector<16xf32>
      %add3A_214 = arith.constant 5 : i32
      %add3A_215 = vector.broadcast %add3A_214 : i32 to vector<16xi32>
      %add3A_216 = arith.addi %mul3A_188, %add3A_215 : vector<16xi32>
      %gather3A_217 = tpu.vector_load_idx %arg9[%add3A_216] : memref<1024xf32, #tpu.memory_space<vmem>>[vector<16xi32>], vector<16xf32>,
      %add3A_218 = arith.addf %add3A_213, %gather3A_217 : vector<16xf32>
      %add3A_219 = arith.constant 6 : i32
      %add3A_220 = vector.broadcast %add3A_219 : i32 to vector<16xi32>
      %add3A_221 = arith.addi %mul3A_188, %add3A_220 : vector<16xi32>
      %gather3A_222 = tpu.vector_load_idx %arg9[%add3A_221] : memref<1024xf32, #tpu.memory_space<vmem>>[vector<16xi32>], vector<16xf32>,
      %add3A_223 = arith.addf %add3A_218, %gather3A_222 : vector<16xf32>
      %add3A_224 = arith.constant 7 : i32
      %add3A_225 = vector.broadcast %add3A_224 : i32 to vector<16xi32>
      %add3A_226 = arith.addi %mul3A_188, %add3A_225 : vector<16xi32>
      %gather3A_227 = tpu.vector_load_idx %arg9[%add3A_226] : memref<1024xf32, #tpu.memory_space<vmem>>[vector<16xi32>], vector<16xf32>,
      %add3A_228 = arith.addf %add3A_223, %gather3A_227 : vector<16xf32>
      %add3A_229 = arith.constant 8 : i32
      %add3A_230 = vector.broadcast %add3A_229 : i32 to vector<16xi32>
      %add3A_231 = arith.addi %mul3A_188, %add3A_230 : vector<16xi32>
      %gather3A_232 = tpu.vector_load_idx %arg9[%add3A_231] : memref<1024xf32, #tpu.memory_space<vmem>>[vector<16xi32>], vector<16xf32>,
      %add3A_233 = arith.addf %add3A_228, %gather3A_232 : vector<16xf32>
      %add3A_234 = arith.constant 9 : i32
      %add3A_235 = vector.broadcast %add3A_234 : i32 to vector<16xi32>
      %add3A_236 = arith.addi %mul3A_188, %add3A_235 : vector<16xi32>
      %gather3A_237 = tpu.vector_load_idx %arg9[%add3A_236] : memref<1024xf32, #tpu.memory_space<vmem>>[vector<16xi32>], vector<16xf32>,
      %add3A_238 = arith.addf %add3A_233, %gather3A_237 : vector<16xf32>
      %add3A_239 = arith.constant 10 : i32
      %add3A_240 = vector.broadcast %add3A_239 : i32 to vector<16xi32>
      %add3A_241 = arith.addi %mul3A_188, %add3A_240 : vector<16xi32>
      %gather3A_242 = tpu.vector_load_idx %arg9[%add3A_241] : memref<1024xf32, #tpu.memory_space<vmem>>[vector<16xi32>], vector<16xf32>,
      %add3A_243 = arith.addf %add3A_238, %gather3A_242 : vector<16xf32>
      %add3A_244 = arith.constant 11 : i32
      %add3A_245 = vector.broadcast %add3A_244 : i32 to vector<16xi32>
      %add3A_246 = arith.addi %mul3A_188, %add3A_245 : vector<16xi32>
      %gather3A_247 = tpu.vector_load_idx %arg9[%add3A_246] : memref<1024xf32, #tpu.memory_space<vmem>>[vector<16xi32>], vector<16xf32>,
      %add3A_248 = arith.addf %add3A_243, %gather3A_247 : vector<16xf32>
      %add3A_249 = arith.constant 12 : i32
      %add3A_250 = vector.broadcast %add3A_249 : i32 to vector<16xi32>
      %add3A_251 = arith.addi %mul3A_188, %add3A_250 : vector<16xi32>
      %gather3A_252 = tpu.vector_load_idx %arg9[%add3A_251] : memref<1024xf32, #tpu.memory_space<vmem>>[vector<16xi32>], vector<16xf32>,
      %add3A_253 = arith.addf %add3A_248, %gather3A_252 : vector<16xf32>
      %add3A_254 = arith.constant 13 : i32
      %add3A_255 = vector.broadcast %add3A_254 : i32 to vector<16xi32>
      %add3A_256 = arith.addi %mul3A_188, %add3A_255 : vector<16xi32>
      %gather3A_257 = tpu.vector_load_idx %arg9[%add3A_256] : memref<1024xf32, #tpu.memory_space<vmem>>[vector<16xi32>], vector<16xf32>,
      %add3A_258 = arith.addf %add3A_253, %gather3A_257 : vector<16xf32>
      %add3A_259 = arith.constant 14 : i32
      %add3A_260 = vector.broadcast %add3A_259 : i32 to vector<16xi32>
      %add3A_261 = arith.addi %mul3A_188, %add3A_260 : vector<16xi32>
      %gather3A_262 = tpu.vector_load_idx %arg9[%add3A_261] : memref<1024xf32, #tpu.memory_space<vmem>>[vector<16xi32>], vector<16xf32>,
      %add3A_263 = arith.addf %add3A_258, %gather3A_262 : vector<16xf32>
      %add3A_264 = arith.constant 15 : i32
      %add3A_265 = vector.broadcast %add3A_264 : i32 to vector<16xi32>
      %add3A_266 = arith.addi %mul3A_188, %add3A_265 : vector<16xi32>
      %gather3A_267 = tpu.vector_load_idx %arg9[%add3A_266] : memref<1024xf32, #tpu.memory_space<vmem>>[vector<16xi32>], vector<16xf32>,
      %add3A_268 = arith.addf %add3A_263, %gather3A_267 : vector<16xf32>
      %mul3A_269 = arith.constant 5.000000e-01 : f32
      %mul3A_270 = vector.broadcast %mul3A_269 : f32 to vector<16xf32>
      %mul3A_271 = arith.mulf %mul3A_270, %add3A_268 : vector<16xf32>
      %mul3A_272 = arith.constant 16 : i32
      %mul3A_273 = arith.muli %scan3A_180, %mul3A_272 : i32
      %add3A_274 = arith.constant 192 : i32
      %add3A_275 = arith.addi %add3A_274, %mul3A_273 : i32
      %swap3A = arith.index_cast %add3A_275 : i32 to index
      %swap3A_276 = tpu.vector_load %arg10[%swap3A] {strides = array<i32>} : memref<512xf32, #tpu.memory_space<vmem>>, vector<16xf32>,
      tpu.vector_store %arg10[%swap3A], %mul3A_271 {strides = array<i32>} : memref<512xf32, #tpu.memory_space<vmem>>, vector<16xf32>,
      %scan3A_277 = arith.constant 0 : i32
      scf.yield %scan3A_277 : i32
    }
    %scan3A_94 = arith.constant 4 : i32
    %add3A_95 = arith.constant 8320 : i32
    %add3A_96 = arith.addi %mul3A_4, %add3A_95 : i32
    "tpu.region"() ({
      %run_scoped3A = tpu.sem_alloc : memref<!tpu.dma_semaphore, #tpu.memory_space<semaphore_mem>>
      %dma_start3A_180 = tpu.memref_slice %arg2[%add3A_96] : memref<425984xi32, #tpu.memory_space<hbm>> -> memref<1664xi32, #tpu.memory_space<hbm>>
      %dma_start3A_181 = tpu.memref_slice %arg2[%add3A_96] : memref<425984xi32, #tpu.memory_space<hbm>> -> memref<1664xi32, #tpu.memory_space<hbm>>
      tpu.enqueue_dma source(%dma_start3A_181 : memref<1664xi32, #tpu.memory_space<hbm>>) target(%arg6 : memref<1664xi32, #tpu.memory_space<vmem>>) target_semaphore(%run_scoped3A : memref<!tpu.dma_semaphore, #tpu.memory_space<semaphore_mem>>)
      %dma_wait3A_182 = tpu.memref_slice %arg2[%add3A_96] : memref<425984xi32, #tpu.memory_space<hbm>> -> memref<1664xi32, #tpu.memory_space<hbm>>
      %dma_wait3A_183 = tpu.memref_slice %arg2[%add3A_96] : memref<425984xi32, #tpu.memory_space<hbm>> -> memref<1664xi32, #tpu.memory_space<hbm>>
      tpu.wait_dma2 semaphore(%run_scoped3A : memref<!tpu.dma_semaphore, #tpu.memory_space<semaphore_mem>>) src(%dma_wait3A_183 : memref<1664xi32, #tpu.memory_space<hbm>>) dst(%arg6 : memref<1664xi32, #tpu.memory_space<vmem>>)
      tpu.yield
    }) : () -> ()
    %dma_start3A_97 = arith.constant 0 : i32
    %dma_start3A_98 = arith.constant 0 : i32
    %dma_start3A_99 = tpu.memref_slice %arg3[%dma_start3A_97, %dma_start3A_98] : memref<1000012x16xf32, #tpu.memory_space<hbm>> -> memref<1000012x16xf32, #tpu.memory_space<hbm>>
    tpu.enqueue_indirect_dma source(%dma_start3A_99 : memref<1000012x16xf32, #tpu.memory_space<hbm>>) target(%arg8 : memref<1664x16xf32, #tpu.memory_space<vmem>>) offsets(%arg6 : memref<1664xi32, #tpu.memory_space<vmem>>) semaphore(%arg12 : memref<!tpu.dma_semaphore, #tpu.memory_space<semaphore_mem>>)
    %dma_wait3A_100 = arith.constant 0 : i32
    %dma_wait3A_101 = arith.constant 0 : i32
    %dma_wait3A_102 = tpu.memref_slice %arg3[%dma_wait3A_100, %dma_wait3A_101] : memref<1000012x16xf32, #tpu.memory_space<hbm>> -> memref<1000012x16xf32, #tpu.memory_space<hbm>>
    tpu.wait_indirect_dma semaphore(%arg11 : memref<!tpu.dma_semaphore, #tpu.memory_space<semaphore_mem>>) src(%dma_wait3A_102 : memref<1000012x16xf32, #tpu.memory_space<hbm>>) dst(%arg7 : memref<1664x16xf32, #tpu.memory_space<vmem>>)
    %scan3A_103 = arith.constant 0 : i32
    %scan3A_104 = arith.constant 0 : i32
    %scan3A_105 = arith.constant 64 : i32
    %scan3A_106 = arith.addi %scan3A_104, %scan3A_105 : i32
    %scan3A_107 = arith.constant 1 : i32
    %scan3A_108 = scf.for %scan3A_180 = %scan3A_104 to %scan3A_106 step %scan3A_107 iter_args(%scan3A_181 = %scan3A_103) -> (i32)  : i32 {
      %mul3A_182 = arith.constant 26 : i32
      %mul3A_183 = arith.muli %scan3A_180, %mul3A_182 : i32
      %broadcast_in_dim3A = arith.constant 0.000000e+00 : f32
      %broadcast_in_dim3A_184 = vector.broadcast %broadcast_in_dim3A : f32 to vector<16xf32>
      %broadcast_in_dim3A_185 = arith.constant 0.000000e+00 : f32
      %broadcast_in_dim3A_186 = vector.broadcast %broadcast_in_dim3A_185 : f32 to vector<16xf32>
      %add3A_187 = arith.constant 0 : i32
      %add3A_188 = arith.addi %mul3A_183, %add3A_187 : i32
      %get3A = arith.index_cast %add3A_188 : i32 to index
      %get3A_189 = arith.constant 0 : index
      %get3A_190 = tpu.vector_load %arg7[%get3A, %get3A_189] {strides = array<i32>} : memref<1664x16xf32, #tpu.memory_space<vmem>>, vector<16xf32>,
      %add3A_191 = arith.addf %broadcast_in_dim3A_184, %get3A_190 : vector<16xf32>
      %mul3A_192 = arith.mulf %get3A_190, %get3A_190 : vector<16xf32>
      %add3A_193 = arith.addf %broadcast_in_dim3A_186, %mul3A_192 : vector<16xf32>
      %add3A_194 = arith.constant 1 : i32
      %add3A_195 = arith.addi %mul3A_183, %add3A_194 : i32
      %get3A_196 = arith.index_cast %add3A_195 : i32 to index
      %get3A_197 = arith.constant 0 : index
      %get3A_198 = tpu.vector_load %arg7[%get3A_196, %get3A_197] {strides = array<i32>} : memref<1664x16xf32, #tpu.memory_space<vmem>>, vector<16xf32>,
      %add3A_199 = arith.addf %add3A_191, %get3A_198 : vector<16xf32>
      %mul3A_200 = arith.mulf %get3A_198, %get3A_198 : vector<16xf32>
      %add3A_201 = arith.addf %add3A_193, %mul3A_200 : vector<16xf32>
      %add3A_202 = arith.constant 2 : i32
      %add3A_203 = arith.addi %mul3A_183, %add3A_202 : i32
      %get3A_204 = arith.index_cast %add3A_203 : i32 to index
      %get3A_205 = arith.constant 0 : index
      %get3A_206 = tpu.vector_load %arg7[%get3A_204, %get3A_205] {strides = array<i32>} : memref<1664x16xf32, #tpu.memory_space<vmem>>, vector<16xf32>,
      %add3A_207 = arith.addf %add3A_199, %get3A_206 : vector<16xf32>
      %mul3A_208 = arith.mulf %get3A_206, %get3A_206 : vector<16xf32>
      %add3A_209 = arith.addf %add3A_201, %mul3A_208 : vector<16xf32>
      %add3A_210 = arith.constant 3 : i32
      %add3A_211 = arith.addi %mul3A_183, %add3A_210 : i32
      %get3A_212 = arith.index_cast %add3A_211 : i32 to index
      %get3A_213 = arith.constant 0 : index
      %get3A_214 = tpu.vector_load %arg7[%get3A_212, %get3A_213] {strides = array<i32>} : memref<1664x16xf32, #tpu.memory_space<vmem>>, vector<16xf32>,
      %add3A_215 = arith.addf %add3A_207, %get3A_214 : vector<16xf32>
      %mul3A_216 = arith.mulf %get3A_214, %get3A_214 : vector<16xf32>
      %add3A_217 = arith.addf %add3A_209, %mul3A_216 : vector<16xf32>
      %add3A_218 = arith.constant 4 : i32
      %add3A_219 = arith.addi %mul3A_183, %add3A_218 : i32
      %get3A_220 = arith.index_cast %add3A_219 : i32 to index
      %get3A_221 = arith.constant 0 : index
      %get3A_222 = tpu.vector_load %arg7[%get3A_220, %get3A_221] {strides = array<i32>} : memref<1664x16xf32, #tpu.memory_space<vmem>>, vector<16xf32>,
      %add3A_223 = arith.addf %add3A_215, %get3A_222 : vector<16xf32>
      %mul3A_224 = arith.mulf %get3A_222, %get3A_222 : vector<16xf32>
      %add3A_225 = arith.addf %add3A_217, %mul3A_224 : vector<16xf32>
      %add3A_226 = arith.constant 5 : i32
      %add3A_227 = arith.addi %mul3A_183, %add3A_226 : i32
      %get3A_228 = arith.index_cast %add3A_227 : i32 to index
      %get3A_229 = arith.constant 0 : index
      %get3A_230 = tpu.vector_load %arg7[%get3A_228, %get3A_229] {strides = array<i32>} : memref<1664x16xf32, #tpu.memory_space<vmem>>, vector<16xf32>,
      %add3A_231 = arith.addf %add3A_223, %get3A_230 : vector<16xf32>
      %mul3A_232 = arith.mulf %get3A_230, %get3A_230 : vector<16xf32>
      %add3A_233 = arith.addf %add3A_225, %mul3A_232 : vector<16xf32>
      %add3A_234 = arith.constant 6 : i32
      %add3A_235 = arith.addi %mul3A_183, %add3A_234 : i32
      %get3A_236 = arith.index_cast %add3A_235 : i32 to index
      %get3A_237 = arith.constant 0 : index
      %get3A_238 = tpu.vector_load %arg7[%get3A_236, %get3A_237] {strides = array<i32>} : memref<1664x16xf32, #tpu.memory_space<vmem>>, vector<16xf32>,
      %add3A_239 = arith.addf %add3A_231, %get3A_238 : vector<16xf32>
      %mul3A_240 = arith.mulf %get3A_238, %get3A_238 : vector<16xf32>
      %add3A_241 = arith.addf %add3A_233, %mul3A_240 : vector<16xf32>
      %add3A_242 = arith.constant 7 : i32
      %add3A_243 = arith.addi %mul3A_183, %add3A_242 : i32
      %get3A_244 = arith.index_cast %add3A_243 : i32 to index
      %get3A_245 = arith.constant 0 : index
      %get3A_246 = tpu.vector_load %arg7[%get3A_244, %get3A_245] {strides = array<i32>} : memref<1664x16xf32, #tpu.memory_space<vmem>>, vector<16xf32>,
      %add3A_247 = arith.addf %add3A_239, %get3A_246 : vector<16xf32>
      %mul3A_248 = arith.mulf %get3A_246, %get3A_246 : vector<16xf32>
      %add3A_249 = arith.addf %add3A_241, %mul3A_248 : vector<16xf32>
      %add3A_250 = arith.constant 8 : i32
      %add3A_251 = arith.addi %mul3A_183, %add3A_250 : i32
      %get3A_252 = arith.index_cast %add3A_251 : i32 to index
      %get3A_253 = arith.constant 0 : index
      %get3A_254 = tpu.vector_load %arg7[%get3A_252, %get3A_253] {strides = array<i32>} : memref<1664x16xf32, #tpu.memory_space<vmem>>, vector<16xf32>,
      %add3A_255 = arith.addf %add3A_247, %get3A_254 : vector<16xf32>
      %mul3A_256 = arith.mulf %get3A_254, %get3A_254 : vector<16xf32>
      %add3A_257 = arith.addf %add3A_249, %mul3A_256 : vector<16xf32>
      %add3A_258 = arith.constant 9 : i32
      %add3A_259 = arith.addi %mul3A_183, %add3A_258 : i32
      %get3A_260 = arith.index_cast %add3A_259 : i32 to index
      %get3A_261 = arith.constant 0 : index
      %get3A_262 = tpu.vector_load %arg7[%get3A_260, %get3A_261] {strides = array<i32>} : memref<1664x16xf32, #tpu.memory_space<vmem>>, vector<16xf32>,
      %add3A_263 = arith.addf %add3A_255, %get3A_262 : vector<16xf32>
      %mul3A_264 = arith.mulf %get3A_262, %get3A_262 : vector<16xf32>
      %add3A_265 = arith.addf %add3A_257, %mul3A_264 : vector<16xf32>
      %add3A_266 = arith.constant 10 : i32
      %add3A_267 = arith.addi %mul3A_183, %add3A_266 : i32
      %get3A_268 = arith.index_cast %add3A_267 : i32 to index
      %get3A_269 = arith.constant 0 : index
      %get3A_270 = tpu.vector_load %arg7[%get3A_268, %get3A_269] {strides = array<i32>} : memref<1664x16xf32, #tpu.memory_space<vmem>>, vector<16xf32>,
      %add3A_271 = arith.addf %add3A_263, %get3A_270 : vector<16xf32>
      %mul3A_272 = arith.mulf %get3A_270, %get3A_270 : vector<16xf32>
      %add3A_273 = arith.addf %add3A_265, %mul3A_272 : vector<16xf32>
      %add3A_274 = arith.constant 11 : i32
      %add3A_275 = arith.addi %mul3A_183, %add3A_274 : i32
      %get3A_276 = arith.index_cast %add3A_275 : i32 to index
      %get3A_277 = arith.constant 0 : index
      %get3A_278 = tpu.vector_load %arg7[%get3A_276, %get3A_277] {strides = array<i32>} : memref<1664x16xf32, #tpu.memory_space<vmem>>, vector<16xf32>,
      %add3A_279 = arith.addf %add3A_271, %get3A_278 : vector<16xf32>
      %mul3A_280 = arith.mulf %get3A_278, %get3A_278 : vector<16xf32>
      %add3A_281 = arith.addf %add3A_273, %mul3A_280 : vector<16xf32>
      %add3A_282 = arith.constant 12 : i32
      %add3A_283 = arith.addi %mul3A_183, %add3A_282 : i32
      %get3A_284 = arith.index_cast %add3A_283 : i32 to index
      %get3A_285 = arith.constant 0 : index
      %get3A_286 = tpu.vector_load %arg7[%get3A_284, %get3A_285] {strides = array<i32>} : memref<1664x16xf32, #tpu.memory_space<vmem>>, vector<16xf32>,
      %add3A_287 = arith.addf %add3A_279, %get3A_286 : vector<16xf32>
      %mul3A_288 = arith.mulf %get3A_286, %get3A_286 : vector<16xf32>
      %add3A_289 = arith.addf %add3A_281, %mul3A_288 : vector<16xf32>
      %add3A_290 = arith.constant 13 : i32
      %add3A_291 = arith.addi %mul3A_183, %add3A_290 : i32
      %get3A_292 = arith.index_cast %add3A_291 : i32 to index
      %get3A_293 = arith.constant 0 : index
      %get3A_294 = tpu.vector_load %arg7[%get3A_292, %get3A_293] {strides = array<i32>} : memref<1664x16xf32, #tpu.memory_space<vmem>>, vector<16xf32>,
      %add3A_295 = arith.addf %add3A_287, %get3A_294 : vector<16xf32>
      %mul3A_296 = arith.mulf %get3A_294, %get3A_294 : vector<16xf32>
      %add3A_297 = arith.addf %add3A_289, %mul3A_296 : vector<16xf32>
      %add3A_298 = arith.constant 14 : i32
      %add3A_299 = arith.addi %mul3A_183, %add3A_298 : i32
      %get3A_300 = arith.index_cast %add3A_299 : i32 to index
      %get3A_301 = arith.constant 0 : index
      %get3A_302 = tpu.vector_load %arg7[%get3A_300, %get3A_301] {strides = array<i32>} : memref<1664x16xf32, #tpu.memory_space<vmem>>, vector<16xf32>,
      %add3A_303 = arith.addf %add3A_295, %get3A_302 : vector<16xf32>
      %mul3A_304 = arith.mulf %get3A_302, %get3A_302 : vector<16xf32>
      %add3A_305 = arith.addf %add3A_297, %mul3A_304 : vector<16xf32>
      %add3A_306 = arith.constant 15 : i32
      %add3A_307 = arith.addi %mul3A_183, %add3A_306 : i32
      %get3A_308 = arith.index_cast %add3A_307 : i32 to index
      %get3A_309 = arith.constant 0 : index
      %get3A_310 = tpu.vector_load %arg7[%get3A_308, %get3A_309] {strides = array<i32>} : memref<1664x16xf32, #tpu.memory_space<vmem>>, vector<16xf32>,
      %add3A_311 = arith.addf %add3A_303, %get3A_310 : vector<16xf32>
      %mul3A_312 = arith.mulf %get3A_310, %get3A_310 : vector<16xf32>
      %add3A_313 = arith.addf %add3A_305, %mul3A_312 : vector<16xf32>
      %add3A_314 = arith.constant 16 : i32
      %add3A_315 = arith.addi %mul3A_183, %add3A_314 : i32
      %get3A_316 = arith.index_cast %add3A_315 : i32 to index
      %get3A_317 = arith.constant 0 : index
      %get3A_318 = tpu.vector_load %arg7[%get3A_316, %get3A_317] {strides = array<i32>} : memref<1664x16xf32, #tpu.memory_space<vmem>>, vector<16xf32>,
      %add3A_319 = arith.addf %add3A_311, %get3A_318 : vector<16xf32>
      %mul3A_320 = arith.mulf %get3A_318, %get3A_318 : vector<16xf32>
      %add3A_321 = arith.addf %add3A_313, %mul3A_320 : vector<16xf32>
      %add3A_322 = arith.constant 17 : i32
      %add3A_323 = arith.addi %mul3A_183, %add3A_322 : i32
      %get3A_324 = arith.index_cast %add3A_323 : i32 to index
      %get3A_325 = arith.constant 0 : index
      %get3A_326 = tpu.vector_load %arg7[%get3A_324, %get3A_325] {strides = array<i32>} : memref<1664x16xf32, #tpu.memory_space<vmem>>, vector<16xf32>,
      %add3A_327 = arith.addf %add3A_319, %get3A_326 : vector<16xf32>
      %mul3A_328 = arith.mulf %get3A_326, %get3A_326 : vector<16xf32>
      %add3A_329 = arith.addf %add3A_321, %mul3A_328 : vector<16xf32>
      %add3A_330 = arith.constant 18 : i32
      %add3A_331 = arith.addi %mul3A_183, %add3A_330 : i32
      %get3A_332 = arith.index_cast %add3A_331 : i32 to index
      %get3A_333 = arith.constant 0 : index
      %get3A_334 = tpu.vector_load %arg7[%get3A_332, %get3A_333] {strides = array<i32>} : memref<1664x16xf32, #tpu.memory_space<vmem>>, vector<16xf32>,
      %add3A_335 = arith.addf %add3A_327, %get3A_334 : vector<16xf32>
      %mul3A_336 = arith.mulf %get3A_334, %get3A_334 : vector<16xf32>
      %add3A_337 = arith.addf %add3A_329, %mul3A_336 : vector<16xf32>
      %add3A_338 = arith.constant 19 : i32
      %add3A_339 = arith.addi %mul3A_183, %add3A_338 : i32
      %get3A_340 = arith.index_cast %add3A_339 : i32 to index
      %get3A_341 = arith.constant 0 : index
      %get3A_342 = tpu.vector_load %arg7[%get3A_340, %get3A_341] {strides = array<i32>} : memref<1664x16xf32, #tpu.memory_space<vmem>>, vector<16xf32>,
      %add3A_343 = arith.addf %add3A_335, %get3A_342 : vector<16xf32>
      %mul3A_344 = arith.mulf %get3A_342, %get3A_342 : vector<16xf32>
      %add3A_345 = arith.addf %add3A_337, %mul3A_344 : vector<16xf32>
      %add3A_346 = arith.constant 20 : i32
      %add3A_347 = arith.addi %mul3A_183, %add3A_346 : i32
      %get3A_348 = arith.index_cast %add3A_347 : i32 to index
      %get3A_349 = arith.constant 0 : index
      %get3A_350 = tpu.vector_load %arg7[%get3A_348, %get3A_349] {strides = array<i32>} : memref<1664x16xf32, #tpu.memory_space<vmem>>, vector<16xf32>,
      %add3A_351 = arith.addf %add3A_343, %get3A_350 : vector<16xf32>
      %mul3A_352 = arith.mulf %get3A_350, %get3A_350 : vector<16xf32>
      %add3A_353 = arith.addf %add3A_345, %mul3A_352 : vector<16xf32>
      %add3A_354 = arith.constant 21 : i32
      %add3A_355 = arith.addi %mul3A_183, %add3A_354 : i32
      %get3A_356 = arith.index_cast %add3A_355 : i32 to index
      %get3A_357 = arith.constant 0 : index
      %get3A_358 = tpu.vector_load %arg7[%get3A_356, %get3A_357] {strides = array<i32>} : memref<1664x16xf32, #tpu.memory_space<vmem>>, vector<16xf32>,
      %add3A_359 = arith.addf %add3A_351, %get3A_358 : vector<16xf32>
      %mul3A_360 = arith.mulf %get3A_358, %get3A_358 : vector<16xf32>
      %add3A_361 = arith.addf %add3A_353, %mul3A_360 : vector<16xf32>
      %add3A_362 = arith.constant 22 : i32
      %add3A_363 = arith.addi %mul3A_183, %add3A_362 : i32
      %get3A_364 = arith.index_cast %add3A_363 : i32 to index
      %get3A_365 = arith.constant 0 : index
      %get3A_366 = tpu.vector_load %arg7[%get3A_364, %get3A_365] {strides = array<i32>} : memref<1664x16xf32, #tpu.memory_space<vmem>>, vector<16xf32>,
      %add3A_367 = arith.addf %add3A_359, %get3A_366 : vector<16xf32>
      %mul3A_368 = arith.mulf %get3A_366, %get3A_366 : vector<16xf32>
      %add3A_369 = arith.addf %add3A_361, %mul3A_368 : vector<16xf32>
      %add3A_370 = arith.constant 23 : i32
      %add3A_371 = arith.addi %mul3A_183, %add3A_370 : i32
      %get3A_372 = arith.index_cast %add3A_371 : i32 to index
      %get3A_373 = arith.constant 0 : index
      %get3A_374 = tpu.vector_load %arg7[%get3A_372, %get3A_373] {strides = array<i32>} : memref<1664x16xf32, #tpu.memory_space<vmem>>, vector<16xf32>,
      %add3A_375 = arith.addf %add3A_367, %get3A_374 : vector<16xf32>
      %mul3A_376 = arith.mulf %get3A_374, %get3A_374 : vector<16xf32>
      %add3A_377 = arith.addf %add3A_369, %mul3A_376 : vector<16xf32>
      %add3A_378 = arith.constant 24 : i32
      %add3A_379 = arith.addi %mul3A_183, %add3A_378 : i32
      %get3A_380 = arith.index_cast %add3A_379 : i32 to index
      %get3A_381 = arith.constant 0 : index
      %get3A_382 = tpu.vector_load %arg7[%get3A_380, %get3A_381] {strides = array<i32>} : memref<1664x16xf32, #tpu.memory_space<vmem>>, vector<16xf32>,
      %add3A_383 = arith.addf %add3A_375, %get3A_382 : vector<16xf32>
      %mul3A_384 = arith.mulf %get3A_382, %get3A_382 : vector<16xf32>
      %add3A_385 = arith.addf %add3A_377, %mul3A_384 : vector<16xf32>
      %add3A_386 = arith.constant 25 : i32
      %add3A_387 = arith.addi %mul3A_183, %add3A_386 : i32
      %get3A_388 = arith.index_cast %add3A_387 : i32 to index
      %get3A_389 = arith.constant 0 : index
      %get3A_390 = tpu.vector_load %arg7[%get3A_388, %get3A_389] {strides = array<i32>} : memref<1664x16xf32, #tpu.memory_space<vmem>>, vector<16xf32>,
      %add3A_391 = arith.addf %add3A_383, %get3A_390 : vector<16xf32>
      %mul3A_392 = arith.mulf %get3A_390, %get3A_390 : vector<16xf32>
      %add3A_393 = arith.addf %add3A_385, %mul3A_392 : vector<16xf32>
      %mul3A_394 = arith.mulf %add3A_391, %add3A_391 : vector<16xf32>
      %sub3A = arith.subf %mul3A_394, %add3A_393 : vector<16xf32>
      %mul3A_395 = arith.constant 16 : i32
      %mul3A_396 = arith.muli %scan3A_180, %mul3A_395 : i32
      %swap3A = arith.index_cast %mul3A_396 : i32 to index
      %swap3A_397 = tpu.vector_load %arg9[%swap3A] {strides = array<i32>} : memref<1024xf32, #tpu.memory_space<vmem>>, vector<16xf32>,
      tpu.vector_store %arg9[%swap3A], %sub3A {strides = array<i32>} : memref<1024xf32, #tpu.memory_space<vmem>>, vector<16xf32>,
      %scan3A_398 = arith.constant 0 : i32
      scf.yield %scan3A_398 : i32
    }
    %scan3A_109 = arith.constant 64 : i32
    %scan3A_110 = arith.constant 0 : i32
    %scan3A_111 = arith.constant 0 : i32
    %scan3A_112 = arith.constant 4 : i32
    %scan3A_113 = arith.addi %scan3A_111, %scan3A_112 : i32
    %scan3A_114 = arith.constant 1 : i32
    %scan3A_115 = scf.for %scan3A_180 = %scan3A_111 to %scan3A_113 step %scan3A_114 iter_args(%scan3A_181 = %scan3A_110) -> (i32)  : i32 {
      %mul3A_182 = arith.constant 16 : i32
      %mul3A_183 = arith.muli %scan3A_180, %mul3A_182 : i32
      %add3A_184 = vector.broadcast %mul3A_183 : i32 to vector<16xi32>
      %add3A_185 = arith.addi %add3A_184, %iota3A : vector<16xi32>
      %mul3A_186 = arith.constant 16 : i32
      %mul3A_187 = vector.broadcast %mul3A_186 : i32 to vector<16xi32>
      %mul3A_188 = arith.muli %add3A_185, %mul3A_187 : vector<16xi32>
      %broadcast_in_dim3A = arith.constant 0.000000e+00 : f32
      %broadcast_in_dim3A_189 = vector.broadcast %broadcast_in_dim3A : f32 to vector<16xf32>
      %add3A_190 = arith.constant 0 : i32
      %add3A_191 = vector.broadcast %add3A_190 : i32 to vector<16xi32>
      %add3A_192 = arith.addi %mul3A_188, %add3A_191 : vector<16xi32>
      %gather3A = tpu.vector_load_idx %arg9[%add3A_192] : memref<1024xf32, #tpu.memory_space<vmem>>[vector<16xi32>], vector<16xf32>,
      %add3A_193 = arith.addf %broadcast_in_dim3A_189, %gather3A : vector<16xf32>
      %add3A_194 = arith.constant 1 : i32
      %add3A_195 = vector.broadcast %add3A_194 : i32 to vector<16xi32>
      %add3A_196 = arith.addi %mul3A_188, %add3A_195 : vector<16xi32>
      %gather3A_197 = tpu.vector_load_idx %arg9[%add3A_196] : memref<1024xf32, #tpu.memory_space<vmem>>[vector<16xi32>], vector<16xf32>,
      %add3A_198 = arith.addf %add3A_193, %gather3A_197 : vector<16xf32>
      %add3A_199 = arith.constant 2 : i32
      %add3A_200 = vector.broadcast %add3A_199 : i32 to vector<16xi32>
      %add3A_201 = arith.addi %mul3A_188, %add3A_200 : vector<16xi32>
      %gather3A_202 = tpu.vector_load_idx %arg9[%add3A_201] : memref<1024xf32, #tpu.memory_space<vmem>>[vector<16xi32>], vector<16xf32>,
      %add3A_203 = arith.addf %add3A_198, %gather3A_202 : vector<16xf32>
      %add3A_204 = arith.constant 3 : i32
      %add3A_205 = vector.broadcast %add3A_204 : i32 to vector<16xi32>
      %add3A_206 = arith.addi %mul3A_188, %add3A_205 : vector<16xi32>
      %gather3A_207 = tpu.vector_load_idx %arg9[%add3A_206] : memref<1024xf32, #tpu.memory_space<vmem>>[vector<16xi32>], vector<16xf32>,
      %add3A_208 = arith.addf %add3A_203, %gather3A_207 : vector<16xf32>
      %add3A_209 = arith.constant 4 : i32
      %add3A_210 = vector.broadcast %add3A_209 : i32 to vector<16xi32>
      %add3A_211 = arith.addi %mul3A_188, %add3A_210 : vector<16xi32>
      %gather3A_212 = tpu.vector_load_idx %arg9[%add3A_211] : memref<1024xf32, #tpu.memory_space<vmem>>[vector<16xi32>], vector<16xf32>,
      %add3A_213 = arith.addf %add3A_208, %gather3A_212 : vector<16xf32>
      %add3A_214 = arith.constant 5 : i32
      %add3A_215 = vector.broadcast %add3A_214 : i32 to vector<16xi32>
      %add3A_216 = arith.addi %mul3A_188, %add3A_215 : vector<16xi32>
      %gather3A_217 = tpu.vector_load_idx %arg9[%add3A_216] : memref<1024xf32, #tpu.memory_space<vmem>>[vector<16xi32>], vector<16xf32>,
      %add3A_218 = arith.addf %add3A_213, %gather3A_217 : vector<16xf32>
      %add3A_219 = arith.constant 6 : i32
      %add3A_220 = vector.broadcast %add3A_219 : i32 to vector<16xi32>
      %add3A_221 = arith.addi %mul3A_188, %add3A_220 : vector<16xi32>
      %gather3A_222 = tpu.vector_load_idx %arg9[%add3A_221] : memref<1024xf32, #tpu.memory_space<vmem>>[vector<16xi32>], vector<16xf32>,
      %add3A_223 = arith.addf %add3A_218, %gather3A_222 : vector<16xf32>
      %add3A_224 = arith.constant 7 : i32
      %add3A_225 = vector.broadcast %add3A_224 : i32 to vector<16xi32>
      %add3A_226 = arith.addi %mul3A_188, %add3A_225 : vector<16xi32>
      %gather3A_227 = tpu.vector_load_idx %arg9[%add3A_226] : memref<1024xf32, #tpu.memory_space<vmem>>[vector<16xi32>], vector<16xf32>,
      %add3A_228 = arith.addf %add3A_223, %gather3A_227 : vector<16xf32>
      %add3A_229 = arith.constant 8 : i32
      %add3A_230 = vector.broadcast %add3A_229 : i32 to vector<16xi32>
      %add3A_231 = arith.addi %mul3A_188, %add3A_230 : vector<16xi32>
      %gather3A_232 = tpu.vector_load_idx %arg9[%add3A_231] : memref<1024xf32, #tpu.memory_space<vmem>>[vector<16xi32>], vector<16xf32>,
      %add3A_233 = arith.addf %add3A_228, %gather3A_232 : vector<16xf32>
      %add3A_234 = arith.constant 9 : i32
      %add3A_235 = vector.broadcast %add3A_234 : i32 to vector<16xi32>
      %add3A_236 = arith.addi %mul3A_188, %add3A_235 : vector<16xi32>
      %gather3A_237 = tpu.vector_load_idx %arg9[%add3A_236] : memref<1024xf32, #tpu.memory_space<vmem>>[vector<16xi32>], vector<16xf32>,
      %add3A_238 = arith.addf %add3A_233, %gather3A_237 : vector<16xf32>
      %add3A_239 = arith.constant 10 : i32
      %add3A_240 = vector.broadcast %add3A_239 : i32 to vector<16xi32>
      %add3A_241 = arith.addi %mul3A_188, %add3A_240 : vector<16xi32>
      %gather3A_242 = tpu.vector_load_idx %arg9[%add3A_241] : memref<1024xf32, #tpu.memory_space<vmem>>[vector<16xi32>], vector<16xf32>,
      %add3A_243 = arith.addf %add3A_238, %gather3A_242 : vector<16xf32>
      %add3A_244 = arith.constant 11 : i32
      %add3A_245 = vector.broadcast %add3A_244 : i32 to vector<16xi32>
      %add3A_246 = arith.addi %mul3A_188, %add3A_245 : vector<16xi32>
      %gather3A_247 = tpu.vector_load_idx %arg9[%add3A_246] : memref<1024xf32, #tpu.memory_space<vmem>>[vector<16xi32>], vector<16xf32>,
      %add3A_248 = arith.addf %add3A_243, %gather3A_247 : vector<16xf32>
      %add3A_249 = arith.constant 12 : i32
      %add3A_250 = vector.broadcast %add3A_249 : i32 to vector<16xi32>
      %add3A_251 = arith.addi %mul3A_188, %add3A_250 : vector<16xi32>
      %gather3A_252 = tpu.vector_load_idx %arg9[%add3A_251] : memref<1024xf32, #tpu.memory_space<vmem>>[vector<16xi32>], vector<16xf32>,
      %add3A_253 = arith.addf %add3A_248, %gather3A_252 : vector<16xf32>
      %add3A_254 = arith.constant 13 : i32
      %add3A_255 = vector.broadcast %add3A_254 : i32 to vector<16xi32>
      %add3A_256 = arith.addi %mul3A_188, %add3A_255 : vector<16xi32>
      %gather3A_257 = tpu.vector_load_idx %arg9[%add3A_256] : memref<1024xf32, #tpu.memory_space<vmem>>[vector<16xi32>], vector<16xf32>,
      %add3A_258 = arith.addf %add3A_253, %gather3A_257 : vector<16xf32>
      %add3A_259 = arith.constant 14 : i32
      %add3A_260 = vector.broadcast %add3A_259 : i32 to vector<16xi32>
      %add3A_261 = arith.addi %mul3A_188, %add3A_260 : vector<16xi32>
      %gather3A_262 = tpu.vector_load_idx %arg9[%add3A_261] : memref<1024xf32, #tpu.memory_space<vmem>>[vector<16xi32>], vector<16xf32>,
      %add3A_263 = arith.addf %add3A_258, %gather3A_262 : vector<16xf32>
      %add3A_264 = arith.constant 15 : i32
      %add3A_265 = vector.broadcast %add3A_264 : i32 to vector<16xi32>
      %add3A_266 = arith.addi %mul3A_188, %add3A_265 : vector<16xi32>
      %gather3A_267 = tpu.vector_load_idx %arg9[%add3A_266] : memref<1024xf32, #tpu.memory_space<vmem>>[vector<16xi32>], vector<16xf32>,
      %add3A_268 = arith.addf %add3A_263, %gather3A_267 : vector<16xf32>
      %mul3A_269 = arith.constant 5.000000e-01 : f32
      %mul3A_270 = vector.broadcast %mul3A_269 : f32 to vector<16xf32>
      %mul3A_271 = arith.mulf %mul3A_270, %add3A_268 : vector<16xf32>
      %mul3A_272 = arith.constant 16 : i32
      %mul3A_273 = arith.muli %scan3A_180, %mul3A_272 : i32
      %add3A_274 = arith.constant 256 : i32
      %add3A_275 = arith.addi %add3A_274, %mul3A_273 : i32
      %swap3A = arith.index_cast %add3A_275 : i32 to index
      %swap3A_276 = tpu.vector_load %arg10[%swap3A] {strides = array<i32>} : memref<512xf32, #tpu.memory_space<vmem>>, vector<16xf32>,
      tpu.vector_store %arg10[%swap3A], %mul3A_271 {strides = array<i32>} : memref<512xf32, #tpu.memory_space<vmem>>, vector<16xf32>,
      %scan3A_277 = arith.constant 0 : i32
      scf.yield %scan3A_277 : i32
    }
    %scan3A_116 = arith.constant 4 : i32
    %add3A_117 = arith.constant 9984 : i32
    %add3A_118 = arith.addi %mul3A_4, %add3A_117 : i32
    "tpu.region"() ({
      %run_scoped3A = tpu.sem_alloc : memref<!tpu.dma_semaphore, #tpu.memory_space<semaphore_mem>>
      %dma_start3A_180 = tpu.memref_slice %arg2[%add3A_118] : memref<425984xi32, #tpu.memory_space<hbm>> -> memref<1664xi32, #tpu.memory_space<hbm>>
      %dma_start3A_181 = tpu.memref_slice %arg2[%add3A_118] : memref<425984xi32, #tpu.memory_space<hbm>> -> memref<1664xi32, #tpu.memory_space<hbm>>
      tpu.enqueue_dma source(%dma_start3A_181 : memref<1664xi32, #tpu.memory_space<hbm>>) target(%arg5 : memref<1664xi32, #tpu.memory_space<vmem>>) target_semaphore(%run_scoped3A : memref<!tpu.dma_semaphore, #tpu.memory_space<semaphore_mem>>)
      %dma_wait3A_182 = tpu.memref_slice %arg2[%add3A_118] : memref<425984xi32, #tpu.memory_space<hbm>> -> memref<1664xi32, #tpu.memory_space<hbm>>
      %dma_wait3A_183 = tpu.memref_slice %arg2[%add3A_118] : memref<425984xi32, #tpu.memory_space<hbm>> -> memref<1664xi32, #tpu.memory_space<hbm>>
      tpu.wait_dma2 semaphore(%run_scoped3A : memref<!tpu.dma_semaphore, #tpu.memory_space<semaphore_mem>>) src(%dma_wait3A_183 : memref<1664xi32, #tpu.memory_space<hbm>>) dst(%arg5 : memref<1664xi32, #tpu.memory_space<vmem>>)
      tpu.yield
    }) : () -> ()
    %dma_start3A_119 = arith.constant 0 : i32
    %dma_start3A_120 = arith.constant 0 : i32
    %dma_start3A_121 = tpu.memref_slice %arg3[%dma_start3A_119, %dma_start3A_120] : memref<1000012x16xf32, #tpu.memory_space<hbm>> -> memref<1000012x16xf32, #tpu.memory_space<hbm>>
    tpu.enqueue_indirect_dma source(%dma_start3A_121 : memref<1000012x16xf32, #tpu.memory_space<hbm>>) target(%arg7 : memref<1664x16xf32, #tpu.memory_space<vmem>>) offsets(%arg5 : memref<1664xi32, #tpu.memory_space<vmem>>) semaphore(%arg11 : memref<!tpu.dma_semaphore, #tpu.memory_space<semaphore_mem>>)
    %dma_wait3A_122 = arith.constant 0 : i32
    %dma_wait3A_123 = arith.constant 0 : i32
    %dma_wait3A_124 = tpu.memref_slice %arg3[%dma_wait3A_122, %dma_wait3A_123] : memref<1000012x16xf32, #tpu.memory_space<hbm>> -> memref<1000012x16xf32, #tpu.memory_space<hbm>>
    tpu.wait_indirect_dma semaphore(%arg12 : memref<!tpu.dma_semaphore, #tpu.memory_space<semaphore_mem>>) src(%dma_wait3A_124 : memref<1000012x16xf32, #tpu.memory_space<hbm>>) dst(%arg8 : memref<1664x16xf32, #tpu.memory_space<vmem>>)
    %scan3A_125 = arith.constant 0 : i32
    %scan3A_126 = arith.constant 0 : i32
    %scan3A_127 = arith.constant 64 : i32
    %scan3A_128 = arith.addi %scan3A_126, %scan3A_127 : i32
    %scan3A_129 = arith.constant 1 : i32
    %scan3A_130 = scf.for %scan3A_180 = %scan3A_126 to %scan3A_128 step %scan3A_129 iter_args(%scan3A_181 = %scan3A_125) -> (i32)  : i32 {
      %mul3A_182 = arith.constant 26 : i32
      %mul3A_183 = arith.muli %scan3A_180, %mul3A_182 : i32
      %broadcast_in_dim3A = arith.constant 0.000000e+00 : f32
      %broadcast_in_dim3A_184 = vector.broadcast %broadcast_in_dim3A : f32 to vector<16xf32>
      %broadcast_in_dim3A_185 = arith.constant 0.000000e+00 : f32
      %broadcast_in_dim3A_186 = vector.broadcast %broadcast_in_dim3A_185 : f32 to vector<16xf32>
      %add3A_187 = arith.constant 0 : i32
      %add3A_188 = arith.addi %mul3A_183, %add3A_187 : i32
      %get3A = arith.index_cast %add3A_188 : i32 to index
      %get3A_189 = arith.constant 0 : index
      %get3A_190 = tpu.vector_load %arg8[%get3A, %get3A_189] {strides = array<i32>} : memref<1664x16xf32, #tpu.memory_space<vmem>>, vector<16xf32>,
      %add3A_191 = arith.addf %broadcast_in_dim3A_184, %get3A_190 : vector<16xf32>
      %mul3A_192 = arith.mulf %get3A_190, %get3A_190 : vector<16xf32>
      %add3A_193 = arith.addf %broadcast_in_dim3A_186, %mul3A_192 : vector<16xf32>
      %add3A_194 = arith.constant 1 : i32
      %add3A_195 = arith.addi %mul3A_183, %add3A_194 : i32
      %get3A_196 = arith.index_cast %add3A_195 : i32 to index
      %get3A_197 = arith.constant 0 : index
      %get3A_198 = tpu.vector_load %arg8[%get3A_196, %get3A_197] {strides = array<i32>} : memref<1664x16xf32, #tpu.memory_space<vmem>>, vector<16xf32>,
      %add3A_199 = arith.addf %add3A_191, %get3A_198 : vector<16xf32>
      %mul3A_200 = arith.mulf %get3A_198, %get3A_198 : vector<16xf32>
      %add3A_201 = arith.addf %add3A_193, %mul3A_200 : vector<16xf32>
      %add3A_202 = arith.constant 2 : i32
      %add3A_203 = arith.addi %mul3A_183, %add3A_202 : i32
      %get3A_204 = arith.index_cast %add3A_203 : i32 to index
      %get3A_205 = arith.constant 0 : index
      %get3A_206 = tpu.vector_load %arg8[%get3A_204, %get3A_205] {strides = array<i32>} : memref<1664x16xf32, #tpu.memory_space<vmem>>, vector<16xf32>,
      %add3A_207 = arith.addf %add3A_199, %get3A_206 : vector<16xf32>
      %mul3A_208 = arith.mulf %get3A_206, %get3A_206 : vector<16xf32>
      %add3A_209 = arith.addf %add3A_201, %mul3A_208 : vector<16xf32>
      %add3A_210 = arith.constant 3 : i32
      %add3A_211 = arith.addi %mul3A_183, %add3A_210 : i32
      %get3A_212 = arith.index_cast %add3A_211 : i32 to index
      %get3A_213 = arith.constant 0 : index
      %get3A_214 = tpu.vector_load %arg8[%get3A_212, %get3A_213] {strides = array<i32>} : memref<1664x16xf32, #tpu.memory_space<vmem>>, vector<16xf32>,
      %add3A_215 = arith.addf %add3A_207, %get3A_214 : vector<16xf32>
      %mul3A_216 = arith.mulf %get3A_214, %get3A_214 : vector<16xf32>
      %add3A_217 = arith.addf %add3A_209, %mul3A_216 : vector<16xf32>
      %add3A_218 = arith.constant 4 : i32
      %add3A_219 = arith.addi %mul3A_183, %add3A_218 : i32
      %get3A_220 = arith.index_cast %add3A_219 : i32 to index
      %get3A_221 = arith.constant 0 : index
      %get3A_222 = tpu.vector_load %arg8[%get3A_220, %get3A_221] {strides = array<i32>} : memref<1664x16xf32, #tpu.memory_space<vmem>>, vector<16xf32>,
      %add3A_223 = arith.addf %add3A_215, %get3A_222 : vector<16xf32>
      %mul3A_224 = arith.mulf %get3A_222, %get3A_222 : vector<16xf32>
      %add3A_225 = arith.addf %add3A_217, %mul3A_224 : vector<16xf32>
      %add3A_226 = arith.constant 5 : i32
      %add3A_227 = arith.addi %mul3A_183, %add3A_226 : i32
      %get3A_228 = arith.index_cast %add3A_227 : i32 to index
      %get3A_229 = arith.constant 0 : index
      %get3A_230 = tpu.vector_load %arg8[%get3A_228, %get3A_229] {strides = array<i32>} : memref<1664x16xf32, #tpu.memory_space<vmem>>, vector<16xf32>,
      %add3A_231 = arith.addf %add3A_223, %get3A_230 : vector<16xf32>
      %mul3A_232 = arith.mulf %get3A_230, %get3A_230 : vector<16xf32>
      %add3A_233 = arith.addf %add3A_225, %mul3A_232 : vector<16xf32>
      %add3A_234 = arith.constant 6 : i32
      %add3A_235 = arith.addi %mul3A_183, %add3A_234 : i32
      %get3A_236 = arith.index_cast %add3A_235 : i32 to index
      %get3A_237 = arith.constant 0 : index
      %get3A_238 = tpu.vector_load %arg8[%get3A_236, %get3A_237] {strides = array<i32>} : memref<1664x16xf32, #tpu.memory_space<vmem>>, vector<16xf32>,
      %add3A_239 = arith.addf %add3A_231, %get3A_238 : vector<16xf32>
      %mul3A_240 = arith.mulf %get3A_238, %get3A_238 : vector<16xf32>
      %add3A_241 = arith.addf %add3A_233, %mul3A_240 : vector<16xf32>
      %add3A_242 = arith.constant 7 : i32
      %add3A_243 = arith.addi %mul3A_183, %add3A_242 : i32
      %get3A_244 = arith.index_cast %add3A_243 : i32 to index
      %get3A_245 = arith.constant 0 : index
      %get3A_246 = tpu.vector_load %arg8[%get3A_244, %get3A_245] {strides = array<i32>} : memref<1664x16xf32, #tpu.memory_space<vmem>>, vector<16xf32>,
      %add3A_247 = arith.addf %add3A_239, %get3A_246 : vector<16xf32>
      %mul3A_248 = arith.mulf %get3A_246, %get3A_246 : vector<16xf32>
      %add3A_249 = arith.addf %add3A_241, %mul3A_248 : vector<16xf32>
      %add3A_250 = arith.constant 8 : i32
      %add3A_251 = arith.addi %mul3A_183, %add3A_250 : i32
      %get3A_252 = arith.index_cast %add3A_251 : i32 to index
      %get3A_253 = arith.constant 0 : index
      %get3A_254 = tpu.vector_load %arg8[%get3A_252, %get3A_253] {strides = array<i32>} : memref<1664x16xf32, #tpu.memory_space<vmem>>, vector<16xf32>,
      %add3A_255 = arith.addf %add3A_247, %get3A_254 : vector<16xf32>
      %mul3A_256 = arith.mulf %get3A_254, %get3A_254 : vector<16xf32>
      %add3A_257 = arith.addf %add3A_249, %mul3A_256 : vector<16xf32>
      %add3A_258 = arith.constant 9 : i32
      %add3A_259 = arith.addi %mul3A_183, %add3A_258 : i32
      %get3A_260 = arith.index_cast %add3A_259 : i32 to index
      %get3A_261 = arith.constant 0 : index
      %get3A_262 = tpu.vector_load %arg8[%get3A_260, %get3A_261] {strides = array<i32>} : memref<1664x16xf32, #tpu.memory_space<vmem>>, vector<16xf32>,
      %add3A_263 = arith.addf %add3A_255, %get3A_262 : vector<16xf32>
      %mul3A_264 = arith.mulf %get3A_262, %get3A_262 : vector<16xf32>
      %add3A_265 = arith.addf %add3A_257, %mul3A_264 : vector<16xf32>
      %add3A_266 = arith.constant 10 : i32
      %add3A_267 = arith.addi %mul3A_183, %add3A_266 : i32
      %get3A_268 = arith.index_cast %add3A_267 : i32 to index
      %get3A_269 = arith.constant 0 : index
      %get3A_270 = tpu.vector_load %arg8[%get3A_268, %get3A_269] {strides = array<i32>} : memref<1664x16xf32, #tpu.memory_space<vmem>>, vector<16xf32>,
      %add3A_271 = arith.addf %add3A_263, %get3A_270 : vector<16xf32>
      %mul3A_272 = arith.mulf %get3A_270, %get3A_270 : vector<16xf32>
      %add3A_273 = arith.addf %add3A_265, %mul3A_272 : vector<16xf32>
      %add3A_274 = arith.constant 11 : i32
      %add3A_275 = arith.addi %mul3A_183, %add3A_274 : i32
      %get3A_276 = arith.index_cast %add3A_275 : i32 to index
      %get3A_277 = arith.constant 0 : index
      %get3A_278 = tpu.vector_load %arg8[%get3A_276, %get3A_277] {strides = array<i32>} : memref<1664x16xf32, #tpu.memory_space<vmem>>, vector<16xf32>,
      %add3A_279 = arith.addf %add3A_271, %get3A_278 : vector<16xf32>
      %mul3A_280 = arith.mulf %get3A_278, %get3A_278 : vector<16xf32>
      %add3A_281 = arith.addf %add3A_273, %mul3A_280 : vector<16xf32>
      %add3A_282 = arith.constant 12 : i32
      %add3A_283 = arith.addi %mul3A_183, %add3A_282 : i32
      %get3A_284 = arith.index_cast %add3A_283 : i32 to index
      %get3A_285 = arith.constant 0 : index
      %get3A_286 = tpu.vector_load %arg8[%get3A_284, %get3A_285] {strides = array<i32>} : memref<1664x16xf32, #tpu.memory_space<vmem>>, vector<16xf32>,
      %add3A_287 = arith.addf %add3A_279, %get3A_286 : vector<16xf32>
      %mul3A_288 = arith.mulf %get3A_286, %get3A_286 : vector<16xf32>
      %add3A_289 = arith.addf %add3A_281, %mul3A_288 : vector<16xf32>
      %add3A_290 = arith.constant 13 : i32
      %add3A_291 = arith.addi %mul3A_183, %add3A_290 : i32
      %get3A_292 = arith.index_cast %add3A_291 : i32 to index
      %get3A_293 = arith.constant 0 : index
      %get3A_294 = tpu.vector_load %arg8[%get3A_292, %get3A_293] {strides = array<i32>} : memref<1664x16xf32, #tpu.memory_space<vmem>>, vector<16xf32>,
      %add3A_295 = arith.addf %add3A_287, %get3A_294 : vector<16xf32>
      %mul3A_296 = arith.mulf %get3A_294, %get3A_294 : vector<16xf32>
      %add3A_297 = arith.addf %add3A_289, %mul3A_296 : vector<16xf32>
      %add3A_298 = arith.constant 14 : i32
      %add3A_299 = arith.addi %mul3A_183, %add3A_298 : i32
      %get3A_300 = arith.index_cast %add3A_299 : i32 to index
      %get3A_301 = arith.constant 0 : index
      %get3A_302 = tpu.vector_load %arg8[%get3A_300, %get3A_301] {strides = array<i32>} : memref<1664x16xf32, #tpu.memory_space<vmem>>, vector<16xf32>,
      %add3A_303 = arith.addf %add3A_295, %get3A_302 : vector<16xf32>
      %mul3A_304 = arith.mulf %get3A_302, %get3A_302 : vector<16xf32>
      %add3A_305 = arith.addf %add3A_297, %mul3A_304 : vector<16xf32>
      %add3A_306 = arith.constant 15 : i32
      %add3A_307 = arith.addi %mul3A_183, %add3A_306 : i32
      %get3A_308 = arith.index_cast %add3A_307 : i32 to index
      %get3A_309 = arith.constant 0 : index
      %get3A_310 = tpu.vector_load %arg8[%get3A_308, %get3A_309] {strides = array<i32>} : memref<1664x16xf32, #tpu.memory_space<vmem>>, vector<16xf32>,
      %add3A_311 = arith.addf %add3A_303, %get3A_310 : vector<16xf32>
      %mul3A_312 = arith.mulf %get3A_310, %get3A_310 : vector<16xf32>
      %add3A_313 = arith.addf %add3A_305, %mul3A_312 : vector<16xf32>
      %add3A_314 = arith.constant 16 : i32
      %add3A_315 = arith.addi %mul3A_183, %add3A_314 : i32
      %get3A_316 = arith.index_cast %add3A_315 : i32 to index
      %get3A_317 = arith.constant 0 : index
      %get3A_318 = tpu.vector_load %arg8[%get3A_316, %get3A_317] {strides = array<i32>} : memref<1664x16xf32, #tpu.memory_space<vmem>>, vector<16xf32>,
      %add3A_319 = arith.addf %add3A_311, %get3A_318 : vector<16xf32>
      %mul3A_320 = arith.mulf %get3A_318, %get3A_318 : vector<16xf32>
      %add3A_321 = arith.addf %add3A_313, %mul3A_320 : vector<16xf32>
      %add3A_322 = arith.constant 17 : i32
      %add3A_323 = arith.addi %mul3A_183, %add3A_322 : i32
      %get3A_324 = arith.index_cast %add3A_323 : i32 to index
      %get3A_325 = arith.constant 0 : index
      %get3A_326 = tpu.vector_load %arg8[%get3A_324, %get3A_325] {strides = array<i32>} : memref<1664x16xf32, #tpu.memory_space<vmem>>, vector<16xf32>,
      %add3A_327 = arith.addf %add3A_319, %get3A_326 : vector<16xf32>
      %mul3A_328 = arith.mulf %get3A_326, %get3A_326 : vector<16xf32>
      %add3A_329 = arith.addf %add3A_321, %mul3A_328 : vector<16xf32>
      %add3A_330 = arith.constant 18 : i32
      %add3A_331 = arith.addi %mul3A_183, %add3A_330 : i32
      %get3A_332 = arith.index_cast %add3A_331 : i32 to index
      %get3A_333 = arith.constant 0 : index
      %get3A_334 = tpu.vector_load %arg8[%get3A_332, %get3A_333] {strides = array<i32>} : memref<1664x16xf32, #tpu.memory_space<vmem>>, vector<16xf32>,
      %add3A_335 = arith.addf %add3A_327, %get3A_334 : vector<16xf32>
      %mul3A_336 = arith.mulf %get3A_334, %get3A_334 : vector<16xf32>
      %add3A_337 = arith.addf %add3A_329, %mul3A_336 : vector<16xf32>
      %add3A_338 = arith.constant 19 : i32
      %add3A_339 = arith.addi %mul3A_183, %add3A_338 : i32
      %get3A_340 = arith.index_cast %add3A_339 : i32 to index
      %get3A_341 = arith.constant 0 : index
      %get3A_342 = tpu.vector_load %arg8[%get3A_340, %get3A_341] {strides = array<i32>} : memref<1664x16xf32, #tpu.memory_space<vmem>>, vector<16xf32>,
      %add3A_343 = arith.addf %add3A_335, %get3A_342 : vector<16xf32>
      %mul3A_344 = arith.mulf %get3A_342, %get3A_342 : vector<16xf32>
      %add3A_345 = arith.addf %add3A_337, %mul3A_344 : vector<16xf32>
      %add3A_346 = arith.constant 20 : i32
      %add3A_347 = arith.addi %mul3A_183, %add3A_346 : i32
      %get3A_348 = arith.index_cast %add3A_347 : i32 to index
      %get3A_349 = arith.constant 0 : index
      %get3A_350 = tpu.vector_load %arg8[%get3A_348, %get3A_349] {strides = array<i32>} : memref<1664x16xf32, #tpu.memory_space<vmem>>, vector<16xf32>,
      %add3A_351 = arith.addf %add3A_343, %get3A_350 : vector<16xf32>
      %mul3A_352 = arith.mulf %get3A_350, %get3A_350 : vector<16xf32>
      %add3A_353 = arith.addf %add3A_345, %mul3A_352 : vector<16xf32>
      %add3A_354 = arith.constant 21 : i32
      %add3A_355 = arith.addi %mul3A_183, %add3A_354 : i32
      %get3A_356 = arith.index_cast %add3A_355 : i32 to index
      %get3A_357 = arith.constant 0 : index
      %get3A_358 = tpu.vector_load %arg8[%get3A_356, %get3A_357] {strides = array<i32>} : memref<1664x16xf32, #tpu.memory_space<vmem>>, vector<16xf32>,
      %add3A_359 = arith.addf %add3A_351, %get3A_358 : vector<16xf32>
      %mul3A_360 = arith.mulf %get3A_358, %get3A_358 : vector<16xf32>
      %add3A_361 = arith.addf %add3A_353, %mul3A_360 : vector<16xf32>
      %add3A_362 = arith.constant 22 : i32
      %add3A_363 = arith.addi %mul3A_183, %add3A_362 : i32
      %get3A_364 = arith.index_cast %add3A_363 : i32 to index
      %get3A_365 = arith.constant 0 : index
      %get3A_366 = tpu.vector_load %arg8[%get3A_364, %get3A_365] {strides = array<i32>} : memref<1664x16xf32, #tpu.memory_space<vmem>>, vector<16xf32>,
      %add3A_367 = arith.addf %add3A_359, %get3A_366 : vector<16xf32>
      %mul3A_368 = arith.mulf %get3A_366, %get3A_366 : vector<16xf32>
      %add3A_369 = arith.addf %add3A_361, %mul3A_368 : vector<16xf32>
      %add3A_370 = arith.constant 23 : i32
      %add3A_371 = arith.addi %mul3A_183, %add3A_370 : i32
      %get3A_372 = arith.index_cast %add3A_371 : i32 to index
      %get3A_373 = arith.constant 0 : index
      %get3A_374 = tpu.vector_load %arg8[%get3A_372, %get3A_373] {strides = array<i32>} : memref<1664x16xf32, #tpu.memory_space<vmem>>, vector<16xf32>,
      %add3A_375 = arith.addf %add3A_367, %get3A_374 : vector<16xf32>
      %mul3A_376 = arith.mulf %get3A_374, %get3A_374 : vector<16xf32>
      %add3A_377 = arith.addf %add3A_369, %mul3A_376 : vector<16xf32>
      %add3A_378 = arith.constant 24 : i32
      %add3A_379 = arith.addi %mul3A_183, %add3A_378 : i32
      %get3A_380 = arith.index_cast %add3A_379 : i32 to index
      %get3A_381 = arith.constant 0 : index
      %get3A_382 = tpu.vector_load %arg8[%get3A_380, %get3A_381] {strides = array<i32>} : memref<1664x16xf32, #tpu.memory_space<vmem>>, vector<16xf32>,
      %add3A_383 = arith.addf %add3A_375, %get3A_382 : vector<16xf32>
      %mul3A_384 = arith.mulf %get3A_382, %get3A_382 : vector<16xf32>
      %add3A_385 = arith.addf %add3A_377, %mul3A_384 : vector<16xf32>
      %add3A_386 = arith.constant 25 : i32
      %add3A_387 = arith.addi %mul3A_183, %add3A_386 : i32
      %get3A_388 = arith.index_cast %add3A_387 : i32 to index
      %get3A_389 = arith.constant 0 : index
      %get3A_390 = tpu.vector_load %arg8[%get3A_388, %get3A_389] {strides = array<i32>} : memref<1664x16xf32, #tpu.memory_space<vmem>>, vector<16xf32>,
      %add3A_391 = arith.addf %add3A_383, %get3A_390 : vector<16xf32>
      %mul3A_392 = arith.mulf %get3A_390, %get3A_390 : vector<16xf32>
      %add3A_393 = arith.addf %add3A_385, %mul3A_392 : vector<16xf32>
      %mul3A_394 = arith.mulf %add3A_391, %add3A_391 : vector<16xf32>
      %sub3A = arith.subf %mul3A_394, %add3A_393 : vector<16xf32>
      %mul3A_395 = arith.constant 16 : i32
      %mul3A_396 = arith.muli %scan3A_180, %mul3A_395 : i32
      %swap3A = arith.index_cast %mul3A_396 : i32 to index
      %swap3A_397 = tpu.vector_load %arg9[%swap3A] {strides = array<i32>} : memref<1024xf32, #tpu.memory_space<vmem>>, vector<16xf32>,
      tpu.vector_store %arg9[%swap3A], %sub3A {strides = array<i32>} : memref<1024xf32, #tpu.memory_space<vmem>>, vector<16xf32>,
      %scan3A_398 = arith.constant 0 : i32
      scf.yield %scan3A_398 : i32
    }
    %scan3A_131 = arith.constant 64 : i32
    %scan3A_132 = arith.constant 0 : i32
    %scan3A_133 = arith.constant 0 : i32
    %scan3A_134 = arith.constant 4 : i32
    %scan3A_135 = arith.addi %scan3A_133, %scan3A_134 : i32
    %scan3A_136 = arith.constant 1 : i32
    %scan3A_137 = scf.for %scan3A_180 = %scan3A_133 to %scan3A_135 step %scan3A_136 iter_args(%scan3A_181 = %scan3A_132) -> (i32)  : i32 {
      %mul3A_182 = arith.constant 16 : i32
      %mul3A_183 = arith.muli %scan3A_180, %mul3A_182 : i32
      %add3A_184 = vector.broadcast %mul3A_183 : i32 to vector<16xi32>
      %add3A_185 = arith.addi %add3A_184, %iota3A : vector<16xi32>
      %mul3A_186 = arith.constant 16 : i32
      %mul3A_187 = vector.broadcast %mul3A_186 : i32 to vector<16xi32>
      %mul3A_188 = arith.muli %add3A_185, %mul3A_187 : vector<16xi32>
      %broadcast_in_dim3A = arith.constant 0.000000e+00 : f32
      %broadcast_in_dim3A_189 = vector.broadcast %broadcast_in_dim3A : f32 to vector<16xf32>
      %add3A_190 = arith.constant 0 : i32
      %add3A_191 = vector.broadcast %add3A_190 : i32 to vector<16xi32>
      %add3A_192 = arith.addi %mul3A_188, %add3A_191 : vector<16xi32>
      %gather3A = tpu.vector_load_idx %arg9[%add3A_192] : memref<1024xf32, #tpu.memory_space<vmem>>[vector<16xi32>], vector<16xf32>,
      %add3A_193 = arith.addf %broadcast_in_dim3A_189, %gather3A : vector<16xf32>
      %add3A_194 = arith.constant 1 : i32
      %add3A_195 = vector.broadcast %add3A_194 : i32 to vector<16xi32>
      %add3A_196 = arith.addi %mul3A_188, %add3A_195 : vector<16xi32>
      %gather3A_197 = tpu.vector_load_idx %arg9[%add3A_196] : memref<1024xf32, #tpu.memory_space<vmem>>[vector<16xi32>], vector<16xf32>,
      %add3A_198 = arith.addf %add3A_193, %gather3A_197 : vector<16xf32>
      %add3A_199 = arith.constant 2 : i32
      %add3A_200 = vector.broadcast %add3A_199 : i32 to vector<16xi32>
      %add3A_201 = arith.addi %mul3A_188, %add3A_200 : vector<16xi32>
      %gather3A_202 = tpu.vector_load_idx %arg9[%add3A_201] : memref<1024xf32, #tpu.memory_space<vmem>>[vector<16xi32>], vector<16xf32>,
      %add3A_203 = arith.addf %add3A_198, %gather3A_202 : vector<16xf32>
      %add3A_204 = arith.constant 3 : i32
      %add3A_205 = vector.broadcast %add3A_204 : i32 to vector<16xi32>
      %add3A_206 = arith.addi %mul3A_188, %add3A_205 : vector<16xi32>
      %gather3A_207 = tpu.vector_load_idx %arg9[%add3A_206] : memref<1024xf32, #tpu.memory_space<vmem>>[vector<16xi32>], vector<16xf32>,
      %add3A_208 = arith.addf %add3A_203, %gather3A_207 : vector<16xf32>
      %add3A_209 = arith.constant 4 : i32
      %add3A_210 = vector.broadcast %add3A_209 : i32 to vector<16xi32>
      %add3A_211 = arith.addi %mul3A_188, %add3A_210 : vector<16xi32>
      %gather3A_212 = tpu.vector_load_idx %arg9[%add3A_211] : memref<1024xf32, #tpu.memory_space<vmem>>[vector<16xi32>], vector<16xf32>,
      %add3A_213 = arith.addf %add3A_208, %gather3A_212 : vector<16xf32>
      %add3A_214 = arith.constant 5 : i32
      %add3A_215 = vector.broadcast %add3A_214 : i32 to vector<16xi32>
      %add3A_216 = arith.addi %mul3A_188, %add3A_215 : vector<16xi32>
      %gather3A_217 = tpu.vector_load_idx %arg9[%add3A_216] : memref<1024xf32, #tpu.memory_space<vmem>>[vector<16xi32>], vector<16xf32>,
      %add3A_218 = arith.addf %add3A_213, %gather3A_217 : vector<16xf32>
      %add3A_219 = arith.constant 6 : i32
      %add3A_220 = vector.broadcast %add3A_219 : i32 to vector<16xi32>
      %add3A_221 = arith.addi %mul3A_188, %add3A_220 : vector<16xi32>
      %gather3A_222 = tpu.vector_load_idx %arg9[%add3A_221] : memref<1024xf32, #tpu.memory_space<vmem>>[vector<16xi32>], vector<16xf32>,
      %add3A_223 = arith.addf %add3A_218, %gather3A_222 : vector<16xf32>
      %add3A_224 = arith.constant 7 : i32
      %add3A_225 = vector.broadcast %add3A_224 : i32 to vector<16xi32>
      %add3A_226 = arith.addi %mul3A_188, %add3A_225 : vector<16xi32>
      %gather3A_227 = tpu.vector_load_idx %arg9[%add3A_226] : memref<1024xf32, #tpu.memory_space<vmem>>[vector<16xi32>], vector<16xf32>,
      %add3A_228 = arith.addf %add3A_223, %gather3A_227 : vector<16xf32>
      %add3A_229 = arith.constant 8 : i32
      %add3A_230 = vector.broadcast %add3A_229 : i32 to vector<16xi32>
      %add3A_231 = arith.addi %mul3A_188, %add3A_230 : vector<16xi32>
      %gather3A_232 = tpu.vector_load_idx %arg9[%add3A_231] : memref<1024xf32, #tpu.memory_space<vmem>>[vector<16xi32>], vector<16xf32>,
      %add3A_233 = arith.addf %add3A_228, %gather3A_232 : vector<16xf32>
      %add3A_234 = arith.constant 9 : i32
      %add3A_235 = vector.broadcast %add3A_234 : i32 to vector<16xi32>
      %add3A_236 = arith.addi %mul3A_188, %add3A_235 : vector<16xi32>
      %gather3A_237 = tpu.vector_load_idx %arg9[%add3A_236] : memref<1024xf32, #tpu.memory_space<vmem>>[vector<16xi32>], vector<16xf32>,
      %add3A_238 = arith.addf %add3A_233, %gather3A_237 : vector<16xf32>
      %add3A_239 = arith.constant 10 : i32
      %add3A_240 = vector.broadcast %add3A_239 : i32 to vector<16xi32>
      %add3A_241 = arith.addi %mul3A_188, %add3A_240 : vector<16xi32>
      %gather3A_242 = tpu.vector_load_idx %arg9[%add3A_241] : memref<1024xf32, #tpu.memory_space<vmem>>[vector<16xi32>], vector<16xf32>,
      %add3A_243 = arith.addf %add3A_238, %gather3A_242 : vector<16xf32>
      %add3A_244 = arith.constant 11 : i32
      %add3A_245 = vector.broadcast %add3A_244 : i32 to vector<16xi32>
      %add3A_246 = arith.addi %mul3A_188, %add3A_245 : vector<16xi32>
      %gather3A_247 = tpu.vector_load_idx %arg9[%add3A_246] : memref<1024xf32, #tpu.memory_space<vmem>>[vector<16xi32>], vector<16xf32>,
      %add3A_248 = arith.addf %add3A_243, %gather3A_247 : vector<16xf32>
      %add3A_249 = arith.constant 12 : i32
      %add3A_250 = vector.broadcast %add3A_249 : i32 to vector<16xi32>
      %add3A_251 = arith.addi %mul3A_188, %add3A_250 : vector<16xi32>
      %gather3A_252 = tpu.vector_load_idx %arg9[%add3A_251] : memref<1024xf32, #tpu.memory_space<vmem>>[vector<16xi32>], vector<16xf32>,
      %add3A_253 = arith.addf %add3A_248, %gather3A_252 : vector<16xf32>
      %add3A_254 = arith.constant 13 : i32
      %add3A_255 = vector.broadcast %add3A_254 : i32 to vector<16xi32>
      %add3A_256 = arith.addi %mul3A_188, %add3A_255 : vector<16xi32>
      %gather3A_257 = tpu.vector_load_idx %arg9[%add3A_256] : memref<1024xf32, #tpu.memory_space<vmem>>[vector<16xi32>], vector<16xf32>,
      %add3A_258 = arith.addf %add3A_253, %gather3A_257 : vector<16xf32>
      %add3A_259 = arith.constant 14 : i32
      %add3A_260 = vector.broadcast %add3A_259 : i32 to vector<16xi32>
      %add3A_261 = arith.addi %mul3A_188, %add3A_260 : vector<16xi32>
      %gather3A_262 = tpu.vector_load_idx %arg9[%add3A_261] : memref<1024xf32, #tpu.memory_space<vmem>>[vector<16xi32>], vector<16xf32>,
      %add3A_263 = arith.addf %add3A_258, %gather3A_262 : vector<16xf32>
      %add3A_264 = arith.constant 15 : i32
      %add3A_265 = vector.broadcast %add3A_264 : i32 to vector<16xi32>
      %add3A_266 = arith.addi %mul3A_188, %add3A_265 : vector<16xi32>
      %gather3A_267 = tpu.vector_load_idx %arg9[%add3A_266] : memref<1024xf32, #tpu.memory_space<vmem>>[vector<16xi32>], vector<16xf32>,
      %add3A_268 = arith.addf %add3A_263, %gather3A_267 : vector<16xf32>
      %mul3A_269 = arith.constant 5.000000e-01 : f32
      %mul3A_270 = vector.broadcast %mul3A_269 : f32 to vector<16xf32>
      %mul3A_271 = arith.mulf %mul3A_270, %add3A_268 : vector<16xf32>
      %mul3A_272 = arith.constant 16 : i32
      %mul3A_273 = arith.muli %scan3A_180, %mul3A_272 : i32
      %add3A_274 = arith.constant 320 : i32
      %add3A_275 = arith.addi %add3A_274, %mul3A_273 : i32
      %swap3A = arith.index_cast %add3A_275 : i32 to index
      %swap3A_276 = tpu.vector_load %arg10[%swap3A] {strides = array<i32>} : memref<512xf32, #tpu.memory_space<vmem>>, vector<16xf32>,
      tpu.vector_store %arg10[%swap3A], %mul3A_271 {strides = array<i32>} : memref<512xf32, #tpu.memory_space<vmem>>, vector<16xf32>,
      %scan3A_277 = arith.constant 0 : i32
      scf.yield %scan3A_277 : i32
    }
    %scan3A_138 = arith.constant 4 : i32
    %add3A_139 = arith.constant 11648 : i32
    %add3A_140 = arith.addi %mul3A_4, %add3A_139 : i32
    "tpu.region"() ({
      %run_scoped3A = tpu.sem_alloc : memref<!tpu.dma_semaphore, #tpu.memory_space<semaphore_mem>>
      %dma_start3A_180 = tpu.memref_slice %arg2[%add3A_140] : memref<425984xi32, #tpu.memory_space<hbm>> -> memref<1664xi32, #tpu.memory_space<hbm>>
      %dma_start3A_181 = tpu.memref_slice %arg2[%add3A_140] : memref<425984xi32, #tpu.memory_space<hbm>> -> memref<1664xi32, #tpu.memory_space<hbm>>
      tpu.enqueue_dma source(%dma_start3A_181 : memref<1664xi32, #tpu.memory_space<hbm>>) target(%arg6 : memref<1664xi32, #tpu.memory_space<vmem>>) target_semaphore(%run_scoped3A : memref<!tpu.dma_semaphore, #tpu.memory_space<semaphore_mem>>)
      %dma_wait3A_182 = tpu.memref_slice %arg2[%add3A_140] : memref<425984xi32, #tpu.memory_space<hbm>> -> memref<1664xi32, #tpu.memory_space<hbm>>
      %dma_wait3A_183 = tpu.memref_slice %arg2[%add3A_140] : memref<425984xi32, #tpu.memory_space<hbm>> -> memref<1664xi32, #tpu.memory_space<hbm>>
      tpu.wait_dma2 semaphore(%run_scoped3A : memref<!tpu.dma_semaphore, #tpu.memory_space<semaphore_mem>>) src(%dma_wait3A_183 : memref<1664xi32, #tpu.memory_space<hbm>>) dst(%arg6 : memref<1664xi32, #tpu.memory_space<vmem>>)
      tpu.yield
    }) : () -> ()
    %dma_start3A_141 = arith.constant 0 : i32
    %dma_start3A_142 = arith.constant 0 : i32
    %dma_start3A_143 = tpu.memref_slice %arg3[%dma_start3A_141, %dma_start3A_142] : memref<1000012x16xf32, #tpu.memory_space<hbm>> -> memref<1000012x16xf32, #tpu.memory_space<hbm>>
    tpu.enqueue_indirect_dma source(%dma_start3A_143 : memref<1000012x16xf32, #tpu.memory_space<hbm>>) target(%arg8 : memref<1664x16xf32, #tpu.memory_space<vmem>>) offsets(%arg6 : memref<1664xi32, #tpu.memory_space<vmem>>) semaphore(%arg12 : memref<!tpu.dma_semaphore, #tpu.memory_space<semaphore_mem>>)
    %dma_wait3A_144 = arith.constant 0 : i32
    %dma_wait3A_145 = arith.constant 0 : i32
    %dma_wait3A_146 = tpu.memref_slice %arg3[%dma_wait3A_144, %dma_wait3A_145] : memref<1000012x16xf32, #tpu.memory_space<hbm>> -> memref<1000012x16xf32, #tpu.memory_space<hbm>>
    tpu.wait_indirect_dma semaphore(%arg11 : memref<!tpu.dma_semaphore, #tpu.memory_space<semaphore_mem>>) src(%dma_wait3A_146 : memref<1000012x16xf32, #tpu.memory_space<hbm>>) dst(%arg7 : memref<1664x16xf32, #tpu.memory_space<vmem>>)
    %scan3A_147 = arith.constant 0 : i32
    %scan3A_148 = arith.constant 0 : i32
    %scan3A_149 = arith.constant 64 : i32
    %scan3A_150 = arith.addi %scan3A_148, %scan3A_149 : i32
    %scan3A_151 = arith.constant 1 : i32
    %scan3A_152 = scf.for %scan3A_180 = %scan3A_148 to %scan3A_150 step %scan3A_151 iter_args(%scan3A_181 = %scan3A_147) -> (i32)  : i32 {
      %mul3A_182 = arith.constant 26 : i32
      %mul3A_183 = arith.muli %scan3A_180, %mul3A_182 : i32
      %broadcast_in_dim3A = arith.constant 0.000000e+00 : f32
      %broadcast_in_dim3A_184 = vector.broadcast %broadcast_in_dim3A : f32 to vector<16xf32>
      %broadcast_in_dim3A_185 = arith.constant 0.000000e+00 : f32
      %broadcast_in_dim3A_186 = vector.broadcast %broadcast_in_dim3A_185 : f32 to vector<16xf32>
      %add3A_187 = arith.constant 0 : i32
      %add3A_188 = arith.addi %mul3A_183, %add3A_187 : i32
      %get3A = arith.index_cast %add3A_188 : i32 to index
      %get3A_189 = arith.constant 0 : index
      %get3A_190 = tpu.vector_load %arg7[%get3A, %get3A_189] {strides = array<i32>} : memref<1664x16xf32, #tpu.memory_space<vmem>>, vector<16xf32>,
      %add3A_191 = arith.addf %broadcast_in_dim3A_184, %get3A_190 : vector<16xf32>
      %mul3A_192 = arith.mulf %get3A_190, %get3A_190 : vector<16xf32>
      %add3A_193 = arith.addf %broadcast_in_dim3A_186, %mul3A_192 : vector<16xf32>
      %add3A_194 = arith.constant 1 : i32
      %add3A_195 = arith.addi %mul3A_183, %add3A_194 : i32
      %get3A_196 = arith.index_cast %add3A_195 : i32 to index
      %get3A_197 = arith.constant 0 : index
      %get3A_198 = tpu.vector_load %arg7[%get3A_196, %get3A_197] {strides = array<i32>} : memref<1664x16xf32, #tpu.memory_space<vmem>>, vector<16xf32>,
      %add3A_199 = arith.addf %add3A_191, %get3A_198 : vector<16xf32>
      %mul3A_200 = arith.mulf %get3A_198, %get3A_198 : vector<16xf32>
      %add3A_201 = arith.addf %add3A_193, %mul3A_200 : vector<16xf32>
      %add3A_202 = arith.constant 2 : i32
      %add3A_203 = arith.addi %mul3A_183, %add3A_202 : i32
      %get3A_204 = arith.index_cast %add3A_203 : i32 to index
      %get3A_205 = arith.constant 0 : index
      %get3A_206 = tpu.vector_load %arg7[%get3A_204, %get3A_205] {strides = array<i32>} : memref<1664x16xf32, #tpu.memory_space<vmem>>, vector<16xf32>,
      %add3A_207 = arith.addf %add3A_199, %get3A_206 : vector<16xf32>
      %mul3A_208 = arith.mulf %get3A_206, %get3A_206 : vector<16xf32>
      %add3A_209 = arith.addf %add3A_201, %mul3A_208 : vector<16xf32>
      %add3A_210 = arith.constant 3 : i32
      %add3A_211 = arith.addi %mul3A_183, %add3A_210 : i32
      %get3A_212 = arith.index_cast %add3A_211 : i32 to index
      %get3A_213 = arith.constant 0 : index
      %get3A_214 = tpu.vector_load %arg7[%get3A_212, %get3A_213] {strides = array<i32>} : memref<1664x16xf32, #tpu.memory_space<vmem>>, vector<16xf32>,
      %add3A_215 = arith.addf %add3A_207, %get3A_214 : vector<16xf32>
      %mul3A_216 = arith.mulf %get3A_214, %get3A_214 : vector<16xf32>
      %add3A_217 = arith.addf %add3A_209, %mul3A_216 : vector<16xf32>
      %add3A_218 = arith.constant 4 : i32
      %add3A_219 = arith.addi %mul3A_183, %add3A_218 : i32
      %get3A_220 = arith.index_cast %add3A_219 : i32 to index
      %get3A_221 = arith.constant 0 : index
      %get3A_222 = tpu.vector_load %arg7[%get3A_220, %get3A_221] {strides = array<i32>} : memref<1664x16xf32, #tpu.memory_space<vmem>>, vector<16xf32>,
      %add3A_223 = arith.addf %add3A_215, %get3A_222 : vector<16xf32>
      %mul3A_224 = arith.mulf %get3A_222, %get3A_222 : vector<16xf32>
      %add3A_225 = arith.addf %add3A_217, %mul3A_224 : vector<16xf32>
      %add3A_226 = arith.constant 5 : i32
      %add3A_227 = arith.addi %mul3A_183, %add3A_226 : i32
      %get3A_228 = arith.index_cast %add3A_227 : i32 to index
      %get3A_229 = arith.constant 0 : index
      %get3A_230 = tpu.vector_load %arg7[%get3A_228, %get3A_229] {strides = array<i32>} : memref<1664x16xf32, #tpu.memory_space<vmem>>, vector<16xf32>,
      %add3A_231 = arith.addf %add3A_223, %get3A_230 : vector<16xf32>
      %mul3A_232 = arith.mulf %get3A_230, %get3A_230 : vector<16xf32>
      %add3A_233 = arith.addf %add3A_225, %mul3A_232 : vector<16xf32>
      %add3A_234 = arith.constant 6 : i32
      %add3A_235 = arith.addi %mul3A_183, %add3A_234 : i32
      %get3A_236 = arith.index_cast %add3A_235 : i32 to index
      %get3A_237 = arith.constant 0 : index
      %get3A_238 = tpu.vector_load %arg7[%get3A_236, %get3A_237] {strides = array<i32>} : memref<1664x16xf32, #tpu.memory_space<vmem>>, vector<16xf32>,
      %add3A_239 = arith.addf %add3A_231, %get3A_238 : vector<16xf32>
      %mul3A_240 = arith.mulf %get3A_238, %get3A_238 : vector<16xf32>
      %add3A_241 = arith.addf %add3A_233, %mul3A_240 : vector<16xf32>
      %add3A_242 = arith.constant 7 : i32
      %add3A_243 = arith.addi %mul3A_183, %add3A_242 : i32
      %get3A_244 = arith.index_cast %add3A_243 : i32 to index
      %get3A_245 = arith.constant 0 : index
      %get3A_246 = tpu.vector_load %arg7[%get3A_244, %get3A_245] {strides = array<i32>} : memref<1664x16xf32, #tpu.memory_space<vmem>>, vector<16xf32>,
      %add3A_247 = arith.addf %add3A_239, %get3A_246 : vector<16xf32>
      %mul3A_248 = arith.mulf %get3A_246, %get3A_246 : vector<16xf32>
      %add3A_249 = arith.addf %add3A_241, %mul3A_248 : vector<16xf32>
      %add3A_250 = arith.constant 8 : i32
      %add3A_251 = arith.addi %mul3A_183, %add3A_250 : i32
      %get3A_252 = arith.index_cast %add3A_251 : i32 to index
      %get3A_253 = arith.constant 0 : index
      %get3A_254 = tpu.vector_load %arg7[%get3A_252, %get3A_253] {strides = array<i32>} : memref<1664x16xf32, #tpu.memory_space<vmem>>, vector<16xf32>,
      %add3A_255 = arith.addf %add3A_247, %get3A_254 : vector<16xf32>
      %mul3A_256 = arith.mulf %get3A_254, %get3A_254 : vector<16xf32>
      %add3A_257 = arith.addf %add3A_249, %mul3A_256 : vector<16xf32>
      %add3A_258 = arith.constant 9 : i32
      %add3A_259 = arith.addi %mul3A_183, %add3A_258 : i32
      %get3A_260 = arith.index_cast %add3A_259 : i32 to index
      %get3A_261 = arith.constant 0 : index
      %get3A_262 = tpu.vector_load %arg7[%get3A_260, %get3A_261] {strides = array<i32>} : memref<1664x16xf32, #tpu.memory_space<vmem>>, vector<16xf32>,
      %add3A_263 = arith.addf %add3A_255, %get3A_262 : vector<16xf32>
      %mul3A_264 = arith.mulf %get3A_262, %get3A_262 : vector<16xf32>
      %add3A_265 = arith.addf %add3A_257, %mul3A_264 : vector<16xf32>
      %add3A_266 = arith.constant 10 : i32
      %add3A_267 = arith.addi %mul3A_183, %add3A_266 : i32
      %get3A_268 = arith.index_cast %add3A_267 : i32 to index
      %get3A_269 = arith.constant 0 : index
      %get3A_270 = tpu.vector_load %arg7[%get3A_268, %get3A_269] {strides = array<i32>} : memref<1664x16xf32, #tpu.memory_space<vmem>>, vector<16xf32>,
      %add3A_271 = arith.addf %add3A_263, %get3A_270 : vector<16xf32>
      %mul3A_272 = arith.mulf %get3A_270, %get3A_270 : vector<16xf32>
      %add3A_273 = arith.addf %add3A_265, %mul3A_272 : vector<16xf32>
      %add3A_274 = arith.constant 11 : i32
      %add3A_275 = arith.addi %mul3A_183, %add3A_274 : i32
      %get3A_276 = arith.index_cast %add3A_275 : i32 to index
      %get3A_277 = arith.constant 0 : index
      %get3A_278 = tpu.vector_load %arg7[%get3A_276, %get3A_277] {strides = array<i32>} : memref<1664x16xf32, #tpu.memory_space<vmem>>, vector<16xf32>,
      %add3A_279 = arith.addf %add3A_271, %get3A_278 : vector<16xf32>
      %mul3A_280 = arith.mulf %get3A_278, %get3A_278 : vector<16xf32>
      %add3A_281 = arith.addf %add3A_273, %mul3A_280 : vector<16xf32>
      %add3A_282 = arith.constant 12 : i32
      %add3A_283 = arith.addi %mul3A_183, %add3A_282 : i32
      %get3A_284 = arith.index_cast %add3A_283 : i32 to index
      %get3A_285 = arith.constant 0 : index
      %get3A_286 = tpu.vector_load %arg7[%get3A_284, %get3A_285] {strides = array<i32>} : memref<1664x16xf32, #tpu.memory_space<vmem>>, vector<16xf32>,
      %add3A_287 = arith.addf %add3A_279, %get3A_286 : vector<16xf32>
      %mul3A_288 = arith.mulf %get3A_286, %get3A_286 : vector<16xf32>
      %add3A_289 = arith.addf %add3A_281, %mul3A_288 : vector<16xf32>
      %add3A_290 = arith.constant 13 : i32
      %add3A_291 = arith.addi %mul3A_183, %add3A_290 : i32
      %get3A_292 = arith.index_cast %add3A_291 : i32 to index
      %get3A_293 = arith.constant 0 : index
      %get3A_294 = tpu.vector_load %arg7[%get3A_292, %get3A_293] {strides = array<i32>} : memref<1664x16xf32, #tpu.memory_space<vmem>>, vector<16xf32>,
      %add3A_295 = arith.addf %add3A_287, %get3A_294 : vector<16xf32>
      %mul3A_296 = arith.mulf %get3A_294, %get3A_294 : vector<16xf32>
      %add3A_297 = arith.addf %add3A_289, %mul3A_296 : vector<16xf32>
      %add3A_298 = arith.constant 14 : i32
      %add3A_299 = arith.addi %mul3A_183, %add3A_298 : i32
      %get3A_300 = arith.index_cast %add3A_299 : i32 to index
      %get3A_301 = arith.constant 0 : index
      %get3A_302 = tpu.vector_load %arg7[%get3A_300, %get3A_301] {strides = array<i32>} : memref<1664x16xf32, #tpu.memory_space<vmem>>, vector<16xf32>,
      %add3A_303 = arith.addf %add3A_295, %get3A_302 : vector<16xf32>
      %mul3A_304 = arith.mulf %get3A_302, %get3A_302 : vector<16xf32>
      %add3A_305 = arith.addf %add3A_297, %mul3A_304 : vector<16xf32>
      %add3A_306 = arith.constant 15 : i32
      %add3A_307 = arith.addi %mul3A_183, %add3A_306 : i32
      %get3A_308 = arith.index_cast %add3A_307 : i32 to index
      %get3A_309 = arith.constant 0 : index
      %get3A_310 = tpu.vector_load %arg7[%get3A_308, %get3A_309] {strides = array<i32>} : memref<1664x16xf32, #tpu.memory_space<vmem>>, vector<16xf32>,
      %add3A_311 = arith.addf %add3A_303, %get3A_310 : vector<16xf32>
      %mul3A_312 = arith.mulf %get3A_310, %get3A_310 : vector<16xf32>
      %add3A_313 = arith.addf %add3A_305, %mul3A_312 : vector<16xf32>
      %add3A_314 = arith.constant 16 : i32
      %add3A_315 = arith.addi %mul3A_183, %add3A_314 : i32
      %get3A_316 = arith.index_cast %add3A_315 : i32 to index
      %get3A_317 = arith.constant 0 : index
      %get3A_318 = tpu.vector_load %arg7[%get3A_316, %get3A_317] {strides = array<i32>} : memref<1664x16xf32, #tpu.memory_space<vmem>>, vector<16xf32>,
      %add3A_319 = arith.addf %add3A_311, %get3A_318 : vector<16xf32>
      %mul3A_320 = arith.mulf %get3A_318, %get3A_318 : vector<16xf32>
      %add3A_321 = arith.addf %add3A_313, %mul3A_320 : vector<16xf32>
      %add3A_322 = arith.constant 17 : i32
      %add3A_323 = arith.addi %mul3A_183, %add3A_322 : i32
      %get3A_324 = arith.index_cast %add3A_323 : i32 to index
      %get3A_325 = arith.constant 0 : index
      %get3A_326 = tpu.vector_load %arg7[%get3A_324, %get3A_325] {strides = array<i32>} : memref<1664x16xf32, #tpu.memory_space<vmem>>, vector<16xf32>,
      %add3A_327 = arith.addf %add3A_319, %get3A_326 : vector<16xf32>
      %mul3A_328 = arith.mulf %get3A_326, %get3A_326 : vector<16xf32>
      %add3A_329 = arith.addf %add3A_321, %mul3A_328 : vector<16xf32>
      %add3A_330 = arith.constant 18 : i32
      %add3A_331 = arith.addi %mul3A_183, %add3A_330 : i32
      %get3A_332 = arith.index_cast %add3A_331 : i32 to index
      %get3A_333 = arith.constant 0 : index
      %get3A_334 = tpu.vector_load %arg7[%get3A_332, %get3A_333] {strides = array<i32>} : memref<1664x16xf32, #tpu.memory_space<vmem>>, vector<16xf32>,
      %add3A_335 = arith.addf %add3A_327, %get3A_334 : vector<16xf32>
      %mul3A_336 = arith.mulf %get3A_334, %get3A_334 : vector<16xf32>
      %add3A_337 = arith.addf %add3A_329, %mul3A_336 : vector<16xf32>
      %add3A_338 = arith.constant 19 : i32
      %add3A_339 = arith.addi %mul3A_183, %add3A_338 : i32
      %get3A_340 = arith.index_cast %add3A_339 : i32 to index
      %get3A_341 = arith.constant 0 : index
      %get3A_342 = tpu.vector_load %arg7[%get3A_340, %get3A_341] {strides = array<i32>} : memref<1664x16xf32, #tpu.memory_space<vmem>>, vector<16xf32>,
      %add3A_343 = arith.addf %add3A_335, %get3A_342 : vector<16xf32>
      %mul3A_344 = arith.mulf %get3A_342, %get3A_342 : vector<16xf32>
      %add3A_345 = arith.addf %add3A_337, %mul3A_344 : vector<16xf32>
      %add3A_346 = arith.constant 20 : i32
      %add3A_347 = arith.addi %mul3A_183, %add3A_346 : i32
      %get3A_348 = arith.index_cast %add3A_347 : i32 to index
      %get3A_349 = arith.constant 0 : index
      %get3A_350 = tpu.vector_load %arg7[%get3A_348, %get3A_349] {strides = array<i32>} : memref<1664x16xf32, #tpu.memory_space<vmem>>, vector<16xf32>,
      %add3A_351 = arith.addf %add3A_343, %get3A_350 : vector<16xf32>
      %mul3A_352 = arith.mulf %get3A_350, %get3A_350 : vector<16xf32>
      %add3A_353 = arith.addf %add3A_345, %mul3A_352 : vector<16xf32>
      %add3A_354 = arith.constant 21 : i32
      %add3A_355 = arith.addi %mul3A_183, %add3A_354 : i32
      %get3A_356 = arith.index_cast %add3A_355 : i32 to index
      %get3A_357 = arith.constant 0 : index
      %get3A_358 = tpu.vector_load %arg7[%get3A_356, %get3A_357] {strides = array<i32>} : memref<1664x16xf32, #tpu.memory_space<vmem>>, vector<16xf32>,
      %add3A_359 = arith.addf %add3A_351, %get3A_358 : vector<16xf32>
      %mul3A_360 = arith.mulf %get3A_358, %get3A_358 : vector<16xf32>
      %add3A_361 = arith.addf %add3A_353, %mul3A_360 : vector<16xf32>
      %add3A_362 = arith.constant 22 : i32
      %add3A_363 = arith.addi %mul3A_183, %add3A_362 : i32
      %get3A_364 = arith.index_cast %add3A_363 : i32 to index
      %get3A_365 = arith.constant 0 : index
      %get3A_366 = tpu.vector_load %arg7[%get3A_364, %get3A_365] {strides = array<i32>} : memref<1664x16xf32, #tpu.memory_space<vmem>>, vector<16xf32>,
      %add3A_367 = arith.addf %add3A_359, %get3A_366 : vector<16xf32>
      %mul3A_368 = arith.mulf %get3A_366, %get3A_366 : vector<16xf32>
      %add3A_369 = arith.addf %add3A_361, %mul3A_368 : vector<16xf32>
      %add3A_370 = arith.constant 23 : i32
      %add3A_371 = arith.addi %mul3A_183, %add3A_370 : i32
      %get3A_372 = arith.index_cast %add3A_371 : i32 to index
      %get3A_373 = arith.constant 0 : index
      %get3A_374 = tpu.vector_load %arg7[%get3A_372, %get3A_373] {strides = array<i32>} : memref<1664x16xf32, #tpu.memory_space<vmem>>, vector<16xf32>,
      %add3A_375 = arith.addf %add3A_367, %get3A_374 : vector<16xf32>
      %mul3A_376 = arith.mulf %get3A_374, %get3A_374 : vector<16xf32>
      %add3A_377 = arith.addf %add3A_369, %mul3A_376 : vector<16xf32>
      %add3A_378 = arith.constant 24 : i32
      %add3A_379 = arith.addi %mul3A_183, %add3A_378 : i32
      %get3A_380 = arith.index_cast %add3A_379 : i32 to index
      %get3A_381 = arith.constant 0 : index
      %get3A_382 = tpu.vector_load %arg7[%get3A_380, %get3A_381] {strides = array<i32>} : memref<1664x16xf32, #tpu.memory_space<vmem>>, vector<16xf32>,
      %add3A_383 = arith.addf %add3A_375, %get3A_382 : vector<16xf32>
      %mul3A_384 = arith.mulf %get3A_382, %get3A_382 : vector<16xf32>
      %add3A_385 = arith.addf %add3A_377, %mul3A_384 : vector<16xf32>
      %add3A_386 = arith.constant 25 : i32
      %add3A_387 = arith.addi %mul3A_183, %add3A_386 : i32
      %get3A_388 = arith.index_cast %add3A_387 : i32 to index
      %get3A_389 = arith.constant 0 : index
      %get3A_390 = tpu.vector_load %arg7[%get3A_388, %get3A_389] {strides = array<i32>} : memref<1664x16xf32, #tpu.memory_space<vmem>>, vector<16xf32>,
      %add3A_391 = arith.addf %add3A_383, %get3A_390 : vector<16xf32>
      %mul3A_392 = arith.mulf %get3A_390, %get3A_390 : vector<16xf32>
      %add3A_393 = arith.addf %add3A_385, %mul3A_392 : vector<16xf32>
      %mul3A_394 = arith.mulf %add3A_391, %add3A_391 : vector<16xf32>
      %sub3A = arith.subf %mul3A_394, %add3A_393 : vector<16xf32>
      %mul3A_395 = arith.constant 16 : i32
      %mul3A_396 = arith.muli %scan3A_180, %mul3A_395 : i32
      %swap3A = arith.index_cast %mul3A_396 : i32 to index
      %swap3A_397 = tpu.vector_load %arg9[%swap3A] {strides = array<i32>} : memref<1024xf32, #tpu.memory_space<vmem>>, vector<16xf32>,
      tpu.vector_store %arg9[%swap3A], %sub3A {strides = array<i32>} : memref<1024xf32, #tpu.memory_space<vmem>>, vector<16xf32>,
      %scan3A_398 = arith.constant 0 : i32
      scf.yield %scan3A_398 : i32
    }
    %scan3A_153 = arith.constant 64 : i32
    %scan3A_154 = arith.constant 0 : i32
    %scan3A_155 = arith.constant 0 : i32
    %scan3A_156 = arith.constant 4 : i32
    %scan3A_157 = arith.addi %scan3A_155, %scan3A_156 : i32
    %scan3A_158 = arith.constant 1 : i32
    %scan3A_159 = scf.for %scan3A_180 = %scan3A_155 to %scan3A_157 step %scan3A_158 iter_args(%scan3A_181 = %scan3A_154) -> (i32)  : i32 {
      %mul3A_182 = arith.constant 16 : i32
      %mul3A_183 = arith.muli %scan3A_180, %mul3A_182 : i32
      %add3A_184 = vector.broadcast %mul3A_183 : i32 to vector<16xi32>
      %add3A_185 = arith.addi %add3A_184, %iota3A : vector<16xi32>
      %mul3A_186 = arith.constant 16 : i32
      %mul3A_187 = vector.broadcast %mul3A_186 : i32 to vector<16xi32>
      %mul3A_188 = arith.muli %add3A_185, %mul3A_187 : vector<16xi32>
      %broadcast_in_dim3A = arith.constant 0.000000e+00 : f32
      %broadcast_in_dim3A_189 = vector.broadcast %broadcast_in_dim3A : f32 to vector<16xf32>
      %add3A_190 = arith.constant 0 : i32
      %add3A_191 = vector.broadcast %add3A_190 : i32 to vector<16xi32>
      %add3A_192 = arith.addi %mul3A_188, %add3A_191 : vector<16xi32>
      %gather3A = tpu.vector_load_idx %arg9[%add3A_192] : memref<1024xf32, #tpu.memory_space<vmem>>[vector<16xi32>], vector<16xf32>,
      %add3A_193 = arith.addf %broadcast_in_dim3A_189, %gather3A : vector<16xf32>
      %add3A_194 = arith.constant 1 : i32
      %add3A_195 = vector.broadcast %add3A_194 : i32 to vector<16xi32>
      %add3A_196 = arith.addi %mul3A_188, %add3A_195 : vector<16xi32>
      %gather3A_197 = tpu.vector_load_idx %arg9[%add3A_196] : memref<1024xf32, #tpu.memory_space<vmem>>[vector<16xi32>], vector<16xf32>,
      %add3A_198 = arith.addf %add3A_193, %gather3A_197 : vector<16xf32>
      %add3A_199 = arith.constant 2 : i32
      %add3A_200 = vector.broadcast %add3A_199 : i32 to vector<16xi32>
      %add3A_201 = arith.addi %mul3A_188, %add3A_200 : vector<16xi32>
      %gather3A_202 = tpu.vector_load_idx %arg9[%add3A_201] : memref<1024xf32, #tpu.memory_space<vmem>>[vector<16xi32>], vector<16xf32>,
      %add3A_203 = arith.addf %add3A_198, %gather3A_202 : vector<16xf32>
      %add3A_204 = arith.constant 3 : i32
      %add3A_205 = vector.broadcast %add3A_204 : i32 to vector<16xi32>
      %add3A_206 = arith.addi %mul3A_188, %add3A_205 : vector<16xi32>
      %gather3A_207 = tpu.vector_load_idx %arg9[%add3A_206] : memref<1024xf32, #tpu.memory_space<vmem>>[vector<16xi32>], vector<16xf32>,
      %add3A_208 = arith.addf %add3A_203, %gather3A_207 : vector<16xf32>
      %add3A_209 = arith.constant 4 : i32
      %add3A_210 = vector.broadcast %add3A_209 : i32 to vector<16xi32>
      %add3A_211 = arith.addi %mul3A_188, %add3A_210 : vector<16xi32>
      %gather3A_212 = tpu.vector_load_idx %arg9[%add3A_211] : memref<1024xf32, #tpu.memory_space<vmem>>[vector<16xi32>], vector<16xf32>,
      %add3A_213 = arith.addf %add3A_208, %gather3A_212 : vector<16xf32>
      %add3A_214 = arith.constant 5 : i32
      %add3A_215 = vector.broadcast %add3A_214 : i32 to vector<16xi32>
      %add3A_216 = arith.addi %mul3A_188, %add3A_215 : vector<16xi32>
      %gather3A_217 = tpu.vector_load_idx %arg9[%add3A_216] : memref<1024xf32, #tpu.memory_space<vmem>>[vector<16xi32>], vector<16xf32>,
      %add3A_218 = arith.addf %add3A_213, %gather3A_217 : vector<16xf32>
      %add3A_219 = arith.constant 6 : i32
      %add3A_220 = vector.broadcast %add3A_219 : i32 to vector<16xi32>
      %add3A_221 = arith.addi %mul3A_188, %add3A_220 : vector<16xi32>
      %gather3A_222 = tpu.vector_load_idx %arg9[%add3A_221] : memref<1024xf32, #tpu.memory_space<vmem>>[vector<16xi32>], vector<16xf32>,
      %add3A_223 = arith.addf %add3A_218, %gather3A_222 : vector<16xf32>
      %add3A_224 = arith.constant 7 : i32
      %add3A_225 = vector.broadcast %add3A_224 : i32 to vector<16xi32>
      %add3A_226 = arith.addi %mul3A_188, %add3A_225 : vector<16xi32>
      %gather3A_227 = tpu.vector_load_idx %arg9[%add3A_226] : memref<1024xf32, #tpu.memory_space<vmem>>[vector<16xi32>], vector<16xf32>,
      %add3A_228 = arith.addf %add3A_223, %gather3A_227 : vector<16xf32>
      %add3A_229 = arith.constant 8 : i32
      %add3A_230 = vector.broadcast %add3A_229 : i32 to vector<16xi32>
      %add3A_231 = arith.addi %mul3A_188, %add3A_230 : vector<16xi32>
      %gather3A_232 = tpu.vector_load_idx %arg9[%add3A_231] : memref<1024xf32, #tpu.memory_space<vmem>>[vector<16xi32>], vector<16xf32>,
      %add3A_233 = arith.addf %add3A_228, %gather3A_232 : vector<16xf32>
      %add3A_234 = arith.constant 9 : i32
      %add3A_235 = vector.broadcast %add3A_234 : i32 to vector<16xi32>
      %add3A_236 = arith.addi %mul3A_188, %add3A_235 : vector<16xi32>
      %gather3A_237 = tpu.vector_load_idx %arg9[%add3A_236] : memref<1024xf32, #tpu.memory_space<vmem>>[vector<16xi32>], vector<16xf32>,
      %add3A_238 = arith.addf %add3A_233, %gather3A_237 : vector<16xf32>
      %add3A_239 = arith.constant 10 : i32
      %add3A_240 = vector.broadcast %add3A_239 : i32 to vector<16xi32>
      %add3A_241 = arith.addi %mul3A_188, %add3A_240 : vector<16xi32>
      %gather3A_242 = tpu.vector_load_idx %arg9[%add3A_241] : memref<1024xf32, #tpu.memory_space<vmem>>[vector<16xi32>], vector<16xf32>,
      %add3A_243 = arith.addf %add3A_238, %gather3A_242 : vector<16xf32>
      %add3A_244 = arith.constant 11 : i32
      %add3A_245 = vector.broadcast %add3A_244 : i32 to vector<16xi32>
      %add3A_246 = arith.addi %mul3A_188, %add3A_245 : vector<16xi32>
      %gather3A_247 = tpu.vector_load_idx %arg9[%add3A_246] : memref<1024xf32, #tpu.memory_space<vmem>>[vector<16xi32>], vector<16xf32>,
      %add3A_248 = arith.addf %add3A_243, %gather3A_247 : vector<16xf32>
      %add3A_249 = arith.constant 12 : i32
      %add3A_250 = vector.broadcast %add3A_249 : i32 to vector<16xi32>
      %add3A_251 = arith.addi %mul3A_188, %add3A_250 : vector<16xi32>
      %gather3A_252 = tpu.vector_load_idx %arg9[%add3A_251] : memref<1024xf32, #tpu.memory_space<vmem>>[vector<16xi32>], vector<16xf32>,
      %add3A_253 = arith.addf %add3A_248, %gather3A_252 : vector<16xf32>
      %add3A_254 = arith.constant 13 : i32
      %add3A_255 = vector.broadcast %add3A_254 : i32 to vector<16xi32>
      %add3A_256 = arith.addi %mul3A_188, %add3A_255 : vector<16xi32>
      %gather3A_257 = tpu.vector_load_idx %arg9[%add3A_256] : memref<1024xf32, #tpu.memory_space<vmem>>[vector<16xi32>], vector<16xf32>,
      %add3A_258 = arith.addf %add3A_253, %gather3A_257 : vector<16xf32>
      %add3A_259 = arith.constant 14 : i32
      %add3A_260 = vector.broadcast %add3A_259 : i32 to vector<16xi32>
      %add3A_261 = arith.addi %mul3A_188, %add3A_260 : vector<16xi32>
      %gather3A_262 = tpu.vector_load_idx %arg9[%add3A_261] : memref<1024xf32, #tpu.memory_space<vmem>>[vector<16xi32>], vector<16xf32>,
      %add3A_263 = arith.addf %add3A_258, %gather3A_262 : vector<16xf32>
      %add3A_264 = arith.constant 15 : i32
      %add3A_265 = vector.broadcast %add3A_264 : i32 to vector<16xi32>
      %add3A_266 = arith.addi %mul3A_188, %add3A_265 : vector<16xi32>
      %gather3A_267 = tpu.vector_load_idx %arg9[%add3A_266] : memref<1024xf32, #tpu.memory_space<vmem>>[vector<16xi32>], vector<16xf32>,
      %add3A_268 = arith.addf %add3A_263, %gather3A_267 : vector<16xf32>
      %mul3A_269 = arith.constant 5.000000e-01 : f32
      %mul3A_270 = vector.broadcast %mul3A_269 : f32 to vector<16xf32>
      %mul3A_271 = arith.mulf %mul3A_270, %add3A_268 : vector<16xf32>
      %mul3A_272 = arith.constant 16 : i32
      %mul3A_273 = arith.muli %scan3A_180, %mul3A_272 : i32
      %add3A_274 = arith.constant 384 : i32
      %add3A_275 = arith.addi %add3A_274, %mul3A_273 : i32
      %swap3A = arith.index_cast %add3A_275 : i32 to index
      %swap3A_276 = tpu.vector_load %arg10[%swap3A] {strides = array<i32>} : memref<512xf32, #tpu.memory_space<vmem>>, vector<16xf32>,
      tpu.vector_store %arg10[%swap3A], %mul3A_271 {strides = array<i32>} : memref<512xf32, #tpu.memory_space<vmem>>, vector<16xf32>,
      %scan3A_277 = arith.constant 0 : i32
      scf.yield %scan3A_277 : i32
    }
    %scan3A_160 = arith.constant 4 : i32
    %dma_wait3A_161 = arith.constant 0 : i32
    %dma_wait3A_162 = arith.constant 0 : i32
    %dma_wait3A_163 = tpu.memref_slice %arg3[%dma_wait3A_161, %dma_wait3A_162] : memref<1000012x16xf32, #tpu.memory_space<hbm>> -> memref<1000012x16xf32, #tpu.memory_space<hbm>>
    tpu.wait_indirect_dma semaphore(%arg12 : memref<!tpu.dma_semaphore, #tpu.memory_space<semaphore_mem>>) src(%dma_wait3A_163 : memref<1000012x16xf32, #tpu.memory_space<hbm>>) dst(%arg8 : memref<1664x16xf32, #tpu.memory_space<vmem>>)
    %scan3A_164 = arith.constant 0 : i32
    %scan3A_165 = arith.constant 0 : i32
    %scan3A_166 = arith.constant 64 : i32
    %scan3A_167 = arith.addi %scan3A_165, %scan3A_166 : i32
    %scan3A_168 = arith.constant 1 : i32
    %scan3A_169 = scf.for %scan3A_180 = %scan3A_165 to %scan3A_167 step %scan3A_168 iter_args(%scan3A_181 = %scan3A_164) -> (i32)  : i32 {
      %mul3A_182 = arith.constant 26 : i32
      %mul3A_183 = arith.muli %scan3A_180, %mul3A_182 : i32
      %broadcast_in_dim3A = arith.constant 0.000000e+00 : f32
      %broadcast_in_dim3A_184 = vector.broadcast %broadcast_in_dim3A : f32 to vector<16xf32>
      %broadcast_in_dim3A_185 = arith.constant 0.000000e+00 : f32
      %broadcast_in_dim3A_186 = vector.broadcast %broadcast_in_dim3A_185 : f32 to vector<16xf32>
      %add3A_187 = arith.constant 0 : i32
      %add3A_188 = arith.addi %mul3A_183, %add3A_187 : i32
      %get3A = arith.index_cast %add3A_188 : i32 to index
      %get3A_189 = arith.constant 0 : index
      %get3A_190 = tpu.vector_load %arg8[%get3A, %get3A_189] {strides = array<i32>} : memref<1664x16xf32, #tpu.memory_space<vmem>>, vector<16xf32>,
      %add3A_191 = arith.addf %broadcast_in_dim3A_184, %get3A_190 : vector<16xf32>
      %mul3A_192 = arith.mulf %get3A_190, %get3A_190 : vector<16xf32>
      %add3A_193 = arith.addf %broadcast_in_dim3A_186, %mul3A_192 : vector<16xf32>
      %add3A_194 = arith.constant 1 : i32
      %add3A_195 = arith.addi %mul3A_183, %add3A_194 : i32
      %get3A_196 = arith.index_cast %add3A_195 : i32 to index
      %get3A_197 = arith.constant 0 : index
      %get3A_198 = tpu.vector_load %arg8[%get3A_196, %get3A_197] {strides = array<i32>} : memref<1664x16xf32, #tpu.memory_space<vmem>>, vector<16xf32>,
      %add3A_199 = arith.addf %add3A_191, %get3A_198 : vector<16xf32>
      %mul3A_200 = arith.mulf %get3A_198, %get3A_198 : vector<16xf32>
      %add3A_201 = arith.addf %add3A_193, %mul3A_200 : vector<16xf32>
      %add3A_202 = arith.constant 2 : i32
      %add3A_203 = arith.addi %mul3A_183, %add3A_202 : i32
      %get3A_204 = arith.index_cast %add3A_203 : i32 to index
      %get3A_205 = arith.constant 0 : index
      %get3A_206 = tpu.vector_load %arg8[%get3A_204, %get3A_205] {strides = array<i32>} : memref<1664x16xf32, #tpu.memory_space<vmem>>, vector<16xf32>,
      %add3A_207 = arith.addf %add3A_199, %get3A_206 : vector<16xf32>
      %mul3A_208 = arith.mulf %get3A_206, %get3A_206 : vector<16xf32>
      %add3A_209 = arith.addf %add3A_201, %mul3A_208 : vector<16xf32>
      %add3A_210 = arith.constant 3 : i32
      %add3A_211 = arith.addi %mul3A_183, %add3A_210 : i32
      %get3A_212 = arith.index_cast %add3A_211 : i32 to index
      %get3A_213 = arith.constant 0 : index
      %get3A_214 = tpu.vector_load %arg8[%get3A_212, %get3A_213] {strides = array<i32>} : memref<1664x16xf32, #tpu.memory_space<vmem>>, vector<16xf32>,
      %add3A_215 = arith.addf %add3A_207, %get3A_214 : vector<16xf32>
      %mul3A_216 = arith.mulf %get3A_214, %get3A_214 : vector<16xf32>
      %add3A_217 = arith.addf %add3A_209, %mul3A_216 : vector<16xf32>
      %add3A_218 = arith.constant 4 : i32
      %add3A_219 = arith.addi %mul3A_183, %add3A_218 : i32
      %get3A_220 = arith.index_cast %add3A_219 : i32 to index
      %get3A_221 = arith.constant 0 : index
      %get3A_222 = tpu.vector_load %arg8[%get3A_220, %get3A_221] {strides = array<i32>} : memref<1664x16xf32, #tpu.memory_space<vmem>>, vector<16xf32>,
      %add3A_223 = arith.addf %add3A_215, %get3A_222 : vector<16xf32>
      %mul3A_224 = arith.mulf %get3A_222, %get3A_222 : vector<16xf32>
      %add3A_225 = arith.addf %add3A_217, %mul3A_224 : vector<16xf32>
      %add3A_226 = arith.constant 5 : i32
      %add3A_227 = arith.addi %mul3A_183, %add3A_226 : i32
      %get3A_228 = arith.index_cast %add3A_227 : i32 to index
      %get3A_229 = arith.constant 0 : index
      %get3A_230 = tpu.vector_load %arg8[%get3A_228, %get3A_229] {strides = array<i32>} : memref<1664x16xf32, #tpu.memory_space<vmem>>, vector<16xf32>,
      %add3A_231 = arith.addf %add3A_223, %get3A_230 : vector<16xf32>
      %mul3A_232 = arith.mulf %get3A_230, %get3A_230 : vector<16xf32>
      %add3A_233 = arith.addf %add3A_225, %mul3A_232 : vector<16xf32>
      %add3A_234 = arith.constant 6 : i32
      %add3A_235 = arith.addi %mul3A_183, %add3A_234 : i32
      %get3A_236 = arith.index_cast %add3A_235 : i32 to index
      %get3A_237 = arith.constant 0 : index
      %get3A_238 = tpu.vector_load %arg8[%get3A_236, %get3A_237] {strides = array<i32>} : memref<1664x16xf32, #tpu.memory_space<vmem>>, vector<16xf32>,
      %add3A_239 = arith.addf %add3A_231, %get3A_238 : vector<16xf32>
      %mul3A_240 = arith.mulf %get3A_238, %get3A_238 : vector<16xf32>
      %add3A_241 = arith.addf %add3A_233, %mul3A_240 : vector<16xf32>
      %add3A_242 = arith.constant 7 : i32
      %add3A_243 = arith.addi %mul3A_183, %add3A_242 : i32
      %get3A_244 = arith.index_cast %add3A_243 : i32 to index
      %get3A_245 = arith.constant 0 : index
      %get3A_246 = tpu.vector_load %arg8[%get3A_244, %get3A_245] {strides = array<i32>} : memref<1664x16xf32, #tpu.memory_space<vmem>>, vector<16xf32>,
      %add3A_247 = arith.addf %add3A_239, %get3A_246 : vector<16xf32>
      %mul3A_248 = arith.mulf %get3A_246, %get3A_246 : vector<16xf32>
      %add3A_249 = arith.addf %add3A_241, %mul3A_248 : vector<16xf32>
      %add3A_250 = arith.constant 8 : i32
      %add3A_251 = arith.addi %mul3A_183, %add3A_250 : i32
      %get3A_252 = arith.index_cast %add3A_251 : i32 to index
      %get3A_253 = arith.constant 0 : index
      %get3A_254 = tpu.vector_load %arg8[%get3A_252, %get3A_253] {strides = array<i32>} : memref<1664x16xf32, #tpu.memory_space<vmem>>, vector<16xf32>,
      %add3A_255 = arith.addf %add3A_247, %get3A_254 : vector<16xf32>
      %mul3A_256 = arith.mulf %get3A_254, %get3A_254 : vector<16xf32>
      %add3A_257 = arith.addf %add3A_249, %mul3A_256 : vector<16xf32>
      %add3A_258 = arith.constant 9 : i32
      %add3A_259 = arith.addi %mul3A_183, %add3A_258 : i32
      %get3A_260 = arith.index_cast %add3A_259 : i32 to index
      %get3A_261 = arith.constant 0 : index
      %get3A_262 = tpu.vector_load %arg8[%get3A_260, %get3A_261] {strides = array<i32>} : memref<1664x16xf32, #tpu.memory_space<vmem>>, vector<16xf32>,
      %add3A_263 = arith.addf %add3A_255, %get3A_262 : vector<16xf32>
      %mul3A_264 = arith.mulf %get3A_262, %get3A_262 : vector<16xf32>
      %add3A_265 = arith.addf %add3A_257, %mul3A_264 : vector<16xf32>
      %add3A_266 = arith.constant 10 : i32
      %add3A_267 = arith.addi %mul3A_183, %add3A_266 : i32
      %get3A_268 = arith.index_cast %add3A_267 : i32 to index
      %get3A_269 = arith.constant 0 : index
      %get3A_270 = tpu.vector_load %arg8[%get3A_268, %get3A_269] {strides = array<i32>} : memref<1664x16xf32, #tpu.memory_space<vmem>>, vector<16xf32>,
      %add3A_271 = arith.addf %add3A_263, %get3A_270 : vector<16xf32>
      %mul3A_272 = arith.mulf %get3A_270, %get3A_270 : vector<16xf32>
      %add3A_273 = arith.addf %add3A_265, %mul3A_272 : vector<16xf32>
      %add3A_274 = arith.constant 11 : i32
      %add3A_275 = arith.addi %mul3A_183, %add3A_274 : i32
      %get3A_276 = arith.index_cast %add3A_275 : i32 to index
      %get3A_277 = arith.constant 0 : index
      %get3A_278 = tpu.vector_load %arg8[%get3A_276, %get3A_277] {strides = array<i32>} : memref<1664x16xf32, #tpu.memory_space<vmem>>, vector<16xf32>,
      %add3A_279 = arith.addf %add3A_271, %get3A_278 : vector<16xf32>
      %mul3A_280 = arith.mulf %get3A_278, %get3A_278 : vector<16xf32>
      %add3A_281 = arith.addf %add3A_273, %mul3A_280 : vector<16xf32>
      %add3A_282 = arith.constant 12 : i32
      %add3A_283 = arith.addi %mul3A_183, %add3A_282 : i32
      %get3A_284 = arith.index_cast %add3A_283 : i32 to index
      %get3A_285 = arith.constant 0 : index
      %get3A_286 = tpu.vector_load %arg8[%get3A_284, %get3A_285] {strides = array<i32>} : memref<1664x16xf32, #tpu.memory_space<vmem>>, vector<16xf32>,
      %add3A_287 = arith.addf %add3A_279, %get3A_286 : vector<16xf32>
      %mul3A_288 = arith.mulf %get3A_286, %get3A_286 : vector<16xf32>
      %add3A_289 = arith.addf %add3A_281, %mul3A_288 : vector<16xf32>
      %add3A_290 = arith.constant 13 : i32
      %add3A_291 = arith.addi %mul3A_183, %add3A_290 : i32
      %get3A_292 = arith.index_cast %add3A_291 : i32 to index
      %get3A_293 = arith.constant 0 : index
      %get3A_294 = tpu.vector_load %arg8[%get3A_292, %get3A_293] {strides = array<i32>} : memref<1664x16xf32, #tpu.memory_space<vmem>>, vector<16xf32>,
      %add3A_295 = arith.addf %add3A_287, %get3A_294 : vector<16xf32>
      %mul3A_296 = arith.mulf %get3A_294, %get3A_294 : vector<16xf32>
      %add3A_297 = arith.addf %add3A_289, %mul3A_296 : vector<16xf32>
      %add3A_298 = arith.constant 14 : i32
      %add3A_299 = arith.addi %mul3A_183, %add3A_298 : i32
      %get3A_300 = arith.index_cast %add3A_299 : i32 to index
      %get3A_301 = arith.constant 0 : index
      %get3A_302 = tpu.vector_load %arg8[%get3A_300, %get3A_301] {strides = array<i32>} : memref<1664x16xf32, #tpu.memory_space<vmem>>, vector<16xf32>,
      %add3A_303 = arith.addf %add3A_295, %get3A_302 : vector<16xf32>
      %mul3A_304 = arith.mulf %get3A_302, %get3A_302 : vector<16xf32>
      %add3A_305 = arith.addf %add3A_297, %mul3A_304 : vector<16xf32>
      %add3A_306 = arith.constant 15 : i32
      %add3A_307 = arith.addi %mul3A_183, %add3A_306 : i32
      %get3A_308 = arith.index_cast %add3A_307 : i32 to index
      %get3A_309 = arith.constant 0 : index
      %get3A_310 = tpu.vector_load %arg8[%get3A_308, %get3A_309] {strides = array<i32>} : memref<1664x16xf32, #tpu.memory_space<vmem>>, vector<16xf32>,
      %add3A_311 = arith.addf %add3A_303, %get3A_310 : vector<16xf32>
      %mul3A_312 = arith.mulf %get3A_310, %get3A_310 : vector<16xf32>
      %add3A_313 = arith.addf %add3A_305, %mul3A_312 : vector<16xf32>
      %add3A_314 = arith.constant 16 : i32
      %add3A_315 = arith.addi %mul3A_183, %add3A_314 : i32
      %get3A_316 = arith.index_cast %add3A_315 : i32 to index
      %get3A_317 = arith.constant 0 : index
      %get3A_318 = tpu.vector_load %arg8[%get3A_316, %get3A_317] {strides = array<i32>} : memref<1664x16xf32, #tpu.memory_space<vmem>>, vector<16xf32>,
      %add3A_319 = arith.addf %add3A_311, %get3A_318 : vector<16xf32>
      %mul3A_320 = arith.mulf %get3A_318, %get3A_318 : vector<16xf32>
      %add3A_321 = arith.addf %add3A_313, %mul3A_320 : vector<16xf32>
      %add3A_322 = arith.constant 17 : i32
      %add3A_323 = arith.addi %mul3A_183, %add3A_322 : i32
      %get3A_324 = arith.index_cast %add3A_323 : i32 to index
      %get3A_325 = arith.constant 0 : index
      %get3A_326 = tpu.vector_load %arg8[%get3A_324, %get3A_325] {strides = array<i32>} : memref<1664x16xf32, #tpu.memory_space<vmem>>, vector<16xf32>,
      %add3A_327 = arith.addf %add3A_319, %get3A_326 : vector<16xf32>
      %mul3A_328 = arith.mulf %get3A_326, %get3A_326 : vector<16xf32>
      %add3A_329 = arith.addf %add3A_321, %mul3A_328 : vector<16xf32>
      %add3A_330 = arith.constant 18 : i32
      %add3A_331 = arith.addi %mul3A_183, %add3A_330 : i32
      %get3A_332 = arith.index_cast %add3A_331 : i32 to index
      %get3A_333 = arith.constant 0 : index
      %get3A_334 = tpu.vector_load %arg8[%get3A_332, %get3A_333] {strides = array<i32>} : memref<1664x16xf32, #tpu.memory_space<vmem>>, vector<16xf32>,
      %add3A_335 = arith.addf %add3A_327, %get3A_334 : vector<16xf32>
      %mul3A_336 = arith.mulf %get3A_334, %get3A_334 : vector<16xf32>
      %add3A_337 = arith.addf %add3A_329, %mul3A_336 : vector<16xf32>
      %add3A_338 = arith.constant 19 : i32
      %add3A_339 = arith.addi %mul3A_183, %add3A_338 : i32
      %get3A_340 = arith.index_cast %add3A_339 : i32 to index
      %get3A_341 = arith.constant 0 : index
      %get3A_342 = tpu.vector_load %arg8[%get3A_340, %get3A_341] {strides = array<i32>} : memref<1664x16xf32, #tpu.memory_space<vmem>>, vector<16xf32>,
      %add3A_343 = arith.addf %add3A_335, %get3A_342 : vector<16xf32>
      %mul3A_344 = arith.mulf %get3A_342, %get3A_342 : vector<16xf32>
      %add3A_345 = arith.addf %add3A_337, %mul3A_344 : vector<16xf32>
      %add3A_346 = arith.constant 20 : i32
      %add3A_347 = arith.addi %mul3A_183, %add3A_346 : i32
      %get3A_348 = arith.index_cast %add3A_347 : i32 to index
      %get3A_349 = arith.constant 0 : index
      %get3A_350 = tpu.vector_load %arg8[%get3A_348, %get3A_349] {strides = array<i32>} : memref<1664x16xf32, #tpu.memory_space<vmem>>, vector<16xf32>,
      %add3A_351 = arith.addf %add3A_343, %get3A_350 : vector<16xf32>
      %mul3A_352 = arith.mulf %get3A_350, %get3A_350 : vector<16xf32>
      %add3A_353 = arith.addf %add3A_345, %mul3A_352 : vector<16xf32>
      %add3A_354 = arith.constant 21 : i32
      %add3A_355 = arith.addi %mul3A_183, %add3A_354 : i32
      %get3A_356 = arith.index_cast %add3A_355 : i32 to index
      %get3A_357 = arith.constant 0 : index
      %get3A_358 = tpu.vector_load %arg8[%get3A_356, %get3A_357] {strides = array<i32>} : memref<1664x16xf32, #tpu.memory_space<vmem>>, vector<16xf32>,
      %add3A_359 = arith.addf %add3A_351, %get3A_358 : vector<16xf32>
      %mul3A_360 = arith.mulf %get3A_358, %get3A_358 : vector<16xf32>
      %add3A_361 = arith.addf %add3A_353, %mul3A_360 : vector<16xf32>
      %add3A_362 = arith.constant 22 : i32
      %add3A_363 = arith.addi %mul3A_183, %add3A_362 : i32
      %get3A_364 = arith.index_cast %add3A_363 : i32 to index
      %get3A_365 = arith.constant 0 : index
      %get3A_366 = tpu.vector_load %arg8[%get3A_364, %get3A_365] {strides = array<i32>} : memref<1664x16xf32, #tpu.memory_space<vmem>>, vector<16xf32>,
      %add3A_367 = arith.addf %add3A_359, %get3A_366 : vector<16xf32>
      %mul3A_368 = arith.mulf %get3A_366, %get3A_366 : vector<16xf32>
      %add3A_369 = arith.addf %add3A_361, %mul3A_368 : vector<16xf32>
      %add3A_370 = arith.constant 23 : i32
      %add3A_371 = arith.addi %mul3A_183, %add3A_370 : i32
      %get3A_372 = arith.index_cast %add3A_371 : i32 to index
      %get3A_373 = arith.constant 0 : index
      %get3A_374 = tpu.vector_load %arg8[%get3A_372, %get3A_373] {strides = array<i32>} : memref<1664x16xf32, #tpu.memory_space<vmem>>, vector<16xf32>,
      %add3A_375 = arith.addf %add3A_367, %get3A_374 : vector<16xf32>
      %mul3A_376 = arith.mulf %get3A_374, %get3A_374 : vector<16xf32>
      %add3A_377 = arith.addf %add3A_369, %mul3A_376 : vector<16xf32>
      %add3A_378 = arith.constant 24 : i32
      %add3A_379 = arith.addi %mul3A_183, %add3A_378 : i32
      %get3A_380 = arith.index_cast %add3A_379 : i32 to index
      %get3A_381 = arith.constant 0 : index
      %get3A_382 = tpu.vector_load %arg8[%get3A_380, %get3A_381] {strides = array<i32>} : memref<1664x16xf32, #tpu.memory_space<vmem>>, vector<16xf32>,
      %add3A_383 = arith.addf %add3A_375, %get3A_382 : vector<16xf32>
      %mul3A_384 = arith.mulf %get3A_382, %get3A_382 : vector<16xf32>
      %add3A_385 = arith.addf %add3A_377, %mul3A_384 : vector<16xf32>
      %add3A_386 = arith.constant 25 : i32
      %add3A_387 = arith.addi %mul3A_183, %add3A_386 : i32
      %get3A_388 = arith.index_cast %add3A_387 : i32 to index
      %get3A_389 = arith.constant 0 : index
      %get3A_390 = tpu.vector_load %arg8[%get3A_388, %get3A_389] {strides = array<i32>} : memref<1664x16xf32, #tpu.memory_space<vmem>>, vector<16xf32>,
      %add3A_391 = arith.addf %add3A_383, %get3A_390 : vector<16xf32>
      %mul3A_392 = arith.mulf %get3A_390, %get3A_390 : vector<16xf32>
      %add3A_393 = arith.addf %add3A_385, %mul3A_392 : vector<16xf32>
      %mul3A_394 = arith.mulf %add3A_391, %add3A_391 : vector<16xf32>
      %sub3A = arith.subf %mul3A_394, %add3A_393 : vector<16xf32>
      %mul3A_395 = arith.constant 16 : i32
      %mul3A_396 = arith.muli %scan3A_180, %mul3A_395 : i32
      %swap3A = arith.index_cast %mul3A_396 : i32 to index
      %swap3A_397 = tpu.vector_load %arg9[%swap3A] {strides = array<i32>} : memref<1024xf32, #tpu.memory_space<vmem>>, vector<16xf32>,
      tpu.vector_store %arg9[%swap3A], %sub3A {strides = array<i32>} : memref<1024xf32, #tpu.memory_space<vmem>>, vector<16xf32>,
      %scan3A_398 = arith.constant 0 : i32
      scf.yield %scan3A_398 : i32
    }
    %scan3A_170 = arith.constant 64 : i32
    %scan3A_171 = arith.constant 0 : i32
    %scan3A_172 = arith.constant 0 : i32
    %scan3A_173 = arith.constant 4 : i32
    %scan3A_174 = arith.addi %scan3A_172, %scan3A_173 : i32
    %scan3A_175 = arith.constant 1 : i32
    %scan3A_176 = scf.for %scan3A_180 = %scan3A_172 to %scan3A_174 step %scan3A_175 iter_args(%scan3A_181 = %scan3A_171) -> (i32)  : i32 {
      %mul3A_182 = arith.constant 16 : i32
      %mul3A_183 = arith.muli %scan3A_180, %mul3A_182 : i32
      %add3A_184 = vector.broadcast %mul3A_183 : i32 to vector<16xi32>
      %add3A_185 = arith.addi %add3A_184, %iota3A : vector<16xi32>
      %mul3A_186 = arith.constant 16 : i32
      %mul3A_187 = vector.broadcast %mul3A_186 : i32 to vector<16xi32>
      %mul3A_188 = arith.muli %add3A_185, %mul3A_187 : vector<16xi32>
      %broadcast_in_dim3A = arith.constant 0.000000e+00 : f32
      %broadcast_in_dim3A_189 = vector.broadcast %broadcast_in_dim3A : f32 to vector<16xf32>
      %add3A_190 = arith.constant 0 : i32
      %add3A_191 = vector.broadcast %add3A_190 : i32 to vector<16xi32>
      %add3A_192 = arith.addi %mul3A_188, %add3A_191 : vector<16xi32>
      %gather3A = tpu.vector_load_idx %arg9[%add3A_192] : memref<1024xf32, #tpu.memory_space<vmem>>[vector<16xi32>], vector<16xf32>,
      %add3A_193 = arith.addf %broadcast_in_dim3A_189, %gather3A : vector<16xf32>
      %add3A_194 = arith.constant 1 : i32
      %add3A_195 = vector.broadcast %add3A_194 : i32 to vector<16xi32>
      %add3A_196 = arith.addi %mul3A_188, %add3A_195 : vector<16xi32>
      %gather3A_197 = tpu.vector_load_idx %arg9[%add3A_196] : memref<1024xf32, #tpu.memory_space<vmem>>[vector<16xi32>], vector<16xf32>,
      %add3A_198 = arith.addf %add3A_193, %gather3A_197 : vector<16xf32>
      %add3A_199 = arith.constant 2 : i32
      %add3A_200 = vector.broadcast %add3A_199 : i32 to vector<16xi32>
      %add3A_201 = arith.addi %mul3A_188, %add3A_200 : vector<16xi32>
      %gather3A_202 = tpu.vector_load_idx %arg9[%add3A_201] : memref<1024xf32, #tpu.memory_space<vmem>>[vector<16xi32>], vector<16xf32>,
      %add3A_203 = arith.addf %add3A_198, %gather3A_202 : vector<16xf32>
      %add3A_204 = arith.constant 3 : i32
      %add3A_205 = vector.broadcast %add3A_204 : i32 to vector<16xi32>
      %add3A_206 = arith.addi %mul3A_188, %add3A_205 : vector<16xi32>
      %gather3A_207 = tpu.vector_load_idx %arg9[%add3A_206] : memref<1024xf32, #tpu.memory_space<vmem>>[vector<16xi32>], vector<16xf32>,
      %add3A_208 = arith.addf %add3A_203, %gather3A_207 : vector<16xf32>
      %add3A_209 = arith.constant 4 : i32
      %add3A_210 = vector.broadcast %add3A_209 : i32 to vector<16xi32>
      %add3A_211 = arith.addi %mul3A_188, %add3A_210 : vector<16xi32>
      %gather3A_212 = tpu.vector_load_idx %arg9[%add3A_211] : memref<1024xf32, #tpu.memory_space<vmem>>[vector<16xi32>], vector<16xf32>,
      %add3A_213 = arith.addf %add3A_208, %gather3A_212 : vector<16xf32>
      %add3A_214 = arith.constant 5 : i32
      %add3A_215 = vector.broadcast %add3A_214 : i32 to vector<16xi32>
      %add3A_216 = arith.addi %mul3A_188, %add3A_215 : vector<16xi32>
      %gather3A_217 = tpu.vector_load_idx %arg9[%add3A_216] : memref<1024xf32, #tpu.memory_space<vmem>>[vector<16xi32>], vector<16xf32>,
      %add3A_218 = arith.addf %add3A_213, %gather3A_217 : vector<16xf32>
      %add3A_219 = arith.constant 6 : i32
      %add3A_220 = vector.broadcast %add3A_219 : i32 to vector<16xi32>
      %add3A_221 = arith.addi %mul3A_188, %add3A_220 : vector<16xi32>
      %gather3A_222 = tpu.vector_load_idx %arg9[%add3A_221] : memref<1024xf32, #tpu.memory_space<vmem>>[vector<16xi32>], vector<16xf32>,
      %add3A_223 = arith.addf %add3A_218, %gather3A_222 : vector<16xf32>
      %add3A_224 = arith.constant 7 : i32
      %add3A_225 = vector.broadcast %add3A_224 : i32 to vector<16xi32>
      %add3A_226 = arith.addi %mul3A_188, %add3A_225 : vector<16xi32>
      %gather3A_227 = tpu.vector_load_idx %arg9[%add3A_226] : memref<1024xf32, #tpu.memory_space<vmem>>[vector<16xi32>], vector<16xf32>,
      %add3A_228 = arith.addf %add3A_223, %gather3A_227 : vector<16xf32>
      %add3A_229 = arith.constant 8 : i32
      %add3A_230 = vector.broadcast %add3A_229 : i32 to vector<16xi32>
      %add3A_231 = arith.addi %mul3A_188, %add3A_230 : vector<16xi32>
      %gather3A_232 = tpu.vector_load_idx %arg9[%add3A_231] : memref<1024xf32, #tpu.memory_space<vmem>>[vector<16xi32>], vector<16xf32>,
      %add3A_233 = arith.addf %add3A_228, %gather3A_232 : vector<16xf32>
      %add3A_234 = arith.constant 9 : i32
      %add3A_235 = vector.broadcast %add3A_234 : i32 to vector<16xi32>
      %add3A_236 = arith.addi %mul3A_188, %add3A_235 : vector<16xi32>
      %gather3A_237 = tpu.vector_load_idx %arg9[%add3A_236] : memref<1024xf32, #tpu.memory_space<vmem>>[vector<16xi32>], vector<16xf32>,
      %add3A_238 = arith.addf %add3A_233, %gather3A_237 : vector<16xf32>
      %add3A_239 = arith.constant 10 : i32
      %add3A_240 = vector.broadcast %add3A_239 : i32 to vector<16xi32>
      %add3A_241 = arith.addi %mul3A_188, %add3A_240 : vector<16xi32>
      %gather3A_242 = tpu.vector_load_idx %arg9[%add3A_241] : memref<1024xf32, #tpu.memory_space<vmem>>[vector<16xi32>], vector<16xf32>,
      %add3A_243 = arith.addf %add3A_238, %gather3A_242 : vector<16xf32>
      %add3A_244 = arith.constant 11 : i32
      %add3A_245 = vector.broadcast %add3A_244 : i32 to vector<16xi32>
      %add3A_246 = arith.addi %mul3A_188, %add3A_245 : vector<16xi32>
      %gather3A_247 = tpu.vector_load_idx %arg9[%add3A_246] : memref<1024xf32, #tpu.memory_space<vmem>>[vector<16xi32>], vector<16xf32>,
      %add3A_248 = arith.addf %add3A_243, %gather3A_247 : vector<16xf32>
      %add3A_249 = arith.constant 12 : i32
      %add3A_250 = vector.broadcast %add3A_249 : i32 to vector<16xi32>
      %add3A_251 = arith.addi %mul3A_188, %add3A_250 : vector<16xi32>
      %gather3A_252 = tpu.vector_load_idx %arg9[%add3A_251] : memref<1024xf32, #tpu.memory_space<vmem>>[vector<16xi32>], vector<16xf32>,
      %add3A_253 = arith.addf %add3A_248, %gather3A_252 : vector<16xf32>
      %add3A_254 = arith.constant 13 : i32
      %add3A_255 = vector.broadcast %add3A_254 : i32 to vector<16xi32>
      %add3A_256 = arith.addi %mul3A_188, %add3A_255 : vector<16xi32>
      %gather3A_257 = tpu.vector_load_idx %arg9[%add3A_256] : memref<1024xf32, #tpu.memory_space<vmem>>[vector<16xi32>], vector<16xf32>,
      %add3A_258 = arith.addf %add3A_253, %gather3A_257 : vector<16xf32>
      %add3A_259 = arith.constant 14 : i32
      %add3A_260 = vector.broadcast %add3A_259 : i32 to vector<16xi32>
      %add3A_261 = arith.addi %mul3A_188, %add3A_260 : vector<16xi32>
      %gather3A_262 = tpu.vector_load_idx %arg9[%add3A_261] : memref<1024xf32, #tpu.memory_space<vmem>>[vector<16xi32>], vector<16xf32>,
      %add3A_263 = arith.addf %add3A_258, %gather3A_262 : vector<16xf32>
      %add3A_264 = arith.constant 15 : i32
      %add3A_265 = vector.broadcast %add3A_264 : i32 to vector<16xi32>
      %add3A_266 = arith.addi %mul3A_188, %add3A_265 : vector<16xi32>
      %gather3A_267 = tpu.vector_load_idx %arg9[%add3A_266] : memref<1024xf32, #tpu.memory_space<vmem>>[vector<16xi32>], vector<16xf32>,
      %add3A_268 = arith.addf %add3A_263, %gather3A_267 : vector<16xf32>
      %mul3A_269 = arith.constant 5.000000e-01 : f32
      %mul3A_270 = vector.broadcast %mul3A_269 : f32 to vector<16xf32>
      %mul3A_271 = arith.mulf %mul3A_270, %add3A_268 : vector<16xf32>
      %mul3A_272 = arith.constant 16 : i32
      %mul3A_273 = arith.muli %scan3A_180, %mul3A_272 : i32
      %add3A_274 = arith.constant 448 : i32
      %add3A_275 = arith.addi %add3A_274, %mul3A_273 : i32
      %swap3A = arith.index_cast %add3A_275 : i32 to index
      %swap3A_276 = tpu.vector_load %arg10[%swap3A] {strides = array<i32>} : memref<512xf32, #tpu.memory_space<vmem>>, vector<16xf32>,
      tpu.vector_store %arg10[%swap3A], %mul3A_271 {strides = array<i32>} : memref<512xf32, #tpu.memory_space<vmem>>, vector<16xf32>,
      %scan3A_277 = arith.constant 0 : i32
      scf.yield %scan3A_277 : i32
    }
    %scan3A_177 = arith.constant 4 : i32
    %mul3A_178 = arith.constant 512 : i32
    %mul3A_179 = arith.muli %add3A, %mul3A_178 : i32
    "tpu.region"() ({
      %run_scoped3A = tpu.sem_alloc : memref<!tpu.dma_semaphore, #tpu.memory_space<semaphore_mem>>
      %dma_start3A_180 = tpu.memref_slice %arg4[%mul3A_179] : memref<16384xf32, #tpu.memory_space<hbm>> -> memref<512xf32, #tpu.memory_space<hbm>>
      %dma_start3A_181 = tpu.memref_slice %arg4[%mul3A_179] : memref<16384xf32, #tpu.memory_space<hbm>> -> memref<512xf32, #tpu.memory_space<hbm>>
      tpu.enqueue_dma source(%arg10 : memref<512xf32, #tpu.memory_space<vmem>>) target(%dma_start3A_181 : memref<512xf32, #tpu.memory_space<hbm>>) target_semaphore(%run_scoped3A : memref<!tpu.dma_semaphore, #tpu.memory_space<semaphore_mem>>)
      %dma_wait3A_182 = tpu.memref_slice %arg4[%mul3A_179] : memref<16384xf32, #tpu.memory_space<hbm>> -> memref<512xf32, #tpu.memory_space<hbm>>
      %dma_wait3A_183 = tpu.memref_slice %arg4[%mul3A_179] : memref<16384xf32, #tpu.memory_space<hbm>> -> memref<512xf32, #tpu.memory_space<hbm>>
      tpu.wait_dma2 semaphore(%run_scoped3A : memref<!tpu.dma_semaphore, #tpu.memory_space<semaphore_mem>>) src(%arg10 : memref<512xf32, #tpu.memory_space<vmem>>) dst(%dma_wait3A_183 : memref<512xf32, #tpu.memory_space<hbm>>)
      tpu.yield
    }) : () -> ()
    return
  }
}

</mosaic_0001>

<sc_bundles>
// kernel: kernel.4.cloned.1.call-start
scs
__scs_entry_jumppad:
0x0: {  	(pc) =	sbr.rel $0x88, $3  }
0x1: {  	(tag) =	ssettag $0x0;
	lr =	simm.s32 $0x1  }
0x2: {  	[smem:$0x3F9D] =	sst lr;
	_ =	strace $0xD0000000  }
0x3: {  	_ = 	snop  }
0x4: {  	_ = 	snop  }
0x5: {  	_ = 	snop  }
0x6: {  	_ = 	snop  }
0x7: {  	_ = 	snop  }
__scs_overlays_trampoline_lowered:
0x8: {  	[smem:$0x3FAC] =	sst s0  }
0x9: {  	[smem:$0x3FAD] =	sst s1  }
0xa: {  	[smem:$0x3FAE] =	sst s2  }
0xb: {  	[smem:$0x3FAF] =	sst s3  }
0xc: {  	[smem:$0x3FB0] =	sst s4  }
0xd: {  	[smem:$0x3FB1] =	sst s5  }
0xe: {  	[smem:$0x3FB2] =	sst s6  }
0xf: {  	[smem:$0x3FB3] =	sst s7  }
0x10: {  	[smem:$0x3FB4] =	sst s8  }
0x11: {  	[smem:$0x3FB5] =	sst s9;
	s0 =	simm.s32 @!p0 $0x0  }
0x12: {  	s1 =	sld [smem:$0x3F9B];
	s0 =	simm.s32 @p0 $0x1  }
0x13: {  	[smem:$0x3FB6] =	sst s0;
	s0 =	simm.s32 @!p1 $0x0  }
0x14: {  	s2 =	sld [smem:$0x3F9A];
	s0 =	simm.s32 @p1 $0x1  }
0x15: {  	[smem:$0x3FB7] =	sst s0;
	s0 =	simm.s32 @!p2 $0x0  }
0x16: {  	s3 =	sld [smem:$0x3FDB];
	s0 =	simm.s32 @p2 $0x1  }
0x17: {  	s4 =	simm.s32 $0x1BF5;
	[smem:$0x3FB9] =	sst s0  }
0x18: {  	s0 =	sld [smem:$0x3F9C];
	_ =	swait.ge [sflag:s4], $0x0  }
0x19: {  	s7 =	sld [smem:$0x3F9D]  }
0x1a: {  	s8 =	sadd.s32 $0xFFFFE003, lr  }
0x1b: {  	s9 =	sadd.s32 $0xFFFFFEF7, lr;
	s5 =	simm.s32 $0xFFFFFFFF;
	p2 =	slt.u32 s8, $0xFFFFF086  }
0x1c: {  	p1 =	slt.u32 s9, $0xF7A;
	s5 =	simm.s32 @!p2 $0x0  }
0x1d: {  	s5 =	simm.s32 @p1 $0x1;
	p0 =	seq.s32 s7, s2  }
0x1e: {  	s7 =	smul.u32 @!p0 $0xF7A, s2;
	p2 =	seq.s32 @!p0 s5, $0x0  }
0x1f: {  	s9 =	smul.u32 $0xF7A, s1;
	s8 =	simm.s32 @!p0 $0x1BF5;
	p2 =	por !p2, p0  }
0x20: {  	[sflag:s8] =	ssyncset.s32 @!p0 $0xFFFFF086;
	s6 =	sadd.s32 @!p0 s3, s7;
	s7 =	simm.s32 @!p0 $0x108  }
0x21: {  	s3 =	sadd.s32 s3, s9;
	s6 =	sadd.s32 @!p0 $0x88, s6;
	s7 =	simm.s32 @p2 $0x1082  }
0x22: {  	[simem:s7], [sflag:s8] =	dma.local @!p0 [hbm:s6], $0xF7A  }
0x23: {  	s9 =	sor.u32 $0xD0000000, s2;
	s6 =	simm.s32 $0x108;
	_ =	swait.ge @!p0 [sflag:s8], $0x0  }
0x24: {  	s3 =	sadd.s32 $0x88, s3;
	s6 =	simm.s32 @!p1 $0x1082;
	[sflag:s4] =	ssyncset.s32 $0xFFFFF086  }
0x25: {  	[simem:s6], [sflag:s4] =	dma.local [hbm:s3], $0xF7A  }
0x26: {  	[smem:$0x3F9D] =	sst s1;
	(tag) =	ssettag s2;
	_ =	strace s9  }
0x27: {  	s1 =	sld [smem:$0x3FAD]  }
0x28: {  	s2 =	sld [smem:$0x3FAE]  }
0x29: {  	s4 =	sld [smem:$0x3FB0]  }
0x2a: {  	p0 =	seq.s32 s5, $0x0;
	s5 =	sld [smem:$0x3FB1]  }
0x2b: {  	s6 =	sld [smem:$0x3FB2]  }
0x2c: {  	s7 =	sld [smem:$0x3FB3]  }
0x2d: {  	s3 =	simm.s32 $0x108;
	s8 =	sld [smem:$0x3FB4]  }
0x2e: {  	s3 =	simm.s32 @!p0 $0x1082;
	s9 =	sld [smem:$0x3FB5]  }
0x2f: {  	lr =	sadd.s32 s0, s3;
	s0 =	sld [smem:$0x3FAC]  }
0x30: {  	s3 =	sld [smem:$0x3FAF]  }
0x31: {  	[smem:$0x3FB8] =	sst s10  }
0x32: {  	s10 =	sld [smem:$0x3FB6];
	_ =	sdelay $0x3  }
0x33: {  	p0 =	seq.s32 s10, $0x1;
	s10 =	sld [smem:$0x3FB8];
	_ =	sdelay $0x3  }
0x34: {  	[smem:$0x3FB8] =	sst s10  }
0x35: {  	s10 =	sld [smem:$0x3FB7];
	_ =	sdelay $0x3  }
0x36: {  	p1 =	seq.s32 s10, $0x1;
	s10 =	sld [smem:$0x3FB8];
	_ =	sdelay $0x3  }
0x37: {  	[smem:$0x3FB8] =	sst s10  }
0x38: {  	s10 =	sld [smem:$0x3FB9]  }
0x39: {  	_ = 	snop;
	(pc) =	sbr.ind lr, $3  }
0x3a: {  	_ = 	snop  }
0x3b: {  	_ = 	snop  }
0x3c: {  	p2 =	seq.s32 s10, $0x1;
	s10 =	sld [smem:$0x3FB8]  }
0x3d: {  	_ =	shalt  }
0x3e: {  	_ =	shalt  }
0x3f: {  	_ =	shalt  }
0x40: {  	_ =	shalt  }
0x41: {  	_ =	shalt  }
0x42: {  	_ =	shalt  }
0x43: {  	_ =	shalt  }
0x44: {  	_ =	shalt  }
0x45: {  	_ =	shalt  }
0x46: {  	_ =	shalt  }
0x47: {  	_ =	shalt  }
0x48: {  	_ =	shalt  }
0x49: {  	_ =	shalt  }
0x4a: {  	_ =	shalt  }
0x4b: {  	_ =	shalt  }
0x4c: {  	_ =	shalt  }
0x4d: {  	_ =	shalt  }
0x4e: {  	_ =	shalt  }
0x4f: {  	_ =	shalt  }
0x50: {  	_ =	shalt  }
0x51: {  	_ =	shalt  }
0x52: {  	_ =	shalt  }
0x53: {  	_ =	shalt  }
0x54: {  	_ =	shalt  }
0x55: {  	_ =	shalt  }
0x56: {  	_ =	shalt  }
0x57: {  	_ =	shalt  }
0x58: {  	_ =	shalt  }
0x59: {  	_ =	shalt  }
0x5a: {  	_ =	shalt  }
0x5b: {  	_ =	shalt  }
0x5c: {  	_ =	shalt  }
0x5d: {  	_ =	shalt  }
0x5e: {  	_ =	shalt  }
0x5f: {  	_ =	shalt  }
0x60: {  	_ =	shalt  }
0x61: {  	_ =	shalt  }
0x62: {  	_ =	shalt  }
0x63: {  	_ =	shalt  }
0x64: {  	_ =	shalt  }
0x65: {  	_ =	shalt  }
0x66: {  	_ =	shalt  }
0x67: {  	_ =	shalt  }
0x68: {  	_ =	shalt  }
0x69: {  	_ =	shalt  }
0x6a: {  	_ =	shalt  }
0x6b: {  	_ =	shalt  }
0x6c: {  	_ =	shalt  }
0x6d: {  	_ =	shalt  }
0x6e: {  	_ =	shalt  }
0x6f: {  	_ =	shalt  }
0x70: {  	_ =	shalt  }
0x71: {  	_ =	shalt  }
0x72: {  	_ =	shalt  }
0x73: {  	_ =	shalt  }
0x74: {  	_ =	shalt  }
0x75: {  	_ =	shalt  }
0x76: {  	_ =	shalt  }
0x77: {  	_ =	shalt  }
0x78: {  	_ =	shalt  }
0x79: {  	_ =	shalt  }
0x7a: {  	_ =	shalt  }
0x7b: {  	_ =	shalt  }
0x7c: {  	_ =	shalt  }
0x7d: {  	_ =	shalt  }
0x7e: {  	_ =	shalt  }
0x7f: {  	_ =	shalt  }
0x80: {  	_ =	shalt  }
0x81: {  	_ =	shalt  }
0x82: {  	_ =	shalt  }
0x83: {  	_ =	shalt  }
0x84: {  	_ =	shalt  }
0x85: {  	_ =	shalt  }
0x86: {  	_ =	shalt  }
0x87: {  	_ =	shalt  }
.Lfunc_end0:
.L_simem_size_0:
called_computation_lowered:
.L_overlay_start_0:
0x88: {  	s2 =	sld [smem:$0x3FD9]  }
0x89: {  	s3 =	sld [smem:$0x3FFE];
	_ =	sdelay $0x1  }
0x8a: {  	s1 =	srdreg.scid  }
0x8b: {  	s0 =	sand.u32 $0x1, s1  }
0x8c: {  	s16 =	sshll.u32 s0, $0xA;
	s2 =	sadd.s32 s3, s2  }
0x8d: {  	s2 =	sadd.s32 s2, s16  }
0x8e: {  	[smem:$0x3FC4] =	sst s2  }
0x8f: {  	_ = 	snop  }
0x90: {  	(tm) =	ssettm $0x1  }
0x91: {  	s17 =	sld [smem:$0x3FFB];
	_ =	sdelay $0x3  }
0x92: {  	_ =	strace s17  }
0x93: {  	s2 =	sld [smem:$0x3FFC];
	_ =	sdelay $0x3  }
0x94: {  	_ =	strace s2  }
0x95: {  	s2 =	sld [smem:$0x3FFD];
	_ =	sdelay $0x3  }
0x96: {  	_ =	strace s2  }
0x97: {  	_ =	strace $0x8FFFFFFF  }
0x98: {  	s18 =	sld [smem:$0x3FDB];
	_ =	sdelay $0x1  }
0x99: {  	s19 =	simm.s32 $_scs_section_size  }
0x9a: {  	s4 =	simm.s32 $_size__tile_overlayer_lowered;
	s5 =	simm.s32 $_tile_overlayer_lowered  }
0x9b: {  	s22 =	simm.s32 $0x1BFF;
	s21 =	sshll.u32 s5, $0x1;
	s2 =	sadd.s32 s19, s18  }
0x9c: {  	s6 =	simm.s32 $0x0;
	s20 =	sshll.u32 s4, $0x1;
	s4 =	sadd.s32 s21, s2  }
0x9d: {  	[timem:s6], [sflag:s22] =	dma.local [hbm:s4], s20  }
0x9e: {  	_ =	swait.ge [sflag:s22], s20  }
0x9f: {  	s3 =	ssub.s32 $0x0, s20;
	[sflag:s22] =	ssyncset.done $0x0  }
0xa0: {  	[sflag:s22] =	ssyncadd.s32 s3;
	_ =	sdelay $0x1  }
0xa1: {  	s23 =	simm.s32 $0x1B8B  }
0xa2: {  	_ =	swait.ge [sflag:s23], $0x1  }
0xa3: {  	[sflag:s23] =	ssyncset.done $0x0  }
0xa4: {  	s25 =	simm.s32 $0x1B8E;
	s24 =	sld [smem:$0x3FFE];
	[sflag:s23] =	ssyncadd.s32 $0xFFFFFFFF  }
0xa5: {  	s26 =	simm.s32 $execute0_lowered;
	[smem:$0x3FD2] =	sst s25  }
0xa6: {  	s4 =	sshll.u32 s26, $0x1;
	_ =	strace $0x80000046;
	[dreg:$0x1] =	wrdreg $0xFFFFFFFF  }
0xa7: {  	s28 =	simm.s32 $_size_execute0_lowered;
	s2 =	sadd.s32 s2, s4;
	[dreg:$0x0] =	wrdreg $0x0  }
0xa8: {  	s4 =	sshll.u32 s28, $0x1;
	[dreg:$0x2] =	wrdreg s2  }
0xa9: {  	[dreg:$0x3] =	wrdreg s4  }
0xaa: {  	[dreg:$0x4] =	wrdreg $0xC0  }
0xab: {  	_ =	task [dreg:s6], $0x5FFFF  }
0xac: {  	[dreg:$0x1] =	wrdreg $0xFFFFFFFF  }
0xad: {  	[dreg:$0x0] =	wrdreg $0x60  }
0xae: {  	[dreg:$0x2] =	wrdreg s24  }
0xaf: {  	[dreg:$0x3] =	wrdreg $0x9  }
0xb0: {  	_ =	task.clear_ibuf [dreg:s6], $0x4FFFF;
	_ =	strace $0x90000046  }
0xb1: {  	s29 =	simm.s32 $0x9;
	_ =	strace $0x80000048  }
0xb2: {  	_ =	swait.ge [sflag:s29], $0x1  }
0xb3: {  	[sflag:s29] =	ssyncadd.s32 $0xFFFFFFFF  }
0xb4: {  	_ =	strace $0x90000048  }
0xb5: {  	_ =	sfence  }
0xb6: {  	s30 =	sld [smem:$0x0];
	_ =	sdelay $0x2  }
0xb7: {  	s31 =	sshll.u32 s1, $0xD;
	s1 =	sshrl.u32 s1, $0x2  }
0xb8: {  	s3 =	sand.u32 $0x4000, s31;
	s1 =	sadd.s32 s1, s30  }
0xb9: {  	s0 =	sor.u32 s3, s0;
	s1 =	sshll.u32 s1, $0x11  }
0xba: {  	s0 =	sor.u32 s1, s0  }
0xbb: {  	s0 =	sadd.s32 $0x8F2B, s0  }
0xbc: {  	[sflag:s0] =	ssyncadd.remote.s32 $0x1  }
0xbd: {  	_ =	sfence.sel $0xFFFF  }
0xbe: {  	[dreg:$0x0] =	wrdreg $0xFFFFFFFF;
	(pc) =	sbr.abs _section_cstart, $3  }
0xbf: {  	[dreg:$0x1] =	wrdreg $0xFFFFFFFF  }
0xc0: {  	_ =	task.clear_ibuf [dreg:s6], $0x2FFFF;
	_ =	strace $0x9FFFFFFF  }
0xc1: {  	(tm) =	ssettm $0x7FFFFFFF  }
tec
execute0_lowered:
.L_overlay_start_1:
0x0: {  	(tag) =	ssettag $0x1  }
0x1: {  	s1 =	srdreg.scid;
	s0 =	stileid.u32  }
0x2: {  	s5 =	rddreg [dreg:$0x0];
	s2 =	simm.s32 $0x0;
	s14 =	simm.s32 $0x3  }
0x3: {  	s15 =	simm.s32 $0x680;
	s16 =	simm.s32 $0xD00;
	s17 =	simm.s32 $0x7500  }
0x4: {  	s18 =	simm.s32 $0x1;
	s19 =	simm.s32 $0xDD00;
	s20 =	simm.s32 $0x2  }
0x5: {  	s21 =	simm.s32 $0xE100;
	s3 =	sand.u32 $0x1, s1;
	s30 =	sshll.u32 s0, $0x1  }
0x6: {  	s22 =	simm.s32 $0x0;
	[smem:$0x7FF] =	sst s2;
	s4 =	sor.u32 s3, s30  }
0x7: {  	s1 =	rddreg [dreg:$0x1];
	_ =	strace $0x80000047;
	s6 =	smul.u32 $0x3400, s4  }
0x8: {  	s31 =	ssub.s32 $0x2, s3;
	s3 =	sadd.s32 $0xF4FC00, s5;
	s4 =	sshll.u32 s4, $0x6  }
0x9: {  	s7 =	sshrl.u32 s31, $0x1;
	s12 =	sadd.s32 s4, s5;
	s6 =	sshrl.u32 s6, $0x3  }
0xa: {  	s13 =	ssub.s32 s31, s7;
	s12 =	sadd.s32 $0xD600, s12;
	s11 =	sadd.s32 s6, s5  }
0xb: {  	s13 =	smax.u32 s13, $0x1;
	s4 =	sadd.s32 $0x600, s11;
	s5 =	sadd.s32 $0x6D0, s11  }
0xc: {  	v0 =	vlaneseq.u32;
	s6 =	sadd.s32 $0x7A0, s11;
	s7 =	sadd.s32 $0x870, s11;
	s8 =	sadd.s32 $0x940, s11  }
0xd: {  	v0 =	vmul.u32 $0x10, v0;
	s9 =	sadd.s32 $0xA10, s11;
	s10 =	sadd.s32 $0xAE0, s11;
	s11 =	sadd.s32 $0xBB0, s11  }
.LBB2_1:
0xe: {  	[tilespmem:s2], [sflag:$0x3] =	stream.linear.gather [hbm4b:s4+s2], $0x680, $0x38;
	[tilespmem:$0xE300] =	vst v63  }
0xf: {  	_ =	swait.ge [sflag:s14], $0x680  }
0x10: {  	[sflag:s14] =	ssyncset.done $0x0  }
0x11: {  	[sflag:s14] =	ssyncadd.s32 $0xFFFFF980  }
0x12: {  	[tilespmem:s16], [sflag:$0x1] =	stream.indirect.gather [hbm4b:s3+s15], $0x10, s2, s15, $0xb8;
	[tilespmem:$0xE300] =	vst v63  }
0x13: {  	_ = 	snop  }
0x14: {  	[tilespmem:s15], [sflag:$0x3] =	stream.linear.gather [hbm4b:s5+s2], $0x680, $0x38;
	[tilespmem:$0xE300] =	vst v63  }
0x15: {  	_ =	swait.ge [sflag:s14], $0x680  }
0x16: {  	[sflag:s14] =	ssyncset.done $0x0  }
0x17: {  	[sflag:s14] =	ssyncadd.s32 $0xFFFFF980  }
0x18: {  	[tilespmem:s17], [sflag:$0x2] =	stream.indirect.gather [hbm4b:s3+s15], $0x10, s15, s15, $0xb8;
	[tilespmem:$0xE300] =	vst v63  }
0x19: {  	_ =	swait.ge [sflag:s18], $0x6800  }
0x1a: {  	[sflag:s18] =	ssyncset.done $0x0  }
0x1b: {  	s24 =	simm.s32 $0xDD0;
	[sflag:s18] =	ssyncadd.s32 $0xFFFF9800  }
0x1c: {  	s25 =	simm.s32 $0x40;
	s23 =	simm.s32 $0x0;
	v1 =	vld [tilespmem:s24+$0xFFFFFF30]  }
.LBB2_2:
0x1d: {  	p0 =	sne.s32 s25, $0xFC0  }
0x1e: {  	v2 =	vld [tilespmem:s24+$0xFFFFFF40];
	_ =	sdelay $0x1  }
0x1f: {  	v3 =	vld [tilespmem:s24+$0xFFFFFF50]  }
0x20: {  	v4 =	vadd.f32 $0.0e+00, v1  }
0x21: {  	v5 =	vld [tilespmem:s24+$0xFFFFFF60]  }
0x22: {  	v1 =	vmul.f32 v1, v1;
	v4 =	vadd.f32 v2, v4;
	v2 =	vmul.f32 v2, v2  }
0x23: {  	v6 =	vld [tilespmem:s24+$0xFFFFFF70]  }
0x24: {  	v1 =	vadd.f32 v2, v1;
	v2 =	vadd.f32 v3, v4;
	v3 =	vmul.f32 v3, v3  }
0x25: {  	v4 =	vld [tilespmem:s24+$0xFFFFFF80]  }
0x26: {  	v1 =	vadd.f32 v3, v1;
	v2 =	vadd.f32 v5, v2;
	v3 =	vmul.f32 v5, v5  }
0x27: {  	v5 =	vld [tilespmem:s24+$0xFFFFFF90]  }
0x28: {  	v1 =	vadd.f32 v3, v1;
	v2 =	vadd.f32 v6, v2;
	v3 =	vmul.f32 v6, v6  }
0x29: {  	v6 =	vld [tilespmem:s24+$0xFFFFFFA0]  }
0x2a: {  	v1 =	vadd.f32 v3, v1;
	v2 =	vadd.f32 v4, v2;
	v3 =	vmul.f32 v4, v4  }
0x2b: {  	v4 =	vld [tilespmem:s24+$0xFFFFFFB0]  }
0x2c: {  	v1 =	vadd.f32 v3, v1;
	v2 =	vadd.f32 v5, v2;
	v3 =	vmul.f32 v5, v5  }
0x2d: {  	v5 =	vld [tilespmem:s24+$0xFFFFFFC0]  }
0x2e: {  	v1 =	vadd.f32 v3, v1;
	v2 =	vadd.f32 v6, v2;
	v3 =	vmul.f32 v6, v6  }
0x2f: {  	v6 =	vld [tilespmem:s24+$0xFFFFFFD0]  }
0x30: {  	v1 =	vadd.f32 v3, v1;
	v2 =	vadd.f32 v4, v2;
	v3 =	vmul.f32 v4, v4  }
0x31: {  	v4 =	vld [tilespmem:s24+$0xFFFFFFE0]  }
0x32: {  	v1 =	vadd.f32 v3, v1;
	v2 =	vadd.f32 v5, v2;
	v3 =	vmul.f32 v5, v5  }
0x33: {  	v5 =	vld [tilespmem:s24+$0xFFFFFFF0]  }
0x34: {  	v1 =	vadd.f32 v3, v1;
	v2 =	vadd.f32 v6, v2;
	v3 =	vmul.f32 v6, v6  }
0x35: {  	v6 =	vld [tilespmem:s24+$0x0]  }
0x36: {  	v1 =	vadd.f32 v3, v1;
	v2 =	vadd.f32 v4, v2;
	v3 =	vmul.f32 v4, v4  }
0x37: {  	v4 =	vld [tilespmem:s24+$0x10]  }
0x38: {  	v1 =	vadd.f32 v3, v1;
	v2 =	vadd.f32 v5, v2;
	v3 =	vmul.f32 v5, v5  }
0x39: {  	v5 =	vld [tilespmem:s24+$0x20]  }
0x3a: {  	v1 =	vadd.f32 v3, v1;
	v2 =	vadd.f32 v6, v2;
	v3 =	vmul.f32 v6, v6  }
0x3b: {  	v6 =	vld [tilespmem:s24+$0x30]  }
0x3c: {  	v1 =	vadd.f32 v3, v1;
	v2 =	vadd.f32 v4, v2;
	v3 =	vmul.f32 v4, v4  }
0x3d: {  	v4 =	vld [tilespmem:s24+$0x40]  }
0x3e: {  	v1 =	vadd.f32 v3, v1;
	v2 =	vadd.f32 v5, v2;
	v3 =	vmul.f32 v5, v5  }
0x3f: {  	v5 =	vld [tilespmem:s24+$0x50]  }
0x40: {  	v1 =	vadd.f32 v3, v1;
	v2 =	vadd.f32 v6, v2;
	v3 =	vmul.f32 v6, v6  }
0x41: {  	v6 =	vld [tilespmem:s24+$0x60]  }
0x42: {  	v1 =	vadd.f32 v3, v1;
	v2 =	vadd.f32 v4, v2;
	v3 =	vmul.f32 v4, v4  }
0x43: {  	v4 =	vld [tilespmem:s24+$0x70]  }
0x44: {  	v1 =	vadd.f32 v3, v1;
	v2 =	vadd.f32 v5, v2;
	v3 =	vmul.f32 v5, v5  }
0x45: {  	v5 =	vld [tilespmem:s24+$0x80]  }
0x46: {  	v1 =	vadd.f32 v3, v1;
	v2 =	vadd.f32 v6, v2;
	v3 =	vmul.f32 v6, v6  }
0x47: {  	v6 =	vld [tilespmem:s24+$0x90]  }
0x48: {  	v1 =	vadd.f32 v3, v1;
	v2 =	vadd.f32 v4, v2;
	v3 =	vmul.f32 v4, v4  }
0x49: {  	v4 =	vld [tilespmem:s24+$0xA0]  }
0x4a: {  	v1 =	vadd.f32 v3, v1;
	v2 =	vadd.f32 v5, v2;
	v3 =	vmul.f32 v5, v5  }
0x4b: {  	v5 =	vld [tilespmem:s24+$0xB0]  }
0x4c: {  	v1 =	vadd.f32 v3, v1;
	v2 =	vadd.f32 v6, v2;
	v3 =	vmul.f32 v6, v6  }
0x4d: {  	v6 =	vld [tilespmem:s24+$0xC0]  }
0x4e: {  	v1 =	vadd.f32 v3, v1;
	v2 =	vadd.f32 v4, v2;
	v3 =	vmul.f32 v4, v4;
	_ =	sdelay $0x1  }
0x4f: {  	v1 =	vadd.f32 v3, v1;
	v2 =	vadd.f32 v5, v2;
	v3 =	vmul.f32 v5, v5;
	_ =	sdelay $0x1  }
0x50: {  	v1 =	vadd.f32 v3, v1;
	v2 =	vadd.f32 v6, v2;
	v3 =	vmul.f32 v6, v6;
	_ =	sdelay $0x1  }
0x51: {  	v1 =	vadd.f32 v3, v1;
	v2 =	vmul.f32 v2, v2  }
.Ltmp0:
0x52: {  	(pc) =	sbr.rel @p0 .LBB2_2-.Ltmp0, $4  }
0x53: {  	v1 =	vsub.f32 v2, v1  }
0x54: {  	s26 =	sshra.s32 s23, $0x2;
	s23 =	smov.u32 s25  }
0x55: {  	s24 =	sadd.s32 $0x1A0, s24;
	[tilespmem:s26+$0xDD00] =	vst v1  }
0x56: {  	s25 =	sadd.s32 $0x40, s25;
	v1 =	vld [tilespmem:s24+$0xFFFFFF30]  }
0x57: {  	v2 =	vld [tilespmem:s24+$0xFFFFFF40];
	_ =	sdelay $0x1  }
0x58: {  	v3 =	vld [tilespmem:s24+$0xFFFFFF50];
	_ =	sdelay $0x1  }
0x59: {  	v5 =	vld [tilespmem:s24+$0xFFFFFF60];
	v4 =	vadd.f32 $0.0e+00, v1  }
0x5a: {  	v1 =	vmul.f32 v1, v1;
	v6 =	vmul.f32 v2, v2  }
0x5b: {  	v2 =	vadd.f32 v2, v4;
	v4 =	vld [tilespmem:s24+$0xFFFFFF70]  }
0x5c: {  	v1 =	vadd.f32 v6, v1;
	v6 =	vmul.f32 v3, v3  }
0x5d: {  	v2 =	vadd.f32 v3, v2;
	v3 =	vld [tilespmem:s24+$0xFFFFFF80]  }
0x5e: {  	v1 =	vadd.f32 v6, v1;
	v6 =	vmul.f32 v5, v5  }
0x5f: {  	v2 =	vadd.f32 v5, v2;
	v5 =	vld [tilespmem:s24+$0xFFFFFF90]  }
0x60: {  	v1 =	vadd.f32 v6, v1;
	v6 =	vmul.f32 v4, v4  }
0x61: {  	v2 =	vadd.f32 v4, v2;
	v4 =	vld [tilespmem:s24+$0xFFFFFFA0]  }
0x62: {  	v1 =	vadd.f32 v6, v1;
	v6 =	vmul.f32 v3, v3  }
0x63: {  	v2 =	vadd.f32 v3, v2;
	v3 =	vld [tilespmem:s24+$0xFFFFFFB0]  }
0x64: {  	v1 =	vadd.f32 v6, v1;
	v6 =	vmul.f32 v5, v5  }
0x65: {  	v2 =	vadd.f32 v5, v2;
	v5 =	vld [tilespmem:s24+$0xFFFFFFC0]  }
0x66: {  	v1 =	vadd.f32 v6, v1;
	v6 =	vmul.f32 v4, v4  }
0x67: {  	v2 =	vadd.f32 v4, v2;
	v4 =	vld [tilespmem:s24+$0xFFFFFFD0]  }
0x68: {  	v1 =	vadd.f32 v6, v1;
	v6 =	vmul.f32 v3, v3  }
0x69: {  	v2 =	vadd.f32 v3, v2;
	v3 =	vld [tilespmem:s24+$0xFFFFFFE0]  }
0x6a: {  	v1 =	vadd.f32 v6, v1;
	v6 =	vmul.f32 v5, v5  }
0x6b: {  	v2 =	vadd.f32 v5, v2;
	v5 =	vld [tilespmem:s24+$0xFFFFFFF0]  }
0x6c: {  	v1 =	vadd.f32 v6, v1;
	v6 =	vmul.f32 v4, v4  }
0x6d: {  	v2 =	vadd.f32 v4, v2;
	v4 =	vld [tilespmem:s24+$0x0]  }
0x6e: {  	v1 =	vadd.f32 v6, v1;
	v6 =	vmul.f32 v3, v3  }
0x6f: {  	v2 =	vadd.f32 v3, v2;
	v3 =	vld [tilespmem:s24+$0x10]  }
0x70: {  	v1 =	vadd.f32 v6, v1;
	v6 =	vmul.f32 v5, v5  }
0x71: {  	v2 =	vadd.f32 v5, v2;
	v5 =	vld [tilespmem:s24+$0x20]  }
0x72: {  	v1 =	vadd.f32 v6, v1;
	v6 =	vmul.f32 v4, v4  }
0x73: {  	v2 =	vadd.f32 v4, v2;
	v4 =	vld [tilespmem:s24+$0x30]  }
0x74: {  	v1 =	vadd.f32 v6, v1;
	v6 =	vmul.f32 v3, v3  }
0x75: {  	v2 =	vadd.f32 v3, v2;
	v3 =	vld [tilespmem:s24+$0x40]  }
0x76: {  	v1 =	vadd.f32 v6, v1;
	v6 =	vmul.f32 v5, v5  }
0x77: {  	v2 =	vadd.f32 v5, v2;
	v5 =	vld [tilespmem:s24+$0x50]  }
0x78: {  	v1 =	vadd.f32 v6, v1;
	v6 =	vmul.f32 v4, v4  }
0x79: {  	v2 =	vadd.f32 v4, v2;
	v4 =	vld [tilespmem:s24+$0x60]  }
0x7a: {  	v1 =	vadd.f32 v6, v1;
	v6 =	vmul.f32 v3, v3  }
0x7b: {  	v2 =	vadd.f32 v3, v2;
	v3 =	vld [tilespmem:s24+$0x70]  }
0x7c: {  	v1 =	vadd.f32 v6, v1;
	v6 =	vmul.f32 v5, v5  }
0x7d: {  	v2 =	vadd.f32 v5, v2;
	v5 =	vld [tilespmem:s24+$0x80]  }
0x7e: {  	v1 =	vadd.f32 v6, v1;
	v6 =	vmul.f32 v4, v4  }
0x7f: {  	v2 =	vadd.f32 v4, v2;
	v4 =	vld [tilespmem:s24+$0x90]  }
0x80: {  	v1 =	vadd.f32 v6, v1;
	v6 =	vmul.f32 v3, v3  }
0x81: {  	v2 =	vadd.f32 v3, v2;
	v3 =	vld [tilespmem:s24+$0xA0]  }
0x82: {  	v1 =	vadd.f32 v6, v1;
	v6 =	vmul.f32 v5, v5  }
0x83: {  	v2 =	vadd.f32 v5, v2;
	v5 =	vld [tilespmem:s24+$0xB0]  }
0x84: {  	v1 =	vadd.f32 v6, v1;
	v6 =	vmul.f32 v4, v4  }
0x85: {  	v2 =	vadd.f32 v4, v2  }
0x86: {  	v4 =	vld [tilespmem:s24+$0xC0];
	v1 =	vadd.f32 v6, v1;
	v6 =	vmul.f32 v3, v3  }
0x87: {  	v2 =	vadd.f32 v3, v2  }
0x88: {  	v1 =	vadd.f32 v6, v1;
	v3 =	vmul.f32 v5, v5  }
0x89: {  	v2 =	vadd.f32 v5, v2  }
0x8a: {  	s30 =	simm.s32 $0x0;
	v1 =	vadd.f32 v3, v1  }
0x8b: {  	v3 =	vmul.f32 v4, v4;
	v2 =	vadd.f32 v4, v2;
	v4 =	vmov s30  }
0x8c: {  	v4 =	vshll.u32 v4, $0x4  }
0x8d: {  	v1 =	vadd.f32 v3, v1;
	v2 =	vmul.f32 v2, v2;
	v3 =	vor.u32 v0, v4;
	_ =	sdelay $0x1  }
0x8e: {  	v1 =	vsub.f32 v2, v1;
	v2 =	vor.u32 $0x1, v3  }
0x8f: {  	s23 =	sshra.s32 s23, $0x2  }
0x90: {  	[tilespmem:s23+$0xDD00] =	vst v1;
	v1 =	vor.u32 $0x2, v3  }
0x91: {  	v4 =	vld.idx.msk [tilespmem:v3+s19+$0x0], $0xffff  }
0x92: {  	v5 =	vor.u32 $0x3, v3  }
0x93: {  	v2 =	vld.idx.msk [tilespmem:v2+s19+$0x0], $0xffff  }
0x94: {  	v6 =	vor.u32 $0x4, v3  }
0x95: {  	v1 =	vld.idx.msk [tilespmem:v1+s19+$0x0], $0xffff  }
0x96: {  	v7 =	vor.u32 $0x5, v3;
	v4 =	vadd.f32 $0.0e+00, v4  }
0x97: {  	v5 =	vld.idx.msk [tilespmem:v5+s19+$0x0], $0xffff  }
0x98: {  	v8 =	vor.u32 $0x6, v3;
	v2 =	vadd.f32 v2, v4  }
0x99: {  	v4 =	vld.idx.msk [tilespmem:v6+s19+$0x0], $0xffff  }
0x9a: {  	v6 =	vor.u32 $0x7, v3;
	v1 =	vadd.f32 v1, v2  }
0x9b: {  	v2 =	vld.idx.msk [tilespmem:v7+s19+$0x0], $0xffff  }
0x9c: {  	v7 =	vor.u32 $0x8, v3;
	v1 =	vadd.f32 v5, v1  }
0x9d: {  	v5 =	vld.idx.msk [tilespmem:v8+s19+$0x0], $0xffff  }
0x9e: {  	v8 =	vor.u32 $0x9, v3;
	v1 =	vadd.f32 v4, v1  }
0x9f: {  	v4 =	vld.idx.msk [tilespmem:v6+s19+$0x0], $0xffff  }
0xa0: {  	v6 =	vor.u32 $0xA, v3;
	v1 =	vadd.f32 v2, v1  }
0xa1: {  	v2 =	vld.idx.msk [tilespmem:v7+s19+$0x0], $0xffff  }
0xa2: {  	v7 =	vor.u32 $0xB, v3;
	v1 =	vadd.f32 v5, v1  }
0xa3: {  	v5 =	vld.idx.msk [tilespmem:v8+s19+$0x0], $0xffff  }
0xa4: {  	v8 =	vor.u32 $0xC, v3;
	v1 =	vadd.f32 v4, v1  }
0xa5: {  	v4 =	vld.idx.msk [tilespmem:v6+s19+$0x0], $0xffff  }
0xa6: {  	v6 =	vor.u32 $0xD, v3;
	v1 =	vadd.f32 v2, v1  }
0xa7: {  	v2 =	vld.idx.msk [tilespmem:v7+s19+$0x0], $0xffff  }
0xa8: {  	v7 =	vor.u32 $0xE, v3;
	v1 =	vadd.f32 v5, v1  }
0xa9: {  	v5 =	vld.idx.msk [tilespmem:v8+s19+$0x0], $0xffff  }
0xaa: {  	v3 =	vor.u32 $0xF, v3;
	v1 =	vadd.f32 v4, v1  }
0xab: {  	v4 =	vld.idx.msk [tilespmem:v6+s19+$0x0], $0xffff  }
0xac: {  	v1 =	vadd.f32 v2, v1  }
0xad: {  	v2 =	vld.idx.msk [tilespmem:v7+s19+$0x0], $0xffff  }
0xae: {  	v1 =	vadd.f32 v5, v1  }
0xaf: {  	v3 =	vld.idx.msk [tilespmem:v3+s19+$0x0], $0xffff  }
0xb0: {  	v1 =	vadd.f32 v4, v1  }
0xb1: {  	s31 =	simm.s32 $0x10  }
0xb2: {  	v4 =	vmov s31;
	v2 =	vadd.f32 v2, v1  }
0xb3: {  	v1 =	vshll.u32 v4, $0x4  }
0xb4: {  	v1 =	vor.u32 v0, v1;
	v2 =	vadd.f32 v3, v2  }
0xb5: {  	v9 =	vor.u32 $0x1, v1;
	v8 =	vor.u32 $0x2, v1;
	v7 =	vor.u32 $0x3, v1  }
0xb6: {  	v6 =	vor.u32 $0x4, v1;
	v4 =	vor.u32 $0x5, v1;
	v5 =	vor.u32 $0x6, v1  }
0xb7: {  	s24 =	simm.s32 $0x20;
	s23 =	simm.s32 $0xE100;
	v3 =	vor.u32 $0x7, v1;
	v10 =	vmul.f32 $5.000000000e-01, v2;
	v2 =	vor.u32 $0x8, v1  }
.LBB2_4:
0xb8: {  	p0 =	sne.s32 s24, $0x30  }
0xb9: {  	v11 =	vor.u32 $0x9, v1;
	v12 =	vor.u32 $0xA, v1;
	v13 =	vor.u32 $0xB, v1;
	[tilespmem:s23+$0x0] =	vst v10;
	s23 =	sadd.s32 $0x10, s23;
	s25 =	smov.u32 s24;
	s24 =	sadd.s32 $0x10, s24  }
0xba: {  	v14 =	vor.u32 $0xC, v1;
	v15 =	vor.u32 $0xD, v1;
	v16 =	vor.u32 $0xE, v1;
	v10 =	vld.idx.msk [tilespmem:v1+s19+$0x0], $0xffff  }
0xbb: {  	v1 =	vor.u32 $0xF, v1  }
0xbc: {  	v9 =	vld.idx.msk [tilespmem:v9+s19+$0x0], $0xffff;
	_ =	sdelay $0x1  }
0xbd: {  	v8 =	vld.idx.msk [tilespmem:v8+s19+$0x0], $0xffff;
	_ =	sdelay $0x1  }
0xbe: {  	v10 =	vadd.f32 $0.0e+00, v10;
	v7 =	vld.idx.msk [tilespmem:v7+s19+$0x0], $0xffff;
	_ =	sdelay $0x1  }
0xbf: {  	v9 =	vadd.f32 v9, v10;
	v6 =	vld.idx.msk [tilespmem:v6+s19+$0x0], $0xffff;
	_ =	sdelay $0x1  }
0xc0: {  	v8 =	vadd.f32 v8, v9;
	v4 =	vld.idx.msk [tilespmem:v4+s19+$0x0], $0xffff;
	_ =	sdelay $0x1  }
0xc1: {  	v7 =	vadd.f32 v7, v8;
	v5 =	vld.idx.msk [tilespmem:v5+s19+$0x0], $0xffff;
	_ =	sdelay $0x1  }
0xc2: {  	v6 =	vadd.f32 v6, v7;
	v3 =	vld.idx.msk [tilespmem:v3+s19+$0x0], $0xffff;
	_ =	sdelay $0x1  }
0xc3: {  	v4 =	vadd.f32 v4, v6;
	v2 =	vld.idx.msk [tilespmem:v2+s19+$0x0], $0xffff;
	_ =	sdelay $0x1  }
0xc4: {  	v4 =	vadd.f32 v5, v4;
	v5 =	vld.idx.msk [tilespmem:v11+s19+$0x0], $0xffff;
	_ =	sdelay $0x1  }
0xc5: {  	v3 =	vadd.f32 v3, v4;
	v4 =	vld.idx.msk [tilespmem:v12+s19+$0x0], $0xffff;
	_ =	sdelay $0x1  }
0xc6: {  	v2 =	vadd.f32 v2, v3;
	v3 =	vld.idx.msk [tilespmem:v13+s19+$0x0], $0xffff;
	_ =	sdelay $0x1  }
0xc7: {  	v2 =	vadd.f32 v5, v2;
	v5 =	vld.idx.msk [tilespmem:v14+s19+$0x0], $0xffff;
	_ =	sdelay $0x1  }
0xc8: {  	v2 =	vadd.f32 v4, v2;
	v4 =	vld.idx.msk [tilespmem:v15+s19+$0x0], $0xffff;
	_ =	sdelay $0x1  }
0xc9: {  	v2 =	vadd.f32 v3, v2;
	v3 =	vld.idx.msk [tilespmem:v16+s19+$0x0], $0xffff;
	_ =	sdelay $0x1  }
0xca: {  	v2 =	vadd.f32 v5, v2;
	v5 =	vld.idx.msk [tilespmem:v1+s19+$0x0], $0xffff;
	_ =	sdelay $0x1  }
0xcb: {  	v1 =	vadd.f32 v4, v2;
	_ =	sdelay $0x1  }
0xcc: {  	v2 =	vmov s25;
	v3 =	vadd.f32 v3, v1  }
.Ltmp1:
0xcd: {  	v1 =	vshll.u32 v2, $0x4;
	(pc) =	sbr.rel @p0 .LBB2_4-.Ltmp1, $4  }
0xce: {  	v1 =	vor.u32 v0, v1;
	v2 =	vadd.f32 v5, v3  }
0xcf: {  	v9 =	vor.u32 $0x1, v1;
	v8 =	vor.u32 $0x2, v1;
	v7 =	vor.u32 $0x3, v1  }
0xd0: {  	v6 =	vor.u32 $0x4, v1;
	v4 =	vor.u32 $0x5, v1;
	v10 =	vmul.f32 $5.000000000e-01, v2  }
0xd1: {  	v5 =	vor.u32 $0x6, v1;
	v3 =	vor.u32 $0x7, v1;
	v2 =	vor.u32 $0x8, v1  }
0xd2: {  	_ =	sdelay $0x2  }
0xd3: {  	[tilespmem:s23+$0x0] =	vst v10  }
0xd4: {  	v10 =	vld.idx.msk [tilespmem:v1+s19+$0x0], $0xffff;
	_ =	sdelay $0x1  }
0xd5: {  	v9 =	vld.idx.msk [tilespmem:v9+s19+$0x0], $0xffff;
	_ =	sdelay $0x1  }
0xd6: {  	v8 =	vld.idx.msk [tilespmem:v8+s19+$0x0], $0xffff  }
0xd7: {  	v10 =	vadd.f32 $0.0e+00, v10  }
0xd8: {  	v7 =	vld.idx.msk [tilespmem:v7+s19+$0x0], $0xffff  }
0xd9: {  	v9 =	vadd.f32 v9, v10  }
0xda: {  	v6 =	vld.idx.msk [tilespmem:v6+s19+$0x0], $0xffff  }
0xdb: {  	v8 =	vadd.f32 v8, v9  }
0xdc: {  	v4 =	vld.idx.msk [tilespmem:v4+s19+$0x0], $0xffff  }
0xdd: {  	v7 =	vadd.f32 v7, v8  }
0xde: {  	v5 =	vld.idx.msk [tilespmem:v5+s19+$0x0], $0xffff  }
0xdf: {  	v54 =	vor.u32 $0x9, v1;
	v6 =	vadd.f32 v6, v7  }
0xe0: {  	v3 =	vld.idx.msk [tilespmem:v3+s19+$0x0], $0xffff  }
0xe1: {  	v55 =	vor.u32 $0xA, v1;
	v4 =	vadd.f32 v4, v6  }
0xe2: {  	v2 =	vld.idx.msk [tilespmem:v2+s19+$0x0], $0xffff  }
0xe3: {  	v56 =	vor.u32 $0xB, v1;
	v4 =	vadd.f32 v5, v4  }
0xe4: {  	v57 =	vld.idx.msk [tilespmem:v54+s19+$0x0], $0xffff  }
0xe5: {  	v58 =	vor.u32 $0xC, v1;
	v3 =	vadd.f32 v3, v4  }
0xe6: {  	v59 =	vld.idx.msk [tilespmem:v55+s19+$0x0], $0xffff  }
0xe7: {  	v60 =	vor.u32 $0xD, v1;
	v2 =	vadd.f32 v2, v3  }
0xe8: {  	v3 =	vld.idx.msk [tilespmem:v56+s19+$0x0], $0xffff  }
0xe9: {  	v61 =	vor.u32 $0xE, v1;
	v2 =	vadd.f32 v57, v2  }
0xea: {  	v62 =	vld.idx.msk [tilespmem:v58+s19+$0x0], $0xffff  }
0xeb: {  	v1 =	vor.u32 $0xF, v1;
	v2 =	vadd.f32 v59, v2  }
0xec: {  	v63 =	vld.idx.msk [tilespmem:v60+s19+$0x0], $0xffff  }
0xed: {  	v2 =	vadd.f32 v3, v2  }
0xee: {  	v3 =	vld.idx.msk [tilespmem:v61+s19+$0x0], $0xffff  }
0xef: {  	v2 =	vadd.f32 v62, v2  }
0xf0: {  	v1 =	vld.idx.msk [tilespmem:v1+s19+$0x0], $0xffff  }
0xf1: {  	v2 =	vadd.f32 v63, v2;
	_ =	sdelay $0x1  }
0xf2: {  	v2 =	vadd.f32 v3, v2;
	_ =	sdelay $0x1  }
0xf3: {  	v1 =	vadd.f32 v1, v2;
	_ =	sdelay $0x1  }
0xf4: {  	v1 =	vmul.f32 $5.000000000e-01, v1  }
0xf5: {  	s31 =	sadd.s32 $0x10, s23  }
0xf6: {  	s23 =	simm.s32 $0x0;
	[tilespmem:s31+$0x0] =	vst v1  }
0xf7: {  	[tilespmem:s23], [sflag:$0x3] =	stream.linear.gather [hbm4b:s6+s23], $0x680, $0x38;
	[tilespmem:$0xE300] =	vst v63  }
0xf8: {  	_ =	swait.ge [sflag:s14], $0x680  }
0xf9: {  	[sflag:s14] =	ssyncset.done $0x0  }
0xfa: {  	[sflag:s14] =	ssyncadd.s32 $0xFFFFF980  }
0xfb: {  	[tilespmem:s16], [sflag:$0x1] =	stream.indirect.gather [hbm4b:s3+s15], $0x10, s23, s15, $0xb8;
	[tilespmem:$0xE300] =	vst v63  }
0xfc: {  	_ =	swait.ge [sflag:s20], $0x6800  }
0xfd: {  	[sflag:s20] =	ssyncset.done $0x0  }
0xfe: {  	s25 =	simm.s32 $0x75D0;
	[sflag:s20] =	ssyncadd.s32 $0xFFFF9800  }
0xff: {  	s26 =	simm.s32 $0x40;
	s24 =	simm.s32 $0x0;
	v1 =	vld [tilespmem:s25+$0xFFFFFF30]  }
.LBB2_6:
0x100: {  	p0 =	sne.s32 s26, $0xFC0  }
0x101: {  	v2 =	vld [tilespmem:s25+$0xFFFFFF40];
	_ =	sdelay $0x1  }
0x102: {  	v3 =	vld [tilespmem:s25+$0xFFFFFF50]  }
0x103: {  	v4 =	vadd.f32 $0.0e+00, v1  }
0x104: {  	v5 =	vld [tilespmem:s25+$0xFFFFFF60]  }
0x105: {  	v1 =	vmul.f32 v1, v1;
	v4 =	vadd.f32 v2, v4;
	v2 =	vmul.f32 v2, v2  }
0x106: {  	v6 =	vld [tilespmem:s25+$0xFFFFFF70]  }
0x107: {  	v1 =	vadd.f32 v2, v1;
	v2 =	vadd.f32 v3, v4;
	v3 =	vmul.f32 v3, v3  }
0x108: {  	v4 =	vld [tilespmem:s25+$0xFFFFFF80]  }
0x109: {  	v1 =	vadd.f32 v3, v1;
	v2 =	vadd.f32 v5, v2;
	v3 =	vmul.f32 v5, v5  }
0x10a: {  	v5 =	vld [tilespmem:s25+$0xFFFFFF90]  }
0x10b: {  	v1 =	vadd.f32 v3, v1;
	v2 =	vadd.f32 v6, v2;
	v3 =	vmul.f32 v6, v6  }
0x10c: {  	v6 =	vld [tilespmem:s25+$0xFFFFFFA0]  }
0x10d: {  	v1 =	vadd.f32 v3, v1;
	v2 =	vadd.f32 v4, v2;
	v3 =	vmul.f32 v4, v4  }
0x10e: {  	v4 =	vld [tilespmem:s25+$0xFFFFFFB0]  }
0x10f: {  	v1 =	vadd.f32 v3, v1;
	v2 =	vadd.f32 v5, v2;
	v3 =	vmul.f32 v5, v5  }
0x110: {  	v5 =	vld [tilespmem:s25+$0xFFFFFFC0]  }
0x111: {  	v1 =	vadd.f32 v3, v1;
	v2 =	vadd.f32 v6, v2;
	v3 =	vmul.f32 v6, v6  }
0x112: {  	v6 =	vld [tilespmem:s25+$0xFFFFFFD0]  }
0x113: {  	v1 =	vadd.f32 v3, v1;
	v2 =	vadd.f32 v4, v2;
	v3 =	vmul.f32 v4, v4  }
0x114: {  	v4 =	vld [tilespmem:s25+$0xFFFFFFE0]  }
0x115: {  	v1 =	vadd.f32 v3, v1;
	v2 =	vadd.f32 v5, v2;
	v3 =	vmul.f32 v5, v5  }
0x116: {  	v5 =	vld [tilespmem:s25+$0xFFFFFFF0]  }
0x117: {  	v1 =	vadd.f32 v3, v1;
	v2 =	vadd.f32 v6, v2;
	v3 =	vmul.f32 v6, v6  }
0x118: {  	v6 =	vld [tilespmem:s25+$0x0]  }
0x119: {  	v1 =	vadd.f32 v3, v1;
	v2 =	vadd.f32 v4, v2;
	v3 =	vmul.f32 v4, v4  }
0x11a: {  	v4 =	vld [tilespmem:s25+$0x10]  }
0x11b: {  	v1 =	vadd.f32 v3, v1;
	v2 =	vadd.f32 v5, v2;
	v3 =	vmul.f32 v5, v5  }
0x11c: {  	v5 =	vld [tilespmem:s25+$0x20]  }
0x11d: {  	v1 =	vadd.f32 v3, v1;
	v2 =	vadd.f32 v6, v2;
	v3 =	vmul.f32 v6, v6  }
0x11e: {  	v6 =	vld [tilespmem:s25+$0x30]  }
0x11f: {  	v1 =	vadd.f32 v3, v1;
	v2 =	vadd.f32 v4, v2;
	v3 =	vmul.f32 v4, v4  }
0x120: {  	v4 =	vld [tilespmem:s25+$0x40]  }
0x121: {  	v1 =	vadd.f32 v3, v1;
	v2 =	vadd.f32 v5, v2;
	v3 =	vmul.f32 v5, v5  }
0x122: {  	v5 =	vld [tilespmem:s25+$0x50]  }
0x123: {  	v1 =	vadd.f32 v3, v1;
	v2 =	vadd.f32 v6, v2;
	v3 =	vmul.f32 v6, v6  }
0x124: {  	v6 =	vld [tilespmem:s25+$0x60]  }
0x125: {  	v1 =	vadd.f32 v3, v1;
	v2 =	vadd.f32 v4, v2;
	v3 =	vmul.f32 v4, v4  }
0x126: {  	v4 =	vld [tilespmem:s25+$0x70]  }
0x127: {  	v1 =	vadd.f32 v3, v1;
	v2 =	vadd.f32 v5, v2;
	v3 =	vmul.f32 v5, v5  }
0x128: {  	v5 =	vld [tilespmem:s25+$0x80]  }
0x129: {  	v1 =	vadd.f32 v3, v1;
	v2 =	vadd.f32 v6, v2;
	v3 =	vmul.f32 v6, v6  }
0x12a: {  	v6 =	vld [tilespmem:s25+$0x90]  }
0x12b: {  	v1 =	vadd.f32 v3, v1;
	v2 =	vadd.f32 v4, v2;
	v3 =	vmul.f32 v4, v4  }
0x12c: {  	v4 =	vld [tilespmem:s25+$0xA0]  }
0x12d: {  	v1 =	vadd.f32 v3, v1;
	v2 =	vadd.f32 v5, v2;
	v3 =	vmul.f32 v5, v5  }
0x12e: {  	v5 =	vld [tilespmem:s25+$0xB0]  }
0x12f: {  	v1 =	vadd.f32 v3, v1;
	v2 =	vadd.f32 v6, v2;
	v3 =	vmul.f32 v6, v6  }
0x130: {  	v6 =	vld [tilespmem:s25+$0xC0]  }
0x131: {  	v1 =	vadd.f32 v3, v1;
	v2 =	vadd.f32 v4, v2;
	v3 =	vmul.f32 v4, v4;
	_ =	sdelay $0x1  }
0x132: {  	v1 =	vadd.f32 v3, v1;
	v2 =	vadd.f32 v5, v2;
	v3 =	vmul.f32 v5, v5;
	_ =	sdelay $0x1  }
0x133: {  	v1 =	vadd.f32 v3, v1;
	v2 =	vadd.f32 v6, v2;
	v3 =	vmul.f32 v6, v6;
	_ =	sdelay $0x1  }
0x134: {  	v1 =	vadd.f32 v3, v1;
	v2 =	vmul.f32 v2, v2  }
.Ltmp2:
0x135: {  	(pc) =	sbr.rel @p0 .LBB2_6-.Ltmp2, $4  }
0x136: {  	v1 =	vsub.f32 v2, v1  }
0x137: {  	s28 =	sshra.s32 s24, $0x2;
	s24 =	smov.u32 s26  }
0x138: {  	s25 =	sadd.s32 $0x1A0, s25;
	[tilespmem:s28+$0xDD00] =	vst v1  }
0x139: {  	s26 =	sadd.s32 $0x40, s26;
	v1 =	vld [tilespmem:s25+$0xFFFFFF30]  }
0x13a: {  	v2 =	vld [tilespmem:s25+$0xFFFFFF40];
	_ =	sdelay $0x1  }
0x13b: {  	v3 =	vld [tilespmem:s25+$0xFFFFFF50];
	_ =	sdelay $0x1  }
0x13c: {  	v5 =	vld [tilespmem:s25+$0xFFFFFF60];
	v4 =	vadd.f32 $0.0e+00, v1  }
0x13d: {  	v1 =	vmul.f32 v1, v1;
	v6 =	vmul.f32 v2, v2  }
0x13e: {  	v2 =	vadd.f32 v2, v4;
	v4 =	vld [tilespmem:s25+$0xFFFFFF70]  }
0x13f: {  	v1 =	vadd.f32 v6, v1;
	v6 =	vmul.f32 v3, v3  }
0x140: {  	v2 =	vadd.f32 v3, v2;
	v3 =	vld [tilespmem:s25+$0xFFFFFF80]  }
0x141: {  	v1 =	vadd.f32 v6, v1;
	v6 =	vmul.f32 v5, v5  }
0x142: {  	v2 =	vadd.f32 v5, v2;
	v5 =	vld [tilespmem:s25+$0xFFFFFF90]  }
0x143: {  	v1 =	vadd.f32 v6, v1;
	v6 =	vmul.f32 v4, v4  }
0x144: {  	v2 =	vadd.f32 v4, v2;
	v4 =	vld [tilespmem:s25+$0xFFFFFFA0]  }
0x145: {  	v1 =	vadd.f32 v6, v1;
	v6 =	vmul.f32 v3, v3  }
0x146: {  	v2 =	vadd.f32 v3, v2;
	v3 =	vld [tilespmem:s25+$0xFFFFFFB0]  }
0x147: {  	v1 =	vadd.f32 v6, v1;
	v6 =	vmul.f32 v5, v5  }
0x148: {  	v2 =	vadd.f32 v5, v2;
	v5 =	vld [tilespmem:s25+$0xFFFFFFC0]  }
0x149: {  	v1 =	vadd.f32 v6, v1;
	v6 =	vmul.f32 v4, v4  }
0x14a: {  	v2 =	vadd.f32 v4, v2;
	v4 =	vld [tilespmem:s25+$0xFFFFFFD0]  }
0x14b: {  	v1 =	vadd.f32 v6, v1;
	v6 =	vmul.f32 v3, v3  }
0x14c: {  	v2 =	vadd.f32 v3, v2;
	v3 =	vld [tilespmem:s25+$0xFFFFFFE0]  }
0x14d: {  	v1 =	vadd.f32 v6, v1;
	v6 =	vmul.f32 v5, v5  }
0x14e: {  	v2 =	vadd.f32 v5, v2;
	v5 =	vld [tilespmem:s25+$0xFFFFFFF0]  }
0x14f: {  	v1 =	vadd.f32 v6, v1;
	v6 =	vmul.f32 v4, v4  }
0x150: {  	v2 =	vadd.f32 v4, v2;
	v4 =	vld [tilespmem:s25+$0x0]  }
0x151: {  	v1 =	vadd.f32 v6, v1;
	v6 =	vmul.f32 v3, v3  }
0x152: {  	v2 =	vadd.f32 v3, v2;
	v3 =	vld [tilespmem:s25+$0x10]  }
0x153: {  	v1 =	vadd.f32 v6, v1;
	v6 =	vmul.f32 v5, v5  }
0x154: {  	v2 =	vadd.f32 v5, v2;
	v5 =	vld [tilespmem:s25+$0x20]  }
0x155: {  	v1 =	vadd.f32 v6, v1;
	v6 =	vmul.f32 v4, v4  }
0x156: {  	v2 =	vadd.f32 v4, v2;
	v4 =	vld [tilespmem:s25+$0x30]  }
0x157: {  	v1 =	vadd.f32 v6, v1;
	v6 =	vmul.f32 v3, v3  }
0x158: {  	v2 =	vadd.f32 v3, v2;
	v3 =	vld [tilespmem:s25+$0x40]  }
0x159: {  	v1 =	vadd.f32 v6, v1;
	v6 =	vmul.f32 v5, v5  }
0x15a: {  	v2 =	vadd.f32 v5, v2;
	v5 =	vld [tilespmem:s25+$0x50]  }
0x15b: {  	v1 =	vadd.f32 v6, v1;
	v6 =	vmul.f32 v4, v4  }
0x15c: {  	v2 =	vadd.f32 v4, v2;
	v4 =	vld [tilespmem:s25+$0x60]  }
0x15d: {  	v1 =	vadd.f32 v6, v1;
	v6 =	vmul.f32 v3, v3  }
0x15e: {  	v2 =	vadd.f32 v3, v2;
	v3 =	vld [tilespmem:s25+$0x70]  }
0x15f: {  	v1 =	vadd.f32 v6, v1;
	v6 =	vmul.f32 v5, v5  }
0x160: {  	v2 =	vadd.f32 v5, v2;
	v5 =	vld [tilespmem:s25+$0x80]  }
0x161: {  	v1 =	vadd.f32 v6, v1;
	v6 =	vmul.f32 v4, v4  }
0x162: {  	v2 =	vadd.f32 v4, v2;
	v4 =	vld [tilespmem:s25+$0x90]  }
0x163: {  	v1 =	vadd.f32 v6, v1;
	v6 =	vmul.f32 v3, v3  }
0x164: {  	v2 =	vadd.f32 v3, v2;
	v3 =	vld [tilespmem:s25+$0xA0]  }
0x165: {  	v1 =	vadd.f32 v6, v1;
	v6 =	vmul.f32 v5, v5  }
0x166: {  	v2 =	vadd.f32 v5, v2;
	v5 =	vld [tilespmem:s25+$0xB0]  }
0x167: {  	v1 =	vadd.f32 v6, v1;
	v6 =	vmul.f32 v4, v4  }
0x168: {  	v2 =	vadd.f32 v4, v2  }
0x169: {  	v4 =	vld [tilespmem:s25+$0xC0];
	v1 =	vadd.f32 v6, v1;
	v6 =	vmul.f32 v3, v3  }
0x16a: {  	v2 =	vadd.f32 v3, v2  }
0x16b: {  	v1 =	vadd.f32 v6, v1;
	v3 =	vmul.f32 v5, v5  }
0x16c: {  	v2 =	vadd.f32 v5, v2  }
0x16d: {  	v1 =	vadd.f32 v3, v1  }
0x16e: {  	v3 =	vmul.f32 v4, v4;
	v2 =	vadd.f32 v4, v2;
	v4 =	vmov s23  }
0x16f: {  	v4 =	vshll.u32 v4, $0x4  }
0x170: {  	v1 =	vadd.f32 v3, v1;
	v2 =	vmul.f32 v2, v2;
	v3 =	vor.u32 v0, v4;
	_ =	sdelay $0x1  }
0x171: {  	v1 =	vsub.f32 v2, v1;
	v2 =	vor.u32 $0x1, v3  }
0x172: {  	s30 =	sshra.s32 s24, $0x2  }
0x173: {  	[tilespmem:s30+$0xDD00] =	vst v1;
	v1 =	vor.u32 $0x2, v3  }
0x174: {  	v4 =	vld.idx.msk [tilespmem:v3+s19+$0x0], $0xffff  }
0x175: {  	v5 =	vor.u32 $0x3, v3  }
0x176: {  	v2 =	vld.idx.msk [tilespmem:v2+s19+$0x0], $0xffff  }
0x177: {  	v6 =	vor.u32 $0x4, v3  }
0x178: {  	v1 =	vld.idx.msk [tilespmem:v1+s19+$0x0], $0xffff  }
0x179: {  	v7 =	vor.u32 $0x5, v3;
	v4 =	vadd.f32 $0.0e+00, v4  }
0x17a: {  	v5 =	vld.idx.msk [tilespmem:v5+s19+$0x0], $0xffff  }
0x17b: {  	v8 =	vor.u32 $0x6, v3;
	v2 =	vadd.f32 v2, v4  }
0x17c: {  	v4 =	vld.idx.msk [tilespmem:v6+s19+$0x0], $0xffff  }
0x17d: {  	v6 =	vor.u32 $0x7, v3;
	v1 =	vadd.f32 v1, v2  }
0x17e: {  	v2 =	vld.idx.msk [tilespmem:v7+s19+$0x0], $0xffff  }
0x17f: {  	v7 =	vor.u32 $0x8, v3;
	v1 =	vadd.f32 v5, v1  }
0x180: {  	v5 =	vld.idx.msk [tilespmem:v8+s19+$0x0], $0xffff  }
0x181: {  	v8 =	vor.u32 $0x9, v3;
	v1 =	vadd.f32 v4, v1  }
0x182: {  	v4 =	vld.idx.msk [tilespmem:v6+s19+$0x0], $0xffff  }
0x183: {  	v6 =	vor.u32 $0xA, v3;
	v1 =	vadd.f32 v2, v1  }
0x184: {  	v2 =	vld.idx.msk [tilespmem:v7+s19+$0x0], $0xffff  }
0x185: {  	v7 =	vor.u32 $0xB, v3;
	v1 =	vadd.f32 v5, v1  }
0x186: {  	v5 =	vld.idx.msk [tilespmem:v8+s19+$0x0], $0xffff  }
0x187: {  	v8 =	vor.u32 $0xC, v3;
	v1 =	vadd.f32 v4, v1  }
0x188: {  	v4 =	vld.idx.msk [tilespmem:v6+s19+$0x0], $0xffff  }
0x189: {  	v6 =	vor.u32 $0xD, v3;
	v1 =	vadd.f32 v2, v1  }
0x18a: {  	v2 =	vld.idx.msk [tilespmem:v7+s19+$0x0], $0xffff  }
0x18b: {  	v7 =	vor.u32 $0xE, v3;
	v1 =	vadd.f32 v5, v1  }
0x18c: {  	v5 =	vld.idx.msk [tilespmem:v8+s19+$0x0], $0xffff  }
0x18d: {  	v3 =	vor.u32 $0xF, v3;
	v1 =	vadd.f32 v4, v1  }
0x18e: {  	v4 =	vld.idx.msk [tilespmem:v6+s19+$0x0], $0xffff  }
0x18f: {  	v1 =	vadd.f32 v2, v1  }
0x190: {  	v2 =	vld.idx.msk [tilespmem:v7+s19+$0x0], $0xffff  }
0x191: {  	v1 =	vadd.f32 v5, v1  }
0x192: {  	v3 =	vld.idx.msk [tilespmem:v3+s19+$0x0], $0xffff  }
0x193: {  	v1 =	vadd.f32 v4, v1  }
0x194: {  	s31 =	simm.s32 $0x10  }
0x195: {  	v4 =	vmov s31;
	v2 =	vadd.f32 v2, v1  }
0x196: {  	v1 =	vshll.u32 v4, $0x4  }
0x197: {  	v1 =	vor.u32 v0, v1;
	v2 =	vadd.f32 v3, v2  }
0x198: {  	v9 =	vor.u32 $0x1, v1;
	v8 =	vor.u32 $0x2, v1;
	v7 =	vor.u32 $0x3, v1  }
0x199: {  	v6 =	vor.u32 $0x4, v1;
	v4 =	vor.u32 $0x5, v1;
	v5 =	vor.u32 $0x6, v1  }
0x19a: {  	s24 =	simm.s32 $0x20;
	s23 =	simm.s32 $0xE140;
	v3 =	vor.u32 $0x7, v1;
	v10 =	vmul.f32 $5.000000000e-01, v2;
	v2 =	vor.u32 $0x8, v1  }
.LBB2_8:
0x19b: {  	p0 =	sne.s32 s24, $0x30  }
0x19c: {  	v11 =	vor.u32 $0x9, v1;
	v12 =	vor.u32 $0xA, v1;
	v13 =	vor.u32 $0xB, v1;
	[tilespmem:s23+$0x0] =	vst v10;
	s23 =	sadd.s32 $0x10, s23;
	s25 =	smov.u32 s24;
	s24 =	sadd.s32 $0x10, s24  }
0x19d: {  	v14 =	vor.u32 $0xC, v1;
	v15 =	vor.u32 $0xD, v1;
	v16 =	vor.u32 $0xE, v1;
	v10 =	vld.idx.msk [tilespmem:v1+s19+$0x0], $0xffff  }
0x19e: {  	v1 =	vor.u32 $0xF, v1  }
0x19f: {  	v9 =	vld.idx.msk [tilespmem:v9+s19+$0x0], $0xffff;
	_ =	sdelay $0x1  }
0x1a0: {  	v8 =	vld.idx.msk [tilespmem:v8+s19+$0x0], $0xffff;
	_ =	sdelay $0x1  }
0x1a1: {  	v10 =	vadd.f32 $0.0e+00, v10;
	v7 =	vld.idx.msk [tilespmem:v7+s19+$0x0], $0xffff;
	_ =	sdelay $0x1  }
0x1a2: {  	v9 =	vadd.f32 v9, v10;
	v6 =	vld.idx.msk [tilespmem:v6+s19+$0x0], $0xffff;
	_ =	sdelay $0x1  }
0x1a3: {  	v8 =	vadd.f32 v8, v9;
	v4 =	vld.idx.msk [tilespmem:v4+s19+$0x0], $0xffff;
	_ =	sdelay $0x1  }
0x1a4: {  	v7 =	vadd.f32 v7, v8;
	v5 =	vld.idx.msk [tilespmem:v5+s19+$0x0], $0xffff;
	_ =	sdelay $0x1  }
0x1a5: {  	v6 =	vadd.f32 v6, v7;
	v3 =	vld.idx.msk [tilespmem:v3+s19+$0x0], $0xffff;
	_ =	sdelay $0x1  }
0x1a6: {  	v4 =	vadd.f32 v4, v6;
	v2 =	vld.idx.msk [tilespmem:v2+s19+$0x0], $0xffff;
	_ =	sdelay $0x1  }
0x1a7: {  	v4 =	vadd.f32 v5, v4;
	v5 =	vld.idx.msk [tilespmem:v11+s19+$0x0], $0xffff;
	_ =	sdelay $0x1  }
0x1a8: {  	v3 =	vadd.f32 v3, v4;
	v4 =	vld.idx.msk [tilespmem:v12+s19+$0x0], $0xffff;
	_ =	sdelay $0x1  }
0x1a9: {  	v2 =	vadd.f32 v2, v3;
	v3 =	vld.idx.msk [tilespmem:v13+s19+$0x0], $0xffff;
	_ =	sdelay $0x1  }
0x1aa: {  	v2 =	vadd.f32 v5, v2;
	v5 =	vld.idx.msk [tilespmem:v14+s19+$0x0], $0xffff;
	_ =	sdelay $0x1  }
0x1ab: {  	v2 =	vadd.f32 v4, v2;
	v4 =	vld.idx.msk [tilespmem:v15+s19+$0x0], $0xffff;
	_ =	sdelay $0x1  }
0x1ac: {  	v2 =	vadd.f32 v3, v2;
	v3 =	vld.idx.msk [tilespmem:v16+s19+$0x0], $0xffff;
	_ =	sdelay $0x1  }
0x1ad: {  	v2 =	vadd.f32 v5, v2;
	v5 =	vld.idx.msk [tilespmem:v1+s19+$0x0], $0xffff;
	_ =	sdelay $0x1  }
0x1ae: {  	v1 =	vadd.f32 v4, v2;
	_ =	sdelay $0x1  }
0x1af: {  	v2 =	vmov s25;
	v3 =	vadd.f32 v3, v1  }
.Ltmp3:
0x1b0: {  	v1 =	vshll.u32 v2, $0x4;
	(pc) =	sbr.rel @p0 .LBB2_8-.Ltmp3, $4  }
0x1b1: {  	v1 =	vor.u32 v0, v1;
	v2 =	vadd.f32 v5, v3  }
0x1b2: {  	v9 =	vor.u32 $0x1, v1;
	v8 =	vor.u32 $0x2, v1;
	v7 =	vor.u32 $0x3, v1  }
0x1b3: {  	v6 =	vor.u32 $0x4, v1;
	v4 =	vor.u32 $0x5, v1;
	v10 =	vmul.f32 $5.000000000e-01, v2  }
0x1b4: {  	v5 =	vor.u32 $0x6, v1;
	v3 =	vor.u32 $0x7, v1;
	v2 =	vor.u32 $0x8, v1  }
0x1b5: {  	_ =	sdelay $0x2  }
0x1b6: {  	[tilespmem:s23+$0x0] =	vst v10  }
0x1b7: {  	v10 =	vld.idx.msk [tilespmem:v1+s19+$0x0], $0xffff;
	_ =	sdelay $0x1  }
0x1b8: {  	v9 =	vld.idx.msk [tilespmem:v9+s19+$0x0], $0xffff;
	_ =	sdelay $0x1  }
0x1b9: {  	v8 =	vld.idx.msk [tilespmem:v8+s19+$0x0], $0xffff  }
0x1ba: {  	v10 =	vadd.f32 $0.0e+00, v10  }
0x1bb: {  	v7 =	vld.idx.msk [tilespmem:v7+s19+$0x0], $0xffff  }
0x1bc: {  	v9 =	vadd.f32 v9, v10  }
0x1bd: {  	v6 =	vld.idx.msk [tilespmem:v6+s19+$0x0], $0xffff  }
0x1be: {  	v8 =	vadd.f32 v8, v9  }
0x1bf: {  	v4 =	vld.idx.msk [tilespmem:v4+s19+$0x0], $0xffff  }
0x1c0: {  	v7 =	vadd.f32 v7, v8  }
0x1c1: {  	v5 =	vld.idx.msk [tilespmem:v5+s19+$0x0], $0xffff  }
0x1c2: {  	v54 =	vor.u32 $0x9, v1;
	v6 =	vadd.f32 v6, v7  }
0x1c3: {  	v3 =	vld.idx.msk [tilespmem:v3+s19+$0x0], $0xffff  }
0x1c4: {  	v55 =	vor.u32 $0xA, v1;
	v4 =	vadd.f32 v4, v6  }
0x1c5: {  	v2 =	vld.idx.msk [tilespmem:v2+s19+$0x0], $0xffff  }
0x1c6: {  	v56 =	vor.u32 $0xB, v1;
	v4 =	vadd.f32 v5, v4  }
0x1c7: {  	v57 =	vld.idx.msk [tilespmem:v54+s19+$0x0], $0xffff  }
0x1c8: {  	v58 =	vor.u32 $0xC, v1;
	v3 =	vadd.f32 v3, v4  }
0x1c9: {  	v59 =	vld.idx.msk [tilespmem:v55+s19+$0x0], $0xffff  }
0x1ca: {  	v60 =	vor.u32 $0xD, v1;
	v2 =	vadd.f32 v2, v3  }
0x1cb: {  	v3 =	vld.idx.msk [tilespmem:v56+s19+$0x0], $0xffff  }
0x1cc: {  	v61 =	vor.u32 $0xE, v1;
	v2 =	vadd.f32 v57, v2  }
0x1cd: {  	v62 =	vld.idx.msk [tilespmem:v58+s19+$0x0], $0xffff  }
0x1ce: {  	v1 =	vor.u32 $0xF, v1;
	v2 =	vadd.f32 v59, v2  }
0x1cf: {  	v63 =	vld.idx.msk [tilespmem:v60+s19+$0x0], $0xffff  }
0x1d0: {  	v2 =	vadd.f32 v3, v2  }
0x1d1: {  	v3 =	vld.idx.msk [tilespmem:v61+s19+$0x0], $0xffff  }
0x1d2: {  	v2 =	vadd.f32 v62, v2  }
0x1d3: {  	v1 =	vld.idx.msk [tilespmem:v1+s19+$0x0], $0xffff  }
0x1d4: {  	v2 =	vadd.f32 v63, v2;
	_ =	sdelay $0x1  }
0x1d5: {  	v2 =	vadd.f32 v3, v2;
	_ =	sdelay $0x1  }
0x1d6: {  	v1 =	vadd.f32 v1, v2;
	_ =	sdelay $0x1  }
0x1d7: {  	v1 =	vmul.f32 $5.000000000e-01, v1  }
0x1d8: {  	s31 =	sadd.s32 $0x10, s23  }
0x1d9: {  	s23 =	simm.s32 $0x0;
	[tilespmem:s31+$0x0] =	vst v1  }
0x1da: {  	[tilespmem:s15], [sflag:$0x3] =	stream.linear.gather [hbm4b:s7+s23], $0x680, $0x38;
	[tilespmem:$0xE300] =	vst v63  }
0x1db: {  	_ =	swait.ge [sflag:s14], $0x680  }
0x1dc: {  	[sflag:s14] =	ssyncset.done $0x0  }
0x1dd: {  	[sflag:s14] =	ssyncadd.s32 $0xFFFFF980  }
0x1de: {  	[tilespmem:s17], [sflag:$0x2] =	stream.indirect.gather [hbm4b:s3+s15], $0x10, s15, s15, $0xb8;
	[tilespmem:$0xE300] =	vst v63  }
0x1df: {  	_ =	swait.ge [sflag:s18], $0x6800  }
0x1e0: {  	[sflag:s18] =	ssyncset.done $0x0  }
0x1e1: {  	s25 =	simm.s32 $0xDD0;
	[sflag:s18] =	ssyncadd.s32 $0xFFFF9800  }
0x1e2: {  	s26 =	simm.s32 $0x40;
	s24 =	simm.s32 $0x0;
	v1 =	vld [tilespmem:s25+$0xFFFFFF30]  }
.LBB2_10:
0x1e3: {  	p0 =	sne.s32 s26, $0xFC0  }
0x1e4: {  	v2 =	vld [tilespmem:s25+$0xFFFFFF40];
	_ =	sdelay $0x1  }
0x1e5: {  	v3 =	vld [tilespmem:s25+$0xFFFFFF50]  }
0x1e6: {  	v4 =	vadd.f32 $0.0e+00, v1  }
0x1e7: {  	v5 =	vld [tilespmem:s25+$0xFFFFFF60]  }
0x1e8: {  	v1 =	vmul.f32 v1, v1;
	v4 =	vadd.f32 v2, v4;
	v2 =	vmul.f32 v2, v2  }
0x1e9: {  	v6 =	vld [tilespmem:s25+$0xFFFFFF70]  }
0x1ea: {  	v1 =	vadd.f32 v2, v1;
	v2 =	vadd.f32 v3, v4;
	v3 =	vmul.f32 v3, v3  }
0x1eb: {  	v4 =	vld [tilespmem:s25+$0xFFFFFF80]  }
0x1ec: {  	v1 =	vadd.f32 v3, v1;
	v2 =	vadd.f32 v5, v2;
	v3 =	vmul.f32 v5, v5  }
0x1ed: {  	v5 =	vld [tilespmem:s25+$0xFFFFFF90]  }
0x1ee: {  	v1 =	vadd.f32 v3, v1;
	v2 =	vadd.f32 v6, v2;
	v3 =	vmul.f32 v6, v6  }
0x1ef: {  	v6 =	vld [tilespmem:s25+$0xFFFFFFA0]  }
0x1f0: {  	v1 =	vadd.f32 v3, v1;
	v2 =	vadd.f32 v4, v2;
	v3 =	vmul.f32 v4, v4  }
0x1f1: {  	v4 =	vld [tilespmem:s25+$0xFFFFFFB0]  }
0x1f2: {  	v1 =	vadd.f32 v3, v1;
	v2 =	vadd.f32 v5, v2;
	v3 =	vmul.f32 v5, v5  }
0x1f3: {  	v5 =	vld [tilespmem:s25+$0xFFFFFFC0]  }
0x1f4: {  	v1 =	vadd.f32 v3, v1;
	v2 =	vadd.f32 v6, v2;
	v3 =	vmul.f32 v6, v6  }
0x1f5: {  	v6 =	vld [tilespmem:s25+$0xFFFFFFD0]  }
0x1f6: {  	v1 =	vadd.f32 v3, v1;
	v2 =	vadd.f32 v4, v2;
	v3 =	vmul.f32 v4, v4  }
0x1f7: {  	v4 =	vld [tilespmem:s25+$0xFFFFFFE0]  }
0x1f8: {  	v1 =	vadd.f32 v3, v1;
	v2 =	vadd.f32 v5, v2;
	v3 =	vmul.f32 v5, v5  }
0x1f9: {  	v5 =	vld [tilespmem:s25+$0xFFFFFFF0]  }
0x1fa: {  	v1 =	vadd.f32 v3, v1;
	v2 =	vadd.f32 v6, v2;
	v3 =	vmul.f32 v6, v6  }
0x1fb: {  	v6 =	vld [tilespmem:s25+$0x0]  }
0x1fc: {  	v1 =	vadd.f32 v3, v1;
	v2 =	vadd.f32 v4, v2;
	v3 =	vmul.f32 v4, v4  }
0x1fd: {  	v4 =	vld [tilespmem:s25+$0x10]  }
0x1fe: {  	v1 =	vadd.f32 v3, v1;
	v2 =	vadd.f32 v5, v2;
	v3 =	vmul.f32 v5, v5  }
0x1ff: {  	v5 =	vld [tilespmem:s25+$0x20]  }
0x200: {  	v1 =	vadd.f32 v3, v1;
	v2 =	vadd.f32 v6, v2;
	v3 =	vmul.f32 v6, v6  }
0x201: {  	v6 =	vld [tilespmem:s25+$0x30]  }
0x202: {  	v1 =	vadd.f32 v3, v1;
	v2 =	vadd.f32 v4, v2;
	v3 =	vmul.f32 v4, v4  }
0x203: {  	v4 =	vld [tilespmem:s25+$0x40]  }
0x204: {  	v1 =	vadd.f32 v3, v1;
	v2 =	vadd.f32 v5, v2;
	v3 =	vmul.f32 v5, v5  }
0x205: {  	v5 =	vld [tilespmem:s25+$0x50]  }
0x206: {  	v1 =	vadd.f32 v3, v1;
	v2 =	vadd.f32 v6, v2;
	v3 =	vmul.f32 v6, v6  }
0x207: {  	v6 =	vld [tilespmem:s25+$0x60]  }
0x208: {  	v1 =	vadd.f32 v3, v1;
	v2 =	vadd.f32 v4, v2;
	v3 =	vmul.f32 v4, v4  }
0x209: {  	v4 =	vld [tilespmem:s25+$0x70]  }
0x20a: {  	v1 =	vadd.f32 v3, v1;
	v2 =	vadd.f32 v5, v2;
	v3 =	vmul.f32 v5, v5  }
0x20b: {  	v5 =	vld [tilespmem:s25+$0x80]  }
0x20c: {  	v1 =	vadd.f32 v3, v1;
	v2 =	vadd.f32 v6, v2;
	v3 =	vmul.f32 v6, v6  }
0x20d: {  	v6 =	vld [tilespmem:s25+$0x90]  }
0x20e: {  	v1 =	vadd.f32 v3, v1;
	v2 =	vadd.f32 v4, v2;
	v3 =	vmul.f32 v4, v4  }
0x20f: {  	v4 =	vld [tilespmem:s25+$0xA0]  }
0x210: {  	v1 =	vadd.f32 v3, v1;
	v2 =	vadd.f32 v5, v2;
	v3 =	vmul.f32 v5, v5  }
0x211: {  	v5 =	vld [tilespmem:s25+$0xB0]  }
0x212: {  	v1 =	vadd.f32 v3, v1;
	v2 =	vadd.f32 v6, v2;
	v3 =	vmul.f32 v6, v6  }
0x213: {  	v6 =	vld [tilespmem:s25+$0xC0]  }
0x214: {  	v1 =	vadd.f32 v3, v1;
	v2 =	vadd.f32 v4, v2;
	v3 =	vmul.f32 v4, v4;
	_ =	sdelay $0x1  }
0x215: {  	v1 =	vadd.f32 v3, v1;
	v2 =	vadd.f32 v5, v2;
	v3 =	vmul.f32 v5, v5;
	_ =	sdelay $0x1  }
0x216: {  	v1 =	vadd.f32 v3, v1;
	v2 =	vadd.f32 v6, v2;
	v3 =	vmul.f32 v6, v6;
	_ =	sdelay $0x1  }
0x217: {  	v1 =	vadd.f32 v3, v1;
	v2 =	vmul.f32 v2, v2  }
.Ltmp4:
0x218: {  	(pc) =	sbr.rel @p0 .LBB2_10-.Ltmp4, $4  }
0x219: {  	v1 =	vsub.f32 v2, v1  }
0x21a: {  	s28 =	sshra.s32 s24, $0x2;
	s24 =	smov.u32 s26  }
0x21b: {  	s25 =	sadd.s32 $0x1A0, s25;
	[tilespmem:s28+$0xDD00] =	vst v1  }
0x21c: {  	s26 =	sadd.s32 $0x40, s26;
	v1 =	vld [tilespmem:s25+$0xFFFFFF30]  }
0x21d: {  	v2 =	vld [tilespmem:s25+$0xFFFFFF40];
	_ =	sdelay $0x1  }
0x21e: {  	v3 =	vld [tilespmem:s25+$0xFFFFFF50];
	_ =	sdelay $0x1  }
0x21f: {  	v5 =	vld [tilespmem:s25+$0xFFFFFF60];
	v4 =	vadd.f32 $0.0e+00, v1  }
0x220: {  	v1 =	vmul.f32 v1, v1;
	v6 =	vmul.f32 v2, v2  }
0x221: {  	v2 =	vadd.f32 v2, v4;
	v4 =	vld [tilespmem:s25+$0xFFFFFF70]  }
0x222: {  	v1 =	vadd.f32 v6, v1;
	v6 =	vmul.f32 v3, v3  }
0x223: {  	v2 =	vadd.f32 v3, v2;
	v3 =	vld [tilespmem:s25+$0xFFFFFF80]  }
0x224: {  	v1 =	vadd.f32 v6, v1;
	v6 =	vmul.f32 v5, v5  }
0x225: {  	v2 =	vadd.f32 v5, v2;
	v5 =	vld [tilespmem:s25+$0xFFFFFF90]  }
0x226: {  	v1 =	vadd.f32 v6, v1;
	v6 =	vmul.f32 v4, v4  }
0x227: {  	v2 =	vadd.f32 v4, v2;
	v4 =	vld [tilespmem:s25+$0xFFFFFFA0]  }
0x228: {  	v1 =	vadd.f32 v6, v1;
	v6 =	vmul.f32 v3, v3  }
0x229: {  	v2 =	vadd.f32 v3, v2;
	v3 =	vld [tilespmem:s25+$0xFFFFFFB0]  }
0x22a: {  	v1 =	vadd.f32 v6, v1;
	v6 =	vmul.f32 v5, v5  }
0x22b: {  	v2 =	vadd.f32 v5, v2;
	v5 =	vld [tilespmem:s25+$0xFFFFFFC0]  }
0x22c: {  	v1 =	vadd.f32 v6, v1;
	v6 =	vmul.f32 v4, v4  }
0x22d: {  	v2 =	vadd.f32 v4, v2;
	v4 =	vld [tilespmem:s25+$0xFFFFFFD0]  }
0x22e: {  	v1 =	vadd.f32 v6, v1;
	v6 =	vmul.f32 v3, v3  }
0x22f: {  	v2 =	vadd.f32 v3, v2;
	v3 =	vld [tilespmem:s25+$0xFFFFFFE0]  }
0x230: {  	v1 =	vadd.f32 v6, v1;
	v6 =	vmul.f32 v5, v5  }
0x231: {  	v2 =	vadd.f32 v5, v2;
	v5 =	vld [tilespmem:s25+$0xFFFFFFF0]  }
0x232: {  	v1 =	vadd.f32 v6, v1;
	v6 =	vmul.f32 v4, v4  }
0x233: {  	v2 =	vadd.f32 v4, v2;
	v4 =	vld [tilespmem:s25+$0x0]  }
0x234: {  	v1 =	vadd.f32 v6, v1;
	v6 =	vmul.f32 v3, v3  }
0x235: {  	v2 =	vadd.f32 v3, v2;
	v3 =	vld [tilespmem:s25+$0x10]  }
0x236: {  	v1 =	vadd.f32 v6, v1;
	v6 =	vmul.f32 v5, v5  }
0x237: {  	v2 =	vadd.f32 v5, v2;
	v5 =	vld [tilespmem:s25+$0x20]  }
0x238: {  	v1 =	vadd.f32 v6, v1;
	v6 =	vmul.f32 v4, v4  }
0x239: {  	v2 =	vadd.f32 v4, v2;
	v4 =	vld [tilespmem:s25+$0x30]  }
0x23a: {  	v1 =	vadd.f32 v6, v1;
	v6 =	vmul.f32 v3, v3  }
0x23b: {  	v2 =	vadd.f32 v3, v2;
	v3 =	vld [tilespmem:s25+$0x40]  }
0x23c: {  	v1 =	vadd.f32 v6, v1;
	v6 =	vmul.f32 v5, v5  }
0x23d: {  	v2 =	vadd.f32 v5, v2;
	v5 =	vld [tilespmem:s25+$0x50]  }
0x23e: {  	v1 =	vadd.f32 v6, v1;
	v6 =	vmul.f32 v4, v4  }
0x23f: {  	v2 =	vadd.f32 v4, v2;
	v4 =	vld [tilespmem:s25+$0x60]  }
0x240: {  	v1 =	vadd.f32 v6, v1;
	v6 =	vmul.f32 v3, v3  }
0x241: {  	v2 =	vadd.f32 v3, v2;
	v3 =	vld [tilespmem:s25+$0x70]  }
0x242: {  	v1 =	vadd.f32 v6, v1;
	v6 =	vmul.f32 v5, v5  }
0x243: {  	v2 =	vadd.f32 v5, v2;
	v5 =	vld [tilespmem:s25+$0x80]  }
0x244: {  	v1 =	vadd.f32 v6, v1;
	v6 =	vmul.f32 v4, v4  }
0x245: {  	v2 =	vadd.f32 v4, v2;
	v4 =	vld [tilespmem:s25+$0x90]  }
0x246: {  	v1 =	vadd.f32 v6, v1;
	v6 =	vmul.f32 v3, v3  }
0x247: {  	v2 =	vadd.f32 v3, v2;
	v3 =	vld [tilespmem:s25+$0xA0]  }
0x248: {  	v1 =	vadd.f32 v6, v1;
	v6 =	vmul.f32 v5, v5  }
0x249: {  	v2 =	vadd.f32 v5, v2;
	v5 =	vld [tilespmem:s25+$0xB0]  }
0x24a: {  	v1 =	vadd.f32 v6, v1;
	v6 =	vmul.f32 v4, v4  }
0x24b: {  	v2 =	vadd.f32 v4, v2  }
0x24c: {  	v4 =	vld [tilespmem:s25+$0xC0];
	v1 =	vadd.f32 v6, v1;
	v6 =	vmul.f32 v3, v3  }
0x24d: {  	v2 =	vadd.f32 v3, v2  }
0x24e: {  	v1 =	vadd.f32 v6, v1;
	v3 =	vmul.f32 v5, v5  }
0x24f: {  	v2 =	vadd.f32 v5, v2  }
0x250: {  	v1 =	vadd.f32 v3, v1  }
0x251: {  	v3 =	vmul.f32 v4, v4;
	v2 =	vadd.f32 v4, v2;
	v4 =	vmov s23  }
0x252: {  	v4 =	vshll.u32 v4, $0x4  }
0x253: {  	v1 =	vadd.f32 v3, v1;
	v2 =	vmul.f32 v2, v2;
	v3 =	vor.u32 v0, v4;
	_ =	sdelay $0x1  }
0x254: {  	v1 =	vsub.f32 v2, v1;
	v2 =	vor.u32 $0x1, v3  }
0x255: {  	s30 =	sshra.s32 s24, $0x2  }
0x256: {  	[tilespmem:s30+$0xDD00] =	vst v1;
	v1 =	vor.u32 $0x2, v3  }
0x257: {  	v4 =	vld.idx.msk [tilespmem:v3+s19+$0x0], $0xffff  }
0x258: {  	v5 =	vor.u32 $0x3, v3  }
0x259: {  	v2 =	vld.idx.msk [tilespmem:v2+s19+$0x0], $0xffff  }
0x25a: {  	v6 =	vor.u32 $0x4, v3  }
0x25b: {  	v1 =	vld.idx.msk [tilespmem:v1+s19+$0x0], $0xffff  }
0x25c: {  	v7 =	vor.u32 $0x5, v3;
	v4 =	vadd.f32 $0.0e+00, v4  }
0x25d: {  	v5 =	vld.idx.msk [tilespmem:v5+s19+$0x0], $0xffff  }
0x25e: {  	v8 =	vor.u32 $0x6, v3;
	v2 =	vadd.f32 v2, v4  }
0x25f: {  	v4 =	vld.idx.msk [tilespmem:v6+s19+$0x0], $0xffff  }
0x260: {  	v6 =	vor.u32 $0x7, v3;
	v1 =	vadd.f32 v1, v2  }
0x261: {  	v2 =	vld.idx.msk [tilespmem:v7+s19+$0x0], $0xffff  }
0x262: {  	v7 =	vor.u32 $0x8, v3;
	v1 =	vadd.f32 v5, v1  }
0x263: {  	v5 =	vld.idx.msk [tilespmem:v8+s19+$0x0], $0xffff  }
0x264: {  	v8 =	vor.u32 $0x9, v3;
	v1 =	vadd.f32 v4, v1  }
0x265: {  	v4 =	vld.idx.msk [tilespmem:v6+s19+$0x0], $0xffff  }
0x266: {  	v6 =	vor.u32 $0xA, v3;
	v1 =	vadd.f32 v2, v1  }
0x267: {  	v2 =	vld.idx.msk [tilespmem:v7+s19+$0x0], $0xffff  }
0x268: {  	v7 =	vor.u32 $0xB, v3;
	v1 =	vadd.f32 v5, v1  }
0x269: {  	v5 =	vld.idx.msk [tilespmem:v8+s19+$0x0], $0xffff  }
0x26a: {  	v8 =	vor.u32 $0xC, v3;
	v1 =	vadd.f32 v4, v1  }
0x26b: {  	v4 =	vld.idx.msk [tilespmem:v6+s19+$0x0], $0xffff  }
0x26c: {  	v6 =	vor.u32 $0xD, v3;
	v1 =	vadd.f32 v2, v1  }
0x26d: {  	v2 =	vld.idx.msk [tilespmem:v7+s19+$0x0], $0xffff  }
0x26e: {  	v7 =	vor.u32 $0xE, v3;
	v1 =	vadd.f32 v5, v1  }
0x26f: {  	v5 =	vld.idx.msk [tilespmem:v8+s19+$0x0], $0xffff  }
0x270: {  	v3 =	vor.u32 $0xF, v3;
	v1 =	vadd.f32 v4, v1  }
0x271: {  	v4 =	vld.idx.msk [tilespmem:v6+s19+$0x0], $0xffff  }
0x272: {  	v1 =	vadd.f32 v2, v1  }
0x273: {  	v2 =	vld.idx.msk [tilespmem:v7+s19+$0x0], $0xffff  }
0x274: {  	v1 =	vadd.f32 v5, v1  }
0x275: {  	v3 =	vld.idx.msk [tilespmem:v3+s19+$0x0], $0xffff  }
0x276: {  	v1 =	vadd.f32 v4, v1  }
0x277: {  	s31 =	simm.s32 $0x10  }
0x278: {  	v4 =	vmov s31;
	v2 =	vadd.f32 v2, v1  }
0x279: {  	v1 =	vshll.u32 v4, $0x4  }
0x27a: {  	v1 =	vor.u32 v0, v1;
	v2 =	vadd.f32 v3, v2  }
0x27b: {  	v9 =	vor.u32 $0x1, v1;
	v8 =	vor.u32 $0x2, v1;
	v7 =	vor.u32 $0x3, v1  }
0x27c: {  	v6 =	vor.u32 $0x4, v1;
	v4 =	vor.u32 $0x5, v1;
	v5 =	vor.u32 $0x6, v1  }
0x27d: {  	s24 =	simm.s32 $0x20;
	s23 =	simm.s32 $0xE180;
	v3 =	vor.u32 $0x7, v1;
	v10 =	vmul.f32 $5.000000000e-01, v2;
	v2 =	vor.u32 $0x8, v1  }
.LBB2_12:
0x27e: {  	p0 =	sne.s32 s24, $0x30  }
0x27f: {  	v11 =	vor.u32 $0x9, v1;
	v12 =	vor.u32 $0xA, v1;
	v13 =	vor.u32 $0xB, v1;
	[tilespmem:s23+$0x0] =	vst v10;
	s23 =	sadd.s32 $0x10, s23;
	s25 =	smov.u32 s24;
	s24 =	sadd.s32 $0x10, s24  }
0x280: {  	v14 =	vor.u32 $0xC, v1;
	v15 =	vor.u32 $0xD, v1;
	v16 =	vor.u32 $0xE, v1;
	v10 =	vld.idx.msk [tilespmem:v1+s19+$0x0], $0xffff  }
0x281: {  	v1 =	vor.u32 $0xF, v1  }
0x282: {  	v9 =	vld.idx.msk [tilespmem:v9+s19+$0x0], $0xffff;
	_ =	sdelay $0x1  }
0x283: {  	v8 =	vld.idx.msk [tilespmem:v8+s19+$0x0], $0xffff;
	_ =	sdelay $0x1  }
0x284: {  	v10 =	vadd.f32 $0.0e+00, v10;
	v7 =	vld.idx.msk [tilespmem:v7+s19+$0x0], $0xffff;
	_ =	sdelay $0x1  }
0x285: {  	v9 =	vadd.f32 v9, v10;
	v6 =	vld.idx.msk [tilespmem:v6+s19+$0x0], $0xffff;
	_ =	sdelay $0x1  }
0x286: {  	v8 =	vadd.f32 v8, v9;
	v4 =	vld.idx.msk [tilespmem:v4+s19+$0x0], $0xffff;
	_ =	sdelay $0x1  }
0x287: {  	v7 =	vadd.f32 v7, v8;
	v5 =	vld.idx.msk [tilespmem:v5+s19+$0x0], $0xffff;
	_ =	sdelay $0x1  }
0x288: {  	v6 =	vadd.f32 v6, v7;
	v3 =	vld.idx.msk [tilespmem:v3+s19+$0x0], $0xffff;
	_ =	sdelay $0x1  }
0x289: {  	v4 =	vadd.f32 v4, v6;
	v2 =	vld.idx.msk [tilespmem:v2+s19+$0x0], $0xffff;
	_ =	sdelay $0x1  }
0x28a: {  	v4 =	vadd.f32 v5, v4;
	v5 =	vld.idx.msk [tilespmem:v11+s19+$0x0], $0xffff;
	_ =	sdelay $0x1  }
0x28b: {  	v3 =	vadd.f32 v3, v4;
	v4 =	vld.idx.msk [tilespmem:v12+s19+$0x0], $0xffff;
	_ =	sdelay $0x1  }
0x28c: {  	v2 =	vadd.f32 v2, v3;
	v3 =	vld.idx.msk [tilespmem:v13+s19+$0x0], $0xffff;
	_ =	sdelay $0x1  }
0x28d: {  	v2 =	vadd.f32 v5, v2;
	v5 =	vld.idx.msk [tilespmem:v14+s19+$0x0], $0xffff;
	_ =	sdelay $0x1  }
0x28e: {  	v2 =	vadd.f32 v4, v2;
	v4 =	vld.idx.msk [tilespmem:v15+s19+$0x0], $0xffff;
	_ =	sdelay $0x1  }
0x28f: {  	v2 =	vadd.f32 v3, v2;
	v3 =	vld.idx.msk [tilespmem:v16+s19+$0x0], $0xffff;
	_ =	sdelay $0x1  }
0x290: {  	v2 =	vadd.f32 v5, v2;
	v5 =	vld.idx.msk [tilespmem:v1+s19+$0x0], $0xffff;
	_ =	sdelay $0x1  }
0x291: {  	v1 =	vadd.f32 v4, v2;
	_ =	sdelay $0x1  }
0x292: {  	v2 =	vmov s25;
	v3 =	vadd.f32 v3, v1  }
.Ltmp5:
0x293: {  	v1 =	vshll.u32 v2, $0x4;
	(pc) =	sbr.rel @p0 .LBB2_12-.Ltmp5, $4  }
0x294: {  	v1 =	vor.u32 v0, v1;
	v2 =	vadd.f32 v5, v3  }
0x295: {  	v9 =	vor.u32 $0x1, v1;
	v8 =	vor.u32 $0x2, v1;
	v7 =	vor.u32 $0x3, v1  }
0x296: {  	v6 =	vor.u32 $0x4, v1;
	v4 =	vor.u32 $0x5, v1;
	v10 =	vmul.f32 $5.000000000e-01, v2  }
0x297: {  	v5 =	vor.u32 $0x6, v1;
	v3 =	vor.u32 $0x7, v1;
	v2 =	vor.u32 $0x8, v1  }
0x298: {  	_ =	sdelay $0x2  }
0x299: {  	[tilespmem:s23+$0x0] =	vst v10  }
0x29a: {  	v10 =	vld.idx.msk [tilespmem:v1+s19+$0x0], $0xffff;
	_ =	sdelay $0x1  }
0x29b: {  	v9 =	vld.idx.msk [tilespmem:v9+s19+$0x0], $0xffff;
	_ =	sdelay $0x1  }
0x29c: {  	v8 =	vld.idx.msk [tilespmem:v8+s19+$0x0], $0xffff  }
0x29d: {  	v10 =	vadd.f32 $0.0e+00, v10  }
0x29e: {  	v7 =	vld.idx.msk [tilespmem:v7+s19+$0x0], $0xffff  }
0x29f: {  	v9 =	vadd.f32 v9, v10  }
0x2a0: {  	v6 =	vld.idx.msk [tilespmem:v6+s19+$0x0], $0xffff  }
0x2a1: {  	v8 =	vadd.f32 v8, v9  }
0x2a2: {  	v4 =	vld.idx.msk [tilespmem:v4+s19+$0x0], $0xffff  }
0x2a3: {  	v7 =	vadd.f32 v7, v8  }
0x2a4: {  	v5 =	vld.idx.msk [tilespmem:v5+s19+$0x0], $0xffff  }
0x2a5: {  	v54 =	vor.u32 $0x9, v1;
	v6 =	vadd.f32 v6, v7  }
0x2a6: {  	v3 =	vld.idx.msk [tilespmem:v3+s19+$0x0], $0xffff  }
0x2a7: {  	v55 =	vor.u32 $0xA, v1;
	v4 =	vadd.f32 v4, v6  }
0x2a8: {  	v2 =	vld.idx.msk [tilespmem:v2+s19+$0x0], $0xffff  }
0x2a9: {  	v56 =	vor.u32 $0xB, v1;
	v4 =	vadd.f32 v5, v4  }
0x2aa: {  	v57 =	vld.idx.msk [tilespmem:v54+s19+$0x0], $0xffff  }
0x2ab: {  	v58 =	vor.u32 $0xC, v1;
	v3 =	vadd.f32 v3, v4  }
0x2ac: {  	v59 =	vld.idx.msk [tilespmem:v55+s19+$0x0], $0xffff  }
0x2ad: {  	v60 =	vor.u32 $0xD, v1;
	v2 =	vadd.f32 v2, v3  }
0x2ae: {  	v3 =	vld.idx.msk [tilespmem:v56+s19+$0x0], $0xffff  }
0x2af: {  	v61 =	vor.u32 $0xE, v1;
	v2 =	vadd.f32 v57, v2  }
0x2b0: {  	v62 =	vld.idx.msk [tilespmem:v58+s19+$0x0], $0xffff  }
0x2b1: {  	v1 =	vor.u32 $0xF, v1;
	v2 =	vadd.f32 v59, v2  }
0x2b2: {  	v63 =	vld.idx.msk [tilespmem:v60+s19+$0x0], $0xffff  }
0x2b3: {  	v2 =	vadd.f32 v3, v2  }
0x2b4: {  	v3 =	vld.idx.msk [tilespmem:v61+s19+$0x0], $0xffff  }
0x2b5: {  	v2 =	vadd.f32 v62, v2  }
0x2b6: {  	v1 =	vld.idx.msk [tilespmem:v1+s19+$0x0], $0xffff  }
0x2b7: {  	v2 =	vadd.f32 v63, v2;
	_ =	sdelay $0x1  }
0x2b8: {  	v2 =	vadd.f32 v3, v2;
	_ =	sdelay $0x1  }
0x2b9: {  	v1 =	vadd.f32 v1, v2;
	_ =	sdelay $0x1  }
0x2ba: {  	v1 =	vmul.f32 $5.000000000e-01, v1  }
0x2bb: {  	s31 =	sadd.s32 $0x10, s23  }
0x2bc: {  	s23 =	simm.s32 $0x0;
	[tilespmem:s31+$0x0] =	vst v1  }
0x2bd: {  	[tilespmem:s23], [sflag:$0x3] =	stream.linear.gather [hbm4b:s8+s23], $0x680, $0x38;
	[tilespmem:$0xE300] =	vst v63  }
0x2be: {  	_ =	swait.ge [sflag:s14], $0x680  }
0x2bf: {  	[sflag:s14] =	ssyncset.done $0x0  }
0x2c0: {  	[sflag:s14] =	ssyncadd.s32 $0xFFFFF980  }
0x2c1: {  	[tilespmem:s16], [sflag:$0x1] =	stream.indirect.gather [hbm4b:s3+s15], $0x10, s23, s15, $0xb8;
	[tilespmem:$0xE300] =	vst v63  }
0x2c2: {  	_ =	swait.ge [sflag:s20], $0x6800  }
0x2c3: {  	[sflag:s20] =	ssyncset.done $0x0  }
0x2c4: {  	s25 =	simm.s32 $0x75D0;
	[sflag:s20] =	ssyncadd.s32 $0xFFFF9800  }
0x2c5: {  	s26 =	simm.s32 $0x40;
	s24 =	simm.s32 $0x0;
	v1 =	vld [tilespmem:s25+$0xFFFFFF30]  }
.LBB2_14:
0x2c6: {  	p0 =	sne.s32 s26, $0xFC0  }
0x2c7: {  	v2 =	vld [tilespmem:s25+$0xFFFFFF40];
	_ =	sdelay $0x1  }
0x2c8: {  	v3 =	vld [tilespmem:s25+$0xFFFFFF50]  }
0x2c9: {  	v4 =	vadd.f32 $0.0e+00, v1  }
0x2ca: {  	v5 =	vld [tilespmem:s25+$0xFFFFFF60]  }
0x2cb: {  	v1 =	vmul.f32 v1, v1;
	v4 =	vadd.f32 v2, v4;
	v2 =	vmul.f32 v2, v2  }
0x2cc: {  	v6 =	vld [tilespmem:s25+$0xFFFFFF70]  }
0x2cd: {  	v1 =	vadd.f32 v2, v1;
	v2 =	vadd.f32 v3, v4;
	v3 =	vmul.f32 v3, v3  }
0x2ce: {  	v4 =	vld [tilespmem:s25+$0xFFFFFF80]  }
0x2cf: {  	v1 =	vadd.f32 v3, v1;
	v2 =	vadd.f32 v5, v2;
	v3 =	vmul.f32 v5, v5  }
0x2d0: {  	v5 =	vld [tilespmem:s25+$0xFFFFFF90]  }
0x2d1: {  	v1 =	vadd.f32 v3, v1;
	v2 =	vadd.f32 v6, v2;
	v3 =	vmul.f32 v6, v6  }
0x2d2: {  	v6 =	vld [tilespmem:s25+$0xFFFFFFA0]  }
0x2d3: {  	v1 =	vadd.f32 v3, v1;
	v2 =	vadd.f32 v4, v2;
	v3 =	vmul.f32 v4, v4  }
0x2d4: {  	v4 =	vld [tilespmem:s25+$0xFFFFFFB0]  }
0x2d5: {  	v1 =	vadd.f32 v3, v1;
	v2 =	vadd.f32 v5, v2;
	v3 =	vmul.f32 v5, v5  }
0x2d6: {  	v5 =	vld [tilespmem:s25+$0xFFFFFFC0]  }
0x2d7: {  	v1 =	vadd.f32 v3, v1;
	v2 =	vadd.f32 v6, v2;
	v3 =	vmul.f32 v6, v6  }
0x2d8: {  	v6 =	vld [tilespmem:s25+$0xFFFFFFD0]  }
0x2d9: {  	v1 =	vadd.f32 v3, v1;
	v2 =	vadd.f32 v4, v2;
	v3 =	vmul.f32 v4, v4  }
0x2da: {  	v4 =	vld [tilespmem:s25+$0xFFFFFFE0]  }
0x2db: {  	v1 =	vadd.f32 v3, v1;
	v2 =	vadd.f32 v5, v2;
	v3 =	vmul.f32 v5, v5  }
0x2dc: {  	v5 =	vld [tilespmem:s25+$0xFFFFFFF0]  }
0x2dd: {  	v1 =	vadd.f32 v3, v1;
	v2 =	vadd.f32 v6, v2;
	v3 =	vmul.f32 v6, v6  }
0x2de: {  	v6 =	vld [tilespmem:s25+$0x0]  }
0x2df: {  	v1 =	vadd.f32 v3, v1;
	v2 =	vadd.f32 v4, v2;
	v3 =	vmul.f32 v4, v4  }
0x2e0: {  	v4 =	vld [tilespmem:s25+$0x10]  }
0x2e1: {  	v1 =	vadd.f32 v3, v1;
	v2 =	vadd.f32 v5, v2;
	v3 =	vmul.f32 v5, v5  }
0x2e2: {  	v5 =	vld [tilespmem:s25+$0x20]  }
0x2e3: {  	v1 =	vadd.f32 v3, v1;
	v2 =	vadd.f32 v6, v2;
	v3 =	vmul.f32 v6, v6  }
0x2e4: {  	v6 =	vld [tilespmem:s25+$0x30]  }
0x2e5: {  	v1 =	vadd.f32 v3, v1;
	v2 =	vadd.f32 v4, v2;
	v3 =	vmul.f32 v4, v4  }
0x2e6: {  	v4 =	vld [tilespmem:s25+$0x40]  }
0x2e7: {  	v1 =	vadd.f32 v3, v1;
	v2 =	vadd.f32 v5, v2;
	v3 =	vmul.f32 v5, v5  }
0x2e8: {  	v5 =	vld [tilespmem:s25+$0x50]  }
0x2e9: {  	v1 =	vadd.f32 v3, v1;
	v2 =	vadd.f32 v6, v2;
	v3 =	vmul.f32 v6, v6  }
0x2ea: {  	v6 =	vld [tilespmem:s25+$0x60]  }
0x2eb: {  	v1 =	vadd.f32 v3, v1;
	v2 =	vadd.f32 v4, v2;
	v3 =	vmul.f32 v4, v4  }
0x2ec: {  	v4 =	vld [tilespmem:s25+$0x70]  }
0x2ed: {  	v1 =	vadd.f32 v3, v1;
	v2 =	vadd.f32 v5, v2;
	v3 =	vmul.f32 v5, v5  }
0x2ee: {  	v5 =	vld [tilespmem:s25+$0x80]  }
0x2ef: {  	v1 =	vadd.f32 v3, v1;
	v2 =	vadd.f32 v6, v2;
	v3 =	vmul.f32 v6, v6  }
0x2f0: {  	v6 =	vld [tilespmem:s25+$0x90]  }
0x2f1: {  	v1 =	vadd.f32 v3, v1;
	v2 =	vadd.f32 v4, v2;
	v3 =	vmul.f32 v4, v4  }
0x2f2: {  	v4 =	vld [tilespmem:s25+$0xA0]  }
0x2f3: {  	v1 =	vadd.f32 v3, v1;
	v2 =	vadd.f32 v5, v2;
	v3 =	vmul.f32 v5, v5  }
0x2f4: {  	v5 =	vld [tilespmem:s25+$0xB0]  }
0x2f5: {  	v1 =	vadd.f32 v3, v1;
	v2 =	vadd.f32 v6, v2;
	v3 =	vmul.f32 v6, v6  }
0x2f6: {  	v6 =	vld [tilespmem:s25+$0xC0]  }
0x2f7: {  	v1 =	vadd.f32 v3, v1;
	v2 =	vadd.f32 v4, v2;
	v3 =	vmul.f32 v4, v4;
	_ =	sdelay $0x1  }
0x2f8: {  	v1 =	vadd.f32 v3, v1;
	v2 =	vadd.f32 v5, v2;
	v3 =	vmul.f32 v5, v5;
	_ =	sdelay $0x1  }
0x2f9: {  	v1 =	vadd.f32 v3, v1;
	v2 =	vadd.f32 v6, v2;
	v3 =	vmul.f32 v6, v6;
	_ =	sdelay $0x1  }
0x2fa: {  	v1 =	vadd.f32 v3, v1;
	v2 =	vmul.f32 v2, v2  }
.Ltmp6:
0x2fb: {  	(pc) =	sbr.rel @p0 .LBB2_14-.Ltmp6, $4  }
0x2fc: {  	v1 =	vsub.f32 v2, v1  }
0x2fd: {  	s28 =	sshra.s32 s24, $0x2;
	s24 =	smov.u32 s26  }
0x2fe: {  	s25 =	sadd.s32 $0x1A0, s25;
	[tilespmem:s28+$0xDD00] =	vst v1  }
0x2ff: {  	s26 =	sadd.s32 $0x40, s26;
	v1 =	vld [tilespmem:s25+$0xFFFFFF30]  }
0x300: {  	v2 =	vld [tilespmem:s25+$0xFFFFFF40];
	_ =	sdelay $0x1  }
0x301: {  	v3 =	vld [tilespmem:s25+$0xFFFFFF50];
	_ =	sdelay $0x1  }
0x302: {  	v5 =	vld [tilespmem:s25+$0xFFFFFF60];
	v4 =	vadd.f32 $0.0e+00, v1  }
0x303: {  	v1 =	vmul.f32 v1, v1;
	v6 =	vmul.f32 v2, v2  }
0x304: {  	v2 =	vadd.f32 v2, v4;
	v4 =	vld [tilespmem:s25+$0xFFFFFF70]  }
0x305: {  	v1 =	vadd.f32 v6, v1;
	v6 =	vmul.f32 v3, v3  }
0x306: {  	v2 =	vadd.f32 v3, v2;
	v3 =	vld [tilespmem:s25+$0xFFFFFF80]  }
0x307: {  	v1 =	vadd.f32 v6, v1;
	v6 =	vmul.f32 v5, v5  }
0x308: {  	v2 =	vadd.f32 v5, v2;
	v5 =	vld [tilespmem:s25+$0xFFFFFF90]  }
0x309: {  	v1 =	vadd.f32 v6, v1;
	v6 =	vmul.f32 v4, v4  }
0x30a: {  	v2 =	vadd.f32 v4, v2;
	v4 =	vld [tilespmem:s25+$0xFFFFFFA0]  }
0x30b: {  	v1 =	vadd.f32 v6, v1;
	v6 =	vmul.f32 v3, v3  }
0x30c: {  	v2 =	vadd.f32 v3, v2;
	v3 =	vld [tilespmem:s25+$0xFFFFFFB0]  }
0x30d: {  	v1 =	vadd.f32 v6, v1;
	v6 =	vmul.f32 v5, v5  }
0x30e: {  	v2 =	vadd.f32 v5, v2;
	v5 =	vld [tilespmem:s25+$0xFFFFFFC0]  }
0x30f: {  	v1 =	vadd.f32 v6, v1;
	v6 =	vmul.f32 v4, v4  }
0x310: {  	v2 =	vadd.f32 v4, v2;
	v4 =	vld [tilespmem:s25+$0xFFFFFFD0]  }
0x311: {  	v1 =	vadd.f32 v6, v1;
	v6 =	vmul.f32 v3, v3  }
0x312: {  	v2 =	vadd.f32 v3, v2;
	v3 =	vld [tilespmem:s25+$0xFFFFFFE0]  }
0x313: {  	v1 =	vadd.f32 v6, v1;
	v6 =	vmul.f32 v5, v5  }
0x314: {  	v2 =	vadd.f32 v5, v2;
	v5 =	vld [tilespmem:s25+$0xFFFFFFF0]  }
0x315: {  	v1 =	vadd.f32 v6, v1;
	v6 =	vmul.f32 v4, v4  }
0x316: {  	v2 =	vadd.f32 v4, v2;
	v4 =	vld [tilespmem:s25+$0x0]  }
0x317: {  	v1 =	vadd.f32 v6, v1;
	v6 =	vmul.f32 v3, v3  }
0x318: {  	v2 =	vadd.f32 v3, v2;
	v3 =	vld [tilespmem:s25+$0x10]  }
0x319: {  	v1 =	vadd.f32 v6, v1;
	v6 =	vmul.f32 v5, v5  }
0x31a: {  	v2 =	vadd.f32 v5, v2;
	v5 =	vld [tilespmem:s25+$0x20]  }
0x31b: {  	v1 =	vadd.f32 v6, v1;
	v6 =	vmul.f32 v4, v4  }
0x31c: {  	v2 =	vadd.f32 v4, v2;
	v4 =	vld [tilespmem:s25+$0x30]  }
0x31d: {  	v1 =	vadd.f32 v6, v1;
	v6 =	vmul.f32 v3, v3  }
0x31e: {  	v2 =	vadd.f32 v3, v2;
	v3 =	vld [tilespmem:s25+$0x40]  }
0x31f: {  	v1 =	vadd.f32 v6, v1;
	v6 =	vmul.f32 v5, v5  }
0x320: {  	v2 =	vadd.f32 v5, v2;
	v5 =	vld [tilespmem:s25+$0x50]  }
0x321: {  	v1 =	vadd.f32 v6, v1;
	v6 =	vmul.f32 v4, v4  }
0x322: {  	v2 =	vadd.f32 v4, v2;
	v4 =	vld [tilespmem:s25+$0x60]  }
0x323: {  	v1 =	vadd.f32 v6, v1;
	v6 =	vmul.f32 v3, v3  }
0x324: {  	v2 =	vadd.f32 v3, v2;
	v3 =	vld [tilespmem:s25+$0x70]  }
0x325: {  	v1 =	vadd.f32 v6, v1;
	v6 =	vmul.f32 v5, v5  }
0x326: {  	v2 =	vadd.f32 v5, v2;
	v5 =	vld [tilespmem:s25+$0x80]  }
0x327: {  	v1 =	vadd.f32 v6, v1;
	v6 =	vmul.f32 v4, v4  }
0x328: {  	v2 =	vadd.f32 v4, v2;
	v4 =	vld [tilespmem:s25+$0x90]  }
0x329: {  	v1 =	vadd.f32 v6, v1;
	v6 =	vmul.f32 v3, v3  }
0x32a: {  	v2 =	vadd.f32 v3, v2;
	v3 =	vld [tilespmem:s25+$0xA0]  }
0x32b: {  	v1 =	vadd.f32 v6, v1;
	v6 =	vmul.f32 v5, v5  }
0x32c: {  	v2 =	vadd.f32 v5, v2;
	v5 =	vld [tilespmem:s25+$0xB0]  }
0x32d: {  	v1 =	vadd.f32 v6, v1;
	v6 =	vmul.f32 v4, v4  }
0x32e: {  	v2 =	vadd.f32 v4, v2  }
0x32f: {  	v4 =	vld [tilespmem:s25+$0xC0];
	v1 =	vadd.f32 v6, v1;
	v6 =	vmul.f32 v3, v3  }
0x330: {  	v2 =	vadd.f32 v3, v2  }
0x331: {  	v1 =	vadd.f32 v6, v1;
	v3 =	vmul.f32 v5, v5  }
0x332: {  	v2 =	vadd.f32 v5, v2  }
0x333: {  	v1 =	vadd.f32 v3, v1  }
0x334: {  	v3 =	vmul.f32 v4, v4;
	v2 =	vadd.f32 v4, v2;
	v4 =	vmov s23  }
0x335: {  	v4 =	vshll.u32 v4, $0x4  }
0x336: {  	v1 =	vadd.f32 v3, v1;
	v2 =	vmul.f32 v2, v2;
	v3 =	vor.u32 v0, v4;
	_ =	sdelay $0x1  }
0x337: {  	v1 =	vsub.f32 v2, v1;
	v2 =	vor.u32 $0x1, v3  }
0x338: {  	s30 =	sshra.s32 s24, $0x2  }
0x339: {  	[tilespmem:s30+$0xDD00] =	vst v1;
	v1 =	vor.u32 $0x2, v3  }
0x33a: {  	v4 =	vld.idx.msk [tilespmem:v3+s19+$0x0], $0xffff  }
0x33b: {  	v5 =	vor.u32 $0x3, v3  }
0x33c: {  	v2 =	vld.idx.msk [tilespmem:v2+s19+$0x0], $0xffff  }
0x33d: {  	v6 =	vor.u32 $0x4, v3  }
0x33e: {  	v1 =	vld.idx.msk [tilespmem:v1+s19+$0x0], $0xffff  }
0x33f: {  	v7 =	vor.u32 $0x5, v3;
	v4 =	vadd.f32 $0.0e+00, v4  }
0x340: {  	v5 =	vld.idx.msk [tilespmem:v5+s19+$0x0], $0xffff  }
0x341: {  	v8 =	vor.u32 $0x6, v3;
	v2 =	vadd.f32 v2, v4  }
0x342: {  	v4 =	vld.idx.msk [tilespmem:v6+s19+$0x0], $0xffff  }
0x343: {  	v6 =	vor.u32 $0x7, v3;
	v1 =	vadd.f32 v1, v2  }
0x344: {  	v2 =	vld.idx.msk [tilespmem:v7+s19+$0x0], $0xffff  }
0x345: {  	v7 =	vor.u32 $0x8, v3;
	v1 =	vadd.f32 v5, v1  }
0x346: {  	v5 =	vld.idx.msk [tilespmem:v8+s19+$0x0], $0xffff  }
0x347: {  	v8 =	vor.u32 $0x9, v3;
	v1 =	vadd.f32 v4, v1  }
0x348: {  	v4 =	vld.idx.msk [tilespmem:v6+s19+$0x0], $0xffff  }
0x349: {  	v6 =	vor.u32 $0xA, v3;
	v1 =	vadd.f32 v2, v1  }
0x34a: {  	v2 =	vld.idx.msk [tilespmem:v7+s19+$0x0], $0xffff  }
0x34b: {  	v7 =	vor.u32 $0xB, v3;
	v1 =	vadd.f32 v5, v1  }
0x34c: {  	v5 =	vld.idx.msk [tilespmem:v8+s19+$0x0], $0xffff  }
0x34d: {  	v8 =	vor.u32 $0xC, v3;
	v1 =	vadd.f32 v4, v1  }
0x34e: {  	v4 =	vld.idx.msk [tilespmem:v6+s19+$0x0], $0xffff  }
0x34f: {  	v6 =	vor.u32 $0xD, v3;
	v1 =	vadd.f32 v2, v1  }
0x350: {  	v2 =	vld.idx.msk [tilespmem:v7+s19+$0x0], $0xffff  }
0x351: {  	v7 =	vor.u32 $0xE, v3;
	v1 =	vadd.f32 v5, v1  }
0x352: {  	v5 =	vld.idx.msk [tilespmem:v8+s19+$0x0], $0xffff  }
0x353: {  	v3 =	vor.u32 $0xF, v3;
	v1 =	vadd.f32 v4, v1  }
0x354: {  	v4 =	vld.idx.msk [tilespmem:v6+s19+$0x0], $0xffff  }
0x355: {  	v1 =	vadd.f32 v2, v1  }
0x356: {  	v2 =	vld.idx.msk [tilespmem:v7+s19+$0x0], $0xffff  }
0x357: {  	v1 =	vadd.f32 v5, v1  }
0x358: {  	v3 =	vld.idx.msk [tilespmem:v3+s19+$0x0], $0xffff  }
0x359: {  	v1 =	vadd.f32 v4, v1  }
0x35a: {  	s31 =	simm.s32 $0x10  }
0x35b: {  	v4 =	vmov s31;
	v2 =	vadd.f32 v2, v1  }
0x35c: {  	v1 =	vshll.u32 v4, $0x4  }
0x35d: {  	v1 =	vor.u32 v0, v1;
	v2 =	vadd.f32 v3, v2  }
0x35e: {  	v9 =	vor.u32 $0x1, v1;
	v8 =	vor.u32 $0x2, v1;
	v7 =	vor.u32 $0x3, v1  }
0x35f: {  	v6 =	vor.u32 $0x4, v1;
	v4 =	vor.u32 $0x5, v1;
	v5 =	vor.u32 $0x6, v1  }
0x360: {  	s24 =	simm.s32 $0x20;
	s23 =	simm.s32 $0xE1C0;
	v3 =	vor.u32 $0x7, v1;
	v10 =	vmul.f32 $5.000000000e-01, v2;
	v2 =	vor.u32 $0x8, v1  }
.LBB2_16:
0x361: {  	p0 =	sne.s32 s24, $0x30  }
0x362: {  	v11 =	vor.u32 $0x9, v1;
	v12 =	vor.u32 $0xA, v1;
	v13 =	vor.u32 $0xB, v1;
	[tilespmem:s23+$0x0] =	vst v10;
	s23 =	sadd.s32 $0x10, s23;
	s25 =	smov.u32 s24;
	s24 =	sadd.s32 $0x10, s24  }
0x363: {  	v14 =	vor.u32 $0xC, v1;
	v15 =	vor.u32 $0xD, v1;
	v16 =	vor.u32 $0xE, v1;
	v10 =	vld.idx.msk [tilespmem:v1+s19+$0x0], $0xffff  }
0x364: {  	v1 =	vor.u32 $0xF, v1  }
0x365: {  	v9 =	vld.idx.msk [tilespmem:v9+s19+$0x0], $0xffff;
	_ =	sdelay $0x1  }
0x366: {  	v8 =	vld.idx.msk [tilespmem:v8+s19+$0x0], $0xffff;
	_ =	sdelay $0x1  }
0x367: {  	v10 =	vadd.f32 $0.0e+00, v10;
	v7 =	vld.idx.msk [tilespmem:v7+s19+$0x0], $0xffff;
	_ =	sdelay $0x1  }
0x368: {  	v9 =	vadd.f32 v9, v10;
	v6 =	vld.idx.msk [tilespmem:v6+s19+$0x0], $0xffff;
	_ =	sdelay $0x1  }
0x369: {  	v8 =	vadd.f32 v8, v9;
	v4 =	vld.idx.msk [tilespmem:v4+s19+$0x0], $0xffff;
	_ =	sdelay $0x1  }
0x36a: {  	v7 =	vadd.f32 v7, v8;
	v5 =	vld.idx.msk [tilespmem:v5+s19+$0x0], $0xffff;
	_ =	sdelay $0x1  }
0x36b: {  	v6 =	vadd.f32 v6, v7;
	v3 =	vld.idx.msk [tilespmem:v3+s19+$0x0], $0xffff;
	_ =	sdelay $0x1  }
0x36c: {  	v4 =	vadd.f32 v4, v6;
	v2 =	vld.idx.msk [tilespmem:v2+s19+$0x0], $0xffff;
	_ =	sdelay $0x1  }
0x36d: {  	v4 =	vadd.f32 v5, v4;
	v5 =	vld.idx.msk [tilespmem:v11+s19+$0x0], $0xffff;
	_ =	sdelay $0x1  }
0x36e: {  	v3 =	vadd.f32 v3, v4;
	v4 =	vld.idx.msk [tilespmem:v12+s19+$0x0], $0xffff;
	_ =	sdelay $0x1  }
0x36f: {  	v2 =	vadd.f32 v2, v3;
	v3 =	vld.idx.msk [tilespmem:v13+s19+$0x0], $0xffff;
	_ =	sdelay $0x1  }
0x370: {  	v2 =	vadd.f32 v5, v2;
	v5 =	vld.idx.msk [tilespmem:v14+s19+$0x0], $0xffff;
	_ =	sdelay $0x1  }
0x371: {  	v2 =	vadd.f32 v4, v2;
	v4 =	vld.idx.msk [tilespmem:v15+s19+$0x0], $0xffff;
	_ =	sdelay $0x1  }
0x372: {  	v2 =	vadd.f32 v3, v2;
	v3 =	vld.idx.msk [tilespmem:v16+s19+$0x0], $0xffff;
	_ =	sdelay $0x1  }
0x373: {  	v2 =	vadd.f32 v5, v2;
	v5 =	vld.idx.msk [tilespmem:v1+s19+$0x0], $0xffff;
	_ =	sdelay $0x1  }
0x374: {  	v1 =	vadd.f32 v4, v2;
	_ =	sdelay $0x1  }
0x375: {  	v2 =	vmov s25;
	v3 =	vadd.f32 v3, v1  }
.Ltmp7:
0x376: {  	v1 =	vshll.u32 v2, $0x4;
	(pc) =	sbr.rel @p0 .LBB2_16-.Ltmp7, $4  }
0x377: {  	v1 =	vor.u32 v0, v1;
	v2 =	vadd.f32 v5, v3  }
0x378: {  	v9 =	vor.u32 $0x1, v1;
	v8 =	vor.u32 $0x2, v1;
	v7 =	vor.u32 $0x3, v1  }
0x379: {  	v6 =	vor.u32 $0x4, v1;
	v4 =	vor.u32 $0x5, v1;
	v10 =	vmul.f32 $5.000000000e-01, v2  }
0x37a: {  	v5 =	vor.u32 $0x6, v1;
	v3 =	vor.u32 $0x7, v1;
	v2 =	vor.u32 $0x8, v1  }
0x37b: {  	_ =	sdelay $0x2  }
0x37c: {  	[tilespmem:s23+$0x0] =	vst v10  }
0x37d: {  	v10 =	vld.idx.msk [tilespmem:v1+s19+$0x0], $0xffff;
	_ =	sdelay $0x1  }
0x37e: {  	v9 =	vld.idx.msk [tilespmem:v9+s19+$0x0], $0xffff;
	_ =	sdelay $0x1  }
0x37f: {  	v8 =	vld.idx.msk [tilespmem:v8+s19+$0x0], $0xffff  }
0x380: {  	v10 =	vadd.f32 $0.0e+00, v10  }
0x381: {  	v7 =	vld.idx.msk [tilespmem:v7+s19+$0x0], $0xffff  }
0x382: {  	v9 =	vadd.f32 v9, v10  }
0x383: {  	v6 =	vld.idx.msk [tilespmem:v6+s19+$0x0], $0xffff  }
0x384: {  	v8 =	vadd.f32 v8, v9  }
0x385: {  	v4 =	vld.idx.msk [tilespmem:v4+s19+$0x0], $0xffff  }
0x386: {  	v7 =	vadd.f32 v7, v8  }
0x387: {  	v5 =	vld.idx.msk [tilespmem:v5+s19+$0x0], $0xffff  }
0x388: {  	v54 =	vor.u32 $0x9, v1;
	v6 =	vadd.f32 v6, v7  }
0x389: {  	v3 =	vld.idx.msk [tilespmem:v3+s19+$0x0], $0xffff  }
0x38a: {  	v55 =	vor.u32 $0xA, v1;
	v4 =	vadd.f32 v4, v6  }
0x38b: {  	v2 =	vld.idx.msk [tilespmem:v2+s19+$0x0], $0xffff  }
0x38c: {  	v56 =	vor.u32 $0xB, v1;
	v4 =	vadd.f32 v5, v4  }
0x38d: {  	v57 =	vld.idx.msk [tilespmem:v54+s19+$0x0], $0xffff  }
0x38e: {  	v58 =	vor.u32 $0xC, v1;
	v3 =	vadd.f32 v3, v4  }
0x38f: {  	v59 =	vld.idx.msk [tilespmem:v55+s19+$0x0], $0xffff  }
0x390: {  	v60 =	vor.u32 $0xD, v1;
	v2 =	vadd.f32 v2, v3  }
0x391: {  	v3 =	vld.idx.msk [tilespmem:v56+s19+$0x0], $0xffff  }
0x392: {  	v61 =	vor.u32 $0xE, v1;
	v2 =	vadd.f32 v57, v2  }
0x393: {  	v62 =	vld.idx.msk [tilespmem:v58+s19+$0x0], $0xffff  }
0x394: {  	v1 =	vor.u32 $0xF, v1;
	v2 =	vadd.f32 v59, v2  }
0x395: {  	v63 =	vld.idx.msk [tilespmem:v60+s19+$0x0], $0xffff  }
0x396: {  	v2 =	vadd.f32 v3, v2  }
0x397: {  	v3 =	vld.idx.msk [tilespmem:v61+s19+$0x0], $0xffff  }
0x398: {  	v2 =	vadd.f32 v62, v2  }
0x399: {  	v1 =	vld.idx.msk [tilespmem:v1+s19+$0x0], $0xffff  }
0x39a: {  	v2 =	vadd.f32 v63, v2;
	_ =	sdelay $0x1  }
0x39b: {  	v2 =	vadd.f32 v3, v2;
	_ =	sdelay $0x1  }
0x39c: {  	v1 =	vadd.f32 v1, v2;
	_ =	sdelay $0x1  }
0x39d: {  	v1 =	vmul.f32 $5.000000000e-01, v1  }
0x39e: {  	s31 =	sadd.s32 $0x10, s23  }
0x39f: {  	s23 =	simm.s32 $0x0;
	[tilespmem:s31+$0x0] =	vst v1  }
0x3a0: {  	[tilespmem:s15], [sflag:$0x3] =	stream.linear.gather [hbm4b:s9+s23], $0x680, $0x38;
	[tilespmem:$0xE300] =	vst v63  }
0x3a1: {  	_ =	swait.ge [sflag:s14], $0x680  }
0x3a2: {  	[sflag:s14] =	ssyncset.done $0x0  }
0x3a3: {  	[sflag:s14] =	ssyncadd.s32 $0xFFFFF980  }
0x3a4: {  	[tilespmem:s17], [sflag:$0x2] =	stream.indirect.gather [hbm4b:s3+s15], $0x10, s15, s15, $0xb8;
	[tilespmem:$0xE300] =	vst v63  }
0x3a5: {  	_ =	swait.ge [sflag:s18], $0x6800  }
0x3a6: {  	[sflag:s18] =	ssyncset.done $0x0  }
0x3a7: {  	s25 =	simm.s32 $0xDD0;
	[sflag:s18] =	ssyncadd.s32 $0xFFFF9800  }
0x3a8: {  	s26 =	simm.s32 $0x40;
	s24 =	simm.s32 $0x0;
	v1 =	vld [tilespmem:s25+$0xFFFFFF30]  }
.LBB2_18:
0x3a9: {  	p0 =	sne.s32 s26, $0xFC0  }
0x3aa: {  	v2 =	vld [tilespmem:s25+$0xFFFFFF40];
	_ =	sdelay $0x1  }
0x3ab: {  	v3 =	vld [tilespmem:s25+$0xFFFFFF50]  }
0x3ac: {  	v4 =	vadd.f32 $0.0e+00, v1  }
0x3ad: {  	v5 =	vld [tilespmem:s25+$0xFFFFFF60]  }
0x3ae: {  	v1 =	vmul.f32 v1, v1;
	v4 =	vadd.f32 v2, v4;
	v2 =	vmul.f32 v2, v2  }
0x3af: {  	v6 =	vld [tilespmem:s25+$0xFFFFFF70]  }
0x3b0: {  	v1 =	vadd.f32 v2, v1;
	v2 =	vadd.f32 v3, v4;
	v3 =	vmul.f32 v3, v3  }
0x3b1: {  	v4 =	vld [tilespmem:s25+$0xFFFFFF80]  }
0x3b2: {  	v1 =	vadd.f32 v3, v1;
	v2 =	vadd.f32 v5, v2;
	v3 =	vmul.f32 v5, v5  }
0x3b3: {  	v5 =	vld [tilespmem:s25+$0xFFFFFF90]  }
0x3b4: {  	v1 =	vadd.f32 v3, v1;
	v2 =	vadd.f32 v6, v2;
	v3 =	vmul.f32 v6, v6  }
0x3b5: {  	v6 =	vld [tilespmem:s25+$0xFFFFFFA0]  }
0x3b6: {  	v1 =	vadd.f32 v3, v1;
	v2 =	vadd.f32 v4, v2;
	v3 =	vmul.f32 v4, v4  }
0x3b7: {  	v4 =	vld [tilespmem:s25+$0xFFFFFFB0]  }
0x3b8: {  	v1 =	vadd.f32 v3, v1;
	v2 =	vadd.f32 v5, v2;
	v3 =	vmul.f32 v5, v5  }
0x3b9: {  	v5 =	vld [tilespmem:s25+$0xFFFFFFC0]  }
0x3ba: {  	v1 =	vadd.f32 v3, v1;
	v2 =	vadd.f32 v6, v2;
	v3 =	vmul.f32 v6, v6  }
0x3bb: {  	v6 =	vld [tilespmem:s25+$0xFFFFFFD0]  }
0x3bc: {  	v1 =	vadd.f32 v3, v1;
	v2 =	vadd.f32 v4, v2;
	v3 =	vmul.f32 v4, v4  }
0x3bd: {  	v4 =	vld [tilespmem:s25+$0xFFFFFFE0]  }
0x3be: {  	v1 =	vadd.f32 v3, v1;
	v2 =	vadd.f32 v5, v2;
	v3 =	vmul.f32 v5, v5  }
0x3bf: {  	v5 =	vld [tilespmem:s25+$0xFFFFFFF0]  }
0x3c0: {  	v1 =	vadd.f32 v3, v1;
	v2 =	vadd.f32 v6, v2;
	v3 =	vmul.f32 v6, v6  }
0x3c1: {  	v6 =	vld [tilespmem:s25+$0x0]  }
0x3c2: {  	v1 =	vadd.f32 v3, v1;
	v2 =	vadd.f32 v4, v2;
	v3 =	vmul.f32 v4, v4  }
0x3c3: {  	v4 =	vld [tilespmem:s25+$0x10]  }
0x3c4: {  	v1 =	vadd.f32 v3, v1;
	v2 =	vadd.f32 v5, v2;
	v3 =	vmul.f32 v5, v5  }
0x3c5: {  	v5 =	vld [tilespmem:s25+$0x20]  }
0x3c6: {  	v1 =	vadd.f32 v3, v1;
	v2 =	vadd.f32 v6, v2;
	v3 =	vmul.f32 v6, v6  }
0x3c7: {  	v6 =	vld [tilespmem:s25+$0x30]  }
0x3c8: {  	v1 =	vadd.f32 v3, v1;
	v2 =	vadd.f32 v4, v2;
	v3 =	vmul.f32 v4, v4  }
0x3c9: {  	v4 =	vld [tilespmem:s25+$0x40]  }
0x3ca: {  	v1 =	vadd.f32 v3, v1;
	v2 =	vadd.f32 v5, v2;
	v3 =	vmul.f32 v5, v5  }
0x3cb: {  	v5 =	vld [tilespmem:s25+$0x50]  }
0x3cc: {  	v1 =	vadd.f32 v3, v1;
	v2 =	vadd.f32 v6, v2;
	v3 =	vmul.f32 v6, v6  }
0x3cd: {  	v6 =	vld [tilespmem:s25+$0x60]  }
0x3ce: {  	v1 =	vadd.f32 v3, v1;
	v2 =	vadd.f32 v4, v2;
	v3 =	vmul.f32 v4, v4  }
0x3cf: {  	v4 =	vld [tilespmem:s25+$0x70]  }
0x3d0: {  	v1 =	vadd.f32 v3, v1;
	v2 =	vadd.f32 v5, v2;
	v3 =	vmul.f32 v5, v5  }
0x3d1: {  	v5 =	vld [tilespmem:s25+$0x80]  }
0x3d2: {  	v1 =	vadd.f32 v3, v1;
	v2 =	vadd.f32 v6, v2;
	v3 =	vmul.f32 v6, v6  }
0x3d3: {  	v6 =	vld [tilespmem:s25+$0x90]  }
0x3d4: {  	v1 =	vadd.f32 v3, v1;
	v2 =	vadd.f32 v4, v2;
	v3 =	vmul.f32 v4, v4  }
0x3d5: {  	v4 =	vld [tilespmem:s25+$0xA0]  }
0x3d6: {  	v1 =	vadd.f32 v3, v1;
	v2 =	vadd.f32 v5, v2;
	v3 =	vmul.f32 v5, v5  }
0x3d7: {  	v5 =	vld [tilespmem:s25+$0xB0]  }
0x3d8: {  	v1 =	vadd.f32 v3, v1;
	v2 =	vadd.f32 v6, v2;
	v3 =	vmul.f32 v6, v6  }
0x3d9: {  	v6 =	vld [tilespmem:s25+$0xC0]  }
0x3da: {  	v1 =	vadd.f32 v3, v1;
	v2 =	vadd.f32 v4, v2;
	v3 =	vmul.f32 v4, v4;
	_ =	sdelay $0x1  }
0x3db: {  	v1 =	vadd.f32 v3, v1;
	v2 =	vadd.f32 v5, v2;
	v3 =	vmul.f32 v5, v5;
	_ =	sdelay $0x1  }
0x3dc: {  	v1 =	vadd.f32 v3, v1;
	v2 =	vadd.f32 v6, v2;
	v3 =	vmul.f32 v6, v6;
	_ =	sdelay $0x1  }
0x3dd: {  	v1 =	vadd.f32 v3, v1;
	v2 =	vmul.f32 v2, v2  }
.Ltmp8:
0x3de: {  	(pc) =	sbr.rel @p0 .LBB2_18-.Ltmp8, $4  }
0x3df: {  	v1 =	vsub.f32 v2, v1  }
0x3e0: {  	s28 =	sshra.s32 s24, $0x2;
	s24 =	smov.u32 s26  }
0x3e1: {  	s25 =	sadd.s32 $0x1A0, s25;
	[tilespmem:s28+$0xDD00] =	vst v1  }
0x3e2: {  	s26 =	sadd.s32 $0x40, s26;
	v1 =	vld [tilespmem:s25+$0xFFFFFF30]  }
0x3e3: {  	v2 =	vld [tilespmem:s25+$0xFFFFFF40];
	_ =	sdelay $0x1  }
0x3e4: {  	v3 =	vld [tilespmem:s25+$0xFFFFFF50];
	_ =	sdelay $0x1  }
0x3e5: {  	v5 =	vld [tilespmem:s25+$0xFFFFFF60];
	v4 =	vadd.f32 $0.0e+00, v1  }
0x3e6: {  	v1 =	vmul.f32 v1, v1;
	v6 =	vmul.f32 v2, v2  }
0x3e7: {  	v2 =	vadd.f32 v2, v4;
	v4 =	vld [tilespmem:s25+$0xFFFFFF70]  }
0x3e8: {  	v1 =	vadd.f32 v6, v1;
	v6 =	vmul.f32 v3, v3  }
0x3e9: {  	v2 =	vadd.f32 v3, v2;
	v3 =	vld [tilespmem:s25+$0xFFFFFF80]  }
0x3ea: {  	v1 =	vadd.f32 v6, v1;
	v6 =	vmul.f32 v5, v5  }
0x3eb: {  	v2 =	vadd.f32 v5, v2;
	v5 =	vld [tilespmem:s25+$0xFFFFFF90]  }
0x3ec: {  	v1 =	vadd.f32 v6, v1;
	v6 =	vmul.f32 v4, v4  }
0x3ed: {  	v2 =	vadd.f32 v4, v2;
	v4 =	vld [tilespmem:s25+$0xFFFFFFA0]  }
0x3ee: {  	v1 =	vadd.f32 v6, v1;
	v6 =	vmul.f32 v3, v3  }
0x3ef: {  	v2 =	vadd.f32 v3, v2;
	v3 =	vld [tilespmem:s25+$0xFFFFFFB0]  }
0x3f0: {  	v1 =	vadd.f32 v6, v1;
	v6 =	vmul.f32 v5, v5  }
0x3f1: {  	v2 =	vadd.f32 v5, v2;
	v5 =	vld [tilespmem:s25+$0xFFFFFFC0]  }
0x3f2: {  	v1 =	vadd.f32 v6, v1;
	v6 =	vmul.f32 v4, v4  }
0x3f3: {  	v2 =	vadd.f32 v4, v2;
	v4 =	vld [tilespmem:s25+$0xFFFFFFD0]  }
0x3f4: {  	v1 =	vadd.f32 v6, v1;
	v6 =	vmul.f32 v3, v3  }
0x3f5: {  	v2 =	vadd.f32 v3, v2;
	v3 =	vld [tilespmem:s25+$0xFFFFFFE0]  }
0x3f6: {  	v1 =	vadd.f32 v6, v1;
	v6 =	vmul.f32 v5, v5  }
0x3f7: {  	v2 =	vadd.f32 v5, v2;
	v5 =	vld [tilespmem:s25+$0xFFFFFFF0]  }
0x3f8: {  	v1 =	vadd.f32 v6, v1;
	v6 =	vmul.f32 v4, v4  }
0x3f9: {  	v2 =	vadd.f32 v4, v2;
	v4 =	vld [tilespmem:s25+$0x0]  }
0x3fa: {  	v1 =	vadd.f32 v6, v1;
	v6 =	vmul.f32 v3, v3  }
0x3fb: {  	v2 =	vadd.f32 v3, v2;
	v3 =	vld [tilespmem:s25+$0x10]  }
0x3fc: {  	v1 =	vadd.f32 v6, v1;
	v6 =	vmul.f32 v5, v5  }
0x3fd: {  	v2 =	vadd.f32 v5, v2;
	v5 =	vld [tilespmem:s25+$0x20]  }
0x3fe: {  	v1 =	vadd.f32 v6, v1;
	v6 =	vmul.f32 v4, v4  }
0x3ff: {  	v2 =	vadd.f32 v4, v2;
	v4 =	vld [tilespmem:s25+$0x30]  }
0x400: {  	v1 =	vadd.f32 v6, v1;
	v6 =	vmul.f32 v3, v3  }
0x401: {  	v2 =	vadd.f32 v3, v2;
	v3 =	vld [tilespmem:s25+$0x40]  }
0x402: {  	v1 =	vadd.f32 v6, v1;
	v6 =	vmul.f32 v5, v5  }
0x403: {  	v2 =	vadd.f32 v5, v2;
	v5 =	vld [tilespmem:s25+$0x50]  }
0x404: {  	v1 =	vadd.f32 v6, v1;
	v6 =	vmul.f32 v4, v4  }
0x405: {  	v2 =	vadd.f32 v4, v2;
	v4 =	vld [tilespmem:s25+$0x60]  }
0x406: {  	v1 =	vadd.f32 v6, v1;
	v6 =	vmul.f32 v3, v3  }
0x407: {  	v2 =	vadd.f32 v3, v2;
	v3 =	vld [tilespmem:s25+$0x70]  }
0x408: {  	v1 =	vadd.f32 v6, v1;
	v6 =	vmul.f32 v5, v5  }
0x409: {  	v2 =	vadd.f32 v5, v2;
	v5 =	vld [tilespmem:s25+$0x80]  }
0x40a: {  	v1 =	vadd.f32 v6, v1;
	v6 =	vmul.f32 v4, v4  }
0x40b: {  	v2 =	vadd.f32 v4, v2;
	v4 =	vld [tilespmem:s25+$0x90]  }
0x40c: {  	v1 =	vadd.f32 v6, v1;
	v6 =	vmul.f32 v3, v3  }
0x40d: {  	v2 =	vadd.f32 v3, v2;
	v3 =	vld [tilespmem:s25+$0xA0]  }
0x40e: {  	v1 =	vadd.f32 v6, v1;
	v6 =	vmul.f32 v5, v5  }
0x40f: {  	v2 =	vadd.f32 v5, v2;
	v5 =	vld [tilespmem:s25+$0xB0]  }
0x410: {  	v1 =	vadd.f32 v6, v1;
	v6 =	vmul.f32 v4, v4  }
0x411: {  	v2 =	vadd.f32 v4, v2  }
0x412: {  	v4 =	vld [tilespmem:s25+$0xC0];
	v1 =	vadd.f32 v6, v1;
	v6 =	vmul.f32 v3, v3  }
0x413: {  	v2 =	vadd.f32 v3, v2  }
0x414: {  	v1 =	vadd.f32 v6, v1;
	v3 =	vmul.f32 v5, v5  }
0x415: {  	v2 =	vadd.f32 v5, v2  }
0x416: {  	v1 =	vadd.f32 v3, v1  }
0x417: {  	v3 =	vmul.f32 v4, v4;
	v2 =	vadd.f32 v4, v2;
	v4 =	vmov s23  }
0x418: {  	v4 =	vshll.u32 v4, $0x4  }
0x419: {  	v1 =	vadd.f32 v3, v1;
	v2 =	vmul.f32 v2, v2;
	v3 =	vor.u32 v0, v4;
	_ =	sdelay $0x1  }
0x41a: {  	v1 =	vsub.f32 v2, v1;
	v2 =	vor.u32 $0x1, v3  }
0x41b: {  	s30 =	sshra.s32 s24, $0x2  }
0x41c: {  	[tilespmem:s30+$0xDD00] =	vst v1;
	v1 =	vor.u32 $0x2, v3  }
0x41d: {  	v4 =	vld.idx.msk [tilespmem:v3+s19+$0x0], $0xffff  }
0x41e: {  	v5 =	vor.u32 $0x3, v3  }
0x41f: {  	v2 =	vld.idx.msk [tilespmem:v2+s19+$0x0], $0xffff  }
0x420: {  	v6 =	vor.u32 $0x4, v3  }
0x421: {  	v1 =	vld.idx.msk [tilespmem:v1+s19+$0x0], $0xffff  }
0x422: {  	v7 =	vor.u32 $0x5, v3;
	v4 =	vadd.f32 $0.0e+00, v4  }
0x423: {  	v5 =	vld.idx.msk [tilespmem:v5+s19+$0x0], $0xffff  }
0x424: {  	v8 =	vor.u32 $0x6, v3;
	v2 =	vadd.f32 v2, v4  }
0x425: {  	v4 =	vld.idx.msk [tilespmem:v6+s19+$0x0], $0xffff  }
0x426: {  	v6 =	vor.u32 $0x7, v3;
	v1 =	vadd.f32 v1, v2  }
0x427: {  	v2 =	vld.idx.msk [tilespmem:v7+s19+$0x0], $0xffff  }
0x428: {  	v7 =	vor.u32 $0x8, v3;
	v1 =	vadd.f32 v5, v1  }
0x429: {  	v5 =	vld.idx.msk [tilespmem:v8+s19+$0x0], $0xffff  }
0x42a: {  	v8 =	vor.u32 $0x9, v3;
	v1 =	vadd.f32 v4, v1  }
0x42b: {  	v4 =	vld.idx.msk [tilespmem:v6+s19+$0x0], $0xffff  }
0x42c: {  	v6 =	vor.u32 $0xA, v3;
	v1 =	vadd.f32 v2, v1  }
0x42d: {  	v2 =	vld.idx.msk [tilespmem:v7+s19+$0x0], $0xffff  }
0x42e: {  	v7 =	vor.u32 $0xB, v3;
	v1 =	vadd.f32 v5, v1  }
0x42f: {  	v5 =	vld.idx.msk [tilespmem:v8+s19+$0x0], $0xffff  }
0x430: {  	v8 =	vor.u32 $0xC, v3;
	v1 =	vadd.f32 v4, v1  }
0x431: {  	v4 =	vld.idx.msk [tilespmem:v6+s19+$0x0], $0xffff  }
0x432: {  	v6 =	vor.u32 $0xD, v3;
	v1 =	vadd.f32 v2, v1  }
0x433: {  	v2 =	vld.idx.msk [tilespmem:v7+s19+$0x0], $0xffff  }
0x434: {  	v7 =	vor.u32 $0xE, v3;
	v1 =	vadd.f32 v5, v1  }
0x435: {  	v5 =	vld.idx.msk [tilespmem:v8+s19+$0x0], $0xffff  }
0x436: {  	v3 =	vor.u32 $0xF, v3;
	v1 =	vadd.f32 v4, v1  }
0x437: {  	v4 =	vld.idx.msk [tilespmem:v6+s19+$0x0], $0xffff  }
0x438: {  	v1 =	vadd.f32 v2, v1  }
0x439: {  	v2 =	vld.idx.msk [tilespmem:v7+s19+$0x0], $0xffff  }
0x43a: {  	v1 =	vadd.f32 v5, v1  }
0x43b: {  	v3 =	vld.idx.msk [tilespmem:v3+s19+$0x0], $0xffff  }
0x43c: {  	v1 =	vadd.f32 v4, v1  }
0x43d: {  	s31 =	simm.s32 $0x10  }
0x43e: {  	v4 =	vmov s31;
	v2 =	vadd.f32 v2, v1  }
0x43f: {  	v1 =	vshll.u32 v4, $0x4  }
0x440: {  	v1 =	vor.u32 v0, v1;
	v2 =	vadd.f32 v3, v2  }
0x441: {  	v9 =	vor.u32 $0x1, v1;
	v8 =	vor.u32 $0x2, v1;
	v7 =	vor.u32 $0x3, v1  }
0x442: {  	v6 =	vor.u32 $0x4, v1;
	v4 =	vor.u32 $0x5, v1;
	v5 =	vor.u32 $0x6, v1  }
0x443: {  	s24 =	simm.s32 $0x20;
	s23 =	simm.s32 $0xE200;
	v3 =	vor.u32 $0x7, v1;
	v10 =	vmul.f32 $5.000000000e-01, v2;
	v2 =	vor.u32 $0x8, v1  }
.LBB2_20:
0x444: {  	p0 =	sne.s32 s24, $0x30  }
0x445: {  	v11 =	vor.u32 $0x9, v1;
	v12 =	vor.u32 $0xA, v1;
	v13 =	vor.u32 $0xB, v1;
	[tilespmem:s23+$0x0] =	vst v10;
	s23 =	sadd.s32 $0x10, s23;
	s25 =	smov.u32 s24;
	s24 =	sadd.s32 $0x10, s24  }
0x446: {  	v14 =	vor.u32 $0xC, v1;
	v15 =	vor.u32 $0xD, v1;
	v16 =	vor.u32 $0xE, v1;
	v10 =	vld.idx.msk [tilespmem:v1+s19+$0x0], $0xffff  }
0x447: {  	v1 =	vor.u32 $0xF, v1  }
0x448: {  	v9 =	vld.idx.msk [tilespmem:v9+s19+$0x0], $0xffff;
	_ =	sdelay $0x1  }
0x449: {  	v8 =	vld.idx.msk [tilespmem:v8+s19+$0x0], $0xffff;
	_ =	sdelay $0x1  }
0x44a: {  	v10 =	vadd.f32 $0.0e+00, v10;
	v7 =	vld.idx.msk [tilespmem:v7+s19+$0x0], $0xffff;
	_ =	sdelay $0x1  }
0x44b: {  	v9 =	vadd.f32 v9, v10;
	v6 =	vld.idx.msk [tilespmem:v6+s19+$0x0], $0xffff;
	_ =	sdelay $0x1  }
0x44c: {  	v8 =	vadd.f32 v8, v9;
	v4 =	vld.idx.msk [tilespmem:v4+s19+$0x0], $0xffff;
	_ =	sdelay $0x1  }
0x44d: {  	v7 =	vadd.f32 v7, v8;
	v5 =	vld.idx.msk [tilespmem:v5+s19+$0x0], $0xffff;
	_ =	sdelay $0x1  }
0x44e: {  	v6 =	vadd.f32 v6, v7;
	v3 =	vld.idx.msk [tilespmem:v3+s19+$0x0], $0xffff;
	_ =	sdelay $0x1  }
0x44f: {  	v4 =	vadd.f32 v4, v6;
	v2 =	vld.idx.msk [tilespmem:v2+s19+$0x0], $0xffff;
	_ =	sdelay $0x1  }
0x450: {  	v4 =	vadd.f32 v5, v4;
	v5 =	vld.idx.msk [tilespmem:v11+s19+$0x0], $0xffff;
	_ =	sdelay $0x1  }
0x451: {  	v3 =	vadd.f32 v3, v4;
	v4 =	vld.idx.msk [tilespmem:v12+s19+$0x0], $0xffff;
	_ =	sdelay $0x1  }
0x452: {  	v2 =	vadd.f32 v2, v3;
	v3 =	vld.idx.msk [tilespmem:v13+s19+$0x0], $0xffff;
	_ =	sdelay $0x1  }
0x453: {  	v2 =	vadd.f32 v5, v2;
	v5 =	vld.idx.msk [tilespmem:v14+s19+$0x0], $0xffff;
	_ =	sdelay $0x1  }
0x454: {  	v2 =	vadd.f32 v4, v2;
	v4 =	vld.idx.msk [tilespmem:v15+s19+$0x0], $0xffff;
	_ =	sdelay $0x1  }
0x455: {  	v2 =	vadd.f32 v3, v2;
	v3 =	vld.idx.msk [tilespmem:v16+s19+$0x0], $0xffff;
	_ =	sdelay $0x1  }
0x456: {  	v2 =	vadd.f32 v5, v2;
	v5 =	vld.idx.msk [tilespmem:v1+s19+$0x0], $0xffff;
	_ =	sdelay $0x1  }
0x457: {  	v1 =	vadd.f32 v4, v2;
	_ =	sdelay $0x1  }
0x458: {  	v2 =	vmov s25;
	v3 =	vadd.f32 v3, v1  }
.Ltmp9:
0x459: {  	v1 =	vshll.u32 v2, $0x4;
	(pc) =	sbr.rel @p0 .LBB2_20-.Ltmp9, $4  }
0x45a: {  	v1 =	vor.u32 v0, v1;
	v2 =	vadd.f32 v5, v3  }
0x45b: {  	v9 =	vor.u32 $0x1, v1;
	v8 =	vor.u32 $0x2, v1;
	v7 =	vor.u32 $0x3, v1  }
0x45c: {  	v6 =	vor.u32 $0x4, v1;
	v4 =	vor.u32 $0x5, v1;
	v10 =	vmul.f32 $5.000000000e-01, v2  }
0x45d: {  	v5 =	vor.u32 $0x6, v1;
	v3 =	vor.u32 $0x7, v1;
	v2 =	vor.u32 $0x8, v1  }
0x45e: {  	_ =	sdelay $0x2  }
0x45f: {  	[tilespmem:s23+$0x0] =	vst v10  }
0x460: {  	v10 =	vld.idx.msk [tilespmem:v1+s19+$0x0], $0xffff;
	_ =	sdelay $0x1  }
0x461: {  	v9 =	vld.idx.msk [tilespmem:v9+s19+$0x0], $0xffff;
	_ =	sdelay $0x1  }
0x462: {  	v8 =	vld.idx.msk [tilespmem:v8+s19+$0x0], $0xffff  }
0x463: {  	v10 =	vadd.f32 $0.0e+00, v10  }
0x464: {  	v7 =	vld.idx.msk [tilespmem:v7+s19+$0x0], $0xffff  }
0x465: {  	v9 =	vadd.f32 v9, v10  }
0x466: {  	v6 =	vld.idx.msk [tilespmem:v6+s19+$0x0], $0xffff  }
0x467: {  	v8 =	vadd.f32 v8, v9  }
0x468: {  	v4 =	vld.idx.msk [tilespmem:v4+s19+$0x0], $0xffff  }
0x469: {  	v7 =	vadd.f32 v7, v8  }
0x46a: {  	v5 =	vld.idx.msk [tilespmem:v5+s19+$0x0], $0xffff  }
0x46b: {  	v54 =	vor.u32 $0x9, v1;
	v6 =	vadd.f32 v6, v7  }
0x46c: {  	v3 =	vld.idx.msk [tilespmem:v3+s19+$0x0], $0xffff  }
0x46d: {  	v55 =	vor.u32 $0xA, v1;
	v4 =	vadd.f32 v4, v6  }
0x46e: {  	v2 =	vld.idx.msk [tilespmem:v2+s19+$0x0], $0xffff  }
0x46f: {  	v56 =	vor.u32 $0xB, v1;
	v4 =	vadd.f32 v5, v4  }
0x470: {  	v57 =	vld.idx.msk [tilespmem:v54+s19+$0x0], $0xffff  }
0x471: {  	v58 =	vor.u32 $0xC, v1;
	v3 =	vadd.f32 v3, v4  }
0x472: {  	v59 =	vld.idx.msk [tilespmem:v55+s19+$0x0], $0xffff  }
0x473: {  	v60 =	vor.u32 $0xD, v1;
	v2 =	vadd.f32 v2, v3  }
0x474: {  	v3 =	vld.idx.msk [tilespmem:v56+s19+$0x0], $0xffff  }
0x475: {  	v61 =	vor.u32 $0xE, v1;
	v2 =	vadd.f32 v57, v2  }
0x476: {  	v62 =	vld.idx.msk [tilespmem:v58+s19+$0x0], $0xffff  }
0x477: {  	v1 =	vor.u32 $0xF, v1;
	v2 =	vadd.f32 v59, v2  }
0x478: {  	v63 =	vld.idx.msk [tilespmem:v60+s19+$0x0], $0xffff  }
0x479: {  	v2 =	vadd.f32 v3, v2  }
0x47a: {  	v3 =	vld.idx.msk [tilespmem:v61+s19+$0x0], $0xffff  }
0x47b: {  	v2 =	vadd.f32 v62, v2  }
0x47c: {  	v1 =	vld.idx.msk [tilespmem:v1+s19+$0x0], $0xffff  }
0x47d: {  	v2 =	vadd.f32 v63, v2;
	_ =	sdelay $0x1  }
0x47e: {  	v2 =	vadd.f32 v3, v2;
	_ =	sdelay $0x1  }
0x47f: {  	v1 =	vadd.f32 v1, v2;
	_ =	sdelay $0x1  }
0x480: {  	v1 =	vmul.f32 $5.000000000e-01, v1  }
0x481: {  	s31 =	sadd.s32 $0x10, s23  }
0x482: {  	s23 =	simm.s32 $0x0;
	[tilespmem:s31+$0x0] =	vst v1  }
0x483: {  	[tilespmem:s23], [sflag:$0x3] =	stream.linear.gather [hbm4b:s10+s23], $0x680, $0x38;
	[tilespmem:$0xE300] =	vst v63  }
0x484: {  	_ =	swait.ge [sflag:s14], $0x680  }
0x485: {  	[sflag:s14] =	ssyncset.done $0x0  }
0x486: {  	[sflag:s14] =	ssyncadd.s32 $0xFFFFF980  }
0x487: {  	[tilespmem:s16], [sflag:$0x1] =	stream.indirect.gather [hbm4b:s3+s15], $0x10, s23, s15, $0xb8;
	[tilespmem:$0xE300] =	vst v63  }
0x488: {  	_ =	swait.ge [sflag:s20], $0x6800  }
0x489: {  	[sflag:s20] =	ssyncset.done $0x0  }
0x48a: {  	s25 =	simm.s32 $0x75D0;
	[sflag:s20] =	ssyncadd.s32 $0xFFFF9800  }
0x48b: {  	s26 =	simm.s32 $0x40;
	s24 =	simm.s32 $0x0;
	v1 =	vld [tilespmem:s25+$0xFFFFFF30]  }
.LBB2_22:
0x48c: {  	p0 =	sne.s32 s26, $0xFC0  }
0x48d: {  	v2 =	vld [tilespmem:s25+$0xFFFFFF40];
	_ =	sdelay $0x1  }
0x48e: {  	v3 =	vld [tilespmem:s25+$0xFFFFFF50]  }
0x48f: {  	v4 =	vadd.f32 $0.0e+00, v1  }
0x490: {  	v5 =	vld [tilespmem:s25+$0xFFFFFF60]  }
0x491: {  	v1 =	vmul.f32 v1, v1;
	v4 =	vadd.f32 v2, v4;
	v2 =	vmul.f32 v2, v2  }
0x492: {  	v6 =	vld [tilespmem:s25+$0xFFFFFF70]  }
0x493: {  	v1 =	vadd.f32 v2, v1;
	v2 =	vadd.f32 v3, v4;
	v3 =	vmul.f32 v3, v3  }
0x494: {  	v4 =	vld [tilespmem:s25+$0xFFFFFF80]  }
0x495: {  	v1 =	vadd.f32 v3, v1;
	v2 =	vadd.f32 v5, v2;
	v3 =	vmul.f32 v5, v5  }
0x496: {  	v5 =	vld [tilespmem:s25+$0xFFFFFF90]  }
0x497: {  	v1 =	vadd.f32 v3, v1;
	v2 =	vadd.f32 v6, v2;
	v3 =	vmul.f32 v6, v6  }
0x498: {  	v6 =	vld [tilespmem:s25+$0xFFFFFFA0]  }
0x499: {  	v1 =	vadd.f32 v3, v1;
	v2 =	vadd.f32 v4, v2;
	v3 =	vmul.f32 v4, v4  }
0x49a: {  	v4 =	vld [tilespmem:s25+$0xFFFFFFB0]  }
0x49b: {  	v1 =	vadd.f32 v3, v1;
	v2 =	vadd.f32 v5, v2;
	v3 =	vmul.f32 v5, v5  }
0x49c: {  	v5 =	vld [tilespmem:s25+$0xFFFFFFC0]  }
0x49d: {  	v1 =	vadd.f32 v3, v1;
	v2 =	vadd.f32 v6, v2;
	v3 =	vmul.f32 v6, v6  }
0x49e: {  	v6 =	vld [tilespmem:s25+$0xFFFFFFD0]  }
0x49f: {  	v1 =	vadd.f32 v3, v1;
	v2 =	vadd.f32 v4, v2;
	v3 =	vmul.f32 v4, v4  }
0x4a0: {  	v4 =	vld [tilespmem:s25+$0xFFFFFFE0]  }
0x4a1: {  	v1 =	vadd.f32 v3, v1;
	v2 =	vadd.f32 v5, v2;
	v3 =	vmul.f32 v5, v5  }
0x4a2: {  	v5 =	vld [tilespmem:s25+$0xFFFFFFF0]  }
0x4a3: {  	v1 =	vadd.f32 v3, v1;
	v2 =	vadd.f32 v6, v2;
	v3 =	vmul.f32 v6, v6  }
0x4a4: {  	v6 =	vld [tilespmem:s25+$0x0]  }
0x4a5: {  	v1 =	vadd.f32 v3, v1;
	v2 =	vadd.f32 v4, v2;
	v3 =	vmul.f32 v4, v4  }
0x4a6: {  	v4 =	vld [tilespmem:s25+$0x10]  }
0x4a7: {  	v1 =	vadd.f32 v3, v1;
	v2 =	vadd.f32 v5, v2;
	v3 =	vmul.f32 v5, v5  }
0x4a8: {  	v5 =	vld [tilespmem:s25+$0x20]  }
0x4a9: {  	v1 =	vadd.f32 v3, v1;
	v2 =	vadd.f32 v6, v2;
	v3 =	vmul.f32 v6, v6  }
0x4aa: {  	v6 =	vld [tilespmem:s25+$0x30]  }
0x4ab: {  	v1 =	vadd.f32 v3, v1;
	v2 =	vadd.f32 v4, v2;
	v3 =	vmul.f32 v4, v4  }
0x4ac: {  	v4 =	vld [tilespmem:s25+$0x40]  }
0x4ad: {  	v1 =	vadd.f32 v3, v1;
	v2 =	vadd.f32 v5, v2;
	v3 =	vmul.f32 v5, v5  }
0x4ae: {  	v5 =	vld [tilespmem:s25+$0x50]  }
0x4af: {  	v1 =	vadd.f32 v3, v1;
	v2 =	vadd.f32 v6, v2;
	v3 =	vmul.f32 v6, v6  }
0x4b0: {  	v6 =	vld [tilespmem:s25+$0x60]  }
0x4b1: {  	v1 =	vadd.f32 v3, v1;
	v2 =	vadd.f32 v4, v2;
	v3 =	vmul.f32 v4, v4  }
0x4b2: {  	v4 =	vld [tilespmem:s25+$0x70]  }
0x4b3: {  	v1 =	vadd.f32 v3, v1;
	v2 =	vadd.f32 v5, v2;
	v3 =	vmul.f32 v5, v5  }
0x4b4: {  	v5 =	vld [tilespmem:s25+$0x80]  }
0x4b5: {  	v1 =	vadd.f32 v3, v1;
	v2 =	vadd.f32 v6, v2;
	v3 =	vmul.f32 v6, v6  }
0x4b6: {  	v6 =	vld [tilespmem:s25+$0x90]  }
0x4b7: {  	v1 =	vadd.f32 v3, v1;
	v2 =	vadd.f32 v4, v2;
	v3 =	vmul.f32 v4, v4  }
0x4b8: {  	v4 =	vld [tilespmem:s25+$0xA0]  }
0x4b9: {  	v1 =	vadd.f32 v3, v1;
	v2 =	vadd.f32 v5, v2;
	v3 =	vmul.f32 v5, v5  }
0x4ba: {  	v5 =	vld [tilespmem:s25+$0xB0]  }
0x4bb: {  	v1 =	vadd.f32 v3, v1;
	v2 =	vadd.f32 v6, v2;
	v3 =	vmul.f32 v6, v6  }
0x4bc: {  	v6 =	vld [tilespmem:s25+$0xC0]  }
0x4bd: {  	v1 =	vadd.f32 v3, v1;
	v2 =	vadd.f32 v4, v2;
	v3 =	vmul.f32 v4, v4;
	_ =	sdelay $0x1  }
0x4be: {  	v1 =	vadd.f32 v3, v1;
	v2 =	vadd.f32 v5, v2;
	v3 =	vmul.f32 v5, v5;
	_ =	sdelay $0x1  }
0x4bf: {  	v1 =	vadd.f32 v3, v1;
	v2 =	vadd.f32 v6, v2;
	v3 =	vmul.f32 v6, v6;
	_ =	sdelay $0x1  }
0x4c0: {  	v1 =	vadd.f32 v3, v1;
	v2 =	vmul.f32 v2, v2  }
.Ltmp10:
0x4c1: {  	(pc) =	sbr.rel @p0 .LBB2_22-.Ltmp10, $4  }
0x4c2: {  	v1 =	vsub.f32 v2, v1  }
0x4c3: {  	s28 =	sshra.s32 s24, $0x2;
	s24 =	smov.u32 s26  }
0x4c4: {  	s25 =	sadd.s32 $0x1A0, s25;
	[tilespmem:s28+$0xDD00] =	vst v1  }
0x4c5: {  	s26 =	sadd.s32 $0x40, s26;
	v1 =	vld [tilespmem:s25+$0xFFFFFF30]  }
0x4c6: {  	v2 =	vld [tilespmem:s25+$0xFFFFFF40];
	_ =	sdelay $0x1  }
0x4c7: {  	v3 =	vld [tilespmem:s25+$0xFFFFFF50];
	_ =	sdelay $0x1  }
0x4c8: {  	v5 =	vld [tilespmem:s25+$0xFFFFFF60];
	v4 =	vadd.f32 $0.0e+00, v1  }
0x4c9: {  	v1 =	vmul.f32 v1, v1;
	v6 =	vmul.f32 v2, v2  }
0x4ca: {  	v2 =	vadd.f32 v2, v4;
	v4 =	vld [tilespmem:s25+$0xFFFFFF70]  }
0x4cb: {  	v1 =	vadd.f32 v6, v1;
	v6 =	vmul.f32 v3, v3  }
0x4cc: {  	v2 =	vadd.f32 v3, v2;
	v3 =	vld [tilespmem:s25+$0xFFFFFF80]  }
0x4cd: {  	v1 =	vadd.f32 v6, v1;
	v6 =	vmul.f32 v5, v5  }
0x4ce: {  	v2 =	vadd.f32 v5, v2;
	v5 =	vld [tilespmem:s25+$0xFFFFFF90]  }
0x4cf: {  	v1 =	vadd.f32 v6, v1;
	v6 =	vmul.f32 v4, v4  }
0x4d0: {  	v2 =	vadd.f32 v4, v2;
	v4 =	vld [tilespmem:s25+$0xFFFFFFA0]  }
0x4d1: {  	v1 =	vadd.f32 v6, v1;
	v6 =	vmul.f32 v3, v3  }
0x4d2: {  	v2 =	vadd.f32 v3, v2;
	v3 =	vld [tilespmem:s25+$0xFFFFFFB0]  }
0x4d3: {  	v1 =	vadd.f32 v6, v1;
	v6 =	vmul.f32 v5, v5  }
0x4d4: {  	v2 =	vadd.f32 v5, v2;
	v5 =	vld [tilespmem:s25+$0xFFFFFFC0]  }
0x4d5: {  	v1 =	vadd.f32 v6, v1;
	v6 =	vmul.f32 v4, v4  }
0x4d6: {  	v2 =	vadd.f32 v4, v2;
	v4 =	vld [tilespmem:s25+$0xFFFFFFD0]  }
0x4d7: {  	v1 =	vadd.f32 v6, v1;
	v6 =	vmul.f32 v3, v3  }
0x4d8: {  	v2 =	vadd.f32 v3, v2;
	v3 =	vld [tilespmem:s25+$0xFFFFFFE0]  }
0x4d9: {  	v1 =	vadd.f32 v6, v1;
	v6 =	vmul.f32 v5, v5  }
0x4da: {  	v2 =	vadd.f32 v5, v2;
	v5 =	vld [tilespmem:s25+$0xFFFFFFF0]  }
0x4db: {  	v1 =	vadd.f32 v6, v1;
	v6 =	vmul.f32 v4, v4  }
0x4dc: {  	v2 =	vadd.f32 v4, v2;
	v4 =	vld [tilespmem:s25+$0x0]  }
0x4dd: {  	v1 =	vadd.f32 v6, v1;
	v6 =	vmul.f32 v3, v3  }
0x4de: {  	v2 =	vadd.f32 v3, v2;
	v3 =	vld [tilespmem:s25+$0x10]  }
0x4df: {  	v1 =	vadd.f32 v6, v1;
	v6 =	vmul.f32 v5, v5  }
0x4e0: {  	v2 =	vadd.f32 v5, v2;
	v5 =	vld [tilespmem:s25+$0x20]  }
0x4e1: {  	v1 =	vadd.f32 v6, v1;
	v6 =	vmul.f32 v4, v4  }
0x4e2: {  	v2 =	vadd.f32 v4, v2;
	v4 =	vld [tilespmem:s25+$0x30]  }
0x4e3: {  	v1 =	vadd.f32 v6, v1;
	v6 =	vmul.f32 v3, v3  }
0x4e4: {  	v2 =	vadd.f32 v3, v2;
	v3 =	vld [tilespmem:s25+$0x40]  }
0x4e5: {  	v1 =	vadd.f32 v6, v1;
	v6 =	vmul.f32 v5, v5  }
0x4e6: {  	v2 =	vadd.f32 v5, v2;
	v5 =	vld [tilespmem:s25+$0x50]  }
0x4e7: {  	v1 =	vadd.f32 v6, v1;
	v6 =	vmul.f32 v4, v4  }
0x4e8: {  	v2 =	vadd.f32 v4, v2;
	v4 =	vld [tilespmem:s25+$0x60]  }
0x4e9: {  	v1 =	vadd.f32 v6, v1;
	v6 =	vmul.f32 v3, v3  }
0x4ea: {  	v2 =	vadd.f32 v3, v2;
	v3 =	vld [tilespmem:s25+$0x70]  }
0x4eb: {  	v1 =	vadd.f32 v6, v1;
	v6 =	vmul.f32 v5, v5  }
0x4ec: {  	v2 =	vadd.f32 v5, v2;
	v5 =	vld [tilespmem:s25+$0x80]  }
0x4ed: {  	v1 =	vadd.f32 v6, v1;
	v6 =	vmul.f32 v4, v4  }
0x4ee: {  	v2 =	vadd.f32 v4, v2;
	v4 =	vld [tilespmem:s25+$0x90]  }
0x4ef: {  	v1 =	vadd.f32 v6, v1;
	v6 =	vmul.f32 v3, v3  }
0x4f0: {  	v2 =	vadd.f32 v3, v2;
	v3 =	vld [tilespmem:s25+$0xA0]  }
0x4f1: {  	v1 =	vadd.f32 v6, v1;
	v6 =	vmul.f32 v5, v5  }
0x4f2: {  	v2 =	vadd.f32 v5, v2;
	v5 =	vld [tilespmem:s25+$0xB0]  }
0x4f3: {  	v1 =	vadd.f32 v6, v1;
	v6 =	vmul.f32 v4, v4  }
0x4f4: {  	v2 =	vadd.f32 v4, v2  }
0x4f5: {  	v4 =	vld [tilespmem:s25+$0xC0];
	v1 =	vadd.f32 v6, v1;
	v6 =	vmul.f32 v3, v3  }
0x4f6: {  	v2 =	vadd.f32 v3, v2  }
0x4f7: {  	v1 =	vadd.f32 v6, v1;
	v3 =	vmul.f32 v5, v5  }
0x4f8: {  	v2 =	vadd.f32 v5, v2  }
0x4f9: {  	v1 =	vadd.f32 v3, v1  }
0x4fa: {  	v3 =	vmul.f32 v4, v4;
	v2 =	vadd.f32 v4, v2;
	v4 =	vmov s23  }
0x4fb: {  	v4 =	vshll.u32 v4, $0x4  }
0x4fc: {  	v1 =	vadd.f32 v3, v1;
	v2 =	vmul.f32 v2, v2;
	v3 =	vor.u32 v0, v4;
	_ =	sdelay $0x1  }
0x4fd: {  	v1 =	vsub.f32 v2, v1;
	v2 =	vor.u32 $0x1, v3  }
0x4fe: {  	s30 =	sshra.s32 s24, $0x2  }
0x4ff: {  	[tilespmem:s30+$0xDD00] =	vst v1;
	v1 =	vor.u32 $0x2, v3  }
0x500: {  	v4 =	vld.idx.msk [tilespmem:v3+s19+$0x0], $0xffff  }
0x501: {  	v5 =	vor.u32 $0x3, v3  }
0x502: {  	v2 =	vld.idx.msk [tilespmem:v2+s19+$0x0], $0xffff  }
0x503: {  	v6 =	vor.u32 $0x4, v3  }
0x504: {  	v1 =	vld.idx.msk [tilespmem:v1+s19+$0x0], $0xffff  }
0x505: {  	v7 =	vor.u32 $0x5, v3;
	v4 =	vadd.f32 $0.0e+00, v4  }
0x506: {  	v5 =	vld.idx.msk [tilespmem:v5+s19+$0x0], $0xffff  }
0x507: {  	v8 =	vor.u32 $0x6, v3;
	v2 =	vadd.f32 v2, v4  }
0x508: {  	v4 =	vld.idx.msk [tilespmem:v6+s19+$0x0], $0xffff  }
0x509: {  	v6 =	vor.u32 $0x7, v3;
	v1 =	vadd.f32 v1, v2  }
0x50a: {  	v2 =	vld.idx.msk [tilespmem:v7+s19+$0x0], $0xffff  }
0x50b: {  	v7 =	vor.u32 $0x8, v3;
	v1 =	vadd.f32 v5, v1  }
0x50c: {  	v5 =	vld.idx.msk [tilespmem:v8+s19+$0x0], $0xffff  }
0x50d: {  	v8 =	vor.u32 $0x9, v3;
	v1 =	vadd.f32 v4, v1  }
0x50e: {  	v4 =	vld.idx.msk [tilespmem:v6+s19+$0x0], $0xffff  }
0x50f: {  	v6 =	vor.u32 $0xA, v3;
	v1 =	vadd.f32 v2, v1  }
0x510: {  	v2 =	vld.idx.msk [tilespmem:v7+s19+$0x0], $0xffff  }
0x511: {  	v7 =	vor.u32 $0xB, v3;
	v1 =	vadd.f32 v5, v1  }
0x512: {  	v5 =	vld.idx.msk [tilespmem:v8+s19+$0x0], $0xffff  }
0x513: {  	v8 =	vor.u32 $0xC, v3;
	v1 =	vadd.f32 v4, v1  }
0x514: {  	v4 =	vld.idx.msk [tilespmem:v6+s19+$0x0], $0xffff  }
0x515: {  	v6 =	vor.u32 $0xD, v3;
	v1 =	vadd.f32 v2, v1  }
0x516: {  	v2 =	vld.idx.msk [tilespmem:v7+s19+$0x0], $0xffff  }
0x517: {  	v7 =	vor.u32 $0xE, v3;
	v1 =	vadd.f32 v5, v1  }
0x518: {  	v5 =	vld.idx.msk [tilespmem:v8+s19+$0x0], $0xffff  }
0x519: {  	v3 =	vor.u32 $0xF, v3;
	v1 =	vadd.f32 v4, v1  }
0x51a: {  	v4 =	vld.idx.msk [tilespmem:v6+s19+$0x0], $0xffff  }
0x51b: {  	v1 =	vadd.f32 v2, v1  }
0x51c: {  	v2 =	vld.idx.msk [tilespmem:v7+s19+$0x0], $0xffff  }
0x51d: {  	v1 =	vadd.f32 v5, v1  }
0x51e: {  	v3 =	vld.idx.msk [tilespmem:v3+s19+$0x0], $0xffff  }
0x51f: {  	v1 =	vadd.f32 v4, v1  }
0x520: {  	s31 =	simm.s32 $0x10  }
0x521: {  	v4 =	vmov s31;
	v2 =	vadd.f32 v2, v1  }
0x522: {  	v1 =	vshll.u32 v4, $0x4  }
0x523: {  	v1 =	vor.u32 v0, v1;
	v2 =	vadd.f32 v3, v2  }
0x524: {  	v9 =	vor.u32 $0x1, v1;
	v8 =	vor.u32 $0x2, v1;
	v7 =	vor.u32 $0x3, v1  }
0x525: {  	v6 =	vor.u32 $0x4, v1;
	v4 =	vor.u32 $0x5, v1;
	v5 =	vor.u32 $0x6, v1  }
0x526: {  	s24 =	simm.s32 $0x20;
	s23 =	simm.s32 $0xE240;
	v3 =	vor.u32 $0x7, v1;
	v10 =	vmul.f32 $5.000000000e-01, v2;
	v2 =	vor.u32 $0x8, v1  }
.LBB2_24:
0x527: {  	p0 =	sne.s32 s24, $0x30  }
0x528: {  	v11 =	vor.u32 $0x9, v1;
	v12 =	vor.u32 $0xA, v1;
	v13 =	vor.u32 $0xB, v1;
	[tilespmem:s23+$0x0] =	vst v10;
	s23 =	sadd.s32 $0x10, s23;
	s25 =	smov.u32 s24;
	s24 =	sadd.s32 $0x10, s24  }
0x529: {  	v14 =	vor.u32 $0xC, v1;
	v15 =	vor.u32 $0xD, v1;
	v16 =	vor.u32 $0xE, v1;
	v10 =	vld.idx.msk [tilespmem:v1+s19+$0x0], $0xffff  }
0x52a: {  	v1 =	vor.u32 $0xF, v1  }
0x52b: {  	v9 =	vld.idx.msk [tilespmem:v9+s19+$0x0], $0xffff;
	_ =	sdelay $0x1  }
0x52c: {  	v8 =	vld.idx.msk [tilespmem:v8+s19+$0x0], $0xffff;
	_ =	sdelay $0x1  }
0x52d: {  	v10 =	vadd.f32 $0.0e+00, v10;
	v7 =	vld.idx.msk [tilespmem:v7+s19+$0x0], $0xffff;
	_ =	sdelay $0x1  }
0x52e: {  	v9 =	vadd.f32 v9, v10;
	v6 =	vld.idx.msk [tilespmem:v6+s19+$0x0], $0xffff;
	_ =	sdelay $0x1  }
0x52f: {  	v8 =	vadd.f32 v8, v9;
	v4 =	vld.idx.msk [tilespmem:v4+s19+$0x0], $0xffff;
	_ =	sdelay $0x1  }
0x530: {  	v7 =	vadd.f32 v7, v8;
	v5 =	vld.idx.msk [tilespmem:v5+s19+$0x0], $0xffff;
	_ =	sdelay $0x1  }
0x531: {  	v6 =	vadd.f32 v6, v7;
	v3 =	vld.idx.msk [tilespmem:v3+s19+$0x0], $0xffff;
	_ =	sdelay $0x1  }
0x532: {  	v4 =	vadd.f32 v4, v6;
	v2 =	vld.idx.msk [tilespmem:v2+s19+$0x0], $0xffff;
	_ =	sdelay $0x1  }
0x533: {  	v4 =	vadd.f32 v5, v4;
	v5 =	vld.idx.msk [tilespmem:v11+s19+$0x0], $0xffff;
	_ =	sdelay $0x1  }
0x534: {  	v3 =	vadd.f32 v3, v4;
	v4 =	vld.idx.msk [tilespmem:v12+s19+$0x0], $0xffff;
	_ =	sdelay $0x1  }
0x535: {  	v2 =	vadd.f32 v2, v3;
	v3 =	vld.idx.msk [tilespmem:v13+s19+$0x0], $0xffff;
	_ =	sdelay $0x1  }
0x536: {  	v2 =	vadd.f32 v5, v2;
	v5 =	vld.idx.msk [tilespmem:v14+s19+$0x0], $0xffff;
	_ =	sdelay $0x1  }
0x537: {  	v2 =	vadd.f32 v4, v2;
	v4 =	vld.idx.msk [tilespmem:v15+s19+$0x0], $0xffff;
	_ =	sdelay $0x1  }
0x538: {  	v2 =	vadd.f32 v3, v2;
	v3 =	vld.idx.msk [tilespmem:v16+s19+$0x0], $0xffff;
	_ =	sdelay $0x1  }
0x539: {  	v2 =	vadd.f32 v5, v2;
	v5 =	vld.idx.msk [tilespmem:v1+s19+$0x0], $0xffff;
	_ =	sdelay $0x1  }
0x53a: {  	v1 =	vadd.f32 v4, v2;
	_ =	sdelay $0x1  }
0x53b: {  	v2 =	vmov s25;
	v3 =	vadd.f32 v3, v1  }
.Ltmp11:
0x53c: {  	v1 =	vshll.u32 v2, $0x4;
	(pc) =	sbr.rel @p0 .LBB2_24-.Ltmp11, $4  }
0x53d: {  	v1 =	vor.u32 v0, v1;
	v2 =	vadd.f32 v5, v3  }
0x53e: {  	v9 =	vor.u32 $0x1, v1;
	v8 =	vor.u32 $0x2, v1;
	v7 =	vor.u32 $0x3, v1  }
0x53f: {  	v6 =	vor.u32 $0x4, v1;
	v4 =	vor.u32 $0x5, v1;
	v10 =	vmul.f32 $5.000000000e-01, v2  }
0x540: {  	v5 =	vor.u32 $0x6, v1;
	v3 =	vor.u32 $0x7, v1;
	v2 =	vor.u32 $0x8, v1  }
0x541: {  	_ =	sdelay $0x2  }
0x542: {  	[tilespmem:s23+$0x0] =	vst v10  }
0x543: {  	v10 =	vld.idx.msk [tilespmem:v1+s19+$0x0], $0xffff;
	_ =	sdelay $0x1  }
0x544: {  	v9 =	vld.idx.msk [tilespmem:v9+s19+$0x0], $0xffff;
	_ =	sdelay $0x1  }
0x545: {  	v8 =	vld.idx.msk [tilespmem:v8+s19+$0x0], $0xffff  }
0x546: {  	v10 =	vadd.f32 $0.0e+00, v10  }
0x547: {  	v7 =	vld.idx.msk [tilespmem:v7+s19+$0x0], $0xffff  }
0x548: {  	v9 =	vadd.f32 v9, v10  }
0x549: {  	v6 =	vld.idx.msk [tilespmem:v6+s19+$0x0], $0xffff  }
0x54a: {  	v8 =	vadd.f32 v8, v9  }
0x54b: {  	v4 =	vld.idx.msk [tilespmem:v4+s19+$0x0], $0xffff  }
0x54c: {  	v7 =	vadd.f32 v7, v8  }
0x54d: {  	v5 =	vld.idx.msk [tilespmem:v5+s19+$0x0], $0xffff  }
0x54e: {  	v54 =	vor.u32 $0x9, v1;
	v6 =	vadd.f32 v6, v7  }
0x54f: {  	v3 =	vld.idx.msk [tilespmem:v3+s19+$0x0], $0xffff  }
0x550: {  	v55 =	vor.u32 $0xA, v1;
	v4 =	vadd.f32 v4, v6  }
0x551: {  	v2 =	vld.idx.msk [tilespmem:v2+s19+$0x0], $0xffff  }
0x552: {  	v56 =	vor.u32 $0xB, v1;
	v4 =	vadd.f32 v5, v4  }
0x553: {  	v57 =	vld.idx.msk [tilespmem:v54+s19+$0x0], $0xffff  }
0x554: {  	v58 =	vor.u32 $0xC, v1;
	v3 =	vadd.f32 v3, v4  }
0x555: {  	v59 =	vld.idx.msk [tilespmem:v55+s19+$0x0], $0xffff  }
0x556: {  	v60 =	vor.u32 $0xD, v1;
	v2 =	vadd.f32 v2, v3  }
0x557: {  	v3 =	vld.idx.msk [tilespmem:v56+s19+$0x0], $0xffff  }
0x558: {  	v61 =	vor.u32 $0xE, v1;
	v2 =	vadd.f32 v57, v2  }
0x559: {  	v62 =	vld.idx.msk [tilespmem:v58+s19+$0x0], $0xffff  }
0x55a: {  	v1 =	vor.u32 $0xF, v1;
	v2 =	vadd.f32 v59, v2  }
0x55b: {  	v63 =	vld.idx.msk [tilespmem:v60+s19+$0x0], $0xffff  }
0x55c: {  	v2 =	vadd.f32 v3, v2  }
0x55d: {  	v3 =	vld.idx.msk [tilespmem:v61+s19+$0x0], $0xffff  }
0x55e: {  	v2 =	vadd.f32 v62, v2  }
0x55f: {  	v1 =	vld.idx.msk [tilespmem:v1+s19+$0x0], $0xffff  }
0x560: {  	v2 =	vadd.f32 v63, v2;
	_ =	sdelay $0x1  }
0x561: {  	v2 =	vadd.f32 v3, v2;
	_ =	sdelay $0x1  }
0x562: {  	v1 =	vadd.f32 v1, v2;
	_ =	sdelay $0x1  }
0x563: {  	v1 =	vmul.f32 $5.000000000e-01, v1  }
0x564: {  	s31 =	sadd.s32 $0x10, s23  }
0x565: {  	s23 =	simm.s32 $0x0;
	[tilespmem:s31+$0x0] =	vst v1  }
0x566: {  	[tilespmem:s15], [sflag:$0x3] =	stream.linear.gather [hbm4b:s11+s23], $0x680, $0x38;
	[tilespmem:$0xE300] =	vst v63  }
0x567: {  	_ =	swait.ge [sflag:s14], $0x680  }
0x568: {  	[sflag:s14] =	ssyncset.done $0x0  }
0x569: {  	[sflag:s14] =	ssyncadd.s32 $0xFFFFF980  }
0x56a: {  	[tilespmem:s17], [sflag:$0x2] =	stream.indirect.gather [hbm4b:s3+s15], $0x10, s15, s15, $0xb8;
	[tilespmem:$0xE300] =	vst v63  }
0x56b: {  	_ =	swait.ge [sflag:s18], $0x6800  }
0x56c: {  	[sflag:s18] =	ssyncset.done $0x0  }
0x56d: {  	s25 =	simm.s32 $0xDD0;
	[sflag:s18] =	ssyncadd.s32 $0xFFFF9800  }
0x56e: {  	s26 =	simm.s32 $0x40;
	s24 =	simm.s32 $0x0;
	v1 =	vld [tilespmem:s25+$0xFFFFFF30]  }
.LBB2_26:
0x56f: {  	p0 =	sne.s32 s26, $0xFC0  }
0x570: {  	v2 =	vld [tilespmem:s25+$0xFFFFFF40];
	_ =	sdelay $0x1  }
0x571: {  	v3 =	vld [tilespmem:s25+$0xFFFFFF50]  }
0x572: {  	v4 =	vadd.f32 $0.0e+00, v1  }
0x573: {  	v5 =	vld [tilespmem:s25+$0xFFFFFF60]  }
0x574: {  	v1 =	vmul.f32 v1, v1;
	v4 =	vadd.f32 v2, v4;
	v2 =	vmul.f32 v2, v2  }
0x575: {  	v6 =	vld [tilespmem:s25+$0xFFFFFF70]  }
0x576: {  	v1 =	vadd.f32 v2, v1;
	v2 =	vadd.f32 v3, v4;
	v3 =	vmul.f32 v3, v3  }
0x577: {  	v4 =	vld [tilespmem:s25+$0xFFFFFF80]  }
0x578: {  	v1 =	vadd.f32 v3, v1;
	v2 =	vadd.f32 v5, v2;
	v3 =	vmul.f32 v5, v5  }
0x579: {  	v5 =	vld [tilespmem:s25+$0xFFFFFF90]  }
0x57a: {  	v1 =	vadd.f32 v3, v1;
	v2 =	vadd.f32 v6, v2;
	v3 =	vmul.f32 v6, v6  }
0x57b: {  	v6 =	vld [tilespmem:s25+$0xFFFFFFA0]  }
0x57c: {  	v1 =	vadd.f32 v3, v1;
	v2 =	vadd.f32 v4, v2;
	v3 =	vmul.f32 v4, v4  }
0x57d: {  	v4 =	vld [tilespmem:s25+$0xFFFFFFB0]  }
0x57e: {  	v1 =	vadd.f32 v3, v1;
	v2 =	vadd.f32 v5, v2;
	v3 =	vmul.f32 v5, v5  }
0x57f: {  	v5 =	vld [tilespmem:s25+$0xFFFFFFC0]  }
0x580: {  	v1 =	vadd.f32 v3, v1;
	v2 =	vadd.f32 v6, v2;
	v3 =	vmul.f32 v6, v6  }
0x581: {  	v6 =	vld [tilespmem:s25+$0xFFFFFFD0]  }
0x582: {  	v1 =	vadd.f32 v3, v1;
	v2 =	vadd.f32 v4, v2;
	v3 =	vmul.f32 v4, v4  }
0x583: {  	v4 =	vld [tilespmem:s25+$0xFFFFFFE0]  }
0x584: {  	v1 =	vadd.f32 v3, v1;
	v2 =	vadd.f32 v5, v2;
	v3 =	vmul.f32 v5, v5  }
0x585: {  	v5 =	vld [tilespmem:s25+$0xFFFFFFF0]  }
0x586: {  	v1 =	vadd.f32 v3, v1;
	v2 =	vadd.f32 v6, v2;
	v3 =	vmul.f32 v6, v6  }
0x587: {  	v6 =	vld [tilespmem:s25+$0x0]  }
0x588: {  	v1 =	vadd.f32 v3, v1;
	v2 =	vadd.f32 v4, v2;
	v3 =	vmul.f32 v4, v4  }
0x589: {  	v4 =	vld [tilespmem:s25+$0x10]  }
0x58a: {  	v1 =	vadd.f32 v3, v1;
	v2 =	vadd.f32 v5, v2;
	v3 =	vmul.f32 v5, v5  }
0x58b: {  	v5 =	vld [tilespmem:s25+$0x20]  }
0x58c: {  	v1 =	vadd.f32 v3, v1;
	v2 =	vadd.f32 v6, v2;
	v3 =	vmul.f32 v6, v6  }
0x58d: {  	v6 =	vld [tilespmem:s25+$0x30]  }
0x58e: {  	v1 =	vadd.f32 v3, v1;
	v2 =	vadd.f32 v4, v2;
	v3 =	vmul.f32 v4, v4  }
0x58f: {  	v4 =	vld [tilespmem:s25+$0x40]  }
0x590: {  	v1 =	vadd.f32 v3, v1;
	v2 =	vadd.f32 v5, v2;
	v3 =	vmul.f32 v5, v5  }
0x591: {  	v5 =	vld [tilespmem:s25+$0x50]  }
0x592: {  	v1 =	vadd.f32 v3, v1;
	v2 =	vadd.f32 v6, v2;
	v3 =	vmul.f32 v6, v6  }
0x593: {  	v6 =	vld [tilespmem:s25+$0x60]  }
0x594: {  	v1 =	vadd.f32 v3, v1;
	v2 =	vadd.f32 v4, v2;
	v3 =	vmul.f32 v4, v4  }
0x595: {  	v4 =	vld [tilespmem:s25+$0x70]  }
0x596: {  	v1 =	vadd.f32 v3, v1;
	v2 =	vadd.f32 v5, v2;
	v3 =	vmul.f32 v5, v5  }
0x597: {  	v5 =	vld [tilespmem:s25+$0x80]  }
0x598: {  	v1 =	vadd.f32 v3, v1;
	v2 =	vadd.f32 v6, v2;
	v3 =	vmul.f32 v6, v6  }
0x599: {  	v6 =	vld [tilespmem:s25+$0x90]  }
0x59a: {  	v1 =	vadd.f32 v3, v1;
	v2 =	vadd.f32 v4, v2;
	v3 =	vmul.f32 v4, v4  }
0x59b: {  	v4 =	vld [tilespmem:s25+$0xA0]  }
0x59c: {  	v1 =	vadd.f32 v3, v1;
	v2 =	vadd.f32 v5, v2;
	v3 =	vmul.f32 v5, v5  }
0x59d: {  	v5 =	vld [tilespmem:s25+$0xB0]  }
0x59e: {  	v1 =	vadd.f32 v3, v1;
	v2 =	vadd.f32 v6, v2;
	v3 =	vmul.f32 v6, v6  }
0x59f: {  	v6 =	vld [tilespmem:s25+$0xC0]  }
0x5a0: {  	v1 =	vadd.f32 v3, v1;
	v2 =	vadd.f32 v4, v2;
	v3 =	vmul.f32 v4, v4;
	_ =	sdelay $0x1  }
0x5a1: {  	v1 =	vadd.f32 v3, v1;
	v2 =	vadd.f32 v5, v2;
	v3 =	vmul.f32 v5, v5;
	_ =	sdelay $0x1  }
0x5a2: {  	v1 =	vadd.f32 v3, v1;
	v2 =	vadd.f32 v6, v2;
	v3 =	vmul.f32 v6, v6;
	_ =	sdelay $0x1  }
0x5a3: {  	v1 =	vadd.f32 v3, v1;
	v2 =	vmul.f32 v2, v2  }
.Ltmp12:
0x5a4: {  	(pc) =	sbr.rel @p0 .LBB2_26-.Ltmp12, $4  }
0x5a5: {  	v1 =	vsub.f32 v2, v1  }
0x5a6: {  	s28 =	sshra.s32 s24, $0x2;
	s24 =	smov.u32 s26  }
0x5a7: {  	s25 =	sadd.s32 $0x1A0, s25;
	[tilespmem:s28+$0xDD00] =	vst v1  }
0x5a8: {  	s26 =	sadd.s32 $0x40, s26;
	v1 =	vld [tilespmem:s25+$0xFFFFFF30]  }
0x5a9: {  	v2 =	vld [tilespmem:s25+$0xFFFFFF40];
	_ =	sdelay $0x1  }
0x5aa: {  	v3 =	vld [tilespmem:s25+$0xFFFFFF50];
	_ =	sdelay $0x1  }
0x5ab: {  	v5 =	vld [tilespmem:s25+$0xFFFFFF60];
	v4 =	vadd.f32 $0.0e+00, v1  }
0x5ac: {  	v1 =	vmul.f32 v1, v1;
	v6 =	vmul.f32 v2, v2  }
0x5ad: {  	v2 =	vadd.f32 v2, v4;
	v4 =	vld [tilespmem:s25+$0xFFFFFF70]  }
0x5ae: {  	v1 =	vadd.f32 v6, v1;
	v6 =	vmul.f32 v3, v3  }
0x5af: {  	v2 =	vadd.f32 v3, v2;
	v3 =	vld [tilespmem:s25+$0xFFFFFF80]  }
0x5b0: {  	v1 =	vadd.f32 v6, v1;
	v6 =	vmul.f32 v5, v5  }
0x5b1: {  	v2 =	vadd.f32 v5, v2;
	v5 =	vld [tilespmem:s25+$0xFFFFFF90]  }
0x5b2: {  	v1 =	vadd.f32 v6, v1;
	v6 =	vmul.f32 v4, v4  }
0x5b3: {  	v2 =	vadd.f32 v4, v2;
	v4 =	vld [tilespmem:s25+$0xFFFFFFA0]  }
0x5b4: {  	v1 =	vadd.f32 v6, v1;
	v6 =	vmul.f32 v3, v3  }
0x5b5: {  	v2 =	vadd.f32 v3, v2;
	v3 =	vld [tilespmem:s25+$0xFFFFFFB0]  }
0x5b6: {  	v1 =	vadd.f32 v6, v1;
	v6 =	vmul.f32 v5, v5  }
0x5b7: {  	v2 =	vadd.f32 v5, v2;
	v5 =	vld [tilespmem:s25+$0xFFFFFFC0]  }
0x5b8: {  	v1 =	vadd.f32 v6, v1;
	v6 =	vmul.f32 v4, v4  }
0x5b9: {  	v2 =	vadd.f32 v4, v2;
	v4 =	vld [tilespmem:s25+$0xFFFFFFD0]  }
0x5ba: {  	v1 =	vadd.f32 v6, v1;
	v6 =	vmul.f32 v3, v3  }
0x5bb: {  	v2 =	vadd.f32 v3, v2;
	v3 =	vld [tilespmem:s25+$0xFFFFFFE0]  }
0x5bc: {  	v1 =	vadd.f32 v6, v1;
	v6 =	vmul.f32 v5, v5  }
0x5bd: {  	v2 =	vadd.f32 v5, v2;
	v5 =	vld [tilespmem:s25+$0xFFFFFFF0]  }
0x5be: {  	v1 =	vadd.f32 v6, v1;
	v6 =	vmul.f32 v4, v4  }
0x5bf: {  	v2 =	vadd.f32 v4, v2;
	v4 =	vld [tilespmem:s25+$0x0]  }
0x5c0: {  	v1 =	vadd.f32 v6, v1;
	v6 =	vmul.f32 v3, v3  }
0x5c1: {  	v2 =	vadd.f32 v3, v2;
	v3 =	vld [tilespmem:s25+$0x10]  }
0x5c2: {  	v1 =	vadd.f32 v6, v1;
	v6 =	vmul.f32 v5, v5  }
0x5c3: {  	v2 =	vadd.f32 v5, v2;
	v5 =	vld [tilespmem:s25+$0x20]  }
0x5c4: {  	v1 =	vadd.f32 v6, v1;
	v6 =	vmul.f32 v4, v4  }
0x5c5: {  	v2 =	vadd.f32 v4, v2;
	v4 =	vld [tilespmem:s25+$0x30]  }
0x5c6: {  	v1 =	vadd.f32 v6, v1;
	v6 =	vmul.f32 v3, v3  }
0x5c7: {  	v2 =	vadd.f32 v3, v2;
	v3 =	vld [tilespmem:s25+$0x40]  }
0x5c8: {  	v1 =	vadd.f32 v6, v1;
	v6 =	vmul.f32 v5, v5  }
0x5c9: {  	v2 =	vadd.f32 v5, v2;
	v5 =	vld [tilespmem:s25+$0x50]  }
0x5ca: {  	v1 =	vadd.f32 v6, v1;
	v6 =	vmul.f32 v4, v4  }
0x5cb: {  	v2 =	vadd.f32 v4, v2;
	v4 =	vld [tilespmem:s25+$0x60]  }
0x5cc: {  	v1 =	vadd.f32 v6, v1;
	v6 =	vmul.f32 v3, v3  }
0x5cd: {  	v2 =	vadd.f32 v3, v2;
	v3 =	vld [tilespmem:s25+$0x70]  }
0x5ce: {  	v1 =	vadd.f32 v6, v1;
	v6 =	vmul.f32 v5, v5  }
0x5cf: {  	v2 =	vadd.f32 v5, v2;
	v5 =	vld [tilespmem:s25+$0x80]  }
0x5d0: {  	v1 =	vadd.f32 v6, v1;
	v6 =	vmul.f32 v4, v4  }
0x5d1: {  	v2 =	vadd.f32 v4, v2;
	v4 =	vld [tilespmem:s25+$0x90]  }
0x5d2: {  	v1 =	vadd.f32 v6, v1;
	v6 =	vmul.f32 v3, v3  }
0x5d3: {  	v2 =	vadd.f32 v3, v2;
	v3 =	vld [tilespmem:s25+$0xA0]  }
0x5d4: {  	v1 =	vadd.f32 v6, v1;
	v6 =	vmul.f32 v5, v5  }
0x5d5: {  	v2 =	vadd.f32 v5, v2;
	v5 =	vld [tilespmem:s25+$0xB0]  }
0x5d6: {  	v1 =	vadd.f32 v6, v1;
	v6 =	vmul.f32 v4, v4  }
0x5d7: {  	v2 =	vadd.f32 v4, v2  }
0x5d8: {  	v4 =	vld [tilespmem:s25+$0xC0];
	v1 =	vadd.f32 v6, v1;
	v6 =	vmul.f32 v3, v3  }
0x5d9: {  	v2 =	vadd.f32 v3, v2  }
0x5da: {  	v1 =	vadd.f32 v6, v1;
	v3 =	vmul.f32 v5, v5  }
0x5db: {  	v2 =	vadd.f32 v5, v2  }
0x5dc: {  	v1 =	vadd.f32 v3, v1  }
0x5dd: {  	v3 =	vmul.f32 v4, v4;
	v2 =	vadd.f32 v4, v2;
	v4 =	vmov s23  }
0x5de: {  	v4 =	vshll.u32 v4, $0x4  }
0x5df: {  	v1 =	vadd.f32 v3, v1;
	v2 =	vmul.f32 v2, v2;
	v3 =	vor.u32 v0, v4;
	_ =	sdelay $0x1  }
0x5e0: {  	v1 =	vsub.f32 v2, v1;
	v2 =	vor.u32 $0x1, v3  }
0x5e1: {  	s30 =	sshra.s32 s24, $0x2  }
0x5e2: {  	[tilespmem:s30+$0xDD00] =	vst v1;
	v1 =	vor.u32 $0x2, v3  }
0x5e3: {  	v4 =	vld.idx.msk [tilespmem:v3+s19+$0x0], $0xffff  }
0x5e4: {  	v5 =	vor.u32 $0x3, v3  }
0x5e5: {  	v2 =	vld.idx.msk [tilespmem:v2+s19+$0x0], $0xffff  }
0x5e6: {  	v6 =	vor.u32 $0x4, v3  }
0x5e7: {  	v1 =	vld.idx.msk [tilespmem:v1+s19+$0x0], $0xffff  }
0x5e8: {  	v7 =	vor.u32 $0x5, v3;
	v4 =	vadd.f32 $0.0e+00, v4  }
0x5e9: {  	v5 =	vld.idx.msk [tilespmem:v5+s19+$0x0], $0xffff  }
0x5ea: {  	v8 =	vor.u32 $0x6, v3;
	v2 =	vadd.f32 v2, v4  }
0x5eb: {  	v4 =	vld.idx.msk [tilespmem:v6+s19+$0x0], $0xffff  }
0x5ec: {  	v6 =	vor.u32 $0x7, v3;
	v1 =	vadd.f32 v1, v2  }
0x5ed: {  	v2 =	vld.idx.msk [tilespmem:v7+s19+$0x0], $0xffff  }
0x5ee: {  	v7 =	vor.u32 $0x8, v3;
	v1 =	vadd.f32 v5, v1  }
0x5ef: {  	v5 =	vld.idx.msk [tilespmem:v8+s19+$0x0], $0xffff  }
0x5f0: {  	v8 =	vor.u32 $0x9, v3;
	v1 =	vadd.f32 v4, v1  }
0x5f1: {  	v4 =	vld.idx.msk [tilespmem:v6+s19+$0x0], $0xffff  }
0x5f2: {  	v6 =	vor.u32 $0xA, v3;
	v1 =	vadd.f32 v2, v1  }
0x5f3: {  	v2 =	vld.idx.msk [tilespmem:v7+s19+$0x0], $0xffff  }
0x5f4: {  	v7 =	vor.u32 $0xB, v3;
	v1 =	vadd.f32 v5, v1  }
0x5f5: {  	v5 =	vld.idx.msk [tilespmem:v8+s19+$0x0], $0xffff  }
0x5f6: {  	v8 =	vor.u32 $0xC, v3;
	v1 =	vadd.f32 v4, v1  }
0x5f7: {  	v4 =	vld.idx.msk [tilespmem:v6+s19+$0x0], $0xffff  }
0x5f8: {  	v6 =	vor.u32 $0xD, v3;
	v1 =	vadd.f32 v2, v1  }
0x5f9: {  	v2 =	vld.idx.msk [tilespmem:v7+s19+$0x0], $0xffff  }
0x5fa: {  	v7 =	vor.u32 $0xE, v3;
	v1 =	vadd.f32 v5, v1  }
0x5fb: {  	v5 =	vld.idx.msk [tilespmem:v8+s19+$0x0], $0xffff  }
0x5fc: {  	v3 =	vor.u32 $0xF, v3;
	v1 =	vadd.f32 v4, v1  }
0x5fd: {  	v4 =	vld.idx.msk [tilespmem:v6+s19+$0x0], $0xffff  }
0x5fe: {  	v1 =	vadd.f32 v2, v1  }
0x5ff: {  	v2 =	vld.idx.msk [tilespmem:v7+s19+$0x0], $0xffff  }
0x600: {  	v1 =	vadd.f32 v5, v1  }
0x601: {  	v3 =	vld.idx.msk [tilespmem:v3+s19+$0x0], $0xffff  }
0x602: {  	v1 =	vadd.f32 v4, v1  }
0x603: {  	s31 =	simm.s32 $0x10  }
0x604: {  	v4 =	vmov s31;
	v2 =	vadd.f32 v2, v1  }
0x605: {  	v1 =	vshll.u32 v4, $0x4  }
0x606: {  	v1 =	vor.u32 v0, v1;
	v2 =	vadd.f32 v3, v2  }
0x607: {  	v9 =	vor.u32 $0x1, v1;
	v8 =	vor.u32 $0x2, v1;
	v7 =	vor.u32 $0x3, v1  }
0x608: {  	v6 =	vor.u32 $0x4, v1;
	v4 =	vor.u32 $0x5, v1;
	v5 =	vor.u32 $0x6, v1  }
0x609: {  	s24 =	simm.s32 $0x20;
	s23 =	simm.s32 $0xE280;
	v3 =	vor.u32 $0x7, v1;
	v10 =	vmul.f32 $5.000000000e-01, v2;
	v2 =	vor.u32 $0x8, v1  }
.LBB2_28:
0x60a: {  	p0 =	sne.s32 s24, $0x30  }
0x60b: {  	v11 =	vor.u32 $0x9, v1;
	v12 =	vor.u32 $0xA, v1;
	v13 =	vor.u32 $0xB, v1;
	[tilespmem:s23+$0x0] =	vst v10;
	s23 =	sadd.s32 $0x10, s23;
	s25 =	smov.u32 s24;
	s24 =	sadd.s32 $0x10, s24  }
0x60c: {  	v14 =	vor.u32 $0xC, v1;
	v15 =	vor.u32 $0xD, v1;
	v16 =	vor.u32 $0xE, v1;
	v10 =	vld.idx.msk [tilespmem:v1+s19+$0x0], $0xffff  }
0x60d: {  	v1 =	vor.u32 $0xF, v1  }
0x60e: {  	v9 =	vld.idx.msk [tilespmem:v9+s19+$0x0], $0xffff;
	_ =	sdelay $0x1  }
0x60f: {  	v8 =	vld.idx.msk [tilespmem:v8+s19+$0x0], $0xffff;
	_ =	sdelay $0x1  }
0x610: {  	v10 =	vadd.f32 $0.0e+00, v10;
	v7 =	vld.idx.msk [tilespmem:v7+s19+$0x0], $0xffff;
	_ =	sdelay $0x1  }
0x611: {  	v9 =	vadd.f32 v9, v10;
	v6 =	vld.idx.msk [tilespmem:v6+s19+$0x0], $0xffff;
	_ =	sdelay $0x1  }
0x612: {  	v8 =	vadd.f32 v8, v9;
	v4 =	vld.idx.msk [tilespmem:v4+s19+$0x0], $0xffff;
	_ =	sdelay $0x1  }
0x613: {  	v7 =	vadd.f32 v7, v8;
	v5 =	vld.idx.msk [tilespmem:v5+s19+$0x0], $0xffff;
	_ =	sdelay $0x1  }
0x614: {  	v6 =	vadd.f32 v6, v7;
	v3 =	vld.idx.msk [tilespmem:v3+s19+$0x0], $0xffff;
	_ =	sdelay $0x1  }
0x615: {  	v4 =	vadd.f32 v4, v6;
	v2 =	vld.idx.msk [tilespmem:v2+s19+$0x0], $0xffff;
	_ =	sdelay $0x1  }
0x616: {  	v4 =	vadd.f32 v5, v4;
	v5 =	vld.idx.msk [tilespmem:v11+s19+$0x0], $0xffff;
	_ =	sdelay $0x1  }
0x617: {  	v3 =	vadd.f32 v3, v4;
	v4 =	vld.idx.msk [tilespmem:v12+s19+$0x0], $0xffff;
	_ =	sdelay $0x1  }
0x618: {  	v2 =	vadd.f32 v2, v3;
	v3 =	vld.idx.msk [tilespmem:v13+s19+$0x0], $0xffff;
	_ =	sdelay $0x1  }
0x619: {  	v2 =	vadd.f32 v5, v2;
	v5 =	vld.idx.msk [tilespmem:v14+s19+$0x0], $0xffff;
	_ =	sdelay $0x1  }
0x61a: {  	v2 =	vadd.f32 v4, v2;
	v4 =	vld.idx.msk [tilespmem:v15+s19+$0x0], $0xffff;
	_ =	sdelay $0x1  }
0x61b: {  	v2 =	vadd.f32 v3, v2;
	v3 =	vld.idx.msk [tilespmem:v16+s19+$0x0], $0xffff;
	_ =	sdelay $0x1  }
0x61c: {  	v2 =	vadd.f32 v5, v2;
	v5 =	vld.idx.msk [tilespmem:v1+s19+$0x0], $0xffff;
	_ =	sdelay $0x1  }
0x61d: {  	v1 =	vadd.f32 v4, v2;
	_ =	sdelay $0x1  }
0x61e: {  	v2 =	vmov s25;
	v3 =	vadd.f32 v3, v1  }
.Ltmp13:
0x61f: {  	v1 =	vshll.u32 v2, $0x4;
	(pc) =	sbr.rel @p0 .LBB2_28-.Ltmp13, $4  }
0x620: {  	v1 =	vor.u32 v0, v1;
	v2 =	vadd.f32 v5, v3  }
0x621: {  	v9 =	vor.u32 $0x1, v1;
	v8 =	vor.u32 $0x2, v1;
	v7 =	vor.u32 $0x3, v1  }
0x622: {  	v6 =	vor.u32 $0x4, v1;
	v4 =	vor.u32 $0x5, v1;
	v10 =	vmul.f32 $5.000000000e-01, v2  }
0x623: {  	v5 =	vor.u32 $0x6, v1;
	v3 =	vor.u32 $0x7, v1;
	v2 =	vor.u32 $0x8, v1  }
0x624: {  	_ =	sdelay $0x2  }
0x625: {  	[tilespmem:s23+$0x0] =	vst v10  }
0x626: {  	v10 =	vld.idx.msk [tilespmem:v1+s19+$0x0], $0xffff;
	_ =	sdelay $0x1  }
0x627: {  	v9 =	vld.idx.msk [tilespmem:v9+s19+$0x0], $0xffff;
	_ =	sdelay $0x1  }
0x628: {  	v8 =	vld.idx.msk [tilespmem:v8+s19+$0x0], $0xffff  }
0x629: {  	v10 =	vadd.f32 $0.0e+00, v10  }
0x62a: {  	v7 =	vld.idx.msk [tilespmem:v7+s19+$0x0], $0xffff  }
0x62b: {  	v9 =	vadd.f32 v9, v10  }
0x62c: {  	v6 =	vld.idx.msk [tilespmem:v6+s19+$0x0], $0xffff  }
0x62d: {  	v8 =	vadd.f32 v8, v9  }
0x62e: {  	v4 =	vld.idx.msk [tilespmem:v4+s19+$0x0], $0xffff  }
0x62f: {  	v7 =	vadd.f32 v7, v8  }
0x630: {  	v5 =	vld.idx.msk [tilespmem:v5+s19+$0x0], $0xffff  }
0x631: {  	v54 =	vor.u32 $0x9, v1;
	v6 =	vadd.f32 v6, v7  }
0x632: {  	v3 =	vld.idx.msk [tilespmem:v3+s19+$0x0], $0xffff  }
0x633: {  	v55 =	vor.u32 $0xA, v1;
	v4 =	vadd.f32 v4, v6  }
0x634: {  	v2 =	vld.idx.msk [tilespmem:v2+s19+$0x0], $0xffff  }
0x635: {  	v56 =	vor.u32 $0xB, v1;
	v4 =	vadd.f32 v5, v4  }
0x636: {  	v57 =	vld.idx.msk [tilespmem:v54+s19+$0x0], $0xffff  }
0x637: {  	v58 =	vor.u32 $0xC, v1;
	v3 =	vadd.f32 v3, v4  }
0x638: {  	v59 =	vld.idx.msk [tilespmem:v55+s19+$0x0], $0xffff  }
0x639: {  	v60 =	vor.u32 $0xD, v1;
	v2 =	vadd.f32 v2, v3  }
0x63a: {  	v3 =	vld.idx.msk [tilespmem:v56+s19+$0x0], $0xffff  }
0x63b: {  	v61 =	vor.u32 $0xE, v1;
	v2 =	vadd.f32 v57, v2  }
0x63c: {  	v62 =	vld.idx.msk [tilespmem:v58+s19+$0x0], $0xffff  }
0x63d: {  	v1 =	vor.u32 $0xF, v1;
	v2 =	vadd.f32 v59, v2  }
0x63e: {  	v63 =	vld.idx.msk [tilespmem:v60+s19+$0x0], $0xffff  }
0x63f: {  	v2 =	vadd.f32 v3, v2  }
0x640: {  	v3 =	vld.idx.msk [tilespmem:v61+s19+$0x0], $0xffff  }
0x641: {  	v2 =	vadd.f32 v62, v2  }
0x642: {  	v1 =	vld.idx.msk [tilespmem:v1+s19+$0x0], $0xffff  }
0x643: {  	v2 =	vadd.f32 v63, v2;
	_ =	sdelay $0x1  }
0x644: {  	v2 =	vadd.f32 v3, v2;
	_ =	sdelay $0x1  }
0x645: {  	v1 =	vadd.f32 v1, v2;
	_ =	sdelay $0x1  }
0x646: {  	v1 =	vmul.f32 $5.000000000e-01, v1  }
0x647: {  	s31 =	sadd.s32 $0x10, s23  }
0x648: {  	[tilespmem:s31+$0x0] =	vst v1  }
0x649: {  	_ =	swait.ge [sflag:s20], $0x6800  }
0x64a: {  	[sflag:s20] =	ssyncset.done $0x0  }
0x64b: {  	s25 =	simm.s32 $0x75D0;
	[sflag:s20] =	ssyncadd.s32 $0xFFFF9800  }
0x64c: {  	s24 =	simm.s32 $0x0;
	s26 =	simm.s32 $0x40;
	s23 =	simm.s32 $0x0;
	v1 =	vld [tilespmem:s25+$0xFFFFFF30]  }
.LBB2_30:
0x64d: {  	p0 =	sne.s32 s26, $0xFC0  }
0x64e: {  	v2 =	vld [tilespmem:s25+$0xFFFFFF40];
	_ =	sdelay $0x1  }
0x64f: {  	v3 =	vld [tilespmem:s25+$0xFFFFFF50]  }
0x650: {  	v4 =	vadd.f32 $0.0e+00, v1  }
0x651: {  	v5 =	vld [tilespmem:s25+$0xFFFFFF60]  }
0x652: {  	v1 =	vmul.f32 v1, v1;
	v4 =	vadd.f32 v2, v4;
	v2 =	vmul.f32 v2, v2  }
0x653: {  	v6 =	vld [tilespmem:s25+$0xFFFFFF70]  }
0x654: {  	v1 =	vadd.f32 v2, v1;
	v2 =	vadd.f32 v3, v4;
	v3 =	vmul.f32 v3, v3  }
0x655: {  	v4 =	vld [tilespmem:s25+$0xFFFFFF80]  }
0x656: {  	v1 =	vadd.f32 v3, v1;
	v2 =	vadd.f32 v5, v2;
	v3 =	vmul.f32 v5, v5  }
0x657: {  	v5 =	vld [tilespmem:s25+$0xFFFFFF90]  }
0x658: {  	v1 =	vadd.f32 v3, v1;
	v2 =	vadd.f32 v6, v2;
	v3 =	vmul.f32 v6, v6  }
0x659: {  	v6 =	vld [tilespmem:s25+$0xFFFFFFA0]  }
0x65a: {  	v1 =	vadd.f32 v3, v1;
	v2 =	vadd.f32 v4, v2;
	v3 =	vmul.f32 v4, v4  }
0x65b: {  	v4 =	vld [tilespmem:s25+$0xFFFFFFB0]  }
0x65c: {  	v1 =	vadd.f32 v3, v1;
	v2 =	vadd.f32 v5, v2;
	v3 =	vmul.f32 v5, v5  }
0x65d: {  	v5 =	vld [tilespmem:s25+$0xFFFFFFC0]  }
0x65e: {  	v1 =	vadd.f32 v3, v1;
	v2 =	vadd.f32 v6, v2;
	v3 =	vmul.f32 v6, v6  }
0x65f: {  	v6 =	vld [tilespmem:s25+$0xFFFFFFD0]  }
0x660: {  	v1 =	vadd.f32 v3, v1;
	v2 =	vadd.f32 v4, v2;
	v3 =	vmul.f32 v4, v4  }
0x661: {  	v4 =	vld [tilespmem:s25+$0xFFFFFFE0]  }
0x662: {  	v1 =	vadd.f32 v3, v1;
	v2 =	vadd.f32 v5, v2;
	v3 =	vmul.f32 v5, v5  }
0x663: {  	v5 =	vld [tilespmem:s25+$0xFFFFFFF0]  }
0x664: {  	v1 =	vadd.f32 v3, v1;
	v2 =	vadd.f32 v6, v2;
	v3 =	vmul.f32 v6, v6  }
0x665: {  	v6 =	vld [tilespmem:s25+$0x0]  }
0x666: {  	v1 =	vadd.f32 v3, v1;
	v2 =	vadd.f32 v4, v2;
	v3 =	vmul.f32 v4, v4  }
0x667: {  	v4 =	vld [tilespmem:s25+$0x10]  }
0x668: {  	v1 =	vadd.f32 v3, v1;
	v2 =	vadd.f32 v5, v2;
	v3 =	vmul.f32 v5, v5  }
0x669: {  	v5 =	vld [tilespmem:s25+$0x20]  }
0x66a: {  	v1 =	vadd.f32 v3, v1;
	v2 =	vadd.f32 v6, v2;
	v3 =	vmul.f32 v6, v6  }
0x66b: {  	v6 =	vld [tilespmem:s25+$0x30]  }
0x66c: {  	v1 =	vadd.f32 v3, v1;
	v2 =	vadd.f32 v4, v2;
	v3 =	vmul.f32 v4, v4  }
0x66d: {  	v4 =	vld [tilespmem:s25+$0x40]  }
0x66e: {  	v1 =	vadd.f32 v3, v1;
	v2 =	vadd.f32 v5, v2;
	v3 =	vmul.f32 v5, v5  }
0x66f: {  	v5 =	vld [tilespmem:s25+$0x50]  }
0x670: {  	v1 =	vadd.f32 v3, v1;
	v2 =	vadd.f32 v6, v2;
	v3 =	vmul.f32 v6, v6  }
0x671: {  	v6 =	vld [tilespmem:s25+$0x60]  }
0x672: {  	v1 =	vadd.f32 v3, v1;
	v2 =	vadd.f32 v4, v2;
	v3 =	vmul.f32 v4, v4  }
0x673: {  	v4 =	vld [tilespmem:s25+$0x70]  }
0x674: {  	v1 =	vadd.f32 v3, v1;
	v2 =	vadd.f32 v5, v2;
	v3 =	vmul.f32 v5, v5  }
0x675: {  	v5 =	vld [tilespmem:s25+$0x80]  }
0x676: {  	v1 =	vadd.f32 v3, v1;
	v2 =	vadd.f32 v6, v2;
	v3 =	vmul.f32 v6, v6  }
0x677: {  	v6 =	vld [tilespmem:s25+$0x90]  }
0x678: {  	v1 =	vadd.f32 v3, v1;
	v2 =	vadd.f32 v4, v2;
	v3 =	vmul.f32 v4, v4  }
0x679: {  	v4 =	vld [tilespmem:s25+$0xA0]  }
0x67a: {  	v1 =	vadd.f32 v3, v1;
	v2 =	vadd.f32 v5, v2;
	v3 =	vmul.f32 v5, v5  }
0x67b: {  	v5 =	vld [tilespmem:s25+$0xB0]  }
0x67c: {  	v1 =	vadd.f32 v3, v1;
	v2 =	vadd.f32 v6, v2;
	v3 =	vmul.f32 v6, v6  }
0x67d: {  	v6 =	vld [tilespmem:s25+$0xC0]  }
0x67e: {  	v1 =	vadd.f32 v3, v1;
	v2 =	vadd.f32 v4, v2;
	v3 =	vmul.f32 v4, v4;
	_ =	sdelay $0x1  }
0x67f: {  	v1 =	vadd.f32 v3, v1;
	v2 =	vadd.f32 v5, v2;
	v3 =	vmul.f32 v5, v5;
	_ =	sdelay $0x1  }
0x680: {  	v1 =	vadd.f32 v3, v1;
	v2 =	vadd.f32 v6, v2;
	v3 =	vmul.f32 v6, v6;
	_ =	sdelay $0x1  }
0x681: {  	v1 =	vadd.f32 v3, v1;
	v2 =	vmul.f32 v2, v2  }
.Ltmp14:
0x682: {  	(pc) =	sbr.rel @p0 .LBB2_30-.Ltmp14, $4  }
0x683: {  	v1 =	vsub.f32 v2, v1  }
0x684: {  	s28 =	sshra.s32 s23, $0x2;
	s23 =	smov.u32 s26  }
0x685: {  	s25 =	sadd.s32 $0x1A0, s25;
	[tilespmem:s28+$0xDD00] =	vst v1  }
0x686: {  	s26 =	sadd.s32 $0x40, s26;
	v1 =	vld [tilespmem:s25+$0xFFFFFF30]  }
0x687: {  	v2 =	vld [tilespmem:s25+$0xFFFFFF40];
	_ =	sdelay $0x1  }
0x688: {  	v3 =	vld [tilespmem:s25+$0xFFFFFF50];
	_ =	sdelay $0x1  }
0x689: {  	v5 =	vld [tilespmem:s25+$0xFFFFFF60];
	v4 =	vadd.f32 $0.0e+00, v1  }
0x68a: {  	v1 =	vmul.f32 v1, v1;
	v6 =	vmul.f32 v2, v2  }
0x68b: {  	v2 =	vadd.f32 v2, v4;
	v4 =	vld [tilespmem:s25+$0xFFFFFF70]  }
0x68c: {  	v1 =	vadd.f32 v6, v1;
	v6 =	vmul.f32 v3, v3  }
0x68d: {  	v2 =	vadd.f32 v3, v2;
	v3 =	vld [tilespmem:s25+$0xFFFFFF80]  }
0x68e: {  	v1 =	vadd.f32 v6, v1;
	v6 =	vmul.f32 v5, v5  }
0x68f: {  	v2 =	vadd.f32 v5, v2;
	v5 =	vld [tilespmem:s25+$0xFFFFFF90]  }
0x690: {  	v1 =	vadd.f32 v6, v1;
	v6 =	vmul.f32 v4, v4  }
0x691: {  	v2 =	vadd.f32 v4, v2;
	v4 =	vld [tilespmem:s25+$0xFFFFFFA0]  }
0x692: {  	v1 =	vadd.f32 v6, v1;
	v6 =	vmul.f32 v3, v3  }
0x693: {  	v2 =	vadd.f32 v3, v2;
	v3 =	vld [tilespmem:s25+$0xFFFFFFB0]  }
0x694: {  	v1 =	vadd.f32 v6, v1;
	v6 =	vmul.f32 v5, v5  }
0x695: {  	v2 =	vadd.f32 v5, v2;
	v5 =	vld [tilespmem:s25+$0xFFFFFFC0]  }
0x696: {  	v1 =	vadd.f32 v6, v1;
	v6 =	vmul.f32 v4, v4  }
0x697: {  	v2 =	vadd.f32 v4, v2;
	v4 =	vld [tilespmem:s25+$0xFFFFFFD0]  }
0x698: {  	v1 =	vadd.f32 v6, v1;
	v6 =	vmul.f32 v3, v3  }
0x699: {  	v2 =	vadd.f32 v3, v2;
	v3 =	vld [tilespmem:s25+$0xFFFFFFE0]  }
0x69a: {  	v1 =	vadd.f32 v6, v1;
	v6 =	vmul.f32 v5, v5  }
0x69b: {  	v2 =	vadd.f32 v5, v2;
	v5 =	vld [tilespmem:s25+$0xFFFFFFF0]  }
0x69c: {  	v1 =	vadd.f32 v6, v1;
	v6 =	vmul.f32 v4, v4  }
0x69d: {  	v2 =	vadd.f32 v4, v2;
	v4 =	vld [tilespmem:s25+$0x0]  }
0x69e: {  	v1 =	vadd.f32 v6, v1;
	v6 =	vmul.f32 v3, v3  }
0x69f: {  	v2 =	vadd.f32 v3, v2;
	v3 =	vld [tilespmem:s25+$0x10]  }
0x6a0: {  	v1 =	vadd.f32 v6, v1;
	v6 =	vmul.f32 v5, v5  }
0x6a1: {  	v2 =	vadd.f32 v5, v2;
	v5 =	vld [tilespmem:s25+$0x20]  }
0x6a2: {  	v1 =	vadd.f32 v6, v1;
	v6 =	vmul.f32 v4, v4  }
0x6a3: {  	v2 =	vadd.f32 v4, v2;
	v4 =	vld [tilespmem:s25+$0x30]  }
0x6a4: {  	v1 =	vadd.f32 v6, v1;
	v6 =	vmul.f32 v3, v3  }
0x6a5: {  	v2 =	vadd.f32 v3, v2;
	v3 =	vld [tilespmem:s25+$0x40]  }
0x6a6: {  	v1 =	vadd.f32 v6, v1;
	v6 =	vmul.f32 v5, v5  }
0x6a7: {  	v2 =	vadd.f32 v5, v2;
	v5 =	vld [tilespmem:s25+$0x50]  }
0x6a8: {  	v1 =	vadd.f32 v6, v1;
	v6 =	vmul.f32 v4, v4  }
0x6a9: {  	v2 =	vadd.f32 v4, v2;
	v4 =	vld [tilespmem:s25+$0x60]  }
0x6aa: {  	v1 =	vadd.f32 v6, v1;
	v6 =	vmul.f32 v3, v3  }
0x6ab: {  	v2 =	vadd.f32 v3, v2;
	v3 =	vld [tilespmem:s25+$0x70]  }
0x6ac: {  	v1 =	vadd.f32 v6, v1;
	v6 =	vmul.f32 v5, v5  }
0x6ad: {  	v2 =	vadd.f32 v5, v2;
	v5 =	vld [tilespmem:s25+$0x80]  }
0x6ae: {  	v1 =	vadd.f32 v6, v1;
	v6 =	vmul.f32 v4, v4  }
0x6af: {  	v2 =	vadd.f32 v4, v2;
	v4 =	vld [tilespmem:s25+$0x90]  }
0x6b0: {  	v1 =	vadd.f32 v6, v1;
	v6 =	vmul.f32 v3, v3  }
0x6b1: {  	v2 =	vadd.f32 v3, v2;
	v3 =	vld [tilespmem:s25+$0xA0]  }
0x6b2: {  	v1 =	vadd.f32 v6, v1;
	v6 =	vmul.f32 v5, v5  }
0x6b3: {  	v2 =	vadd.f32 v5, v2;
	v5 =	vld [tilespmem:s25+$0xB0]  }
0x6b4: {  	v1 =	vadd.f32 v6, v1;
	v6 =	vmul.f32 v4, v4  }
0x6b5: {  	v2 =	vadd.f32 v4, v2  }
0x6b6: {  	v4 =	vld [tilespmem:s25+$0xC0];
	v1 =	vadd.f32 v6, v1;
	v6 =	vmul.f32 v3, v3  }
0x6b7: {  	v2 =	vadd.f32 v3, v2  }
0x6b8: {  	v1 =	vadd.f32 v6, v1;
	v3 =	vmul.f32 v5, v5  }
0x6b9: {  	v2 =	vadd.f32 v5, v2  }
0x6ba: {  	v1 =	vadd.f32 v3, v1  }
0x6bb: {  	v3 =	vmul.f32 v4, v4;
	v2 =	vadd.f32 v4, v2;
	v4 =	vmov s24  }
0x6bc: {  	v4 =	vshll.u32 v4, $0x4  }
0x6bd: {  	v1 =	vadd.f32 v3, v1;
	v2 =	vmul.f32 v2, v2;
	v3 =	vor.u32 v0, v4;
	_ =	sdelay $0x1  }
0x6be: {  	v1 =	vsub.f32 v2, v1;
	v2 =	vor.u32 $0x1, v3  }
0x6bf: {  	s23 =	sshra.s32 s23, $0x2  }
0x6c0: {  	[tilespmem:s23+$0xDD00] =	vst v1;
	v1 =	vor.u32 $0x2, v3  }
0x6c1: {  	v4 =	vld.idx.msk [tilespmem:v3+s19+$0x0], $0xffff  }
0x6c2: {  	v5 =	vor.u32 $0x3, v3  }
0x6c3: {  	v2 =	vld.idx.msk [tilespmem:v2+s19+$0x0], $0xffff  }
0x6c4: {  	v6 =	vor.u32 $0x4, v3  }
0x6c5: {  	v1 =	vld.idx.msk [tilespmem:v1+s19+$0x0], $0xffff  }
0x6c6: {  	v7 =	vor.u32 $0x5, v3;
	v4 =	vadd.f32 $0.0e+00, v4  }
0x6c7: {  	v5 =	vld.idx.msk [tilespmem:v5+s19+$0x0], $0xffff  }
0x6c8: {  	v8 =	vor.u32 $0x6, v3;
	v2 =	vadd.f32 v2, v4  }
0x6c9: {  	v4 =	vld.idx.msk [tilespmem:v6+s19+$0x0], $0xffff  }
0x6ca: {  	v6 =	vor.u32 $0x7, v3;
	v1 =	vadd.f32 v1, v2  }
0x6cb: {  	v2 =	vld.idx.msk [tilespmem:v7+s19+$0x0], $0xffff  }
0x6cc: {  	v7 =	vor.u32 $0x8, v3;
	v1 =	vadd.f32 v5, v1  }
0x6cd: {  	v5 =	vld.idx.msk [tilespmem:v8+s19+$0x0], $0xffff  }
0x6ce: {  	v8 =	vor.u32 $0x9, v3;
	v1 =	vadd.f32 v4, v1  }
0x6cf: {  	v4 =	vld.idx.msk [tilespmem:v6+s19+$0x0], $0xffff  }
0x6d0: {  	v6 =	vor.u32 $0xA, v3;
	v1 =	vadd.f32 v2, v1  }
0x6d1: {  	v2 =	vld.idx.msk [tilespmem:v7+s19+$0x0], $0xffff  }
0x6d2: {  	v7 =	vor.u32 $0xB, v3;
	v1 =	vadd.f32 v5, v1  }
0x6d3: {  	v5 =	vld.idx.msk [tilespmem:v8+s19+$0x0], $0xffff  }
0x6d4: {  	v8 =	vor.u32 $0xC, v3;
	v1 =	vadd.f32 v4, v1  }
0x6d5: {  	v4 =	vld.idx.msk [tilespmem:v6+s19+$0x0], $0xffff  }
0x6d6: {  	v6 =	vor.u32 $0xD, v3;
	v1 =	vadd.f32 v2, v1  }
0x6d7: {  	v2 =	vld.idx.msk [tilespmem:v7+s19+$0x0], $0xffff  }
0x6d8: {  	v7 =	vor.u32 $0xE, v3;
	v1 =	vadd.f32 v5, v1  }
0x6d9: {  	v5 =	vld.idx.msk [tilespmem:v8+s19+$0x0], $0xffff  }
0x6da: {  	v3 =	vor.u32 $0xF, v3;
	v1 =	vadd.f32 v4, v1  }
0x6db: {  	v4 =	vld.idx.msk [tilespmem:v6+s19+$0x0], $0xffff  }
0x6dc: {  	v1 =	vadd.f32 v2, v1  }
0x6dd: {  	v2 =	vld.idx.msk [tilespmem:v7+s19+$0x0], $0xffff  }
0x6de: {  	v1 =	vadd.f32 v5, v1  }
0x6df: {  	v3 =	vld.idx.msk [tilespmem:v3+s19+$0x0], $0xffff  }
0x6e0: {  	v1 =	vadd.f32 v4, v1  }
0x6e1: {  	s31 =	simm.s32 $0x10  }
0x6e2: {  	v4 =	vmov s31;
	v2 =	vadd.f32 v2, v1  }
0x6e3: {  	v1 =	vshll.u32 v4, $0x4  }
0x6e4: {  	v1 =	vor.u32 v0, v1;
	v2 =	vadd.f32 v3, v2  }
0x6e5: {  	v9 =	vor.u32 $0x1, v1;
	v8 =	vor.u32 $0x2, v1;
	v7 =	vor.u32 $0x3, v1  }
0x6e6: {  	v6 =	vor.u32 $0x4, v1;
	v4 =	vor.u32 $0x5, v1;
	v5 =	vor.u32 $0x6, v1  }
0x6e7: {  	s24 =	simm.s32 $0x20;
	s23 =	simm.s32 $0xE2C0;
	v3 =	vor.u32 $0x7, v1;
	v10 =	vmul.f32 $5.000000000e-01, v2;
	v2 =	vor.u32 $0x8, v1  }
.LBB2_32:
0x6e8: {  	p0 =	sne.s32 s24, $0x30  }
0x6e9: {  	v11 =	vor.u32 $0x9, v1;
	v12 =	vor.u32 $0xA, v1;
	v13 =	vor.u32 $0xB, v1;
	[tilespmem:s23+$0x0] =	vst v10;
	s23 =	sadd.s32 $0x10, s23;
	s25 =	smov.u32 s24;
	s24 =	sadd.s32 $0x10, s24  }
0x6ea: {  	v14 =	vor.u32 $0xC, v1;
	v15 =	vor.u32 $0xD, v1;
	v16 =	vor.u32 $0xE, v1;
	v10 =	vld.idx.msk [tilespmem:v1+s19+$0x0], $0xffff  }
0x6eb: {  	v1 =	vor.u32 $0xF, v1  }
0x6ec: {  	v9 =	vld.idx.msk [tilespmem:v9+s19+$0x0], $0xffff;
	_ =	sdelay $0x1  }
0x6ed: {  	v8 =	vld.idx.msk [tilespmem:v8+s19+$0x0], $0xffff;
	_ =	sdelay $0x1  }
0x6ee: {  	v10 =	vadd.f32 $0.0e+00, v10;
	v7 =	vld.idx.msk [tilespmem:v7+s19+$0x0], $0xffff;
	_ =	sdelay $0x1  }
0x6ef: {  	v9 =	vadd.f32 v9, v10;
	v6 =	vld.idx.msk [tilespmem:v6+s19+$0x0], $0xffff;
	_ =	sdelay $0x1  }
0x6f0: {  	v8 =	vadd.f32 v8, v9;
	v4 =	vld.idx.msk [tilespmem:v4+s19+$0x0], $0xffff;
	_ =	sdelay $0x1  }
0x6f1: {  	v7 =	vadd.f32 v7, v8;
	v5 =	vld.idx.msk [tilespmem:v5+s19+$0x0], $0xffff;
	_ =	sdelay $0x1  }
0x6f2: {  	v6 =	vadd.f32 v6, v7;
	v3 =	vld.idx.msk [tilespmem:v3+s19+$0x0], $0xffff;
	_ =	sdelay $0x1  }
0x6f3: {  	v4 =	vadd.f32 v4, v6;
	v2 =	vld.idx.msk [tilespmem:v2+s19+$0x0], $0xffff;
	_ =	sdelay $0x1  }
0x6f4: {  	v4 =	vadd.f32 v5, v4;
	v5 =	vld.idx.msk [tilespmem:v11+s19+$0x0], $0xffff;
	_ =	sdelay $0x1  }
0x6f5: {  	v3 =	vadd.f32 v3, v4;
	v4 =	vld.idx.msk [tilespmem:v12+s19+$0x0], $0xffff;
	_ =	sdelay $0x1  }
0x6f6: {  	v2 =	vadd.f32 v2, v3;
	v3 =	vld.idx.msk [tilespmem:v13+s19+$0x0], $0xffff;
	_ =	sdelay $0x1  }
0x6f7: {  	v2 =	vadd.f32 v5, v2;
	v5 =	vld.idx.msk [tilespmem:v14+s19+$0x0], $0xffff;
	_ =	sdelay $0x1  }
0x6f8: {  	v2 =	vadd.f32 v4, v2;
	v4 =	vld.idx.msk [tilespmem:v15+s19+$0x0], $0xffff;
	_ =	sdelay $0x1  }
0x6f9: {  	v2 =	vadd.f32 v3, v2;
	v3 =	vld.idx.msk [tilespmem:v16+s19+$0x0], $0xffff;
	_ =	sdelay $0x1  }
0x6fa: {  	v2 =	vadd.f32 v5, v2;
	v5 =	vld.idx.msk [tilespmem:v1+s19+$0x0], $0xffff;
	_ =	sdelay $0x1  }
0x6fb: {  	v1 =	vadd.f32 v4, v2;
	_ =	sdelay $0x1  }
0x6fc: {  	v2 =	vmov s25;
	v3 =	vadd.f32 v3, v1  }
.Ltmp15:
0x6fd: {  	v1 =	vshll.u32 v2, $0x4;
	(pc) =	sbr.rel @p0 .LBB2_32-.Ltmp15, $4  }
0x6fe: {  	v1 =	vor.u32 v0, v1;
	v2 =	vadd.f32 v5, v3  }
0x6ff: {  	v9 =	vor.u32 $0x1, v1;
	v8 =	vor.u32 $0x2, v1;
	v7 =	vor.u32 $0x3, v1  }
0x700: {  	v6 =	vor.u32 $0x4, v1;
	v4 =	vor.u32 $0x5, v1;
	v10 =	vmul.f32 $5.000000000e-01, v2  }
0x701: {  	v5 =	vor.u32 $0x6, v1;
	v3 =	vor.u32 $0x7, v1;
	v2 =	vor.u32 $0x8, v1  }
0x702: {  	_ =	sdelay $0x2  }
0x703: {  	[tilespmem:s23+$0x0] =	vst v10  }
0x704: {  	v10 =	vld.idx.msk [tilespmem:v1+s19+$0x0], $0xffff;
	_ =	sdelay $0x1  }
0x705: {  	v9 =	vld.idx.msk [tilespmem:v9+s19+$0x0], $0xffff;
	_ =	sdelay $0x1  }
0x706: {  	v8 =	vld.idx.msk [tilespmem:v8+s19+$0x0], $0xffff  }
0x707: {  	v10 =	vadd.f32 $0.0e+00, v10  }
0x708: {  	v7 =	vld.idx.msk [tilespmem:v7+s19+$0x0], $0xffff  }
0x709: {  	v9 =	vadd.f32 v9, v10  }
0x70a: {  	v6 =	vld.idx.msk [tilespmem:v6+s19+$0x0], $0xffff  }
0x70b: {  	v8 =	vadd.f32 v8, v9  }
0x70c: {  	v4 =	vld.idx.msk [tilespmem:v4+s19+$0x0], $0xffff  }
0x70d: {  	v7 =	vadd.f32 v7, v8  }
0x70e: {  	v5 =	vld.idx.msk [tilespmem:v5+s19+$0x0], $0xffff  }
0x70f: {  	v54 =	vor.u32 $0x9, v1;
	v6 =	vadd.f32 v6, v7  }
0x710: {  	v3 =	vld.idx.msk [tilespmem:v3+s19+$0x0], $0xffff  }
0x711: {  	v55 =	vor.u32 $0xA, v1;
	v4 =	vadd.f32 v4, v6  }
0x712: {  	v2 =	vld.idx.msk [tilespmem:v2+s19+$0x0], $0xffff  }
0x713: {  	v56 =	vor.u32 $0xB, v1;
	v4 =	vadd.f32 v5, v4  }
0x714: {  	v57 =	vld.idx.msk [tilespmem:v54+s19+$0x0], $0xffff  }
0x715: {  	v58 =	vor.u32 $0xC, v1;
	v3 =	vadd.f32 v3, v4  }
0x716: {  	v59 =	vld.idx.msk [tilespmem:v55+s19+$0x0], $0xffff  }
0x717: {  	v60 =	vor.u32 $0xD, v1;
	v2 =	vadd.f32 v2, v3  }
0x718: {  	v3 =	vld.idx.msk [tilespmem:v56+s19+$0x0], $0xffff  }
0x719: {  	v61 =	vor.u32 $0xE, v1;
	v2 =	vadd.f32 v57, v2  }
0x71a: {  	v62 =	vld.idx.msk [tilespmem:v58+s19+$0x0], $0xffff  }
0x71b: {  	v1 =	vor.u32 $0xF, v1;
	v2 =	vadd.f32 v59, v2  }
0x71c: {  	v63 =	vld.idx.msk [tilespmem:v60+s19+$0x0], $0xffff  }
0x71d: {  	v2 =	vadd.f32 v3, v2  }
0x71e: {  	v3 =	vld.idx.msk [tilespmem:v61+s19+$0x0], $0xffff  }
0x71f: {  	v2 =	vadd.f32 v62, v2  }
0x720: {  	v1 =	vld.idx.msk [tilespmem:v1+s19+$0x0], $0xffff  }
0x721: {  	v2 =	vadd.f32 v63, v2;
	_ =	sdelay $0x1  }
0x722: {  	v2 =	vadd.f32 v3, v2;
	_ =	sdelay $0x1  }
0x723: {  	v1 =	vadd.f32 v1, v2;
	_ =	sdelay $0x1  }
0x724: {  	s22 =	sadd.s32 $0x1, s22;
	v1 =	vmul.f32 $5.000000000e-01, v1  }
0x725: {  	s31 =	sadd.s32 $0x10, s23;
	p0 =	sne.s32 s22, s13  }
.Ltmp16:
0x726: {  	[tilespmem:s31+$0x0] =	vst v1;
	(pc) =	sbr.rel @p0 .LBB2_1-.Ltmp16, $4  }
0x727: {  	[hbm4b:s12+s2] =	stream.linear.scatter [tilespmem:s21], [sflag:$0x3], $0x200, $0x38;
	[tilespmem:$0xE300] =	vst v63  }
0x728: {  	_ =	swait.ge [sflag:s14], $0x200  }
0x729: {  	[sflag:s14] =	ssyncset.done $0x0  }
0x72a: {  	[sflag:s14] =	ssyncadd.s32 $0xFFFFFE00  }
0x72b: {  	_ =	sfence.sel $0x180000  }
0x72c: {  	[bflag:$0x0] =	sbarrier.arrive $0xFFFF  }
0x72d: {  	p0 =	sne.s32 s0, $0x0;
	_ =	strace $0x90000047  }
0x72e: {  	s0 =	sadd.s32 @!p0 $0x100000, s1;
	[bflag:$0x2] =	sbarrier.arrive $0xFFFF  }
0x72f: {  	[sflag:s0] =	ssyncadd.tile.s32 @!p0 $0x1;
	_ =	shalt  }
.Lfunc_end2:
_tile_overlayer_lowered:
.L_overlay_start_2:
0x730: {  	(tag) =	ssettag $0x2  }
0x731: {  	s0 =	rddreg [dreg:$0x0];
	s2 =	stileid.u32  }
0x732: {  	s1 =	rddreg [dreg:$0x1];
	p0 =	sne.s32 s2, $0x0  }
0x733: {  	s3 =	rddreg [dreg:$0x2];
	[bflag:$0x3] =	sbarrier.arrive $0xFFFF;
	s2 =	simm.s32 @!p0 $0x1C03  }
0x734: {  	[timem:s3], [sflag:s2] =	dma.local @!p0 [hbm:s0], s1  }
0x735: {  	s0 =	simm.s32 @!p0 $0x3  }
0x736: {  	_ =	swait.ge @!p0 [sflag:s0], s1  }
0x737: {  	s1 =	ssub.s32 @!p0 $0x0, s1;
	[sflag:s0] =	ssyncset.done @!p0 $0x0  }
0x738: {  	[sflag:s0] =	ssyncadd.s32 @!p0 s1  }
0x739: {  	[bflag:$0x3] =	sbarrier.arrive $0xFFFF  }
0x73a: {  	_ =	shalt  }

// kernel: kernel.7.cloned.1.call-start
scs
__scs_entry_jumppad:
0x0: {  	(pc) =	sbr.rel $0x88, $3  }
0x1: {  	(tag) =	ssettag $0x0;
	lr =	simm.s32 $0x1  }
0x2: {  	[smem:$0x3F9D] =	sst lr;
	_ =	strace $0xD0000000  }
0x3: {  	_ = 	snop  }
0x4: {  	_ = 	snop  }
0x5: {  	_ = 	snop  }
0x6: {  	_ = 	snop  }
0x7: {  	_ = 	snop  }
__scs_overlays_trampoline_lowered:
0x8: {  	[smem:$0x3FAC] =	sst s0  }
0x9: {  	[smem:$0x3FAD] =	sst s1  }
0xa: {  	[smem:$0x3FAE] =	sst s2  }
0xb: {  	[smem:$0x3FAF] =	sst s3  }
0xc: {  	[smem:$0x3FB0] =	sst s4  }
0xd: {  	[smem:$0x3FB1] =	sst s5  }
0xe: {  	[smem:$0x3FB2] =	sst s6  }
0xf: {  	[smem:$0x3FB3] =	sst s7  }
0x10: {  	[smem:$0x3FB4] =	sst s8  }
0x11: {  	[smem:$0x3FB5] =	sst s9;
	s0 =	simm.s32 @!p0 $0x0  }
0x12: {  	s1 =	sld [smem:$0x3F9B];
	s0 =	simm.s32 @p0 $0x1  }
0x13: {  	[smem:$0x3FB6] =	sst s0;
	s0 =	simm.s32 @!p1 $0x0  }
0x14: {  	s2 =	sld [smem:$0x3F9A];
	s0 =	simm.s32 @p1 $0x1  }
0x15: {  	[smem:$0x3FB7] =	sst s0;
	s0 =	simm.s32 @!p2 $0x0  }
0x16: {  	s3 =	sld [smem:$0x3FDB];
	s0 =	simm.s32 @p2 $0x1  }
0x17: {  	s4 =	simm.s32 $0x1BF5;
	[smem:$0x3FB9] =	sst s0  }
0x18: {  	s0 =	sld [smem:$0x3F9C];
	_ =	swait.ge [sflag:s4], $0x0  }
0x19: {  	s7 =	sld [smem:$0x3F9D]  }
0x1a: {  	s8 =	sadd.s32 $0xFFFFE003, lr  }
0x1b: {  	s9 =	sadd.s32 $0xFFFFFEF7, lr;
	s5 =	simm.s32 $0xFFFFFFFF;
	p2 =	slt.u32 s8, $0xFFFFF086  }
0x1c: {  	p1 =	slt.u32 s9, $0xF7A;
	s5 =	simm.s32 @!p2 $0x0  }
0x1d: {  	s5 =	simm.s32 @p1 $0x1;
	p0 =	seq.s32 s7, s2  }
0x1e: {  	s7 =	smul.u32 @!p0 $0xF7A, s2;
	p2 =	seq.s32 @!p0 s5, $0x0  }
0x1f: {  	s9 =	smul.u32 $0xF7A, s1;
	s8 =	simm.s32 @!p0 $0x1BF5;
	p2 =	por !p2, p0  }
0x20: {  	[sflag:s8] =	ssyncset.s32 @!p0 $0xFFFFF086;
	s6 =	sadd.s32 @!p0 s3, s7;
	s7 =	simm.s32 @!p0 $0x108  }
0x21: {  	s3 =	sadd.s32 s3, s9;
	s6 =	sadd.s32 @!p0 $0x88, s6;
	s7 =	simm.s32 @p2 $0x1082  }
0x22: {  	[simem:s7], [sflag:s8] =	dma.local @!p0 [hbm:s6], $0xF7A  }
0x23: {  	s9 =	sor.u32 $0xD0000000, s2;
	s6 =	simm.s32 $0x108;
	_ =	swait.ge @!p0 [sflag:s8], $0x0  }
0x24: {  	s3 =	sadd.s32 $0x88, s3;
	s6 =	simm.s32 @!p1 $0x1082;
	[sflag:s4] =	ssyncset.s32 $0xFFFFF086  }
0x25: {  	[simem:s6], [sflag:s4] =	dma.local [hbm:s3], $0xF7A  }
0x26: {  	[smem:$0x3F9D] =	sst s1;
	(tag) =	ssettag s2;
	_ =	strace s9  }
0x27: {  	s1 =	sld [smem:$0x3FAD]  }
0x28: {  	s2 =	sld [smem:$0x3FAE]  }
0x29: {  	s4 =	sld [smem:$0x3FB0]  }
0x2a: {  	p0 =	seq.s32 s5, $0x0;
	s5 =	sld [smem:$0x3FB1]  }
0x2b: {  	s6 =	sld [smem:$0x3FB2]  }
0x2c: {  	s7 =	sld [smem:$0x3FB3]  }
0x2d: {  	s3 =	simm.s32 $0x108;
	s8 =	sld [smem:$0x3FB4]  }
0x2e: {  	s3 =	simm.s32 @!p0 $0x1082;
	s9 =	sld [smem:$0x3FB5]  }
0x2f: {  	lr =	sadd.s32 s0, s3;
	s0 =	sld [smem:$0x3FAC]  }
0x30: {  	s3 =	sld [smem:$0x3FAF]  }
0x31: {  	[smem:$0x3FB8] =	sst s10  }
0x32: {  	s10 =	sld [smem:$0x3FB6];
	_ =	sdelay $0x3  }
0x33: {  	p0 =	seq.s32 s10, $0x1;
	s10 =	sld [smem:$0x3FB8];
	_ =	sdelay $0x3  }
0x34: {  	[smem:$0x3FB8] =	sst s10  }
0x35: {  	s10 =	sld [smem:$0x3FB7];
	_ =	sdelay $0x3  }
0x36: {  	p1 =	seq.s32 s10, $0x1;
	s10 =	sld [smem:$0x3FB8];
	_ =	sdelay $0x3  }
0x37: {  	[smem:$0x3FB8] =	sst s10  }
0x38: {  	s10 =	sld [smem:$0x3FB9]  }
0x39: {  	_ = 	snop;
	(pc) =	sbr.ind lr, $3  }
0x3a: {  	_ = 	snop  }
0x3b: {  	_ = 	snop  }
0x3c: {  	p2 =	seq.s32 s10, $0x1;
	s10 =	sld [smem:$0x3FB8]  }
0x3d: {  	_ =	shalt  }
0x3e: {  	_ =	shalt  }
0x3f: {  	_ =	shalt  }
0x40: {  	_ =	shalt  }
0x41: {  	_ =	shalt  }
0x42: {  	_ =	shalt  }
0x43: {  	_ =	shalt  }
0x44: {  	_ =	shalt  }
0x45: {  	_ =	shalt  }
0x46: {  	_ =	shalt  }
0x47: {  	_ =	shalt  }
0x48: {  	_ =	shalt  }
0x49: {  	_ =	shalt  }
0x4a: {  	_ =	shalt  }
0x4b: {  	_ =	shalt  }
0x4c: {  	_ =	shalt  }
0x4d: {  	_ =	shalt  }
0x4e: {  	_ =	shalt  }
0x4f: {  	_ =	shalt  }
0x50: {  	_ =	shalt  }
0x51: {  	_ =	shalt  }
0x52: {  	_ =	shalt  }
0x53: {  	_ =	shalt  }
0x54: {  	_ =	shalt  }
0x55: {  	_ =	shalt  }
0x56: {  	_ =	shalt  }
0x57: {  	_ =	shalt  }
0x58: {  	_ =	shalt  }
0x59: {  	_ =	shalt  }
0x5a: {  	_ =	shalt  }
0x5b: {  	_ =	shalt  }
0x5c: {  	_ =	shalt  }
0x5d: {  	_ =	shalt  }
0x5e: {  	_ =	shalt  }
0x5f: {  	_ =	shalt  }
0x60: {  	_ =	shalt  }
0x61: {  	_ =	shalt  }
0x62: {  	_ =	shalt  }
0x63: {  	_ =	shalt  }
0x64: {  	_ =	shalt  }
0x65: {  	_ =	shalt  }
0x66: {  	_ =	shalt  }
0x67: {  	_ =	shalt  }
0x68: {  	_ =	shalt  }
0x69: {  	_ =	shalt  }
0x6a: {  	_ =	shalt  }
0x6b: {  	_ =	shalt  }
0x6c: {  	_ =	shalt  }
0x6d: {  	_ =	shalt  }
0x6e: {  	_ =	shalt  }
0x6f: {  	_ =	shalt  }
0x70: {  	_ =	shalt  }
0x71: {  	_ =	shalt  }
0x72: {  	_ =	shalt  }
0x73: {  	_ =	shalt  }
0x74: {  	_ =	shalt  }
0x75: {  	_ =	shalt  }
0x76: {  	_ =	shalt  }
0x77: {  	_ =	shalt  }
0x78: {  	_ =	shalt  }
0x79: {  	_ =	shalt  }
0x7a: {  	_ =	shalt  }
0x7b: {  	_ =	shalt  }
0x7c: {  	_ =	shalt  }
0x7d: {  	_ =	shalt  }
0x7e: {  	_ =	shalt  }
0x7f: {  	_ =	shalt  }
0x80: {  	_ =	shalt  }
0x81: {  	_ =	shalt  }
0x82: {  	_ =	shalt  }
0x83: {  	_ =	shalt  }
0x84: {  	_ =	shalt  }
0x85: {  	_ =	shalt  }
0x86: {  	_ =	shalt  }
0x87: {  	_ =	shalt  }
.Lfunc_end0:
.L_simem_size_0:
called_computation.1_lowered:
.L_overlay_start_0:
0x88: {  	s2 =	sld [smem:$0x3FD9]  }
0x89: {  	s3 =	sld [smem:$0x3FFE];
	_ =	sdelay $0x1  }
0x8a: {  	s1 =	srdreg.scid  }
0x8b: {  	s0 =	sand.u32 $0x1, s1  }
0x8c: {  	s17 =	sshll.u32 s0, $0xA;
	s2 =	sadd.s32 s3, s2  }
0x8d: {  	s2 =	sadd.s32 s2, s17  }
0x8e: {  	[smem:$0x3FC4] =	sst s2  }
0x8f: {  	_ = 	snop  }
0x90: {  	s2 =	sld [smem:$0x3FD0];
	(tm) =	ssettm $0x1  }
0x91: {  	s18 =	sld [smem:$0x3FFB];
	_ =	sdelay $0x3  }
0x92: {  	_ =	strace s18  }
0x93: {  	s3 =	sld [smem:$0x3FFC];
	_ =	sdelay $0x3  }
0x94: {  	_ =	strace s3  }
0x95: {  	s3 =	sld [smem:$0x3FFD];
	_ =	sdelay $0x3  }
0x96: {  	_ =	strace s3  }
0x97: {  	_ =	strace $0x8FFFFFFF  }
0x98: {  	s19 =	sld [smem:$0x3FDB];
	_ =	sdelay $0x1  }
0x99: {  	s4 =	simm.s32 $_scs_section_size  }
0x9a: {  	s5 =	simm.s32 $_size__tile_overlayer_lowered;
	s6 =	simm.s32 $_tile_overlayer_lowered  }
0x9b: {  	s22 =	simm.s32 $0x1BFF;
	s21 =	sshll.u32 s6, $0x1;
	s3 =	sadd.s32 s4, s19  }
0x9c: {  	s7 =	simm.s32 $0x0;
	s20 =	sshll.u32 s5, $0x1;
	s5 =	sadd.s32 s21, s3  }
0x9d: {  	[timem:s7], [sflag:s22] =	dma.local [hbm:s5], s20  }
0x9e: {  	_ =	swait.ge [sflag:s22], s20  }
0x9f: {  	s4 =	ssub.s32 $0x0, s20;
	[sflag:s22] =	ssyncset.done $0x0  }
0xa0: {  	[sflag:s22] =	ssyncadd.s32 s4;
	_ =	sdelay $0x1  }
0xa1: {  	s23 =	simm.s32 $0x1B8B  }
0xa2: {  	_ =	swait.ge [sflag:s23], $0x1  }
0xa3: {  	[sflag:s23] =	ssyncset.done $0x0  }
0xa4: {  	s25 =	simm.s32 $0x1B8E;
	s24 =	sld [smem:$0x3FFE];
	[sflag:s23] =	ssyncadd.s32 $0xFFFFFFFF  }
0xa5: {  	s26 =	simm.s32 $execute0_lowered;
	[smem:$0x3FD2] =	sst s25  }
0xa6: {  	s5 =	sshll.u32 s26, $0x1;
	_ =	strace $0x80000049;
	[dreg:$0x1] =	wrdreg $0xFFFFFFFF  }
0xa7: {  	s28 =	simm.s32 $_size_execute0_lowered;
	s3 =	sadd.s32 s3, s5;
	[dreg:$0x0] =	wrdreg $0x0  }
0xa8: {  	s5 =	sshll.u32 s28, $0x1;
	[dreg:$0x2] =	wrdreg s3  }
0xa9: {  	[dreg:$0x3] =	wrdreg s5  }
0xaa: {  	[dreg:$0x4] =	wrdreg $0xC0  }
0xab: {  	_ =	task [dreg:s7], $0x5FFFF  }
0xac: {  	[dreg:$0x1] =	wrdreg $0xFFFFFFFF  }
0xad: {  	[dreg:$0x0] =	wrdreg $0x60  }
0xae: {  	[dreg:$0x2] =	wrdreg s24  }
0xaf: {  	[dreg:$0x3] =	wrdreg s2  }
0xb0: {  	[dreg:$0x4] =	wrdreg $0x9  }
0xb1: {  	_ =	task.clear_ibuf [dreg:s7], $0x5FFFF;
	_ =	strace $0x90000049  }
0xb2: {  	s29 =	simm.s32 $0x9;
	_ =	strace $0x8000004B  }
0xb3: {  	_ =	swait.ge [sflag:s29], $0x1  }
0xb4: {  	[sflag:s29] =	ssyncadd.s32 $0xFFFFFFFF  }
0xb5: {  	_ =	strace $0x9000004B  }
0xb6: {  	_ =	sfence  }
0xb7: {  	s30 =	sld [smem:$0x0];
	_ =	sdelay $0x2  }
0xb8: {  	s31 =	sshll.u32 s1, $0xD;
	s1 =	sshrl.u32 s1, $0x2  }
0xb9: {  	s3 =	sand.u32 $0x4000, s31;
	s1 =	sadd.s32 s1, s30  }
0xba: {  	s0 =	sor.u32 s3, s0;
	s1 =	sshll.u32 s1, $0x11  }
0xbb: {  	s0 =	sor.u32 s1, s0  }
0xbc: {  	s0 =	sadd.s32 $0x8F2B, s0  }
0xbd: {  	[sflag:s0] =	ssyncadd.remote.s32 $0x1  }
0xbe: {  	_ =	sfence.sel $0xFFFF  }
0xbf: {  	[dreg:$0x0] =	wrdreg $0xFFFFFFFF;
	(pc) =	sbr.abs _section_cstart, $3  }
0xc0: {  	[dreg:$0x1] =	wrdreg $0xFFFFFFFF  }
0xc1: {  	_ =	task.clear_ibuf [dreg:s7], $0x2FFFF;
	_ =	strace $0x9FFFFFFF  }
0xc2: {  	(tm) =	ssettm $0x7FFFFFFF  }
0xc3: {  	_ =	shalt  }
tec
execute0_lowered:
.L_overlay_start_1:
0x0: {  	(tag) =	ssettag $0x1  }
0x1: {  	v0 =	vlaneseq.u32;
	v5 =	vimm.s32 $0x60402;
	v7 =	vimm.s32 $0x1070503  }
0x2: {  	v9 =	vimm.s32 $0x2000604;
	v11 =	vimm.s32 $0x3010705;
	v13 =	vimm.s32 $0x4020006  }
0x3: {  	v15 =	vimm.s32 $0x5030107;
	v1 =	vand.u32 $0x3, v0;
	v0 =	vmul.u32 $0x1A, v0  }
0x4: {  	s4 =	rddreg [dreg:$0x0];
	v5 =	vunpack.c.0.s8.s32 v5;
	v7 =	vunpack.c.0.s8.s32 v7;
	v9 =	vunpack.c.0.s8.s32 v9  }
0x5: {  	s1 =	srdreg.scid;
	s0 =	stileid.u32;
	v11 =	vunpack.c.0.s8.s32 v11;
	v13 =	vunpack.c.0.s8.s32 v13;
	v15 =	vunpack.c.0.s8.s32 v15  }
0x6: {  	s7 =	rddreg [dreg:$0x1];
	s2 =	simm.s32 $0x0;
	s11 =	simm.s32 $0x3400;
	v1 =	vmul.u32 $0x2, v1;
	v2 =	vor.u32 $0x1, v0;
	v4 =	vadd.s32 $0x2, v0  }
0x7: {  	s12 =	simm.s32 $0x1;
	s13 =	simm.s32 $0x6A00;
	s14 =	simm.s32 $0x0;
	v6 =	vadd.s32 $0x3, v0;
	v8 =	vadd.s32 $0x4, v0;
	v10 =	vadd.s32 $0x5, v0  }
0x8: {  	s3 =	sand.u32 $0x1, s1;
	s5 =	sshll.u32 s0, $0x1;
	[smem:$0x7FF] =	sst s2;
	v12 =	vadd.s32 $0x6, v0;
	v14 =	vadd.s32 $0x7, v0;
	v16 =	vadd.s32 $0x8, v0  }
0x9: {  	s1 =	rddreg [dreg:$0x2];
	s5 =	sor.u32 s3, s5;
	_ =	strace $0x8000004A;
	v17 =	vadd.s32 $0x9, v0;
	v18 =	vadd.s32 $0xA, v0;
	v19 =	vadd.s32 $0xB, v0  }
0xa: {  	s31 =	ssub.s32 $0x2, s3;
	s6 =	smul.u32 $0x680, s5;
	s8 =	sshll.u32 s5, $0x6;
	v20 =	vadd.s32 $0xC, v0;
	v21 =	vadd.s32 $0xD, v0;
	v22 =	vadd.s32 $0xE, v0  }
0xb: {  	s3 =	sadd.s32 $0xDE00, s4;
	s10 =	sshrl.u32 s31, $0x1;
	v23 =	vadd.s32 $0xF, v0;
	v24 =	vadd.s32 $0x10, v0;
	v25 =	vadd.s32 $0x11, v0;
	s9 =	sadd.s32 s8, s4  }
0xc: {  	v26 =	vadd.s32 $0x12, v0;
	v27 =	vadd.s32 $0x13, v0;
	v28 =	vadd.s32 $0x14, v0;
	s10 =	ssub.s32 s31, s10;
	s7 =	sadd.s32 s7, s8;
	s6 =	sadd.s32 s6, s4  }
0xd: {  	v29 =	vadd.s32 $0x15, v0;
	v30 =	vadd.s32 $0x16, v0;
	v31 =	vadd.s32 $0x17, v0;
	s4 =	sadd.s32 $0x2C800, s4;
	s8 =	smax.u32 s10, $0x1;
	s10 =	simm.s32 $0x2  }
0xe: {  	v32 =	vadd.s32 $0x18, v0;
	v33 =	vadd.s32 $0x19, v0;
	v3 =	vor.u32 $0x1, v1;
	s5 =	sadd.s32 $0x600, s6;
	s6 =	sadd.s32 $0xD600, s9;
	s9 =	simm.s32 $0x6C00  }
.LBB2_1:
0xf: {  	[tilespmem:s9], [sflag:$0x2] =	stream.linear.gather [hbm4b:s4+s2], $0x10, $0x38;
	[tilespmem:$0x6C10] =	vst v63  }
0x10: {  	_ =	swait.ge [sflag:s10], $0x10  }
0x11: {  	[sflag:s10] =	ssyncset.done $0x0  }
0x12: {  	[sflag:s10] =	ssyncadd.s32 $0xFFFFFFF0  }
0x13: {  	v34 =	vld [tilespmem:$0x6C00];
	[tilespmem:s2], [sflag:$0x2] =	stream.linear.gather [hbm4b:s5+s2], $0x3400, $0x38  }
0x14: {  	v35 =	vmov s2;
	_ =	swait.ge [sflag:s10], $0x3400  }
0x15: {  	v35 =	vmul.u32 $0x1A, v35;
	[sflag:s10] =	ssyncset.done $0x0  }
0x16: {  	[sflag:s10] =	ssyncadd.s32 $0xFFFFCC00  }
0x17: {  	v35 =	vbroadcast v35, $0x0;
	[tilespmem:s11], [sflag:$0x1] =	stream.indirect.gather [hbm4b:s3+s11], $0x1, s2, s11, $0xb8;
	[tilespmem:$0x6C10] =	vst v63  }
0x18: {  	s15 =	simm.s32 $0x6800  }
0x19: {  	v36 =	vadd.s32 v0, v35;
	[tilespmem:s15], [sflag:$0x2] =	stream.linear.gather [hbm4b:s6+s2], $0x200, $0x38;
	[tilespmem:$0x6C10] =	vst v63  }
0x1a: {  	v36 =	vand.u32 $0xFFFFFFF8, v36;
	_ =	swait.ge [sflag:s10], $0x200  }
0x1b: {  	v37 =	vadd.s32 v2, v35;
	v36 =	vor.u32 v1, v36;
	[sflag:s10] =	ssyncset.done $0x0  }
0x1c: {  	v37 =	vand.u32 $0xFFFFFFF8, v37;
	[sflag:s10] =	ssyncadd.s32 $0xFFFFFE00  }
0x1d: {  	v38 =	vadd.s32 v4, v35;
	v37 =	vor.u32 v3, v37;
	_ =	swait.ge [sflag:s12], $0x3400  }
0x1e: {  	v38 =	vand.u32 $0xFFFFFFF8, v38;
	[sflag:s12] =	ssyncset.done $0x0  }
0x1f: {  	v39 =	vadd.s32 v6, v35;
	v38 =	vor.u32 v5, v38;
	[sflag:s12] =	ssyncadd.s32 $0xFFFFCC00  }
0x20: {  	v39 =	vand.u32 $0xFFFFFFF8, v39;
	v36 =	vld.idx.msk [tilespmem:v36+s11+$0x0], $0xffff  }
0x21: {  	v40 =	vadd.s32 v8, v35;
	v39 =	vor.u32 v7, v39  }
0x22: {  	v40 =	vand.u32 $0xFFFFFFF8, v40;
	v37 =	vld.idx.msk [tilespmem:v37+s11+$0x0], $0xffff  }
0x23: {  	v41 =	vadd.s32 v10, v35;
	v40 =	vor.u32 v9, v40  }
0x24: {  	v41 =	vand.u32 $0xFFFFFFF8, v41;
	v38 =	vld.idx.msk [tilespmem:v38+s11+$0x0], $0xffff  }
0x25: {  	v42 =	vadd.s32 v12, v35;
	v41 =	vor.u32 v11, v41;
	v36 =	vadd.f32 $0.0e+00, v36  }
0x26: {  	v42 =	vand.u32 $0xFFFFFFF8, v42;
	v39 =	vld.idx.msk [tilespmem:v39+s11+$0x0], $0xffff  }
0x27: {  	v43 =	vadd.s32 v14, v35;
	v42 =	vor.u32 v13, v42;
	v36 =	vadd.f32 v37, v36  }
0x28: {  	v58 =	vand.u32 $0xFFFFFFF8, v43;
	v57 =	vld.idx.msk [tilespmem:v40+s11+$0x0], $0xffff  }
0x29: {  	v59 =	vadd.s32 v16, v35;
	v40 =	vor.u32 v15, v58;
	v36 =	vadd.f32 v38, v36  }
0x2a: {  	v61 =	vand.u32 $0xFFFFFFF8, v59;
	v60 =	vld.idx.msk [tilespmem:v41+s11+$0x0], $0xffff  }
0x2b: {  	v62 =	vadd.s32 v17, v35;
	v41 =	vor.u32 v1, v61;
	v36 =	vadd.f32 v39, v36  }
0x2c: {  	v45 =	vand.u32 $0xFFFFFFF8, v62;
	v63 =	vld.idx.msk [tilespmem:v42+s11+$0x0], $0xffff  }
0x2d: {  	v46 =	vadd.s32 v18, v35;
	v42 =	vor.u32 v3, v45;
	v36 =	vadd.f32 v57, v36  }
0x2e: {  	v48 =	vand.u32 $0xFFFFFFF8, v46;
	v47 =	vld.idx.msk [tilespmem:v40+s11+$0x0], $0xffff  }
0x2f: {  	v49 =	vadd.s32 v19, v35;
	v40 =	vor.u32 v5, v48;
	v36 =	vadd.f32 v60, v36  }
0x30: {  	v51 =	vand.u32 $0xFFFFFFF8, v49;
	v50 =	vld.idx.msk [tilespmem:v41+s11+$0x0], $0xffff  }
0x31: {  	v52 =	vadd.s32 v20, v35;
	v41 =	vor.u32 v7, v51;
	v36 =	vadd.f32 v63, v36  }
0x32: {  	v54 =	vand.u32 $0xFFFFFFF8, v52;
	v53 =	vld.idx.msk [tilespmem:v42+s11+$0x0], $0xffff  }
0x33: {  	v55 =	vadd.s32 v21, v35;
	v42 =	vor.u32 v9, v54;
	v36 =	vadd.f32 v47, v36  }
0x34: {  	v56 =	vld.idx.msk [tilespmem:v40+s11+$0x0], $0xffff;
	v57 =	vand.u32 $0xFFFFFFF8, v55  }
0x35: {  	v58 =	vadd.s32 v22, v35;
	v40 =	vor.u32 v11, v57;
	v36 =	vadd.f32 v50, v36  }
0x36: {  	v59 =	vld.idx.msk [tilespmem:v41+s11+$0x0], $0xffff;
	v60 =	vand.u32 $0xFFFFFFF8, v58  }
0x37: {  	v61 =	vadd.s32 v23, v35;
	v41 =	vor.u32 v13, v60;
	v36 =	vadd.f32 v53, v36  }
0x38: {  	v62 =	vld.idx.msk [tilespmem:v42+s11+$0x0], $0xffff;
	v63 =	vand.u32 $0xFFFFFFF8, v61  }
0x39: {  	v45 =	vadd.s32 v24, v35;
	v42 =	vor.u32 v15, v63;
	v36 =	vadd.f32 v56, v36  }
0x3a: {  	v46 =	vld.idx.msk [tilespmem:v40+s11+$0x0], $0xffff;
	v47 =	vand.u32 $0xFFFFFFF8, v45  }
0x3b: {  	v48 =	vadd.s32 v25, v35;
	v40 =	vor.u32 v1, v47;
	v36 =	vadd.f32 v59, v36  }
0x3c: {  	v49 =	vld.idx.msk [tilespmem:v41+s11+$0x0], $0xffff;
	v50 =	vand.u32 $0xFFFFFFF8, v48  }
0x3d: {  	v51 =	vadd.s32 v26, v35;
	v41 =	vor.u32 v3, v50;
	v36 =	vadd.f32 v62, v36  }
0x3e: {  	v52 =	vld.idx.msk [tilespmem:v42+s11+$0x0], $0xffff;
	v53 =	vand.u32 $0xFFFFFFF8, v51  }
0x3f: {  	v54 =	vadd.s32 v27, v35;
	v42 =	vor.u32 v5, v53;
	v36 =	vadd.f32 v46, v36  }
0x40: {  	v55 =	vld.idx.msk [tilespmem:v40+s11+$0x0], $0xffff;
	v56 =	vand.u32 $0xFFFFFFF8, v54  }
0x41: {  	v57 =	vadd.s32 v28, v35;
	v40 =	vor.u32 v7, v56;
	v36 =	vadd.f32 v49, v36  }
0x42: {  	v58 =	vld.idx.msk [tilespmem:v41+s11+$0x0], $0xffff;
	v59 =	vand.u32 $0xFFFFFFF8, v57  }
0x43: {  	v60 =	vadd.s32 v29, v35;
	v41 =	vor.u32 v9, v59;
	v36 =	vadd.f32 v52, v36  }
0x44: {  	v61 =	vld.idx.msk [tilespmem:v42+s11+$0x0], $0xffff;
	v62 =	vand.u32 $0xFFFFFFF8, v60  }
0x45: {  	v63 =	vadd.s32 v30, v35;
	v42 =	vor.u32 v11, v62;
	v36 =	vadd.f32 v55, v36  }
0x46: {  	v45 =	vld.idx.msk [tilespmem:v40+s11+$0x0], $0xffff;
	v46 =	vand.u32 $0xFFFFFFF8, v63  }
0x47: {  	v47 =	vadd.s32 v31, v35;
	v40 =	vor.u32 v13, v46;
	v36 =	vadd.f32 v58, v36  }
0x48: {  	v48 =	vld.idx.msk [tilespmem:v41+s11+$0x0], $0xffff;
	v49 =	vand.u32 $0xFFFFFFF8, v47  }
0x49: {  	v50 =	vadd.s32 v32, v35;
	v41 =	vor.u32 v15, v49;
	v36 =	vadd.f32 v61, v36  }
0x4a: {  	v51 =	vld.idx.msk [tilespmem:v42+s11+$0x0], $0xffff;
	v52 =	vand.u32 $0xFFFFFFF8, v50  }
0x4b: {  	v35 =	vadd.s32 v33, v35;
	v42 =	vor.u32 v1, v52;
	v36 =	vadd.f32 v45, v36  }
0x4c: {  	v35 =	vand.u32 $0xFFFFFFF8, v35;
	v53 =	vld.idx.msk [tilespmem:v40+s11+$0x0], $0xffff  }
0x4d: {  	v35 =	vor.u32 v3, v35;
	v36 =	vadd.f32 v48, v36  }
0x4e: {  	v54 =	vld.idx.msk [tilespmem:v41+s11+$0x0], $0xffff  }
0x4f: {  	v36 =	vadd.f32 v51, v36  }
0x50: {  	v55 =	vld.idx.msk [tilespmem:v42+s11+$0x0], $0xffff  }
0x51: {  	s16 =	simm.s32 $0x10;
	v36 =	vadd.f32 v53, v36  }
0x52: {  	v56 =	vmov s16;
	v35 =	vld.idx.msk [tilespmem:v35+s11+$0x0], $0xffff  }
0x53: {  	v37 =	vmul.u32 $0x1A, v56;
	v36 =	vadd.f32 v54, v36  }
0x54: {  	v57 =	vld [tilespmem:s15+$0x0]  }
0x55: {  	v37 =	vbroadcast v37, $0x0;
	v36 =	vadd.f32 v55, v36;
	_ =	sdelay $0x1  }
0x56: {  	v58 =	vadd.s32 v0, v37;
	v35 =	vadd.f32 v35, v36  }
0x57: {  	v59 =	vand.u32 $0xFFFFFFF8, v58  }
0x58: {  	v60 =	vadd.s32 v2, v37;
	v36 =	vor.u32 v1, v59;
	v35 =	vadd.f32 v57, v35  }
0x59: {  	v61 =	vand.u32 $0xFFFFFFF8, v60  }
0x5a: {  	v62 =	vadd.s32 v4, v37;
	v38 =	vor.u32 v3, v61;
	v35 =	vadd.f32 v35, v34  }
0x5b: {  	v39 =	vand.u32 $0xFFFFFFF8, v62  }
0x5c: {  	v63 =	vadd.s32 v6, v37;
	v39 =	vor.u32 v5, v39;
	[tilespmem:s13+$0x0] =	vst v35  }
0x5d: {  	v43 =	vand.u32 $0xFFFFFFF8, v63;
	v35 =	vld.idx.msk [tilespmem:v36+s11+$0x0], $0xffff  }
0x5e: {  	v44 =	vadd.s32 v8, v37;
	v36 =	vor.u32 v7, v43  }
0x5f: {  	v40 =	vand.u32 $0xFFFFFFF8, v44;
	v38 =	vld.idx.msk [tilespmem:v38+s11+$0x0], $0xffff  }
0x60: {  	v40 =	vor.u32 v9, v40;
	v45 =	vadd.s32 v10, v37  }
0x61: {  	v41 =	vand.u32 $0xFFFFFFF8, v45;
	v39 =	vld.idx.msk [tilespmem:v39+s11+$0x0], $0xffff  }
0x62: {  	v46 =	vadd.s32 v12, v37;
	v41 =	vor.u32 v11, v41;
	v35 =	vadd.f32 $0.0e+00, v35  }
0x63: {  	v42 =	vand.u32 $0xFFFFFFF8, v46;
	v36 =	vld.idx.msk [tilespmem:v36+s11+$0x0], $0xffff  }
0x64: {  	v47 =	vadd.s32 v14, v37;
	v42 =	vor.u32 v13, v42;
	v35 =	vadd.f32 v38, v35  }
0x65: {  	v49 =	vand.u32 $0xFFFFFFF8, v47;
	v48 =	vld.idx.msk [tilespmem:v40+s11+$0x0], $0xffff  }
0x66: {  	v50 =	vadd.s32 v16, v37;
	v40 =	vor.u32 v15, v49;
	v35 =	vadd.f32 v39, v35  }
0x67: {  	v52 =	vand.u32 $0xFFFFFFF8, v50;
	v51 =	vld.idx.msk [tilespmem:v41+s11+$0x0], $0xffff  }
0x68: {  	v53 =	vadd.s32 v17, v37;
	v41 =	vor.u32 v1, v52;
	v35 =	vadd.f32 v36, v35  }
0x69: {  	v55 =	vand.u32 $0xFFFFFFF8, v53;
	v54 =	vld.idx.msk [tilespmem:v42+s11+$0x0], $0xffff  }
0x6a: {  	v56 =	vadd.s32 v18, v37;
	v42 =	vor.u32 v3, v55;
	v35 =	vadd.f32 v48, v35  }
0x6b: {  	v58 =	vand.u32 $0xFFFFFFF8, v56;
	v57 =	vld.idx.msk [tilespmem:v40+s11+$0x0], $0xffff  }
0x6c: {  	v59 =	vadd.s32 v19, v37;
	v40 =	vor.u32 v5, v58;
	v35 =	vadd.f32 v51, v35  }
0x6d: {  	v61 =	vand.u32 $0xFFFFFFF8, v59;
	v60 =	vld.idx.msk [tilespmem:v41+s11+$0x0], $0xffff  }
0x6e: {  	v62 =	vadd.s32 v20, v37;
	v41 =	vor.u32 v7, v61;
	v35 =	vadd.f32 v54, v35  }
0x6f: {  	v45 =	vand.u32 $0xFFFFFFF8, v62;
	v63 =	vld.idx.msk [tilespmem:v42+s11+$0x0], $0xffff  }
0x70: {  	v46 =	vadd.s32 v21, v37;
	v42 =	vor.u32 v9, v45;
	v35 =	vadd.f32 v57, v35  }
0x71: {  	v47 =	vld.idx.msk [tilespmem:v40+s11+$0x0], $0xffff;
	v48 =	vand.u32 $0xFFFFFFF8, v46  }
0x72: {  	v49 =	vadd.s32 v22, v37;
	v40 =	vor.u32 v11, v48;
	v35 =	vadd.f32 v60, v35  }
0x73: {  	v50 =	vld.idx.msk [tilespmem:v41+s11+$0x0], $0xffff;
	v51 =	vand.u32 $0xFFFFFFF8, v49  }
0x74: {  	v52 =	vadd.s32 v23, v37;
	v41 =	vor.u32 v13, v51;
	v35 =	vadd.f32 v63, v35  }
0x75: {  	v53 =	vld.idx.msk [tilespmem:v42+s11+$0x0], $0xffff;
	v54 =	vand.u32 $0xFFFFFFF8, v52  }
0x76: {  	v55 =	vadd.s32 v24, v37;
	v42 =	vor.u32 v15, v54;
	v35 =	vadd.f32 v47, v35  }
0x77: {  	v56 =	vld.idx.msk [tilespmem:v40+s11+$0x0], $0xffff;
	v57 =	vand.u32 $0xFFFFFFF8, v55  }
0x78: {  	v58 =	vadd.s32 v25, v37;
	v40 =	vor.u32 v1, v57;
	v35 =	vadd.f32 v50, v35  }
0x79: {  	v59 =	vld.idx.msk [tilespmem:v41+s11+$0x0], $0xffff;
	v60 =	vand.u32 $0xFFFFFFF8, v58  }
0x7a: {  	v61 =	vadd.s32 v26, v37;
	v41 =	vor.u32 v3, v60;
	v35 =	vadd.f32 v53, v35  }
0x7b: {  	v62 =	vld.idx.msk [tilespmem:v42+s11+$0x0], $0xffff;
	v63 =	vand.u32 $0xFFFFFFF8, v61  }
0x7c: {  	v45 =	vadd.s32 v27, v37;
	v42 =	vor.u32 v5, v63;
	v35 =	vadd.f32 v56, v35  }
0x7d: {  	v46 =	vld.idx.msk [tilespmem:v40+s11+$0x0], $0xffff;
	v47 =	vand.u32 $0xFFFFFFF8, v45  }
0x7e: {  	v48 =	vadd.s32 v28, v37;
	v40 =	vor.u32 v7, v47;
	v35 =	vadd.f32 v59, v35  }
0x7f: {  	v49 =	vld.idx.msk [tilespmem:v41+s11+$0x0], $0xffff;
	v50 =	vand.u32 $0xFFFFFFF8, v48  }
0x80: {  	v51 =	vadd.s32 v29, v37;
	v41 =	vor.u32 v9, v50;
	v35 =	vadd.f32 v62, v35  }
0x81: {  	v52 =	vld.idx.msk [tilespmem:v42+s11+$0x0], $0xffff;
	v53 =	vand.u32 $0xFFFFFFF8, v51  }
0x82: {  	v54 =	vadd.s32 v30, v37;
	v42 =	vor.u32 v11, v53;
	v35 =	vadd.f32 v46, v35  }
0x83: {  	v55 =	vld.idx.msk [tilespmem:v40+s11+$0x0], $0xffff;
	v56 =	vand.u32 $0xFFFFFFF8, v54  }
0x84: {  	v57 =	vadd.s32 v31, v37;
	v40 =	vor.u32 v13, v56;
	v35 =	vadd.f32 v49, v35  }
0x85: {  	v39 =	vand.u32 $0xFFFFFFF8, v57;
	v41 =	vld.idx.msk [tilespmem:v41+s11+$0x0], $0xffff  }
0x86: {  	v58 =	vadd.s32 v32, v37;
	v59 =	vor.u32 v15, v39;
	v35 =	vadd.f32 v52, v35  }
0x87: {  	v61 =	vand.u32 $0xFFFFFFF8, v58;
	v60 =	vld.idx.msk [tilespmem:v42+s11+$0x0], $0xffff  }
0x88: {  	v37 =	vadd.s32 v33, v37;
	v42 =	vor.u32 v1, v61;
	v35 =	vadd.f32 v55, v35  }
0x89: {  	v37 =	vand.u32 $0xFFFFFFF8, v37;
	v62 =	vld.idx.msk [tilespmem:v40+s11+$0x0], $0xffff  }
0x8a: {  	v37 =	vor.u32 v3, v37;
	v63 =	vadd.f32 v41, v35  }
0x8b: {  	v35 =	vld.idx.msk [tilespmem:v59+s11+$0x0], $0xffff  }
0x8c: {  	v39 =	vadd.f32 v60, v63  }
0x8d: {  	v36 =	vld.idx.msk [tilespmem:v42+s11+$0x0], $0xffff  }
0x8e: {  	s31 =	simm.s32 $0x20;
	v38 =	vadd.f32 v62, v39  }
0x8f: {  	s17 =	simm.s32 $0x30;
	s16 =	simm.s32 $0x6A00;
	v37 =	vld.idx.msk [tilespmem:v37+s11+$0x0], $0xffff;
	v39 =	vmov s31  }
.LBB2_2:
0x90: {  	p0 =	sne.s32 s17, $0x1F0;
	v39 =	vmul.u32 $0x1A, v39;
	v38 =	vadd.f32 v35, v38;
	s15 =	sadd.s32 $0x10, s15  }
0x91: {  	v40 =	vld [tilespmem:s15+$0x0]  }
0x92: {  	v35 =	vbroadcast v39, $0x0;
	v36 =	vadd.f32 v36, v38;
	_ =	sdelay $0x1  }
0x93: {  	v38 =	vadd.s32 v0, v35;
	v36 =	vadd.f32 v37, v36  }
0x94: {  	v37 =	vand.u32 $0xFFFFFFF8, v38  }
0x95: {  	v38 =	vadd.s32 v2, v35;
	v37 =	vor.u32 v1, v37;
	v36 =	vadd.f32 v40, v36  }
0x96: {  	v38 =	vand.u32 $0xFFFFFFF8, v38  }
0x97: {  	v39 =	vadd.s32 v4, v35;
	v38 =	vor.u32 v3, v38;
	v36 =	vadd.f32 v36, v34  }
0x98: {  	s16 =	sadd.s32 $0x10, s16;
	v39 =	vand.u32 $0xFFFFFFF8, v39  }
0x99: {  	v39 =	vor.u32 v5, v39;
	v40 =	vadd.s32 v6, v35;
	[tilespmem:s16+$0x0] =	vst v36  }
0x9a: {  	v36 =	vld.idx.msk [tilespmem:v37+s11+$0x0], $0xffff;
	v37 =	vand.u32 $0xFFFFFFF8, v40  }
0x9b: {  	v40 =	vadd.s32 v8, v35;
	v37 =	vor.u32 v7, v37  }
0x9c: {  	v40 =	vand.u32 $0xFFFFFFF8, v40;
	v38 =	vld.idx.msk [tilespmem:v38+s11+$0x0], $0xffff  }
0x9d: {  	v41 =	vadd.s32 v10, v35;
	v40 =	vor.u32 v9, v40  }
0x9e: {  	v41 =	vand.u32 $0xFFFFFFF8, v41;
	v39 =	vld.idx.msk [tilespmem:v39+s11+$0x0], $0xffff  }
0x9f: {  	v42 =	vadd.s32 v12, v35;
	v41 =	vor.u32 v11, v41  }
0xa0: {  	v42 =	vand.u32 $0xFFFFFFF8, v42;
	v36 =	vadd.f32 $0.0e+00, v36;
	v37 =	vld.idx.msk [tilespmem:v37+s11+$0x0], $0xffff  }
0xa1: {  	v43 =	vadd.s32 v14, v35;
	v42 =	vor.u32 v13, v42  }
0xa2: {  	v36 =	vadd.f32 v38, v36;
	v38 =	vld.idx.msk [tilespmem:v40+s11+$0x0], $0xffff;
	v40 =	vand.u32 $0xFFFFFFF8, v43  }
0xa3: {  	v43 =	vadd.s32 v16, v35;
	v40 =	vor.u32 v15, v40  }
0xa4: {  	v36 =	vadd.f32 v39, v36;
	v39 =	vld.idx.msk [tilespmem:v41+s11+$0x0], $0xffff;
	v41 =	vand.u32 $0xFFFFFFF8, v43  }
0xa5: {  	v43 =	vadd.s32 v17, v35;
	v41 =	vor.u32 v1, v41  }
0xa6: {  	v36 =	vadd.f32 v37, v36;
	v37 =	vld.idx.msk [tilespmem:v42+s11+$0x0], $0xffff;
	v42 =	vand.u32 $0xFFFFFFF8, v43  }
0xa7: {  	v43 =	vadd.s32 v18, v35;
	v42 =	vor.u32 v3, v42  }
0xa8: {  	v36 =	vadd.f32 v38, v36;
	v38 =	vld.idx.msk [tilespmem:v40+s11+$0x0], $0xffff;
	v40 =	vand.u32 $0xFFFFFFF8, v43  }
0xa9: {  	v43 =	vadd.s32 v19, v35;
	v40 =	vor.u32 v5, v40  }
0xaa: {  	v36 =	vadd.f32 v39, v36;
	v39 =	vld.idx.msk [tilespmem:v41+s11+$0x0], $0xffff;
	v41 =	vand.u32 $0xFFFFFFF8, v43  }
0xab: {  	v43 =	vadd.s32 v20, v35;
	v41 =	vor.u32 v7, v41  }
0xac: {  	v36 =	vadd.f32 v37, v36;
	v37 =	vld.idx.msk [tilespmem:v42+s11+$0x0], $0xffff;
	v42 =	vand.u32 $0xFFFFFFF8, v43  }
0xad: {  	v43 =	vadd.s32 v21, v35;
	v42 =	vor.u32 v9, v42  }
0xae: {  	v36 =	vadd.f32 v38, v36;
	v38 =	vld.idx.msk [tilespmem:v40+s11+$0x0], $0xffff;
	v40 =	vand.u32 $0xFFFFFFF8, v43  }
0xaf: {  	v43 =	vadd.s32 v22, v35;
	v40 =	vor.u32 v11, v40  }
0xb0: {  	v36 =	vadd.f32 v39, v36;
	v39 =	vld.idx.msk [tilespmem:v41+s11+$0x0], $0xffff;
	v41 =	vand.u32 $0xFFFFFFF8, v43  }
0xb1: {  	v43 =	vadd.s32 v23, v35;
	v41 =	vor.u32 v13, v41  }
0xb2: {  	v36 =	vadd.f32 v37, v36;
	v37 =	vld.idx.msk [tilespmem:v42+s11+$0x0], $0xffff;
	v42 =	vand.u32 $0xFFFFFFF8, v43  }
0xb3: {  	v43 =	vadd.s32 v24, v35;
	v42 =	vor.u32 v15, v42  }
0xb4: {  	v36 =	vadd.f32 v38, v36;
	v38 =	vld.idx.msk [tilespmem:v40+s11+$0x0], $0xffff;
	v40 =	vand.u32 $0xFFFFFFF8, v43  }
0xb5: {  	v43 =	vadd.s32 v25, v35;
	v40 =	vor.u32 v1, v40  }
0xb6: {  	v36 =	vadd.f32 v39, v36;
	v39 =	vld.idx.msk [tilespmem:v41+s11+$0x0], $0xffff;
	v41 =	vand.u32 $0xFFFFFFF8, v43  }
0xb7: {  	v43 =	vadd.s32 v26, v35;
	v41 =	vor.u32 v3, v41  }
0xb8: {  	v36 =	vadd.f32 v37, v36;
	v37 =	vld.idx.msk [tilespmem:v42+s11+$0x0], $0xffff;
	v42 =	vand.u32 $0xFFFFFFF8, v43  }
0xb9: {  	v43 =	vadd.s32 v27, v35;
	v42 =	vor.u32 v5, v42  }
0xba: {  	v36 =	vadd.f32 v38, v36;
	v38 =	vld.idx.msk [tilespmem:v40+s11+$0x0], $0xffff;
	v40 =	vand.u32 $0xFFFFFFF8, v43  }
0xbb: {  	v43 =	vadd.s32 v28, v35;
	v40 =	vor.u32 v7, v40  }
0xbc: {  	v36 =	vadd.f32 v39, v36;
	v39 =	vld.idx.msk [tilespmem:v41+s11+$0x0], $0xffff;
	v41 =	vand.u32 $0xFFFFFFF8, v43  }
0xbd: {  	v43 =	vadd.s32 v29, v35;
	v41 =	vor.u32 v9, v41  }
0xbe: {  	v36 =	vadd.f32 v37, v36;
	v37 =	vld.idx.msk [tilespmem:v42+s11+$0x0], $0xffff;
	v42 =	vand.u32 $0xFFFFFFF8, v43  }
0xbf: {  	v43 =	vadd.s32 v30, v35;
	v42 =	vor.u32 v11, v42  }
0xc0: {  	v36 =	vadd.f32 v38, v36;
	v38 =	vld.idx.msk [tilespmem:v40+s11+$0x0], $0xffff;
	v40 =	vand.u32 $0xFFFFFFF8, v43  }
0xc1: {  	v43 =	vadd.s32 v31, v35;
	v40 =	vor.u32 v13, v40  }
0xc2: {  	v36 =	vadd.f32 v39, v36;
	v39 =	vld.idx.msk [tilespmem:v41+s11+$0x0], $0xffff;
	v41 =	vand.u32 $0xFFFFFFF8, v43  }
0xc3: {  	v43 =	vadd.s32 v32, v35;
	v41 =	vor.u32 v15, v41  }
0xc4: {  	v36 =	vadd.f32 v37, v36;
	v37 =	vld.idx.msk [tilespmem:v42+s11+$0x0], $0xffff;
	v42 =	vand.u32 $0xFFFFFFF8, v43  }
0xc5: {  	v35 =	vadd.s32 v33, v35;
	v42 =	vor.u32 v1, v42  }
0xc6: {  	v35 =	vand.u32 $0xFFFFFFF8, v35;
	v36 =	vadd.f32 v38, v36;
	v38 =	vld.idx.msk [tilespmem:v40+s11+$0x0], $0xffff  }
0xc7: {  	v40 =	vor.u32 v3, v35  }
0xc8: {  	v36 =	vadd.f32 v39, v36;
	v35 =	vld.idx.msk [tilespmem:v41+s11+$0x0], $0xffff  }
.Ltmp0:
0xc9: {  	(pc) =	sbr.rel @p0 .LBB2_2-.Ltmp0, $3  }
0xca: {  	v37 =	vadd.f32 v37, v36;
	v36 =	vld.idx.msk [tilespmem:v42+s11+$0x0], $0xffff;
	_ =	sdelay $0x1  }
0xcb: {  	v38 =	vadd.f32 v38, v37;
	v37 =	vld.idx.msk [tilespmem:v40+s11+$0x0], $0xffff  }
0xcc: {  	v39 =	vmov s17;
	s17 =	sadd.s32 $0x10, s17  }
0xcd: {  	v39 =	vmul.u32 $0x1A, v39;
	v35 =	vadd.f32 v35, v38;
	s15 =	sadd.s32 $0x10, s15  }
0xce: {  	v57 =	vld [tilespmem:s15+$0x0]  }
0xcf: {  	v39 =	vbroadcast v39, $0x0;
	v35 =	vadd.f32 v36, v35;
	_ =	sdelay $0x1  }
0xd0: {  	v58 =	vadd.s32 v0, v39;
	v35 =	vadd.f32 v37, v35  }
0xd1: {  	v36 =	vand.u32 $0xFFFFFFF8, v58  }
0xd2: {  	v59 =	vadd.s32 v2, v39;
	v36 =	vor.u32 v1, v36;
	v35 =	vadd.f32 v57, v35  }
0xd3: {  	v37 =	vand.u32 $0xFFFFFFF8, v59  }
0xd4: {  	v60 =	vadd.s32 v4, v39;
	v37 =	vor.u32 v3, v37;
	v35 =	vadd.f32 v35, v34  }
0xd5: {  	s16 =	sadd.s32 $0x10, s16;
	v38 =	vand.u32 $0xFFFFFFF8, v60  }
0xd6: {  	v40 =	vadd.s32 v6, v39;
	v38 =	vor.u32 v5, v38;
	[tilespmem:s16+$0x0] =	vst v35  }
0xd7: {  	v61 =	vand.u32 $0xFFFFFFF8, v40;
	v35 =	vld.idx.msk [tilespmem:v36+s11+$0x0], $0xffff  }
0xd8: {  	v62 =	vadd.s32 v8, v39;
	v36 =	vor.u32 v7, v61  }
0xd9: {  	v40 =	vand.u32 $0xFFFFFFF8, v62;
	v37 =	vld.idx.msk [tilespmem:v37+s11+$0x0], $0xffff  }
0xda: {  	v41 =	vadd.s32 v10, v39;
	v40 =	vor.u32 v9, v40  }
0xdb: {  	v41 =	vand.u32 $0xFFFFFFF8, v41;
	v38 =	vld.idx.msk [tilespmem:v38+s11+$0x0], $0xffff  }
0xdc: {  	v42 =	vadd.s32 v12, v39;
	v41 =	vor.u32 v11, v41;
	v35 =	vadd.f32 $0.0e+00, v35  }
0xdd: {  	v42 =	vand.u32 $0xFFFFFFF8, v42;
	v36 =	vld.idx.msk [tilespmem:v36+s11+$0x0], $0xffff  }
0xde: {  	v43 =	vadd.s32 v14, v39;
	v42 =	vor.u32 v13, v42;
	v35 =	vadd.f32 v37, v35  }
0xdf: {  	v44 =	vand.u32 $0xFFFFFFF8, v43;
	v63 =	vld.idx.msk [tilespmem:v40+s11+$0x0], $0xffff  }
0xe0: {  	v45 =	vadd.s32 v16, v39;
	v40 =	vor.u32 v15, v44;
	v35 =	vadd.f32 v38, v35  }
0xe1: {  	v47 =	vand.u32 $0xFFFFFFF8, v45;
	v46 =	vld.idx.msk [tilespmem:v41+s11+$0x0], $0xffff  }
0xe2: {  	v48 =	vadd.s32 v17, v39;
	v41 =	vor.u32 v1, v47;
	v35 =	vadd.f32 v36, v35  }
0xe3: {  	v50 =	vand.u32 $0xFFFFFFF8, v48;
	v49 =	vld.idx.msk [tilespmem:v42+s11+$0x0], $0xffff  }
0xe4: {  	v51 =	vadd.s32 v18, v39;
	v42 =	vor.u32 v3, v50;
	v35 =	vadd.f32 v63, v35  }
0xe5: {  	v53 =	vand.u32 $0xFFFFFFF8, v51;
	v52 =	vld.idx.msk [tilespmem:v40+s11+$0x0], $0xffff  }
0xe6: {  	v54 =	vadd.s32 v19, v39;
	v40 =	vor.u32 v5, v53;
	v35 =	vadd.f32 v46, v35  }
0xe7: {  	v56 =	vand.u32 $0xFFFFFFF8, v54;
	v55 =	vld.idx.msk [tilespmem:v41+s11+$0x0], $0xffff  }
0xe8: {  	v57 =	vadd.s32 v20, v39;
	v41 =	vor.u32 v7, v56;
	v35 =	vadd.f32 v49, v35  }
0xe9: {  	v59 =	vand.u32 $0xFFFFFFF8, v57;
	v58 =	vld.idx.msk [tilespmem:v42+s11+$0x0], $0xffff  }
0xea: {  	v60 =	vadd.s32 v21, v39;
	v42 =	vor.u32 v9, v59;
	v35 =	vadd.f32 v52, v35  }
0xeb: {  	v62 =	vand.u32 $0xFFFFFFF8, v60;
	v61 =	vld.idx.msk [tilespmem:v40+s11+$0x0], $0xffff  }
0xec: {  	v40 =	vor.u32 v11, v62;
	v63 =	vadd.s32 v22, v39;
	v35 =	vadd.f32 v55, v35  }
0xed: {  	v45 =	vld.idx.msk [tilespmem:v41+s11+$0x0], $0xffff;
	v46 =	vand.u32 $0xFFFFFFF8, v63  }
0xee: {  	v47 =	vadd.s32 v23, v39;
	v41 =	vor.u32 v13, v46;
	v35 =	vadd.f32 v58, v35  }
0xef: {  	v48 =	vld.idx.msk [tilespmem:v42+s11+$0x0], $0xffff;
	v49 =	vand.u32 $0xFFFFFFF8, v47  }
0xf0: {  	v50 =	vadd.s32 v24, v39;
	v42 =	vor.u32 v15, v49;
	v35 =	vadd.f32 v61, v35  }
0xf1: {  	v51 =	vld.idx.msk [tilespmem:v40+s11+$0x0], $0xffff;
	v52 =	vand.u32 $0xFFFFFFF8, v50  }
0xf2: {  	v53 =	vadd.s32 v25, v39;
	v40 =	vor.u32 v1, v52;
	v35 =	vadd.f32 v45, v35  }
0xf3: {  	v54 =	vld.idx.msk [tilespmem:v41+s11+$0x0], $0xffff;
	v55 =	vand.u32 $0xFFFFFFF8, v53  }
0xf4: {  	v56 =	vadd.s32 v26, v39;
	v41 =	vor.u32 v3, v55;
	v35 =	vadd.f32 v48, v35  }
0xf5: {  	v57 =	vld.idx.msk [tilespmem:v42+s11+$0x0], $0xffff;
	v58 =	vand.u32 $0xFFFFFFF8, v56  }
0xf6: {  	v59 =	vadd.s32 v27, v39;
	v42 =	vor.u32 v5, v58;
	v35 =	vadd.f32 v51, v35  }
0xf7: {  	v60 =	vld.idx.msk [tilespmem:v40+s11+$0x0], $0xffff;
	v61 =	vand.u32 $0xFFFFFFF8, v59  }
0xf8: {  	v62 =	vadd.s32 v28, v39;
	v40 =	vor.u32 v7, v61;
	v35 =	vadd.f32 v54, v35  }
0xf9: {  	v63 =	vld.idx.msk [tilespmem:v41+s11+$0x0], $0xffff;
	v45 =	vand.u32 $0xFFFFFFF8, v62  }
0xfa: {  	v46 =	vadd.s32 v29, v39;
	v41 =	vor.u32 v9, v45;
	v35 =	vadd.f32 v57, v35  }
0xfb: {  	v47 =	vld.idx.msk [tilespmem:v42+s11+$0x0], $0xffff;
	v48 =	vand.u32 $0xFFFFFFF8, v46  }
0xfc: {  	v49 =	vadd.s32 v30, v39;
	v42 =	vor.u32 v11, v48;
	v35 =	vadd.f32 v60, v35  }
0xfd: {  	v50 =	vld.idx.msk [tilespmem:v40+s11+$0x0], $0xffff;
	v51 =	vand.u32 $0xFFFFFFF8, v49  }
0xfe: {  	v52 =	vadd.s32 v31, v39;
	v40 =	vor.u32 v13, v51;
	v35 =	vadd.f32 v63, v35  }
0xff: {  	v53 =	vld.idx.msk [tilespmem:v41+s11+$0x0], $0xffff;
	v54 =	vand.u32 $0xFFFFFFF8, v52  }
0x100: {  	v55 =	vadd.s32 v32, v39;
	v41 =	vor.u32 v15, v54;
	v35 =	vadd.f32 v47, v35  }
0x101: {  	v56 =	vld.idx.msk [tilespmem:v42+s11+$0x0], $0xffff;
	v57 =	vand.u32 $0xFFFFFFF8, v55  }
0x102: {  	v39 =	vadd.s32 v33, v39;
	v42 =	vor.u32 v1, v57;
	v35 =	vadd.f32 v50, v35  }
0x103: {  	v39 =	vand.u32 $0xFFFFFFF8, v39;
	v58 =	vld.idx.msk [tilespmem:v40+s11+$0x0], $0xffff  }
0x104: {  	v39 =	vor.u32 v3, v39;
	v35 =	vadd.f32 v53, v35  }
0x105: {  	v59 =	vld.idx.msk [tilespmem:v41+s11+$0x0], $0xffff  }
0x106: {  	v35 =	vadd.f32 v56, v35  }
0x107: {  	v60 =	vld.idx.msk [tilespmem:v42+s11+$0x0], $0xffff  }
0x108: {  	v35 =	vadd.f32 v58, v35  }
0x109: {  	v61 =	vld.idx.msk [tilespmem:v39+s11+$0x0], $0xffff  }
0x10a: {  	s15 =	sadd.s32 $0x10, s15;
	v35 =	vadd.f32 v59, v35  }
0x10b: {  	v62 =	vld [tilespmem:s15+$0x0]  }
0x10c: {  	v35 =	vadd.f32 v60, v35;
	_ =	sdelay $0x1  }
0x10d: {  	v35 =	vadd.f32 v61, v35;
	_ =	sdelay $0x1  }
0x10e: {  	v35 =	vadd.f32 v62, v35;
	_ =	sdelay $0x1  }
0x10f: {  	s14 =	sadd.s32 $0x1, s14;
	v63 =	vadd.f32 v35, v34  }
0x110: {  	s31 =	sadd.s32 $0x10, s16;
	p0 =	sne.s32 s14, s8  }
.Ltmp1:
0x111: {  	[tilespmem:s31+$0x0] =	vst v63;
	(pc) =	sbr.rel @p0 .LBB2_1-.Ltmp1, $4  }
0x112: {  	[hbm4b:s7+s2] =	stream.linear.scatter [tilespmem:s13], [sflag:$0x2], $0x200, $0x38;
	[tilespmem:$0x6C10] =	vst v63  }
0x113: {  	_ =	swait.ge [sflag:s10], $0x200  }
0x114: {  	[sflag:s10] =	ssyncset.done $0x0  }
0x115: {  	[sflag:s10] =	ssyncadd.s32 $0xFFFFFE00  }
0x116: {  	_ =	sfence.sel $0x180000  }
0x117: {  	[bflag:$0x0] =	sbarrier.arrive $0xFFFF  }
0x118: {  	p0 =	sne.s32 s0, $0x0;
	_ =	strace $0x9000004A  }
0x119: {  	s0 =	sadd.s32 @!p0 $0x100000, s1;
	[bflag:$0x2] =	sbarrier.arrive $0xFFFF  }
0x11a: {  	[sflag:s0] =	ssyncadd.tile.s32 @!p0 $0x1;
	_ =	shalt  }
.Lfunc_end2:
_tile_overlayer_lowered:
.L_overlay_start_2:
0x11b: {  	(tag) =	ssettag $0x2  }
0x11c: {  	s0 =	rddreg [dreg:$0x0];
	s2 =	stileid.u32  }
0x11d: {  	s1 =	rddreg [dreg:$0x1];
	p0 =	sne.s32 s2, $0x0  }
0x11e: {  	s3 =	rddreg [dreg:$0x2];
	[bflag:$0x3] =	sbarrier.arrive $0xFFFF;
	s2 =	simm.s32 @!p0 $0x1C02  }
0x11f: {  	[timem:s3], [sflag:s2] =	dma.local @!p0 [hbm:s0], s1  }
0x120: {  	s0 =	simm.s32 @!p0 $0x2  }
0x121: {  	_ =	swait.ge @!p0 [sflag:s0], s1  }
0x122: {  	s1 =	ssub.s32 @!p0 $0x0, s1;
	[sflag:s0] =	ssyncset.done @!p0 $0x0  }
0x123: {  	[sflag:s0] =	ssyncadd.s32 @!p0 s1  }
0x124: {  	[bflag:$0x3] =	sbarrier.arrive $0xFFFF  }
0x125: {  	_ =	shalt  }

</sc_bundles>
